<compile_context>
chip_gen: v7x
topology: tpu7x:2x2x1
jax: 0.10.2.dev20260603
libtpu: 0.0.44.dev20260713+nightly
codegen_flags: <defaults>
</compile_context>

<pallas_src>
import functools

import jax
import jax.numpy as jnp
from jax import lax
from jax.experimental import pallas as pl
from jax.experimental.pallas import tpu as pltpu
from jax.experimental.pallas import tpu_sc as plsc

N_NODES = 10000
N_EDGES = 320000
R_REL = 8
F_DIM = 128
N_HEADS = 4
HEAD_DIM = F_DIM // N_HEADS

NW = 32
CHUNK = 96
NCHUNK = 108
NHALF = NCHUNK // 2
EPT = CHUNK * NCHUNK
E_PAD = NW * EPT
ROWS_ACC = 10112
ROWS_PER_TILE = ROWS_ACC // 16
DUMMY_ROW = N_NODES + 1


def _transform_body(x_ref, w_ref, q_ref, k_ref, xw_ref, qn_ref, kn_ref):
    xb = x_ref[...]
    xw = jnp.dot(xb, w_ref[0], preferred_element_type=jnp.float32)
    xw_ref[0] = xw
    qn_ref[0] = jnp.dot(xw, q_ref[...], preferred_element_type=jnp.float32)
    kn_ref[0] = jnp.dot(xw, k_ref[...], preferred_element_type=jnp.float32)


def _transform(x, weight, q16, k16):
    bn = 1000
    grid = (R_REL, N_NODES // bn)
    return pl.pallas_call(
        _transform_body,
        grid=grid,
        in_specs=[
            pl.BlockSpec((bn, F_DIM), lambda r, i: (i, 0)),
            pl.BlockSpec((1, F_DIM, F_DIM), lambda r, i: (r, 0, 0)),
            pl.BlockSpec((F_DIM, 16), lambda r, i: (0, 0)),
            pl.BlockSpec((F_DIM, 16), lambda r, i: (0, 0)),
        ],
        out_specs=[
            pl.BlockSpec((1, bn, F_DIM), lambda r, i: (r, i, 0)),
            pl.BlockSpec((1, bn, 16), lambda r, i: (r, i, 0)),
            pl.BlockSpec((1, bn, 16), lambda r, i: (r, i, 0)),
        ],
        out_shape=[
            jax.ShapeDtypeStruct((R_REL, N_NODES, F_DIM), jnp.float32),
            jax.ShapeDtypeStruct((R_REL, N_NODES, 16), jnp.float32),
            jax.ShapeDtypeStruct((R_REL, N_NODES, 16), jnp.float32),
        ],
    )(x, weight, q16, k16)


def _finalize_body(acc_ref, asum_ref, b_ref, o_ref, *, relu):
    a = acc_ref[0] + acc_ref[1]
    s = asum_ref[0] + asum_ref[1]
    s4 = lax.slice(s, (0, 0), (s.shape[0], N_HEADS))
    den = jnp.reshape(
        jnp.broadcast_to(s4[:, :, None], (s.shape[0], N_HEADS, HEAD_DIM)),
        (s.shape[0], F_DIM))
    o = a / (den + 1e-16) + b_ref[...]
    if relu:
        o = jnp.maximum(o, 0.0)
    o_ref[...] = o


def _finalize(acc, asum, bias, relu):
    bn = 1000
    return pl.pallas_call(
        functools.partial(_finalize_body, relu=relu),
        grid=(N_NODES // bn,),
        in_specs=[
            pl.BlockSpec((2, bn, F_DIM), lambda i: (0, i, 0)),
            pl.BlockSpec((2, bn, 16), lambda i: (0, i, 0)),
            pl.BlockSpec((1, F_DIM), lambda i: (0, 0)),
        ],
        out_specs=pl.BlockSpec((bn, F_DIM), lambda i: (i, 0)),
        out_shape=jax.ShapeDtypeStruct((N_NODES, F_DIM), jnp.float32),
    )(acc, asum, bias.reshape(1, F_DIM))


def _sc_layer_body(t_hbm, s_hbm, d_hbm, xw_hbm, qn_hbm, kn_hbm,
                   acc_out, asum_out,
                   t0, s0, d0, i0, j0, q0, k0, v0,
                   t1, s1, d1, i1, j1, q1, k1, v1,
                   acc_sh, asum_sh, sg0, sg1, ss0, ss1):
    cid = lax.axis_index("c")
    sid = lax.axis_index("s")
    wid = cid * 16 + sid
    sets = [
        dict(t=t0, s=s0, d=d0, isx=i0, idx=j0, qd=q0, ks=k0, v=v0,
             sg=sg0, ss=ss0),
        dict(t=t1, s=s1, d=d1, isx=i1, idx=j1, qd=q1, ks=k1, v=v1,
             sg=sg1, ss=ss1),
    ]

    def _zero(i, _):
        z16 = jnp.zeros((16,), jnp.float32)
        q0[i, pl.ds(0, 16)] = z16
        for j in range(8):
            v0[i, pl.ds(j * 16, 16)] = z16
        return 0
    lax.fori_loop(0, CHUNK, _zero, 0)
    r0 = sid * ROWS_PER_TILE
    for off in range(0, ROWS_PER_TILE, CHUNK):
        nr = min(CHUNK, ROWS_PER_TILE - off)
        pltpu.sync_copy(v0.at[pl.ds(0, nr)], acc_sh.at[pl.ds(r0 + off, nr)])
        pltpu.sync_copy(q0.at[pl.ds(0, nr)], asum_sh.at[pl.ds(r0 + off, nr)])
    plsc.subcore_barrier()

    base_row = wid * NCHUNK

    def _load_and_fire(ci, st):
        row = base_row + ci
        pltpu.sync_copy(t_hbm.at[pl.ds(row, 1)], st["t"])
        pltpu.sync_copy(s_hbm.at[pl.ds(row, 1)], st["s"])
        pltpu.sync_copy(d_hbm.at[pl.ds(row, 1)], st["d"])

        def _mkidx(g, _):
            o = g * 16
            tv = st["t"][0, pl.ds(o, 16)] * N_NODES
            st["isx"][0, pl.ds(o, 16)] = tv + st["s"][0, pl.ds(o, 16)]
            st["idx"][0, pl.ds(o, 16)] = tv + st["d"][0, pl.ds(o, 16)]
            return 0
        lax.fori_loop(0, CHUNK // 16, _mkidx, 0)
        pltpu.async_copy(qn_hbm.at[st["idx"].at[0]], st["qd"], st["sg"])
        pltpu.async_copy(kn_hbm.at[st["isx"].at[0]], st["ks"], st["sg"])

    def _wait_gather(st):
        pltpu.make_async_copy(
            qn_hbm.at[st["idx"].at[0]], st["qd"], st["sg"]).wait()
        pltpu.make_async_copy(
            kn_hbm.at[st["isx"].at[0]], st["ks"], st["sg"]).wait()

    def _compute(st):
        qd, ks, v = st["qd"], st["ks"], st["v"]

        def _edge(e, _):
            a = qd[e, pl.ds(0, 16)] + ks[e, pl.ds(0, 16)]
            a = jnp.where(a > 0.0, a, a * 0.2)
            ea = jnp.exp(a)
            qd[e, pl.ds(0, 16)] = ea
            for h in range(N_HEADS):
                bh = jnp.broadcast_to(ea[h], (16,))
                for j in range(2):
                    off = h * HEAD_DIM + j * 16
                    v[e, pl.ds(off, 16)] = v[e, pl.ds(off, 16)] * bh
            return 0
        lax.fori_loop(0, CHUNK, _edge, 0)

    def _fire_scatter(st):
        pltpu.async_copy(st["v"], acc_sh.at[st["d"].at[0]], st["ss"],
                         add=True)
        pltpu.async_copy(st["qd"], asum_sh.at[st["d"].at[0]], st["ss"],
                         add=True)

    def _wait_scatter(st):
        pltpu.make_async_copy(
            st["v"], acc_sh.at[st["d"].at[0]], st["ss"]).wait()
        pltpu.make_async_copy(
            st["qd"], asum_sh.at[st["d"].at[0]], st["ss"]).wait()

    _load_and_fire(0, sets[0])

    def _iter2(ci2, _):
        @pl.when(ci2 > 0)
        def _():
            _wait_scatter(sets[1])
        _load_and_fire(2 * ci2 + 1, sets[1])
        _wait_gather(sets[0])
        _compute(sets[0])
        _fire_scatter(sets[0])
        @pl.when(ci2 < NHALF - 1)
        def _():
            _wait_scatter(sets[0])
            _load_and_fire(2 * ci2 + 2, sets[0])
        _wait_gather(sets[1])
        _compute(sets[1])
        _fire_scatter(sets[1])
        return 0

    lax.fori_loop(0, NHALF, _iter2, 0)
    _wait_scatter(sets[0])
    _wait_scatter(sets[1])

    plsc.subcore_barrier()
    pltpu.sync_copy(acc_sh.at[pl.ds(r0, ROWS_PER_TILE)],
                    acc_out.at[cid, pl.ds(r0, ROWS_PER_TILE)])
    pltpu.sync_copy(asum_sh.at[pl.ds(r0, ROWS_PER_TILE)],
                    asum_out.at[cid, pl.ds(r0, ROWS_PER_TILE)])


def _sc_layer(t2d, s2d, d2d, xwf, qnf, knf):
    mesh = plsc.VectorSubcoreMesh(core_axis_name="c", subcore_axis_name="s")
    idx_t = pltpu.VMEM((1, CHUNK), jnp.int32)
    att_t = pltpu.VMEM((CHUNK, 16), jnp.float32)
    row_t = pltpu.VMEM((CHUNK, F_DIM), jnp.float32)
    fn = pl.kernel(
        _sc_layer_body,
        out_type=(
            jax.ShapeDtypeStruct((2, ROWS_ACC, F_DIM), jnp.float32),
            jax.ShapeDtypeStruct((2, ROWS_ACC, 16), jnp.float32),
        ),
        mesh=mesh,
        compiler_params=pltpu.CompilerParams(use_tc_tiling_on_sc=False),
        scratch_types=[
            idx_t, idx_t, idx_t, idx_t, idx_t, att_t, att_t, row_t,
            idx_t, idx_t, idx_t, idx_t, idx_t, att_t, att_t, row_t,
            pltpu.VMEM_SHARED((ROWS_ACC, F_DIM), jnp.float32),
            pltpu.VMEM_SHARED((ROWS_ACC, 16), jnp.float32),
            pltpu.SemaphoreType.DMA,
            pltpu.SemaphoreType.DMA,
            pltpu.SemaphoreType.DMA,
            pltpu.SemaphoreType.DMA,
        ],
    )
    return fn(t2d, s2d, d2d, xwf, qnf, knf)


def kernel(x, adj_t, edge_types, weight1, q1, k1, bias1,
           weight2, q2, k2, bias2):
    src = adj_t[0]
    dst = adj_t[1]
    npad = E_PAD - N_EDGES
    i32 = jnp.int32
    s_p = jnp.concatenate([src, jnp.zeros((npad,), i32)]).reshape(-1, CHUNK)
    d_p = jnp.concatenate(
        [dst, jnp.full((npad,), DUMMY_ROW, i32)]).reshape(-1, CHUNK)
    t_p = jnp.concatenate(
        [edge_types, jnp.zeros((npad,), i32)]).reshape(-1, CHUNK)

    def layer(h, weight, q, k, bias, relu):
        q16 = jnp.pad(q, ((0, 0), (0, 16 - N_HEADS)))
        k16 = jnp.pad(k, ((0, 0), (0, 16 - N_HEADS)))
        xw, qn, kn = _transform(h, weight, q16, k16)
        acc, asum = _sc_layer(
            t_p, s_p, d_p,
            xw.reshape(R_REL * N_NODES, F_DIM),
            qn.reshape(R_REL * N_NODES, 16),
            kn.reshape(R_REL * N_NODES, 16))
        return _finalize(acc, asum, bias, relu)

    h = layer(x, weight1, q1, k1, bias1, relu=True)
    return layer(h, weight2, q2, k2, bias2, relu=False)

# --- scband reference (transcript-rebuilt; emitter-appended) ---
"""Pipeline reference for scband-rgat-59485297050026 (READ-ONLY COPY).

The authoritative reference and input builder live on the scoring server;
editing this copy changes nothing except your own understanding.
"""

import jax, jax.numpy as jnp
import numpy as np

N = 10000
E = 320000
IN = 128
HEADS = 4
R = 8
HID = 128
OUT = 128
NEG_SLOPE = 0.2


def _xavier(key, shape):
    fan_in, fan_out = shape[-2], shape[-1]
    std = float(np.sqrt(2.0 / (fan_in + fan_out)))
    return jax.random.normal(key, shape, dtype=jnp.float32) * std


def rgat_conv(x, edge_index, edge_type, weight, q, k, bias, heads, out_per_head, num_nodes):
    # PyG RGATConv, attention_mode='additive-self-attention', mechanism='across-relation', dim=1
    src = edge_index[0]
    dst = edge_index[1]
    # per-relation linear transform of all nodes, then per-edge gather
    # (mathematically identical to per-edge bmm with weight[edge_type])
    xw = jnp.einsum('ni,rio->rno', x, weight)  # [R, N, H*O]
    out_i = xw[edge_type, dst]                 # [E, H*O]
    out_j = xw[edge_type, src]                 # [E, H*O]
    q_i = out_i @ q                            # [E, H]
    k_j = out_j @ k                            # [E, H]
    alpha = jax.nn.leaky_relu(q_i + k_j, NEG_SLOPE)
    # softmax over incoming edges per destination node (across-relation)
    amax = jax.ops.segment_max(alpha, dst, num_segments=num_nodes)
    amax = jnp.where(jnp.isfinite(amax), amax, 0.0)
    ealpha = jnp.exp(alpha - amax[dst])
    asum = jax.ops.segment_sum(ealpha, dst, num_segments=num_nodes)
    alpha = ealpha / (asum[dst] + 1e-16)
    msg = alpha[:, :, None] * out_j.reshape(-1, heads, out_per_head)
    out = jax.ops.segment_sum(msg.reshape(-1, heads * out_per_head), dst, num_segments=num_nodes)
    return out + bias


def setup_inputs(seed: int = 0) -> dict:
    key = jax.random.key(seed)
    ks = jax.random.split(key, 11)
    x = jax.random.normal(ks[0], (N, IN), dtype=jnp.float32)
    adj_t = jax.random.randint(ks[1], (2, E), 0, N, dtype=jnp.int32)
    edge_types = jax.random.randint(ks[2], (E,), 0, R, dtype=jnp.int32)
    weight1 = _xavier(ks[3], (R, IN, HID))
    q1 = _xavier(ks[4], (HID, HEADS))
    k1 = _xavier(ks[5], (HID, HEADS))
    bias1 = jnp.zeros((HID,), dtype=jnp.float32)
    weight2 = _xavier(ks[6], (R, HID, OUT))
    q2 = _xavier(ks[7], (OUT, HEADS))
    k2 = _xavier(ks[8], (OUT, HEADS))
    bias2 = jnp.zeros((OUT,), dtype=jnp.float32)
    return {
        'x': x, 'adj_t': adj_t, 'edge_types': edge_types,
        'weight1': weight1, 'q1': q1, 'k1': k1, 'bias1': bias1,
        'weight2': weight2, 'q2': q2, 'k2': k2, 'bias2': bias2,
    }


def reference(x, adj_t, edge_types, weight1, q1, k1, bias1, weight2, q2, k2, bias2):
    h = rgat_conv(x, adj_t, edge_types, weight1, q1, k1, bias1, HEADS, HID // HEADS, N)
    h = jax.nn.relu(h)
    # dropout p=0.0 -> identity
    out = rgat_conv(h, adj_t, edge_types, weight2, q2, k2, bias2, HEADS, OUT // HEADS, N)
    return out

if __name__ == "__main__":
    import jax
    _d = setup_inputs()
    print(jax.jit(kernel)(*tuple(_d.values())))

</pallas_src>

<mosaic_0001>
#map = affine_map<(d0, d1) -> (0, 0)>
#map1 = affine_map<(d0, d1) -> (0, 0, 0)>
module attributes {stable_mosaic.version = 14 : i64} {
  func.func @_sc_layer_body(%arg0: i32, %arg1: i32, %arg2: memref<3456x96xi32, #tpu.memory_space<hbm>>, %arg3: memref<3456x96xi32, #tpu.memory_space<hbm>>, %arg4: memref<3456x96xi32, #tpu.memory_space<hbm>>, %arg5: memref<80000x128xf32, #tpu.memory_space<hbm>>, %arg6: memref<80000x16xf32, #tpu.memory_space<hbm>>, %arg7: memref<80000x16xf32, #tpu.memory_space<hbm>>, %arg8: memref<2x10112x128xf32, #tpu.memory_space<hbm>>, %arg9: memref<2x10112x16xf32, #tpu.memory_space<hbm>>, %arg10: memref<1x96xi32, #tpu.memory_space<vmem>>, %arg11: memref<1x96xi32, #tpu.memory_space<vmem>>, %arg12: memref<1x96xi32, #tpu.memory_space<vmem>>, %arg13: memref<1x96xi32, #tpu.memory_space<vmem>>, %arg14: memref<1x96xi32, #tpu.memory_space<vmem>>, %arg15: memref<96x16xf32, #tpu.memory_space<vmem>>, %arg16: memref<96x16xf32, #tpu.memory_space<vmem>>, %arg17: memref<96x128xf32, #tpu.memory_space<vmem>>, %arg18: memref<1x96xi32, #tpu.memory_space<vmem>>, %arg19: memref<1x96xi32, #tpu.memory_space<vmem>>, %arg20: memref<1x96xi32, #tpu.memory_space<vmem>>, %arg21: memref<1x96xi32, #tpu.memory_space<vmem>>, %arg22: memref<1x96xi32, #tpu.memory_space<vmem>>, %arg23: memref<96x16xf32, #tpu.memory_space<vmem>>, %arg24: memref<96x16xf32, #tpu.memory_space<vmem>>, %arg25: memref<96x128xf32, #tpu.memory_space<vmem>>, %arg26: memref<10112x128xf32, #tpu.memory_space<vmem_shared>>, %arg27: memref<10112x16xf32, #tpu.memory_space<vmem_shared>>, %arg28: memref<!tpu.dma_semaphore, #tpu.memory_space<semaphore_mem>>, %arg29: memref<!tpu.dma_semaphore, #tpu.memory_space<semaphore_mem>>, %arg30: memref<!tpu.dma_semaphore, #tpu.memory_space<semaphore_mem>>, %arg31: memref<!tpu.dma_semaphore, #tpu.memory_space<semaphore_mem>>) attributes {dimension_semantics = [#tpu.dimension_semantics<core_parallel>, #tpu.dimension_semantics<subcore_parallel>], iteration_bounds = array<i64: 2, 16>, scalar_prefetch = 0 : i64, scratch_operands = 22 : i64, tpu.core_type = #tpu.core_type<sc_vector_subcore>, window_params = [{transform_indices = #map}, {transform_indices = #map}, {transform_indices = #map}, {transform_indices = #map}, {transform_indices = #map}, {transform_indices = #map}, {transform_indices = #map1}, {transform_indices = #map1}]} {
    %mul3A = arith.constant 16 : i32
    %mul3A_0 = arith.muli %arg0, %mul3A : i32
    %add3A = arith.addi %mul3A_0, %arg1 : i32
    %scan3A = arith.constant 0 : i32
    %scan3A_1 = arith.constant 0 : i32
    %scan3A_2 = arith.constant 96 : i32
    %scan3A_3 = arith.addi %scan3A_1, %scan3A_2 : i32
    %scan3A_4 = arith.constant 1 : i32
    %scan3A_5 = scf.for %scan3A_96 = %scan3A_1 to %scan3A_3 step %scan3A_4 iter_args(%scan3A_97 = %scan3A) -> (i32)  : i32 {
      %broadcast_in_dim3A = arith.constant 0.000000e+00 : f32
      %broadcast_in_dim3A_98 = vector.broadcast %broadcast_in_dim3A : f32 to vector<16xf32>
      %swap3A = arith.index_cast %scan3A_96 : i32 to index
      %swap3A_99 = arith.constant 0 : index
      %swap3A_100 = tpu.vector_load %arg15[%swap3A, %swap3A_99] {strides = array<i32>} : memref<96x16xf32, #tpu.memory_space<vmem>>, vector<1x16xf32>,
      %swap3A_101 = vector.shape_cast %swap3A_100 : vector<1x16xf32> to vector<16xf32>
      %swap3A_102 = vector.shape_cast %broadcast_in_dim3A_98 : vector<16xf32> to vector<1x16xf32>
      tpu.vector_store %arg15[%swap3A, %swap3A_99], %swap3A_102 {strides = array<i32>} : memref<96x16xf32, #tpu.memory_space<vmem>>, vector<1x16xf32>,
      %swap3A_103 = arith.index_cast %scan3A_96 : i32 to index
      %swap3A_104 = arith.constant 0 : index
      %swap3A_105 = tpu.vector_load %arg17[%swap3A_103, %swap3A_104] {strides = array<i32>} : memref<96x128xf32, #tpu.memory_space<vmem>>, vector<1x16xf32>,
      %swap3A_106 = vector.shape_cast %swap3A_105 : vector<1x16xf32> to vector<16xf32>
      %swap3A_107 = vector.shape_cast %broadcast_in_dim3A_98 : vector<16xf32> to vector<1x16xf32>
      tpu.vector_store %arg17[%swap3A_103, %swap3A_104], %swap3A_107 {strides = array<i32>} : memref<96x128xf32, #tpu.memory_space<vmem>>, vector<1x16xf32>,
      %swap3A_108 = arith.index_cast %scan3A_96 : i32 to index
      %swap3A_109 = arith.constant 16 : index
      %swap3A_110 = tpu.vector_load %arg17[%swap3A_108, %swap3A_109] {strides = array<i32>} : memref<96x128xf32, #tpu.memory_space<vmem>>, vector<1x16xf32>,
      %swap3A_111 = vector.shape_cast %swap3A_110 : vector<1x16xf32> to vector<16xf32>
      %swap3A_112 = vector.shape_cast %broadcast_in_dim3A_98 : vector<16xf32> to vector<1x16xf32>
      tpu.vector_store %arg17[%swap3A_108, %swap3A_109], %swap3A_112 {strides = array<i32>} : memref<96x128xf32, #tpu.memory_space<vmem>>, vector<1x16xf32>,
      %swap3A_113 = arith.index_cast %scan3A_96 : i32 to index
      %swap3A_114 = arith.constant 32 : index
      %swap3A_115 = tpu.vector_load %arg17[%swap3A_113, %swap3A_114] {strides = array<i32>} : memref<96x128xf32, #tpu.memory_space<vmem>>, vector<1x16xf32>,
      %swap3A_116 = vector.shape_cast %swap3A_115 : vector<1x16xf32> to vector<16xf32>
      %swap3A_117 = vector.shape_cast %broadcast_in_dim3A_98 : vector<16xf32> to vector<1x16xf32>
      tpu.vector_store %arg17[%swap3A_113, %swap3A_114], %swap3A_117 {strides = array<i32>} : memref<96x128xf32, #tpu.memory_space<vmem>>, vector<1x16xf32>,
      %swap3A_118 = arith.index_cast %scan3A_96 : i32 to index
      %swap3A_119 = arith.constant 48 : index
      %swap3A_120 = tpu.vector_load %arg17[%swap3A_118, %swap3A_119] {strides = array<i32>} : memref<96x128xf32, #tpu.memory_space<vmem>>, vector<1x16xf32>,
      %swap3A_121 = vector.shape_cast %swap3A_120 : vector<1x16xf32> to vector<16xf32>
      %swap3A_122 = vector.shape_cast %broadcast_in_dim3A_98 : vector<16xf32> to vector<1x16xf32>
      tpu.vector_store %arg17[%swap3A_118, %swap3A_119], %swap3A_122 {strides = array<i32>} : memref<96x128xf32, #tpu.memory_space<vmem>>, vector<1x16xf32>,
      %swap3A_123 = arith.index_cast %scan3A_96 : i32 to index
      %swap3A_124 = arith.constant 64 : index
      %swap3A_125 = tpu.vector_load %arg17[%swap3A_123, %swap3A_124] {strides = array<i32>} : memref<96x128xf32, #tpu.memory_space<vmem>>, vector<1x16xf32>,
      %swap3A_126 = vector.shape_cast %swap3A_125 : vector<1x16xf32> to vector<16xf32>
      %swap3A_127 = vector.shape_cast %broadcast_in_dim3A_98 : vector<16xf32> to vector<1x16xf32>
      tpu.vector_store %arg17[%swap3A_123, %swap3A_124], %swap3A_127 {strides = array<i32>} : memref<96x128xf32, #tpu.memory_space<vmem>>, vector<1x16xf32>,
      %swap3A_128 = arith.index_cast %scan3A_96 : i32 to index
      %swap3A_129 = arith.constant 80 : index
      %swap3A_130 = tpu.vector_load %arg17[%swap3A_128, %swap3A_129] {strides = array<i32>} : memref<96x128xf32, #tpu.memory_space<vmem>>, vector<1x16xf32>,
      %swap3A_131 = vector.shape_cast %swap3A_130 : vector<1x16xf32> to vector<16xf32>
      %swap3A_132 = vector.shape_cast %broadcast_in_dim3A_98 : vector<16xf32> to vector<1x16xf32>
      tpu.vector_store %arg17[%swap3A_128, %swap3A_129], %swap3A_132 {strides = array<i32>} : memref<96x128xf32, #tpu.memory_space<vmem>>, vector<1x16xf32>,
      %swap3A_133 = arith.index_cast %scan3A_96 : i32 to index
      %swap3A_134 = arith.constant 96 : index
      %swap3A_135 = tpu.vector_load %arg17[%swap3A_133, %swap3A_134] {strides = array<i32>} : memref<96x128xf32, #tpu.memory_space<vmem>>, vector<1x16xf32>,
      %swap3A_136 = vector.shape_cast %swap3A_135 : vector<1x16xf32> to vector<16xf32>
      %swap3A_137 = vector.shape_cast %broadcast_in_dim3A_98 : vector<16xf32> to vector<1x16xf32>
      tpu.vector_store %arg17[%swap3A_133, %swap3A_134], %swap3A_137 {strides = array<i32>} : memref<96x128xf32, #tpu.memory_space<vmem>>, vector<1x16xf32>,
      %swap3A_138 = arith.index_cast %scan3A_96 : i32 to index
      %swap3A_139 = arith.constant 112 : index
      %swap3A_140 = tpu.vector_load %arg17[%swap3A_138, %swap3A_139] {strides = array<i32>} : memref<96x128xf32, #tpu.memory_space<vmem>>, vector<1x16xf32>,
      %swap3A_141 = vector.shape_cast %swap3A_140 : vector<1x16xf32> to vector<16xf32>
      %swap3A_142 = vector.shape_cast %broadcast_in_dim3A_98 : vector<16xf32> to vector<1x16xf32>
      tpu.vector_store %arg17[%swap3A_138, %swap3A_139], %swap3A_142 {strides = array<i32>} : memref<96x128xf32, #tpu.memory_space<vmem>>, vector<1x16xf32>,
      %scan3A_143 = arith.constant 0 : i32
      scf.yield %scan3A_143 : i32
    }
    %scan3A_6 = arith.constant 96 : i32
    %mul3A_7 = arith.constant 632 : i32
    %mul3A_8 = arith.muli %arg1, %mul3A_7 : i32
    %add3A_9 = arith.constant 0 : i32
    %add3A_10 = arith.addi %mul3A_8, %add3A_9 : i32
    "tpu.region"() ({
      %run_scoped3A = tpu.sem_alloc : memref<!tpu.dma_semaphore, #tpu.memory_space<semaphore_mem>>
      %dma_start3A_96 = arith.constant 0 : i32
      %dma_start3A_97 = arith.constant 0 : i32
      %dma_start3A_98 = tpu.memref_slice %arg17[%dma_start3A_96, %dma_start3A_97] : memref<96x128xf32, #tpu.memory_space<vmem>> -> memref<96x128xf32, #tpu.memory_space<vmem>>
      %dma_start3A_99 = arith.constant 0 : i32
      %dma_start3A_100 = tpu.memref_slice %arg26[%add3A_10, %dma_start3A_99] : memref<10112x128xf32, #tpu.memory_space<vmem_shared>> -> memref<96x128xf32, #tpu.memory_space<vmem_shared>>
      %dma_start3A_101 = arith.constant 0 : i32
      %dma_start3A_102 = tpu.memref_slice %arg26[%add3A_10, %dma_start3A_101] : memref<10112x128xf32, #tpu.memory_space<vmem_shared>> -> memref<96x128xf32, #tpu.memory_space<vmem_shared>>
      %dma_start3A_103 = arith.constant 0 : i32
      %dma_start3A_104 = arith.constant 0 : i32
      %dma_start3A_105 = tpu.memref_slice %arg17[%dma_start3A_103, %dma_start3A_104] : memref<96x128xf32, #tpu.memory_space<vmem>> -> memref<96x128xf32, #tpu.memory_space<vmem>>
      tpu.enqueue_dma source(%dma_start3A_105 : memref<96x128xf32, #tpu.memory_space<vmem>>) target(%dma_start3A_102 : memref<96x128xf32, #tpu.memory_space<vmem_shared>>) target_semaphore(%run_scoped3A : memref<!tpu.dma_semaphore, #tpu.memory_space<semaphore_mem>>)
      %dma_wait3A_106 = arith.constant 0 : i32
      %dma_wait3A_107 = arith.constant 0 : i32
      %dma_wait3A_108 = tpu.memref_slice %arg17[%dma_wait3A_106, %dma_wait3A_107] : memref<96x128xf32, #tpu.memory_space<vmem>> -> memref<96x128xf32, #tpu.memory_space<vmem>>
      %dma_wait3A_109 = arith.constant 0 : i32
      %dma_wait3A_110 = tpu.memref_slice %arg26[%add3A_10, %dma_wait3A_109] : memref<10112x128xf32, #tpu.memory_space<vmem_shared>> -> memref<96x128xf32, #tpu.memory_space<vmem_shared>>
      %dma_wait3A_111 = arith.constant 0 : i32
      %dma_wait3A_112 = tpu.memref_slice %arg26[%add3A_10, %dma_wait3A_111] : memref<10112x128xf32, #tpu.memory_space<vmem_shared>> -> memref<96x128xf32, #tpu.memory_space<vmem_shared>>
      %dma_wait3A_113 = arith.constant 0 : i32
      %dma_wait3A_114 = arith.constant 0 : i32
      %dma_wait3A_115 = tpu.memref_slice %arg17[%dma_wait3A_113, %dma_wait3A_114] : memref<96x128xf32, #tpu.memory_space<vmem>> -> memref<96x128xf32, #tpu.memory_space<vmem>>
      tpu.wait_dma2 semaphore(%run_scoped3A : memref<!tpu.dma_semaphore, #tpu.memory_space<semaphore_mem>>) src(%dma_wait3A_115 : memref<96x128xf32, #tpu.memory_space<vmem>>) dst(%dma_wait3A_112 : memref<96x128xf32, #tpu.memory_space<vmem_shared>>)
      tpu.yield
    }) : () -> ()
    %add3A_11 = arith.constant 0 : i32
    %add3A_12 = arith.addi %mul3A_8, %add3A_11 : i32
    "tpu.region"() ({
      %run_scoped3A = tpu.sem_alloc : memref<!tpu.dma_semaphore, #tpu.memory_space<semaphore_mem>>
      %dma_start3A_96 = arith.constant 0 : i32
      %dma_start3A_97 = arith.constant 0 : i32
      %dma_start3A_98 = tpu.memref_slice %arg15[%dma_start3A_96, %dma_start3A_97] : memref<96x16xf32, #tpu.memory_space<vmem>> -> memref<96x16xf32, #tpu.memory_space<vmem>>
      %dma_start3A_99 = arith.constant 0 : i32
      %dma_start3A_100 = tpu.memref_slice %arg27[%add3A_12, %dma_start3A_99] : memref<10112x16xf32, #tpu.memory_space<vmem_shared>> -> memref<96x16xf32, #tpu.memory_space<vmem_shared>>
      %dma_start3A_101 = arith.constant 0 : i32
      %dma_start3A_102 = tpu.memref_slice %arg27[%add3A_12, %dma_start3A_101] : memref<10112x16xf32, #tpu.memory_space<vmem_shared>> -> memref<96x16xf32, #tpu.memory_space<vmem_shared>>
      %dma_start3A_103 = arith.constant 0 : i32
      %dma_start3A_104 = arith.constant 0 : i32
      %dma_start3A_105 = tpu.memref_slice %arg15[%dma_start3A_103, %dma_start3A_104] : memref<96x16xf32, #tpu.memory_space<vmem>> -> memref<96x16xf32, #tpu.memory_space<vmem>>
      tpu.enqueue_dma source(%dma_start3A_105 : memref<96x16xf32, #tpu.memory_space<vmem>>) target(%dma_start3A_102 : memref<96x16xf32, #tpu.memory_space<vmem_shared>>) target_semaphore(%run_scoped3A : memref<!tpu.dma_semaphore, #tpu.memory_space<semaphore_mem>>)
      %dma_wait3A_106 = arith.constant 0 : i32
      %dma_wait3A_107 = arith.constant 0 : i32
      %dma_wait3A_108 = tpu.memref_slice %arg15[%dma_wait3A_106, %dma_wait3A_107] : memref<96x16xf32, #tpu.memory_space<vmem>> -> memref<96x16xf32, #tpu.memory_space<vmem>>
      %dma_wait3A_109 = arith.constant 0 : i32
      %dma_wait3A_110 = tpu.memref_slice %arg27[%add3A_12, %dma_wait3A_109] : memref<10112x16xf32, #tpu.memory_space<vmem_shared>> -> memref<96x16xf32, #tpu.memory_space<vmem_shared>>
      %dma_wait3A_111 = arith.constant 0 : i32
      %dma_wait3A_112 = tpu.memref_slice %arg27[%add3A_12, %dma_wait3A_111] : memref<10112x16xf32, #tpu.memory_space<vmem_shared>> -> memref<96x16xf32, #tpu.memory_space<vmem_shared>>
      %dma_wait3A_113 = arith.constant 0 : i32
      %dma_wait3A_114 = arith.constant 0 : i32
      %dma_wait3A_115 = tpu.memref_slice %arg15[%dma_wait3A_113, %dma_wait3A_114] : memref<96x16xf32, #tpu.memory_space<vmem>> -> memref<96x16xf32, #tpu.memory_space<vmem>>
      tpu.wait_dma2 semaphore(%run_scoped3A : memref<!tpu.dma_semaphore, #tpu.memory_space<semaphore_mem>>) src(%dma_wait3A_115 : memref<96x16xf32, #tpu.memory_space<vmem>>) dst(%dma_wait3A_112 : memref<96x16xf32, #tpu.memory_space<vmem_shared>>)
      tpu.yield
    }) : () -> ()
    %add3A_13 = arith.constant 96 : i32
    %add3A_14 = arith.addi %mul3A_8, %add3A_13 : i32
    "tpu.region"() ({
      %run_scoped3A = tpu.sem_alloc : memref<!tpu.dma_semaphore, #tpu.memory_space<semaphore_mem>>
      %dma_start3A_96 = arith.constant 0 : i32
      %dma_start3A_97 = arith.constant 0 : i32
      %dma_start3A_98 = tpu.memref_slice %arg17[%dma_start3A_96, %dma_start3A_97] : memref<96x128xf32, #tpu.memory_space<vmem>> -> memref<96x128xf32, #tpu.memory_space<vmem>>
      %dma_start3A_99 = arith.constant 0 : i32
      %dma_start3A_100 = tpu.memref_slice %arg26[%add3A_14, %dma_start3A_99] : memref<10112x128xf32, #tpu.memory_space<vmem_shared>> -> memref<96x128xf32, #tpu.memory_space<vmem_shared>>
      %dma_start3A_101 = arith.constant 0 : i32
      %dma_start3A_102 = tpu.memref_slice %arg26[%add3A_14, %dma_start3A_101] : memref<10112x128xf32, #tpu.memory_space<vmem_shared>> -> memref<96x128xf32, #tpu.memory_space<vmem_shared>>
      %dma_start3A_103 = arith.constant 0 : i32
      %dma_start3A_104 = arith.constant 0 : i32
      %dma_start3A_105 = tpu.memref_slice %arg17[%dma_start3A_103, %dma_start3A_104] : memref<96x128xf32, #tpu.memory_space<vmem>> -> memref<96x128xf32, #tpu.memory_space<vmem>>
      tpu.enqueue_dma source(%dma_start3A_105 : memref<96x128xf32, #tpu.memory_space<vmem>>) target(%dma_start3A_102 : memref<96x128xf32, #tpu.memory_space<vmem_shared>>) target_semaphore(%run_scoped3A : memref<!tpu.dma_semaphore, #tpu.memory_space<semaphore_mem>>)
      %dma_wait3A_106 = arith.constant 0 : i32
      %dma_wait3A_107 = arith.constant 0 : i32
      %dma_wait3A_108 = tpu.memref_slice %arg17[%dma_wait3A_106, %dma_wait3A_107] : memref<96x128xf32, #tpu.memory_space<vmem>> -> memref<96x128xf32, #tpu.memory_space<vmem>>
      %dma_wait3A_109 = arith.constant 0 : i32
      %dma_wait3A_110 = tpu.memref_slice %arg26[%add3A_14, %dma_wait3A_109] : memref<10112x128xf32, #tpu.memory_space<vmem_shared>> -> memref<96x128xf32, #tpu.memory_space<vmem_shared>>
      %dma_wait3A_111 = arith.constant 0 : i32
      %dma_wait3A_112 = tpu.memref_slice %arg26[%add3A_14, %dma_wait3A_111] : memref<10112x128xf32, #tpu.memory_space<vmem_shared>> -> memref<96x128xf32, #tpu.memory_space<vmem_shared>>
      %dma_wait3A_113 = arith.constant 0 : i32
      %dma_wait3A_114 = arith.constant 0 : i32
      %dma_wait3A_115 = tpu.memref_slice %arg17[%dma_wait3A_113, %dma_wait3A_114] : memref<96x128xf32, #tpu.memory_space<vmem>> -> memref<96x128xf32, #tpu.memory_space<vmem>>
      tpu.wait_dma2 semaphore(%run_scoped3A : memref<!tpu.dma_semaphore, #tpu.memory_space<semaphore_mem>>) src(%dma_wait3A_115 : memref<96x128xf32, #tpu.memory_space<vmem>>) dst(%dma_wait3A_112 : memref<96x128xf32, #tpu.memory_space<vmem_shared>>)
      tpu.yield
    }) : () -> ()
    %add3A_15 = arith.constant 96 : i32
    %add3A_16 = arith.addi %mul3A_8, %add3A_15 : i32
    "tpu.region"() ({
      %run_scoped3A = tpu.sem_alloc : memref<!tpu.dma_semaphore, #tpu.memory_space<semaphore_mem>>
      %dma_start3A_96 = arith.constant 0 : i32
      %dma_start3A_97 = arith.constant 0 : i32
      %dma_start3A_98 = tpu.memref_slice %arg15[%dma_start3A_96, %dma_start3A_97] : memref<96x16xf32, #tpu.memory_space<vmem>> -> memref<96x16xf32, #tpu.memory_space<vmem>>
      %dma_start3A_99 = arith.constant 0 : i32
      %dma_start3A_100 = tpu.memref_slice %arg27[%add3A_16, %dma_start3A_99] : memref<10112x16xf32, #tpu.memory_space<vmem_shared>> -> memref<96x16xf32, #tpu.memory_space<vmem_shared>>
      %dma_start3A_101 = arith.constant 0 : i32
      %dma_start3A_102 = tpu.memref_slice %arg27[%add3A_16, %dma_start3A_101] : memref<10112x16xf32, #tpu.memory_space<vmem_shared>> -> memref<96x16xf32, #tpu.memory_space<vmem_shared>>
      %dma_start3A_103 = arith.constant 0 : i32
      %dma_start3A_104 = arith.constant 0 : i32
      %dma_start3A_105 = tpu.memref_slice %arg15[%dma_start3A_103, %dma_start3A_104] : memref<96x16xf32, #tpu.memory_space<vmem>> -> memref<96x16xf32, #tpu.memory_space<vmem>>
      tpu.enqueue_dma source(%dma_start3A_105 : memref<96x16xf32, #tpu.memory_space<vmem>>) target(%dma_start3A_102 : memref<96x16xf32, #tpu.memory_space<vmem_shared>>) target_semaphore(%run_scoped3A : memref<!tpu.dma_semaphore, #tpu.memory_space<semaphore_mem>>)
      %dma_wait3A_106 = arith.constant 0 : i32
      %dma_wait3A_107 = arith.constant 0 : i32
      %dma_wait3A_108 = tpu.memref_slice %arg15[%dma_wait3A_106, %dma_wait3A_107] : memref<96x16xf32, #tpu.memory_space<vmem>> -> memref<96x16xf32, #tpu.memory_space<vmem>>
      %dma_wait3A_109 = arith.constant 0 : i32
      %dma_wait3A_110 = tpu.memref_slice %arg27[%add3A_16, %dma_wait3A_109] : memref<10112x16xf32, #tpu.memory_space<vmem_shared>> -> memref<96x16xf32, #tpu.memory_space<vmem_shared>>
      %dma_wait3A_111 = arith.constant 0 : i32
      %dma_wait3A_112 = tpu.memref_slice %arg27[%add3A_16, %dma_wait3A_111] : memref<10112x16xf32, #tpu.memory_space<vmem_shared>> -> memref<96x16xf32, #tpu.memory_space<vmem_shared>>
      %dma_wait3A_113 = arith.constant 0 : i32
      %dma_wait3A_114 = arith.constant 0 : i32
      %dma_wait3A_115 = tpu.memref_slice %arg15[%dma_wait3A_113, %dma_wait3A_114] : memref<96x16xf32, #tpu.memory_space<vmem>> -> memref<96x16xf32, #tpu.memory_space<vmem>>
      tpu.wait_dma2 semaphore(%run_scoped3A : memref<!tpu.dma_semaphore, #tpu.memory_space<semaphore_mem>>) src(%dma_wait3A_115 : memref<96x16xf32, #tpu.memory_space<vmem>>) dst(%dma_wait3A_112 : memref<96x16xf32, #tpu.memory_space<vmem_shared>>)
      tpu.yield
    }) : () -> ()
    %add3A_17 = arith.constant 192 : i32
    %add3A_18 = arith.addi %mul3A_8, %add3A_17 : i32
    "tpu.region"() ({
      %run_scoped3A = tpu.sem_alloc : memref<!tpu.dma_semaphore, #tpu.memory_space<semaphore_mem>>
      %dma_start3A_96 = arith.constant 0 : i32
      %dma_start3A_97 = arith.constant 0 : i32
      %dma_start3A_98 = tpu.memref_slice %arg17[%dma_start3A_96, %dma_start3A_97] : memref<96x128xf32, #tpu.memory_space<vmem>> -> memref<96x128xf32, #tpu.memory_space<vmem>>
      %dma_start3A_99 = arith.constant 0 : i32
      %dma_start3A_100 = tpu.memref_slice %arg26[%add3A_18, %dma_start3A_99] : memref<10112x128xf32, #tpu.memory_space<vmem_shared>> -> memref<96x128xf32, #tpu.memory_space<vmem_shared>>
      %dma_start3A_101 = arith.constant 0 : i32
      %dma_start3A_102 = tpu.memref_slice %arg26[%add3A_18, %dma_start3A_101] : memref<10112x128xf32, #tpu.memory_space<vmem_shared>> -> memref<96x128xf32, #tpu.memory_space<vmem_shared>>
      %dma_start3A_103 = arith.constant 0 : i32
      %dma_start3A_104 = arith.constant 0 : i32
      %dma_start3A_105 = tpu.memref_slice %arg17[%dma_start3A_103, %dma_start3A_104] : memref<96x128xf32, #tpu.memory_space<vmem>> -> memref<96x128xf32, #tpu.memory_space<vmem>>
      tpu.enqueue_dma source(%dma_start3A_105 : memref<96x128xf32, #tpu.memory_space<vmem>>) target(%dma_start3A_102 : memref<96x128xf32, #tpu.memory_space<vmem_shared>>) target_semaphore(%run_scoped3A : memref<!tpu.dma_semaphore, #tpu.memory_space<semaphore_mem>>)
      %dma_wait3A_106 = arith.constant 0 : i32
      %dma_wait3A_107 = arith.constant 0 : i32
      %dma_wait3A_108 = tpu.memref_slice %arg17[%dma_wait3A_106, %dma_wait3A_107] : memref<96x128xf32, #tpu.memory_space<vmem>> -> memref<96x128xf32, #tpu.memory_space<vmem>>
      %dma_wait3A_109 = arith.constant 0 : i32
      %dma_wait3A_110 = tpu.memref_slice %arg26[%add3A_18, %dma_wait3A_109] : memref<10112x128xf32, #tpu.memory_space<vmem_shared>> -> memref<96x128xf32, #tpu.memory_space<vmem_shared>>
      %dma_wait3A_111 = arith.constant 0 : i32
      %dma_wait3A_112 = tpu.memref_slice %arg26[%add3A_18, %dma_wait3A_111] : memref<10112x128xf32, #tpu.memory_space<vmem_shared>> -> memref<96x128xf32, #tpu.memory_space<vmem_shared>>
      %dma_wait3A_113 = arith.constant 0 : i32
      %dma_wait3A_114 = arith.constant 0 : i32
      %dma_wait3A_115 = tpu.memref_slice %arg17[%dma_wait3A_113, %dma_wait3A_114] : memref<96x128xf32, #tpu.memory_space<vmem>> -> memref<96x128xf32, #tpu.memory_space<vmem>>
      tpu.wait_dma2 semaphore(%run_scoped3A : memref<!tpu.dma_semaphore, #tpu.memory_space<semaphore_mem>>) src(%dma_wait3A_115 : memref<96x128xf32, #tpu.memory_space<vmem>>) dst(%dma_wait3A_112 : memref<96x128xf32, #tpu.memory_space<vmem_shared>>)
      tpu.yield
    }) : () -> ()
    %add3A_19 = arith.constant 192 : i32
    %add3A_20 = arith.addi %mul3A_8, %add3A_19 : i32
    "tpu.region"() ({
      %run_scoped3A = tpu.sem_alloc : memref<!tpu.dma_semaphore, #tpu.memory_space<semaphore_mem>>
      %dma_start3A_96 = arith.constant 0 : i32
      %dma_start3A_97 = arith.constant 0 : i32
      %dma_start3A_98 = tpu.memref_slice %arg15[%dma_start3A_96, %dma_start3A_97] : memref<96x16xf32, #tpu.memory_space<vmem>> -> memref<96x16xf32, #tpu.memory_space<vmem>>
      %dma_start3A_99 = arith.constant 0 : i32
      %dma_start3A_100 = tpu.memref_slice %arg27[%add3A_20, %dma_start3A_99] : memref<10112x16xf32, #tpu.memory_space<vmem_shared>> -> memref<96x16xf32, #tpu.memory_space<vmem_shared>>
      %dma_start3A_101 = arith.constant 0 : i32
      %dma_start3A_102 = tpu.memref_slice %arg27[%add3A_20, %dma_start3A_101] : memref<10112x16xf32, #tpu.memory_space<vmem_shared>> -> memref<96x16xf32, #tpu.memory_space<vmem_shared>>
      %dma_start3A_103 = arith.constant 0 : i32
      %dma_start3A_104 = arith.constant 0 : i32
      %dma_start3A_105 = tpu.memref_slice %arg15[%dma_start3A_103, %dma_start3A_104] : memref<96x16xf32, #tpu.memory_space<vmem>> -> memref<96x16xf32, #tpu.memory_space<vmem>>
      tpu.enqueue_dma source(%dma_start3A_105 : memref<96x16xf32, #tpu.memory_space<vmem>>) target(%dma_start3A_102 : memref<96x16xf32, #tpu.memory_space<vmem_shared>>) target_semaphore(%run_scoped3A : memref<!tpu.dma_semaphore, #tpu.memory_space<semaphore_mem>>)
      %dma_wait3A_106 = arith.constant 0 : i32
      %dma_wait3A_107 = arith.constant 0 : i32
      %dma_wait3A_108 = tpu.memref_slice %arg15[%dma_wait3A_106, %dma_wait3A_107] : memref<96x16xf32, #tpu.memory_space<vmem>> -> memref<96x16xf32, #tpu.memory_space<vmem>>
      %dma_wait3A_109 = arith.constant 0 : i32
      %dma_wait3A_110 = tpu.memref_slice %arg27[%add3A_20, %dma_wait3A_109] : memref<10112x16xf32, #tpu.memory_space<vmem_shared>> -> memref<96x16xf32, #tpu.memory_space<vmem_shared>>
      %dma_wait3A_111 = arith.constant 0 : i32
      %dma_wait3A_112 = tpu.memref_slice %arg27[%add3A_20, %dma_wait3A_111] : memref<10112x16xf32, #tpu.memory_space<vmem_shared>> -> memref<96x16xf32, #tpu.memory_space<vmem_shared>>
      %dma_wait3A_113 = arith.constant 0 : i32
      %dma_wait3A_114 = arith.constant 0 : i32
      %dma_wait3A_115 = tpu.memref_slice %arg15[%dma_wait3A_113, %dma_wait3A_114] : memref<96x16xf32, #tpu.memory_space<vmem>> -> memref<96x16xf32, #tpu.memory_space<vmem>>
      tpu.wait_dma2 semaphore(%run_scoped3A : memref<!tpu.dma_semaphore, #tpu.memory_space<semaphore_mem>>) src(%dma_wait3A_115 : memref<96x16xf32, #tpu.memory_space<vmem>>) dst(%dma_wait3A_112 : memref<96x16xf32, #tpu.memory_space<vmem_shared>>)
      tpu.yield
    }) : () -> ()
    %add3A_21 = arith.constant 288 : i32
    %add3A_22 = arith.addi %mul3A_8, %add3A_21 : i32
    "tpu.region"() ({
      %run_scoped3A = tpu.sem_alloc : memref<!tpu.dma_semaphore, #tpu.memory_space<semaphore_mem>>
      %dma_start3A_96 = arith.constant 0 : i32
      %dma_start3A_97 = arith.constant 0 : i32
      %dma_start3A_98 = tpu.memref_slice %arg17[%dma_start3A_96, %dma_start3A_97] : memref<96x128xf32, #tpu.memory_space<vmem>> -> memref<96x128xf32, #tpu.memory_space<vmem>>
      %dma_start3A_99 = arith.constant 0 : i32
      %dma_start3A_100 = tpu.memref_slice %arg26[%add3A_22, %dma_start3A_99] : memref<10112x128xf32, #tpu.memory_space<vmem_shared>> -> memref<96x128xf32, #tpu.memory_space<vmem_shared>>
      %dma_start3A_101 = arith.constant 0 : i32
      %dma_start3A_102 = tpu.memref_slice %arg26[%add3A_22, %dma_start3A_101] : memref<10112x128xf32, #tpu.memory_space<vmem_shared>> -> memref<96x128xf32, #tpu.memory_space<vmem_shared>>
      %dma_start3A_103 = arith.constant 0 : i32
      %dma_start3A_104 = arith.constant 0 : i32
      %dma_start3A_105 = tpu.memref_slice %arg17[%dma_start3A_103, %dma_start3A_104] : memref<96x128xf32, #tpu.memory_space<vmem>> -> memref<96x128xf32, #tpu.memory_space<vmem>>
      tpu.enqueue_dma source(%dma_start3A_105 : memref<96x128xf32, #tpu.memory_space<vmem>>) target(%dma_start3A_102 : memref<96x128xf32, #tpu.memory_space<vmem_shared>>) target_semaphore(%run_scoped3A : memref<!tpu.dma_semaphore, #tpu.memory_space<semaphore_mem>>)
      %dma_wait3A_106 = arith.constant 0 : i32
      %dma_wait3A_107 = arith.constant 0 : i32
      %dma_wait3A_108 = tpu.memref_slice %arg17[%dma_wait3A_106, %dma_wait3A_107] : memref<96x128xf32, #tpu.memory_space<vmem>> -> memref<96x128xf32, #tpu.memory_space<vmem>>
      %dma_wait3A_109 = arith.constant 0 : i32
      %dma_wait3A_110 = tpu.memref_slice %arg26[%add3A_22, %dma_wait3A_109] : memref<10112x128xf32, #tpu.memory_space<vmem_shared>> -> memref<96x128xf32, #tpu.memory_space<vmem_shared>>
      %dma_wait3A_111 = arith.constant 0 : i32
      %dma_wait3A_112 = tpu.memref_slice %arg26[%add3A_22, %dma_wait3A_111] : memref<10112x128xf32, #tpu.memory_space<vmem_shared>> -> memref<96x128xf32, #tpu.memory_space<vmem_shared>>
      %dma_wait3A_113 = arith.constant 0 : i32
      %dma_wait3A_114 = arith.constant 0 : i32
      %dma_wait3A_115 = tpu.memref_slice %arg17[%dma_wait3A_113, %dma_wait3A_114] : memref<96x128xf32, #tpu.memory_space<vmem>> -> memref<96x128xf32, #tpu.memory_space<vmem>>
      tpu.wait_dma2 semaphore(%run_scoped3A : memref<!tpu.dma_semaphore, #tpu.memory_space<semaphore_mem>>) src(%dma_wait3A_115 : memref<96x128xf32, #tpu.memory_space<vmem>>) dst(%dma_wait3A_112 : memref<96x128xf32, #tpu.memory_space<vmem_shared>>)
      tpu.yield
    }) : () -> ()
    %add3A_23 = arith.constant 288 : i32
    %add3A_24 = arith.addi %mul3A_8, %add3A_23 : i32
    "tpu.region"() ({
      %run_scoped3A = tpu.sem_alloc : memref<!tpu.dma_semaphore, #tpu.memory_space<semaphore_mem>>
      %dma_start3A_96 = arith.constant 0 : i32
      %dma_start3A_97 = arith.constant 0 : i32
      %dma_start3A_98 = tpu.memref_slice %arg15[%dma_start3A_96, %dma_start3A_97] : memref<96x16xf32, #tpu.memory_space<vmem>> -> memref<96x16xf32, #tpu.memory_space<vmem>>
      %dma_start3A_99 = arith.constant 0 : i32
      %dma_start3A_100 = tpu.memref_slice %arg27[%add3A_24, %dma_start3A_99] : memref<10112x16xf32, #tpu.memory_space<vmem_shared>> -> memref<96x16xf32, #tpu.memory_space<vmem_shared>>
      %dma_start3A_101 = arith.constant 0 : i32
      %dma_start3A_102 = tpu.memref_slice %arg27[%add3A_24, %dma_start3A_101] : memref<10112x16xf32, #tpu.memory_space<vmem_shared>> -> memref<96x16xf32, #tpu.memory_space<vmem_shared>>
      %dma_start3A_103 = arith.constant 0 : i32
      %dma_start3A_104 = arith.constant 0 : i32
      %dma_start3A_105 = tpu.memref_slice %arg15[%dma_start3A_103, %dma_start3A_104] : memref<96x16xf32, #tpu.memory_space<vmem>> -> memref<96x16xf32, #tpu.memory_space<vmem>>
      tpu.enqueue_dma source(%dma_start3A_105 : memref<96x16xf32, #tpu.memory_space<vmem>>) target(%dma_start3A_102 : memref<96x16xf32, #tpu.memory_space<vmem_shared>>) target_semaphore(%run_scoped3A : memref<!tpu.dma_semaphore, #tpu.memory_space<semaphore_mem>>)
      %dma_wait3A_106 = arith.constant 0 : i32
      %dma_wait3A_107 = arith.constant 0 : i32
      %dma_wait3A_108 = tpu.memref_slice %arg15[%dma_wait3A_106, %dma_wait3A_107] : memref<96x16xf32, #tpu.memory_space<vmem>> -> memref<96x16xf32, #tpu.memory_space<vmem>>
      %dma_wait3A_109 = arith.constant 0 : i32
      %dma_wait3A_110 = tpu.memref_slice %arg27[%add3A_24, %dma_wait3A_109] : memref<10112x16xf32, #tpu.memory_space<vmem_shared>> -> memref<96x16xf32, #tpu.memory_space<vmem_shared>>
      %dma_wait3A_111 = arith.constant 0 : i32
      %dma_wait3A_112 = tpu.memref_slice %arg27[%add3A_24, %dma_wait3A_111] : memref<10112x16xf32, #tpu.memory_space<vmem_shared>> -> memref<96x16xf32, #tpu.memory_space<vmem_shared>>
      %dma_wait3A_113 = arith.constant 0 : i32
      %dma_wait3A_114 = arith.constant 0 : i32
      %dma_wait3A_115 = tpu.memref_slice %arg15[%dma_wait3A_113, %dma_wait3A_114] : memref<96x16xf32, #tpu.memory_space<vmem>> -> memref<96x16xf32, #tpu.memory_space<vmem>>
      tpu.wait_dma2 semaphore(%run_scoped3A : memref<!tpu.dma_semaphore, #tpu.memory_space<semaphore_mem>>) src(%dma_wait3A_115 : memref<96x16xf32, #tpu.memory_space<vmem>>) dst(%dma_wait3A_112 : memref<96x16xf32, #tpu.memory_space<vmem_shared>>)
      tpu.yield
    }) : () -> ()
    %add3A_25 = arith.constant 384 : i32
    %add3A_26 = arith.addi %mul3A_8, %add3A_25 : i32
    "tpu.region"() ({
      %run_scoped3A = tpu.sem_alloc : memref<!tpu.dma_semaphore, #tpu.memory_space<semaphore_mem>>
      %dma_start3A_96 = arith.constant 0 : i32
      %dma_start3A_97 = arith.constant 0 : i32
      %dma_start3A_98 = tpu.memref_slice %arg17[%dma_start3A_96, %dma_start3A_97] : memref<96x128xf32, #tpu.memory_space<vmem>> -> memref<96x128xf32, #tpu.memory_space<vmem>>
      %dma_start3A_99 = arith.constant 0 : i32
      %dma_start3A_100 = tpu.memref_slice %arg26[%add3A_26, %dma_start3A_99] : memref<10112x128xf32, #tpu.memory_space<vmem_shared>> -> memref<96x128xf32, #tpu.memory_space<vmem_shared>>
      %dma_start3A_101 = arith.constant 0 : i32
      %dma_start3A_102 = tpu.memref_slice %arg26[%add3A_26, %dma_start3A_101] : memref<10112x128xf32, #tpu.memory_space<vmem_shared>> -> memref<96x128xf32, #tpu.memory_space<vmem_shared>>
      %dma_start3A_103 = arith.constant 0 : i32
      %dma_start3A_104 = arith.constant 0 : i32
      %dma_start3A_105 = tpu.memref_slice %arg17[%dma_start3A_103, %dma_start3A_104] : memref<96x128xf32, #tpu.memory_space<vmem>> -> memref<96x128xf32, #tpu.memory_space<vmem>>
      tpu.enqueue_dma source(%dma_start3A_105 : memref<96x128xf32, #tpu.memory_space<vmem>>) target(%dma_start3A_102 : memref<96x128xf32, #tpu.memory_space<vmem_shared>>) target_semaphore(%run_scoped3A : memref<!tpu.dma_semaphore, #tpu.memory_space<semaphore_mem>>)
      %dma_wait3A_106 = arith.constant 0 : i32
      %dma_wait3A_107 = arith.constant 0 : i32
      %dma_wait3A_108 = tpu.memref_slice %arg17[%dma_wait3A_106, %dma_wait3A_107] : memref<96x128xf32, #tpu.memory_space<vmem>> -> memref<96x128xf32, #tpu.memory_space<vmem>>
      %dma_wait3A_109 = arith.constant 0 : i32
      %dma_wait3A_110 = tpu.memref_slice %arg26[%add3A_26, %dma_wait3A_109] : memref<10112x128xf32, #tpu.memory_space<vmem_shared>> -> memref<96x128xf32, #tpu.memory_space<vmem_shared>>
      %dma_wait3A_111 = arith.constant 0 : i32
      %dma_wait3A_112 = tpu.memref_slice %arg26[%add3A_26, %dma_wait3A_111] : memref<10112x128xf32, #tpu.memory_space<vmem_shared>> -> memref<96x128xf32, #tpu.memory_space<vmem_shared>>
      %dma_wait3A_113 = arith.constant 0 : i32
      %dma_wait3A_114 = arith.constant 0 : i32
      %dma_wait3A_115 = tpu.memref_slice %arg17[%dma_wait3A_113, %dma_wait3A_114] : memref<96x128xf32, #tpu.memory_space<vmem>> -> memref<96x128xf32, #tpu.memory_space<vmem>>
      tpu.wait_dma2 semaphore(%run_scoped3A : memref<!tpu.dma_semaphore, #tpu.memory_space<semaphore_mem>>) src(%dma_wait3A_115 : memref<96x128xf32, #tpu.memory_space<vmem>>) dst(%dma_wait3A_112 : memref<96x128xf32, #tpu.memory_space<vmem_shared>>)
      tpu.yield
    }) : () -> ()
    %add3A_27 = arith.constant 384 : i32
    %add3A_28 = arith.addi %mul3A_8, %add3A_27 : i32
    "tpu.region"() ({
      %run_scoped3A = tpu.sem_alloc : memref<!tpu.dma_semaphore, #tpu.memory_space<semaphore_mem>>
      %dma_start3A_96 = arith.constant 0 : i32
      %dma_start3A_97 = arith.constant 0 : i32
      %dma_start3A_98 = tpu.memref_slice %arg15[%dma_start3A_96, %dma_start3A_97] : memref<96x16xf32, #tpu.memory_space<vmem>> -> memref<96x16xf32, #tpu.memory_space<vmem>>
      %dma_start3A_99 = arith.constant 0 : i32
      %dma_start3A_100 = tpu.memref_slice %arg27[%add3A_28, %dma_start3A_99] : memref<10112x16xf32, #tpu.memory_space<vmem_shared>> -> memref<96x16xf32, #tpu.memory_space<vmem_shared>>
      %dma_start3A_101 = arith.constant 0 : i32
      %dma_start3A_102 = tpu.memref_slice %arg27[%add3A_28, %dma_start3A_101] : memref<10112x16xf32, #tpu.memory_space<vmem_shared>> -> memref<96x16xf32, #tpu.memory_space<vmem_shared>>
      %dma_start3A_103 = arith.constant 0 : i32
      %dma_start3A_104 = arith.constant 0 : i32
      %dma_start3A_105 = tpu.memref_slice %arg15[%dma_start3A_103, %dma_start3A_104] : memref<96x16xf32, #tpu.memory_space<vmem>> -> memref<96x16xf32, #tpu.memory_space<vmem>>
      tpu.enqueue_dma source(%dma_start3A_105 : memref<96x16xf32, #tpu.memory_space<vmem>>) target(%dma_start3A_102 : memref<96x16xf32, #tpu.memory_space<vmem_shared>>) target_semaphore(%run_scoped3A : memref<!tpu.dma_semaphore, #tpu.memory_space<semaphore_mem>>)
      %dma_wait3A_106 = arith.constant 0 : i32
      %dma_wait3A_107 = arith.constant 0 : i32
      %dma_wait3A_108 = tpu.memref_slice %arg15[%dma_wait3A_106, %dma_wait3A_107] : memref<96x16xf32, #tpu.memory_space<vmem>> -> memref<96x16xf32, #tpu.memory_space<vmem>>
      %dma_wait3A_109 = arith.constant 0 : i32
      %dma_wait3A_110 = tpu.memref_slice %arg27[%add3A_28, %dma_wait3A_109] : memref<10112x16xf32, #tpu.memory_space<vmem_shared>> -> memref<96x16xf32, #tpu.memory_space<vmem_shared>>
      %dma_wait3A_111 = arith.constant 0 : i32
      %dma_wait3A_112 = tpu.memref_slice %arg27[%add3A_28, %dma_wait3A_111] : memref<10112x16xf32, #tpu.memory_space<vmem_shared>> -> memref<96x16xf32, #tpu.memory_space<vmem_shared>>
      %dma_wait3A_113 = arith.constant 0 : i32
      %dma_wait3A_114 = arith.constant 0 : i32
      %dma_wait3A_115 = tpu.memref_slice %arg15[%dma_wait3A_113, %dma_wait3A_114] : memref<96x16xf32, #tpu.memory_space<vmem>> -> memref<96x16xf32, #tpu.memory_space<vmem>>
      tpu.wait_dma2 semaphore(%run_scoped3A : memref<!tpu.dma_semaphore, #tpu.memory_space<semaphore_mem>>) src(%dma_wait3A_115 : memref<96x16xf32, #tpu.memory_space<vmem>>) dst(%dma_wait3A_112 : memref<96x16xf32, #tpu.memory_space<vmem_shared>>)
      tpu.yield
    }) : () -> ()
    %add3A_29 = arith.constant 480 : i32
    %add3A_30 = arith.addi %mul3A_8, %add3A_29 : i32
    "tpu.region"() ({
      %run_scoped3A = tpu.sem_alloc : memref<!tpu.dma_semaphore, #tpu.memory_space<semaphore_mem>>
      %dma_start3A_96 = arith.constant 0 : i32
      %dma_start3A_97 = arith.constant 0 : i32
      %dma_start3A_98 = tpu.memref_slice %arg17[%dma_start3A_96, %dma_start3A_97] : memref<96x128xf32, #tpu.memory_space<vmem>> -> memref<96x128xf32, #tpu.memory_space<vmem>>
      %dma_start3A_99 = arith.constant 0 : i32
      %dma_start3A_100 = tpu.memref_slice %arg26[%add3A_30, %dma_start3A_99] : memref<10112x128xf32, #tpu.memory_space<vmem_shared>> -> memref<96x128xf32, #tpu.memory_space<vmem_shared>>
      %dma_start3A_101 = arith.constant 0 : i32
      %dma_start3A_102 = tpu.memref_slice %arg26[%add3A_30, %dma_start3A_101] : memref<10112x128xf32, #tpu.memory_space<vmem_shared>> -> memref<96x128xf32, #tpu.memory_space<vmem_shared>>
      %dma_start3A_103 = arith.constant 0 : i32
      %dma_start3A_104 = arith.constant 0 : i32
      %dma_start3A_105 = tpu.memref_slice %arg17[%dma_start3A_103, %dma_start3A_104] : memref<96x128xf32, #tpu.memory_space<vmem>> -> memref<96x128xf32, #tpu.memory_space<vmem>>
      tpu.enqueue_dma source(%dma_start3A_105 : memref<96x128xf32, #tpu.memory_space<vmem>>) target(%dma_start3A_102 : memref<96x128xf32, #tpu.memory_space<vmem_shared>>) target_semaphore(%run_scoped3A : memref<!tpu.dma_semaphore, #tpu.memory_space<semaphore_mem>>)
      %dma_wait3A_106 = arith.constant 0 : i32
      %dma_wait3A_107 = arith.constant 0 : i32
      %dma_wait3A_108 = tpu.memref_slice %arg17[%dma_wait3A_106, %dma_wait3A_107] : memref<96x128xf32, #tpu.memory_space<vmem>> -> memref<96x128xf32, #tpu.memory_space<vmem>>
      %dma_wait3A_109 = arith.constant 0 : i32
      %dma_wait3A_110 = tpu.memref_slice %arg26[%add3A_30, %dma_wait3A_109] : memref<10112x128xf32, #tpu.memory_space<vmem_shared>> -> memref<96x128xf32, #tpu.memory_space<vmem_shared>>
      %dma_wait3A_111 = arith.constant 0 : i32
      %dma_wait3A_112 = tpu.memref_slice %arg26[%add3A_30, %dma_wait3A_111] : memref<10112x128xf32, #tpu.memory_space<vmem_shared>> -> memref<96x128xf32, #tpu.memory_space<vmem_shared>>
      %dma_wait3A_113 = arith.constant 0 : i32
      %dma_wait3A_114 = arith.constant 0 : i32
      %dma_wait3A_115 = tpu.memref_slice %arg17[%dma_wait3A_113, %dma_wait3A_114] : memref<96x128xf32, #tpu.memory_space<vmem>> -> memref<96x128xf32, #tpu.memory_space<vmem>>
      tpu.wait_dma2 semaphore(%run_scoped3A : memref<!tpu.dma_semaphore, #tpu.memory_space<semaphore_mem>>) src(%dma_wait3A_115 : memref<96x128xf32, #tpu.memory_space<vmem>>) dst(%dma_wait3A_112 : memref<96x128xf32, #tpu.memory_space<vmem_shared>>)
      tpu.yield
    }) : () -> ()
    %add3A_31 = arith.constant 480 : i32
    %add3A_32 = arith.addi %mul3A_8, %add3A_31 : i32
    "tpu.region"() ({
      %run_scoped3A = tpu.sem_alloc : memref<!tpu.dma_semaphore, #tpu.memory_space<semaphore_mem>>
      %dma_start3A_96 = arith.constant 0 : i32
      %dma_start3A_97 = arith.constant 0 : i32
      %dma_start3A_98 = tpu.memref_slice %arg15[%dma_start3A_96, %dma_start3A_97] : memref<96x16xf32, #tpu.memory_space<vmem>> -> memref<96x16xf32, #tpu.memory_space<vmem>>
      %dma_start3A_99 = arith.constant 0 : i32
      %dma_start3A_100 = tpu.memref_slice %arg27[%add3A_32, %dma_start3A_99] : memref<10112x16xf32, #tpu.memory_space<vmem_shared>> -> memref<96x16xf32, #tpu.memory_space<vmem_shared>>
      %dma_start3A_101 = arith.constant 0 : i32
      %dma_start3A_102 = tpu.memref_slice %arg27[%add3A_32, %dma_start3A_101] : memref<10112x16xf32, #tpu.memory_space<vmem_shared>> -> memref<96x16xf32, #tpu.memory_space<vmem_shared>>
      %dma_start3A_103 = arith.constant 0 : i32
      %dma_start3A_104 = arith.constant 0 : i32
      %dma_start3A_105 = tpu.memref_slice %arg15[%dma_start3A_103, %dma_start3A_104] : memref<96x16xf32, #tpu.memory_space<vmem>> -> memref<96x16xf32, #tpu.memory_space<vmem>>
      tpu.enqueue_dma source(%dma_start3A_105 : memref<96x16xf32, #tpu.memory_space<vmem>>) target(%dma_start3A_102 : memref<96x16xf32, #tpu.memory_space<vmem_shared>>) target_semaphore(%run_scoped3A : memref<!tpu.dma_semaphore, #tpu.memory_space<semaphore_mem>>)
      %dma_wait3A_106 = arith.constant 0 : i32
      %dma_wait3A_107 = arith.constant 0 : i32
      %dma_wait3A_108 = tpu.memref_slice %arg15[%dma_wait3A_106, %dma_wait3A_107] : memref<96x16xf32, #tpu.memory_space<vmem>> -> memref<96x16xf32, #tpu.memory_space<vmem>>
      %dma_wait3A_109 = arith.constant 0 : i32
      %dma_wait3A_110 = tpu.memref_slice %arg27[%add3A_32, %dma_wait3A_109] : memref<10112x16xf32, #tpu.memory_space<vmem_shared>> -> memref<96x16xf32, #tpu.memory_space<vmem_shared>>
      %dma_wait3A_111 = arith.constant 0 : i32
      %dma_wait3A_112 = tpu.memref_slice %arg27[%add3A_32, %dma_wait3A_111] : memref<10112x16xf32, #tpu.memory_space<vmem_shared>> -> memref<96x16xf32, #tpu.memory_space<vmem_shared>>
      %dma_wait3A_113 = arith.constant 0 : i32
      %dma_wait3A_114 = arith.constant 0 : i32
      %dma_wait3A_115 = tpu.memref_slice %arg15[%dma_wait3A_113, %dma_wait3A_114] : memref<96x16xf32, #tpu.memory_space<vmem>> -> memref<96x16xf32, #tpu.memory_space<vmem>>
      tpu.wait_dma2 semaphore(%run_scoped3A : memref<!tpu.dma_semaphore, #tpu.memory_space<semaphore_mem>>) src(%dma_wait3A_115 : memref<96x16xf32, #tpu.memory_space<vmem>>) dst(%dma_wait3A_112 : memref<96x16xf32, #tpu.memory_space<vmem_shared>>)
      tpu.yield
    }) : () -> ()
    %add3A_33 = arith.constant 576 : i32
    %add3A_34 = arith.addi %mul3A_8, %add3A_33 : i32
    "tpu.region"() ({
      %run_scoped3A = tpu.sem_alloc : memref<!tpu.dma_semaphore, #tpu.memory_space<semaphore_mem>>
      %dma_start3A_96 = arith.constant 0 : i32
      %dma_start3A_97 = arith.constant 0 : i32
      %dma_start3A_98 = tpu.memref_slice %arg17[%dma_start3A_96, %dma_start3A_97] : memref<96x128xf32, #tpu.memory_space<vmem>> -> memref<56x128xf32, #tpu.memory_space<vmem>>
      %dma_start3A_99 = arith.constant 0 : i32
      %dma_start3A_100 = tpu.memref_slice %arg26[%add3A_34, %dma_start3A_99] : memref<10112x128xf32, #tpu.memory_space<vmem_shared>> -> memref<56x128xf32, #tpu.memory_space<vmem_shared>>
      %dma_start3A_101 = arith.constant 0 : i32
      %dma_start3A_102 = tpu.memref_slice %arg26[%add3A_34, %dma_start3A_101] : memref<10112x128xf32, #tpu.memory_space<vmem_shared>> -> memref<56x128xf32, #tpu.memory_space<vmem_shared>>
      %dma_start3A_103 = arith.constant 0 : i32
      %dma_start3A_104 = arith.constant 0 : i32
      %dma_start3A_105 = tpu.memref_slice %arg17[%dma_start3A_103, %dma_start3A_104] : memref<96x128xf32, #tpu.memory_space<vmem>> -> memref<56x128xf32, #tpu.memory_space<vmem>>
      tpu.enqueue_dma source(%dma_start3A_105 : memref<56x128xf32, #tpu.memory_space<vmem>>) target(%dma_start3A_102 : memref<56x128xf32, #tpu.memory_space<vmem_shared>>) target_semaphore(%run_scoped3A : memref<!tpu.dma_semaphore, #tpu.memory_space<semaphore_mem>>)
      %dma_wait3A_106 = arith.constant 0 : i32
      %dma_wait3A_107 = arith.constant 0 : i32
      %dma_wait3A_108 = tpu.memref_slice %arg17[%dma_wait3A_106, %dma_wait3A_107] : memref<96x128xf32, #tpu.memory_space<vmem>> -> memref<56x128xf32, #tpu.memory_space<vmem>>
      %dma_wait3A_109 = arith.constant 0 : i32
      %dma_wait3A_110 = tpu.memref_slice %arg26[%add3A_34, %dma_wait3A_109] : memref<10112x128xf32, #tpu.memory_space<vmem_shared>> -> memref<56x128xf32, #tpu.memory_space<vmem_shared>>
      %dma_wait3A_111 = arith.constant 0 : i32
      %dma_wait3A_112 = tpu.memref_slice %arg26[%add3A_34, %dma_wait3A_111] : memref<10112x128xf32, #tpu.memory_space<vmem_shared>> -> memref<56x128xf32, #tpu.memory_space<vmem_shared>>
      %dma_wait3A_113 = arith.constant 0 : i32
      %dma_wait3A_114 = arith.constant 0 : i32
      %dma_wait3A_115 = tpu.memref_slice %arg17[%dma_wait3A_113, %dma_wait3A_114] : memref<96x128xf32, #tpu.memory_space<vmem>> -> memref<56x128xf32, #tpu.memory_space<vmem>>
      tpu.wait_dma2 semaphore(%run_scoped3A : memref<!tpu.dma_semaphore, #tpu.memory_space<semaphore_mem>>) src(%dma_wait3A_115 : memref<56x128xf32, #tpu.memory_space<vmem>>) dst(%dma_wait3A_112 : memref<56x128xf32, #tpu.memory_space<vmem_shared>>)
      tpu.yield
    }) : () -> ()
    %add3A_35 = arith.constant 576 : i32
    %add3A_36 = arith.addi %mul3A_8, %add3A_35 : i32
    "tpu.region"() ({
      %run_scoped3A = tpu.sem_alloc : memref<!tpu.dma_semaphore, #tpu.memory_space<semaphore_mem>>
      %dma_start3A_96 = arith.constant 0 : i32
      %dma_start3A_97 = arith.constant 0 : i32
      %dma_start3A_98 = tpu.memref_slice %arg15[%dma_start3A_96, %dma_start3A_97] : memref<96x16xf32, #tpu.memory_space<vmem>> -> memref<56x16xf32, #tpu.memory_space<vmem>>
      %dma_start3A_99 = arith.constant 0 : i32
      %dma_start3A_100 = tpu.memref_slice %arg27[%add3A_36, %dma_start3A_99] : memref<10112x16xf32, #tpu.memory_space<vmem_shared>> -> memref<56x16xf32, #tpu.memory_space<vmem_shared>>
      %dma_start3A_101 = arith.constant 0 : i32
      %dma_start3A_102 = tpu.memref_slice %arg27[%add3A_36, %dma_start3A_101] : memref<10112x16xf32, #tpu.memory_space<vmem_shared>> -> memref<56x16xf32, #tpu.memory_space<vmem_shared>>
      %dma_start3A_103 = arith.constant 0 : i32
      %dma_start3A_104 = arith.constant 0 : i32
      %dma_start3A_105 = tpu.memref_slice %arg15[%dma_start3A_103, %dma_start3A_104] : memref<96x16xf32, #tpu.memory_space<vmem>> -> memref<56x16xf32, #tpu.memory_space<vmem>>
      tpu.enqueue_dma source(%dma_start3A_105 : memref<56x16xf32, #tpu.memory_space<vmem>>) target(%dma_start3A_102 : memref<56x16xf32, #tpu.memory_space<vmem_shared>>) target_semaphore(%run_scoped3A : memref<!tpu.dma_semaphore, #tpu.memory_space<semaphore_mem>>)
      %dma_wait3A_106 = arith.constant 0 : i32
      %dma_wait3A_107 = arith.constant 0 : i32
      %dma_wait3A_108 = tpu.memref_slice %arg15[%dma_wait3A_106, %dma_wait3A_107] : memref<96x16xf32, #tpu.memory_space<vmem>> -> memref<56x16xf32, #tpu.memory_space<vmem>>
      %dma_wait3A_109 = arith.constant 0 : i32
      %dma_wait3A_110 = tpu.memref_slice %arg27[%add3A_36, %dma_wait3A_109] : memref<10112x16xf32, #tpu.memory_space<vmem_shared>> -> memref<56x16xf32, #tpu.memory_space<vmem_shared>>
      %dma_wait3A_111 = arith.constant 0 : i32
      %dma_wait3A_112 = tpu.memref_slice %arg27[%add3A_36, %dma_wait3A_111] : memref<10112x16xf32, #tpu.memory_space<vmem_shared>> -> memref<56x16xf32, #tpu.memory_space<vmem_shared>>
      %dma_wait3A_113 = arith.constant 0 : i32
      %dma_wait3A_114 = arith.constant 0 : i32
      %dma_wait3A_115 = tpu.memref_slice %arg15[%dma_wait3A_113, %dma_wait3A_114] : memref<96x16xf32, #tpu.memory_space<vmem>> -> memref<56x16xf32, #tpu.memory_space<vmem>>
      tpu.wait_dma2 semaphore(%run_scoped3A : memref<!tpu.dma_semaphore, #tpu.memory_space<semaphore_mem>>) src(%dma_wait3A_115 : memref<56x16xf32, #tpu.memory_space<vmem>>) dst(%dma_wait3A_112 : memref<56x16xf32, #tpu.memory_space<vmem_shared>>)
      tpu.yield
    }) : () -> ()
    %barrier3A = arith.constant 0 : index
    tpu.barrier barrier_id(%barrier3A)
    %mul3A_37 = arith.constant 108 : i32
    %mul3A_38 = arith.muli %add3A, %mul3A_37 : i32
    %add3A_39 = arith.constant 0 : i32
    %add3A_40 = arith.addi %mul3A_38, %add3A_39 : i32
    "tpu.region"() ({
      %run_scoped3A = tpu.sem_alloc : memref<!tpu.dma_semaphore, #tpu.memory_space<semaphore_mem>>
      %dma_start3A_96 = arith.constant 0 : i32
      %dma_start3A_97 = tpu.memref_slice %arg2[%add3A_40, %dma_start3A_96] : memref<3456x96xi32, #tpu.memory_space<hbm>> -> memref<1x96xi32, #tpu.memory_space<hbm>>
      %dma_start3A_98 = arith.constant 0 : i32
      %dma_start3A_99 = tpu.memref_slice %arg2[%add3A_40, %dma_start3A_98] : memref<3456x96xi32, #tpu.memory_space<hbm>> -> memref<1x96xi32, #tpu.memory_space<hbm>>
      tpu.enqueue_dma source(%dma_start3A_99 : memref<1x96xi32, #tpu.memory_space<hbm>>) target(%arg10 : memref<1x96xi32, #tpu.memory_space<vmem>>) target_semaphore(%run_scoped3A : memref<!tpu.dma_semaphore, #tpu.memory_space<semaphore_mem>>)
      %dma_wait3A_100 = arith.constant 0 : i32
      %dma_wait3A_101 = tpu.memref_slice %arg2[%add3A_40, %dma_wait3A_100] : memref<3456x96xi32, #tpu.memory_space<hbm>> -> memref<1x96xi32, #tpu.memory_space<hbm>>
      %dma_wait3A_102 = arith.constant 0 : i32
      %dma_wait3A_103 = tpu.memref_slice %arg2[%add3A_40, %dma_wait3A_102] : memref<3456x96xi32, #tpu.memory_space<hbm>> -> memref<1x96xi32, #tpu.memory_space<hbm>>
      tpu.wait_dma2 semaphore(%run_scoped3A : memref<!tpu.dma_semaphore, #tpu.memory_space<semaphore_mem>>) src(%dma_wait3A_103 : memref<1x96xi32, #tpu.memory_space<hbm>>) dst(%arg10 : memref<1x96xi32, #tpu.memory_space<vmem>>)
      tpu.yield
    }) : () -> ()
    "tpu.region"() ({
      %run_scoped3A = tpu.sem_alloc : memref<!tpu.dma_semaphore, #tpu.memory_space<semaphore_mem>>
      %dma_start3A_96 = arith.constant 0 : i32
      %dma_start3A_97 = tpu.memref_slice %arg3[%add3A_40, %dma_start3A_96] : memref<3456x96xi32, #tpu.memory_space<hbm>> -> memref<1x96xi32, #tpu.memory_space<hbm>>
      %dma_start3A_98 = arith.constant 0 : i32
      %dma_start3A_99 = tpu.memref_slice %arg3[%add3A_40, %dma_start3A_98] : memref<3456x96xi32, #tpu.memory_space<hbm>> -> memref<1x96xi32, #tpu.memory_space<hbm>>
      tpu.enqueue_dma source(%dma_start3A_99 : memref<1x96xi32, #tpu.memory_space<hbm>>) target(%arg11 : memref<1x96xi32, #tpu.memory_space<vmem>>) target_semaphore(%run_scoped3A : memref<!tpu.dma_semaphore, #tpu.memory_space<semaphore_mem>>)
      %dma_wait3A_100 = arith.constant 0 : i32
      %dma_wait3A_101 = tpu.memref_slice %arg3[%add3A_40, %dma_wait3A_100] : memref<3456x96xi32, #tpu.memory_space<hbm>> -> memref<1x96xi32, #tpu.memory_space<hbm>>
      %dma_wait3A_102 = arith.constant 0 : i32
      %dma_wait3A_103 = tpu.memref_slice %arg3[%add3A_40, %dma_wait3A_102] : memref<3456x96xi32, #tpu.memory_space<hbm>> -> memref<1x96xi32, #tpu.memory_space<hbm>>
      tpu.wait_dma2 semaphore(%run_scoped3A : memref<!tpu.dma_semaphore, #tpu.memory_space<semaphore_mem>>) src(%dma_wait3A_103 : memref<1x96xi32, #tpu.memory_space<hbm>>) dst(%arg11 : memref<1x96xi32, #tpu.memory_space<vmem>>)
      tpu.yield
    }) : () -> ()
    "tpu.region"() ({
      %run_scoped3A = tpu.sem_alloc : memref<!tpu.dma_semaphore, #tpu.memory_space<semaphore_mem>>
      %dma_start3A_96 = arith.constant 0 : i32
      %dma_start3A_97 = tpu.memref_slice %arg4[%add3A_40, %dma_start3A_96] : memref<3456x96xi32, #tpu.memory_space<hbm>> -> memref<1x96xi32, #tpu.memory_space<hbm>>
      %dma_start3A_98 = arith.constant 0 : i32
      %dma_start3A_99 = tpu.memref_slice %arg4[%add3A_40, %dma_start3A_98] : memref<3456x96xi32, #tpu.memory_space<hbm>> -> memref<1x96xi32, #tpu.memory_space<hbm>>
      tpu.enqueue_dma source(%dma_start3A_99 : memref<1x96xi32, #tpu.memory_space<hbm>>) target(%arg12 : memref<1x96xi32, #tpu.memory_space<vmem>>) target_semaphore(%run_scoped3A : memref<!tpu.dma_semaphore, #tpu.memory_space<semaphore_mem>>)
      %dma_wait3A_100 = arith.constant 0 : i32
      %dma_wait3A_101 = tpu.memref_slice %arg4[%add3A_40, %dma_wait3A_100] : memref<3456x96xi32, #tpu.memory_space<hbm>> -> memref<1x96xi32, #tpu.memory_space<hbm>>
      %dma_wait3A_102 = arith.constant 0 : i32
      %dma_wait3A_103 = tpu.memref_slice %arg4[%add3A_40, %dma_wait3A_102] : memref<3456x96xi32, #tpu.memory_space<hbm>> -> memref<1x96xi32, #tpu.memory_space<hbm>>
      tpu.wait_dma2 semaphore(%run_scoped3A : memref<!tpu.dma_semaphore, #tpu.memory_space<semaphore_mem>>) src(%dma_wait3A_103 : memref<1x96xi32, #tpu.memory_space<hbm>>) dst(%arg12 : memref<1x96xi32, #tpu.memory_space<vmem>>)
      tpu.yield
    }) : () -> ()
    %scan3A_41 = arith.constant 0 : i32
    %scan3A_42 = arith.constant 0 : i32
    %scan3A_43 = arith.constant 6 : i32
    %scan3A_44 = arith.addi %scan3A_42, %scan3A_43 : i32
    %scan3A_45 = arith.constant 1 : i32
    %scan3A_46 = scf.for %scan3A_96 = %scan3A_42 to %scan3A_44 step %scan3A_45 iter_args(%scan3A_97 = %scan3A_41) -> (i32)  : i32 {
      %mul3A_98 = arith.constant 16 : i32
      %mul3A_99 = arith.muli %scan3A_96, %mul3A_98 : i32
      %get3A = arith.constant 0 : i32
      %get3A_100 = arith.index_cast %get3A : i32 to index
      %get3A_101 = arith.index_cast %mul3A_99 : i32 to index
      %get3A_102 = tpu.vector_load %arg10[%get3A_100, %get3A_101] {strides = array<i32>} : memref<1x96xi32, #tpu.memory_space<vmem>>, vector<1x16xi32>,
      %get3A_103 = vector.shape_cast %get3A_102 : vector<1x16xi32> to vector<16xi32>
      %mul3A_104 = arith.constant 10000 : i32
      %mul3A_105 = vector.broadcast %mul3A_104 : i32 to vector<16xi32>
      %mul3A_106 = arith.muli %get3A_103, %mul3A_105 : vector<16xi32>
      %get3A_107 = arith.constant 0 : i32
      %get3A_108 = arith.index_cast %get3A_107 : i32 to index
      %get3A_109 = arith.index_cast %mul3A_99 : i32 to index
      %get3A_110 = tpu.vector_load %arg11[%get3A_108, %get3A_109] {strides = array<i32>} : memref<1x96xi32, #tpu.memory_space<vmem>>, vector<1x16xi32>,
      %get3A_111 = vector.shape_cast %get3A_110 : vector<1x16xi32> to vector<16xi32>
      %add3A_112 = arith.addi %mul3A_106, %get3A_111 : vector<16xi32>
      %swap3A = arith.constant 0 : i32
      %swap3A_113 = arith.index_cast %swap3A : i32 to index
      %swap3A_114 = arith.index_cast %mul3A_99 : i32 to index
      %swap3A_115 = tpu.vector_load %arg13[%swap3A_113, %swap3A_114] {strides = array<i32>} : memref<1x96xi32, #tpu.memory_space<vmem>>, vector<1x16xi32>,
      %swap3A_116 = vector.shape_cast %swap3A_115 : vector<1x16xi32> to vector<16xi32>
      %swap3A_117 = vector.shape_cast %add3A_112 : vector<16xi32> to vector<1x16xi32>
      tpu.vector_store %arg13[%swap3A_113, %swap3A_114], %swap3A_117 {strides = array<i32>} : memref<1x96xi32, #tpu.memory_space<vmem>>, vector<1x16xi32>,
      %get3A_118 = arith.constant 0 : i32
      %get3A_119 = arith.index_cast %get3A_118 : i32 to index
      %get3A_120 = arith.index_cast %mul3A_99 : i32 to index
      %get3A_121 = tpu.vector_load %arg12[%get3A_119, %get3A_120] {strides = array<i32>} : memref<1x96xi32, #tpu.memory_space<vmem>>, vector<1x16xi32>,
      %get3A_122 = vector.shape_cast %get3A_121 : vector<1x16xi32> to vector<16xi32>
      %add3A_123 = arith.addi %mul3A_106, %get3A_122 : vector<16xi32>
      %swap3A_124 = arith.constant 0 : i32
      %swap3A_125 = arith.index_cast %swap3A_124 : i32 to index
      %swap3A_126 = arith.index_cast %mul3A_99 : i32 to index
      %swap3A_127 = tpu.vector_load %arg14[%swap3A_125, %swap3A_126] {strides = array<i32>} : memref<1x96xi32, #tpu.memory_space<vmem>>, vector<1x16xi32>,
      %swap3A_128 = vector.shape_cast %swap3A_127 : vector<1x16xi32> to vector<16xi32>
      %swap3A_129 = vector.shape_cast %add3A_123 : vector<16xi32> to vector<1x16xi32>
      tpu.vector_store %arg14[%swap3A_125, %swap3A_126], %swap3A_129 {strides = array<i32>} : memref<1x96xi32, #tpu.memory_space<vmem>>, vector<1x16xi32>,
      %scan3A_130 = arith.constant 0 : i32
      scf.yield %scan3A_130 : i32
    }
    %scan3A_47 = arith.constant 6 : i32
    %dma_start3A = arith.constant 0 : i32
    %dma_start3A_48 = arith.constant 0 : i32
    %dma_start3A_49 = tpu.memref_slice %arg14[%dma_start3A, %dma_start3A_48] : memref<1x96xi32, #tpu.memory_space<vmem>> -> memref<1x96xi32, #tpu.memory_space<vmem>>
    %dma_start3A_50 = tpu.memref_squeeze %dma_start3A_49 : memref<1x96xi32, #tpu.memory_space<vmem>> -> memref<96xi32, #tpu.memory_space<vmem>>
    %dma_start3A_51 = arith.constant 0 : i32
    %dma_start3A_52 = arith.constant 0 : i32
    %dma_start3A_53 = tpu.memref_slice %arg6[%dma_start3A_51, %dma_start3A_52] : memref<80000x16xf32, #tpu.memory_space<hbm>> -> memref<80000x16xf32, #tpu.memory_space<hbm>>
    tpu.enqueue_indirect_dma source(%dma_start3A_53 : memref<80000x16xf32, #tpu.memory_space<hbm>>) target(%arg15 : memref<96x16xf32, #tpu.memory_space<vmem>>) offsets(%dma_start3A_50 : memref<96xi32, #tpu.memory_space<vmem>>) semaphore(%arg28 : memref<!tpu.dma_semaphore, #tpu.memory_space<semaphore_mem>>)
    %dma_start3A_54 = arith.constant 0 : i32
    %dma_start3A_55 = arith.constant 0 : i32
    %dma_start3A_56 = tpu.memref_slice %arg13[%dma_start3A_54, %dma_start3A_55] : memref<1x96xi32, #tpu.memory_space<vmem>> -> memref<1x96xi32, #tpu.memory_space<vmem>>
    %dma_start3A_57 = tpu.memref_squeeze %dma_start3A_56 : memref<1x96xi32, #tpu.memory_space<vmem>> -> memref<96xi32, #tpu.memory_space<vmem>>
    %dma_start3A_58 = arith.constant 0 : i32
    %dma_start3A_59 = arith.constant 0 : i32
    %dma_start3A_60 = tpu.memref_slice %arg7[%dma_start3A_58, %dma_start3A_59] : memref<80000x16xf32, #tpu.memory_space<hbm>> -> memref<80000x16xf32, #tpu.memory_space<hbm>>
    tpu.enqueue_indirect_dma source(%dma_start3A_60 : memref<80000x16xf32, #tpu.memory_space<hbm>>) target(%arg16 : memref<96x16xf32, #tpu.memory_space<vmem>>) offsets(%dma_start3A_57 : memref<96xi32, #tpu.memory_space<vmem>>) semaphore(%arg28 : memref<!tpu.dma_semaphore, #tpu.memory_space<semaphore_mem>>)
    %scan3A_61 = arith.constant 0 : i32
    %scan3A_62 = arith.constant 0 : i32
    %scan3A_63 = arith.constant 54 : i32
    %scan3A_64 = arith.addi %scan3A_62, %scan3A_63 : i32
    %scan3A_65 = arith.constant 1 : i32
    %scan3A_66 = scf.for %scan3A_96 = %scan3A_62 to %scan3A_64 step %scan3A_65 iter_args(%scan3A_97 = %scan3A_61) -> (i32)  : i32 {
      %gt3A = arith.constant 0 : i32
      %gt3A_98 = arith.cmpi sgt, %scan3A_96, %gt3A : i32
      %convert_element_type3A = arith.extui %gt3A_98 : i1 to i32
      %cond3A = arith.constant 0 : i32
      %cond3A_99 = arith.cmpi ne, %convert_element_type3A, %cond3A : i32
      scf.if %cond3A_99 {
        %dma_wait3A_201 = arith.constant 0 : i32
        %dma_wait3A_202 = arith.constant 0 : i32
        %dma_wait3A_203 = tpu.memref_slice %arg20[%dma_wait3A_201, %dma_wait3A_202] : memref<1x96xi32, #tpu.memory_space<vmem>> -> memref<1x96xi32, #tpu.memory_space<vmem>>
        %dma_wait3A_204 = tpu.memref_squeeze %dma_wait3A_203 : memref<1x96xi32, #tpu.memory_space<vmem>> -> memref<96xi32, #tpu.memory_space<vmem>>
        %dma_wait3A_205 = arith.constant 0 : i32
        %dma_wait3A_206 = arith.constant 0 : i32
        %dma_wait3A_207 = tpu.memref_slice %arg26[%dma_wait3A_205, %dma_wait3A_206] : memref<10112x128xf32, #tpu.memory_space<vmem_shared>> -> memref<10112x128xf32, #tpu.memory_space<vmem_shared>>
        tpu.wait_indirect_dma semaphore(%arg31 : memref<!tpu.dma_semaphore, #tpu.memory_space<semaphore_mem>>) src(%arg25 : memref<96x128xf32, #tpu.memory_space<vmem>>) dst(%dma_wait3A_207 : memref<10112x128xf32, #tpu.memory_space<vmem_shared>>)
        %dma_wait3A_208 = arith.constant 0 : i32
        %dma_wait3A_209 = arith.constant 0 : i32
        %dma_wait3A_210 = tpu.memref_slice %arg20[%dma_wait3A_208, %dma_wait3A_209] : memref<1x96xi32, #tpu.memory_space<vmem>> -> memref<1x96xi32, #tpu.memory_space<vmem>>
        %dma_wait3A_211 = tpu.memref_squeeze %dma_wait3A_210 : memref<1x96xi32, #tpu.memory_space<vmem>> -> memref<96xi32, #tpu.memory_space<vmem>>
        %dma_wait3A_212 = arith.constant 0 : i32
        %dma_wait3A_213 = arith.constant 0 : i32
        %dma_wait3A_214 = tpu.memref_slice %arg27[%dma_wait3A_212, %dma_wait3A_213] : memref<10112x16xf32, #tpu.memory_space<vmem_shared>> -> memref<10112x16xf32, #tpu.memory_space<vmem_shared>>
        tpu.wait_indirect_dma semaphore(%arg31 : memref<!tpu.dma_semaphore, #tpu.memory_space<semaphore_mem>>) src(%arg23 : memref<96x16xf32, #tpu.memory_space<vmem>>) dst(%dma_wait3A_214 : memref<10112x16xf32, #tpu.memory_space<vmem_shared>>)
      } else {
      }
      %mul3A_100 = arith.constant 2 : i32
      %mul3A_101 = arith.muli %mul3A_100, %scan3A_96 : i32
      %add3A_102 = arith.constant 1 : i32
      %add3A_103 = arith.addi %mul3A_101, %add3A_102 : i32
      %add3A_104 = arith.addi %mul3A_38, %add3A_103 : i32
      "tpu.region"() ({
        %run_scoped3A = tpu.sem_alloc : memref<!tpu.dma_semaphore, #tpu.memory_space<semaphore_mem>>
        %dma_start3A_201 = arith.constant 0 : i32
        %dma_start3A_202 = tpu.memref_slice %arg2[%add3A_104, %dma_start3A_201] : memref<3456x96xi32, #tpu.memory_space<hbm>> -> memref<1x96xi32, #tpu.memory_space<hbm>>
        %dma_start3A_203 = arith.constant 0 : i32
        %dma_start3A_204 = tpu.memref_slice %arg2[%add3A_104, %dma_start3A_203] : memref<3456x96xi32, #tpu.memory_space<hbm>> -> memref<1x96xi32, #tpu.memory_space<hbm>>
        tpu.enqueue_dma source(%dma_start3A_204 : memref<1x96xi32, #tpu.memory_space<hbm>>) target(%arg18 : memref<1x96xi32, #tpu.memory_space<vmem>>) target_semaphore(%run_scoped3A : memref<!tpu.dma_semaphore, #tpu.memory_space<semaphore_mem>>)
        %dma_wait3A_205 = arith.constant 0 : i32
        %dma_wait3A_206 = tpu.memref_slice %arg2[%add3A_104, %dma_wait3A_205] : memref<3456x96xi32, #tpu.memory_space<hbm>> -> memref<1x96xi32, #tpu.memory_space<hbm>>
        %dma_wait3A_207 = arith.constant 0 : i32
        %dma_wait3A_208 = tpu.memref_slice %arg2[%add3A_104, %dma_wait3A_207] : memref<3456x96xi32, #tpu.memory_space<hbm>> -> memref<1x96xi32, #tpu.memory_space<hbm>>
        tpu.wait_dma2 semaphore(%run_scoped3A : memref<!tpu.dma_semaphore, #tpu.memory_space<semaphore_mem>>) src(%dma_wait3A_208 : memref<1x96xi32, #tpu.memory_space<hbm>>) dst(%arg18 : memref<1x96xi32, #tpu.memory_space<vmem>>)
        tpu.yield
      }) : () -> ()
      "tpu.region"() ({
        %run_scoped3A = tpu.sem_alloc : memref<!tpu.dma_semaphore, #tpu.memory_space<semaphore_mem>>
        %dma_start3A_201 = arith.constant 0 : i32
        %dma_start3A_202 = tpu.memref_slice %arg3[%add3A_104, %dma_start3A_201] : memref<3456x96xi32, #tpu.memory_space<hbm>> -> memref<1x96xi32, #tpu.memory_space<hbm>>
        %dma_start3A_203 = arith.constant 0 : i32
        %dma_start3A_204 = tpu.memref_slice %arg3[%add3A_104, %dma_start3A_203] : memref<3456x96xi32, #tpu.memory_space<hbm>> -> memref<1x96xi32, #tpu.memory_space<hbm>>
        tpu.enqueue_dma source(%dma_start3A_204 : memref<1x96xi32, #tpu.memory_space<hbm>>) target(%arg19 : memref<1x96xi32, #tpu.memory_space<vmem>>) target_semaphore(%run_scoped3A : memref<!tpu.dma_semaphore, #tpu.memory_space<semaphore_mem>>)
        %dma_wait3A_205 = arith.constant 0 : i32
        %dma_wait3A_206 = tpu.memref_slice %arg3[%add3A_104, %dma_wait3A_205] : memref<3456x96xi32, #tpu.memory_space<hbm>> -> memref<1x96xi32, #tpu.memory_space<hbm>>
        %dma_wait3A_207 = arith.constant 0 : i32
        %dma_wait3A_208 = tpu.memref_slice %arg3[%add3A_104, %dma_wait3A_207] : memref<3456x96xi32, #tpu.memory_space<hbm>> -> memref<1x96xi32, #tpu.memory_space<hbm>>
        tpu.wait_dma2 semaphore(%run_scoped3A : memref<!tpu.dma_semaphore, #tpu.memory_space<semaphore_mem>>) src(%dma_wait3A_208 : memref<1x96xi32, #tpu.memory_space<hbm>>) dst(%arg19 : memref<1x96xi32, #tpu.memory_space<vmem>>)
        tpu.yield
      }) : () -> ()
      "tpu.region"() ({
        %run_scoped3A = tpu.sem_alloc : memref<!tpu.dma_semaphore, #tpu.memory_space<semaphore_mem>>
        %dma_start3A_201 = arith.constant 0 : i32
        %dma_start3A_202 = tpu.memref_slice %arg4[%add3A_104, %dma_start3A_201] : memref<3456x96xi32, #tpu.memory_space<hbm>> -> memref<1x96xi32, #tpu.memory_space<hbm>>
        %dma_start3A_203 = arith.constant 0 : i32
        %dma_start3A_204 = tpu.memref_slice %arg4[%add3A_104, %dma_start3A_203] : memref<3456x96xi32, #tpu.memory_space<hbm>> -> memref<1x96xi32, #tpu.memory_space<hbm>>
        tpu.enqueue_dma source(%dma_start3A_204 : memref<1x96xi32, #tpu.memory_space<hbm>>) target(%arg20 : memref<1x96xi32, #tpu.memory_space<vmem>>) target_semaphore(%run_scoped3A : memref<!tpu.dma_semaphore, #tpu.memory_space<semaphore_mem>>)
        %dma_wait3A_205 = arith.constant 0 : i32
        %dma_wait3A_206 = tpu.memref_slice %arg4[%add3A_104, %dma_wait3A_205] : memref<3456x96xi32, #tpu.memory_space<hbm>> -> memref<1x96xi32, #tpu.memory_space<hbm>>
        %dma_wait3A_207 = arith.constant 0 : i32
        %dma_wait3A_208 = tpu.memref_slice %arg4[%add3A_104, %dma_wait3A_207] : memref<3456x96xi32, #tpu.memory_space<hbm>> -> memref<1x96xi32, #tpu.memory_space<hbm>>
        tpu.wait_dma2 semaphore(%run_scoped3A : memref<!tpu.dma_semaphore, #tpu.memory_space<semaphore_mem>>) src(%dma_wait3A_208 : memref<1x96xi32, #tpu.memory_space<hbm>>) dst(%arg20 : memref<1x96xi32, #tpu.memory_space<vmem>>)
        tpu.yield
      }) : () -> ()
      %scan3A_105 = arith.constant 0 : i32
      %scan3A_106 = arith.constant 0 : i32
      %scan3A_107 = arith.constant 6 : i32
      %scan3A_108 = arith.addi %scan3A_106, %scan3A_107 : i32
      %scan3A_109 = arith.constant 1 : i32
      %scan3A_110 = scf.for %scan3A_201 = %scan3A_106 to %scan3A_108 step %scan3A_109 iter_args(%scan3A_202 = %scan3A_105) -> (i32)  : i32 {
        %mul3A_203 = arith.constant 16 : i32
        %mul3A_204 = arith.muli %scan3A_201, %mul3A_203 : i32
        %get3A = arith.constant 0 : i32
        %get3A_205 = arith.index_cast %get3A : i32 to index
        %get3A_206 = arith.index_cast %mul3A_204 : i32 to index
        %get3A_207 = tpu.vector_load %arg18[%get3A_205, %get3A_206] {strides = array<i32>} : memref<1x96xi32, #tpu.memory_space<vmem>>, vector<1x16xi32>,
        %get3A_208 = vector.shape_cast %get3A_207 : vector<1x16xi32> to vector<16xi32>
        %mul3A_209 = arith.constant 10000 : i32
        %mul3A_210 = vector.broadcast %mul3A_209 : i32 to vector<16xi32>
        %mul3A_211 = arith.muli %get3A_208, %mul3A_210 : vector<16xi32>
        %get3A_212 = arith.constant 0 : i32
        %get3A_213 = arith.index_cast %get3A_212 : i32 to index
        %get3A_214 = arith.index_cast %mul3A_204 : i32 to index
        %get3A_215 = tpu.vector_load %arg19[%get3A_213, %get3A_214] {strides = array<i32>} : memref<1x96xi32, #tpu.memory_space<vmem>>, vector<1x16xi32>,
        %get3A_216 = vector.shape_cast %get3A_215 : vector<1x16xi32> to vector<16xi32>
        %add3A_217 = arith.addi %mul3A_211, %get3A_216 : vector<16xi32>
        %swap3A = arith.constant 0 : i32
        %swap3A_218 = arith.index_cast %swap3A : i32 to index
        %swap3A_219 = arith.index_cast %mul3A_204 : i32 to index
        %swap3A_220 = tpu.vector_load %arg21[%swap3A_218, %swap3A_219] {strides = array<i32>} : memref<1x96xi32, #tpu.memory_space<vmem>>, vector<1x16xi32>,
        %swap3A_221 = vector.shape_cast %swap3A_220 : vector<1x16xi32> to vector<16xi32>
        %swap3A_222 = vector.shape_cast %add3A_217 : vector<16xi32> to vector<1x16xi32>
        tpu.vector_store %arg21[%swap3A_218, %swap3A_219], %swap3A_222 {strides = array<i32>} : memref<1x96xi32, #tpu.memory_space<vmem>>, vector<1x16xi32>,
        %get3A_223 = arith.constant 0 : i32
        %get3A_224 = arith.index_cast %get3A_223 : i32 to index
        %get3A_225 = arith.index_cast %mul3A_204 : i32 to index
        %get3A_226 = tpu.vector_load %arg20[%get3A_224, %get3A_225] {strides = array<i32>} : memref<1x96xi32, #tpu.memory_space<vmem>>, vector<1x16xi32>,
        %get3A_227 = vector.shape_cast %get3A_226 : vector<1x16xi32> to vector<16xi32>
        %add3A_228 = arith.addi %mul3A_211, %get3A_227 : vector<16xi32>
        %swap3A_229 = arith.constant 0 : i32
        %swap3A_230 = arith.index_cast %swap3A_229 : i32 to index
        %swap3A_231 = arith.index_cast %mul3A_204 : i32 to index
        %swap3A_232 = tpu.vector_load %arg22[%swap3A_230, %swap3A_231] {strides = array<i32>} : memref<1x96xi32, #tpu.memory_space<vmem>>, vector<1x16xi32>,
        %swap3A_233 = vector.shape_cast %swap3A_232 : vector<1x16xi32> to vector<16xi32>
        %swap3A_234 = vector.shape_cast %add3A_228 : vector<16xi32> to vector<1x16xi32>
        tpu.vector_store %arg22[%swap3A_230, %swap3A_231], %swap3A_234 {strides = array<i32>} : memref<1x96xi32, #tpu.memory_space<vmem>>, vector<1x16xi32>,
        %scan3A_235 = arith.constant 0 : i32
        scf.yield %scan3A_235 : i32
      }
      %scan3A_111 = arith.constant 6 : i32
      %dma_start3A_112 = arith.constant 0 : i32
      %dma_start3A_113 = arith.constant 0 : i32
      %dma_start3A_114 = tpu.memref_slice %arg22[%dma_start3A_112, %dma_start3A_113] : memref<1x96xi32, #tpu.memory_space<vmem>> -> memref<1x96xi32, #tpu.memory_space<vmem>>
      %dma_start3A_115 = tpu.memref_squeeze %dma_start3A_114 : memref<1x96xi32, #tpu.memory_space<vmem>> -> memref<96xi32, #tpu.memory_space<vmem>>
      %dma_start3A_116 = arith.constant 0 : i32
      %dma_start3A_117 = arith.constant 0 : i32
      %dma_start3A_118 = tpu.memref_slice %arg6[%dma_start3A_116, %dma_start3A_117] : memref<80000x16xf32, #tpu.memory_space<hbm>> -> memref<80000x16xf32, #tpu.memory_space<hbm>>
      tpu.enqueue_indirect_dma source(%dma_start3A_118 : memref<80000x16xf32, #tpu.memory_space<hbm>>) target(%arg23 : memref<96x16xf32, #tpu.memory_space<vmem>>) offsets(%dma_start3A_115 : memref<96xi32, #tpu.memory_space<vmem>>) semaphore(%arg29 : memref<!tpu.dma_semaphore, #tpu.memory_space<semaphore_mem>>)
      %dma_start3A_119 = arith.constant 0 : i32
      %dma_start3A_120 = arith.constant 0 : i32
      %dma_start3A_121 = tpu.memref_slice %arg21[%dma_start3A_119, %dma_start3A_120] : memref<1x96xi32, #tpu.memory_space<vmem>> -> memref<1x96xi32, #tpu.memory_space<vmem>>
      %dma_start3A_122 = tpu.memref_squeeze %dma_start3A_121 : memref<1x96xi32, #tpu.memory_space<vmem>> -> memref<96xi32, #tpu.memory_space<vmem>>
      %dma_start3A_123 = arith.constant 0 : i32
      %dma_start3A_124 = arith.constant 0 : i32
      %dma_start3A_125 = tpu.memref_slice %arg7[%dma_start3A_123, %dma_start3A_124] : memref<80000x16xf32, #tpu.memory_space<hbm>> -> memref<80000x16xf32, #tpu.memory_space<hbm>>
      tpu.enqueue_indirect_dma source(%dma_start3A_125 : memref<80000x16xf32, #tpu.memory_space<hbm>>) target(%arg24 : memref<96x16xf32, #tpu.memory_space<vmem>>) offsets(%dma_start3A_122 : memref<96xi32, #tpu.memory_space<vmem>>) semaphore(%arg29 : memref<!tpu.dma_semaphore, #tpu.memory_space<semaphore_mem>>)
      %dma_wait3A_126 = arith.constant 0 : i32
      %dma_wait3A_127 = arith.constant 0 : i32
      %dma_wait3A_128 = tpu.memref_slice %arg14[%dma_wait3A_126, %dma_wait3A_127] : memref<1x96xi32, #tpu.memory_space<vmem>> -> memref<1x96xi32, #tpu.memory_space<vmem>>
      %dma_wait3A_129 = tpu.memref_squeeze %dma_wait3A_128 : memref<1x96xi32, #tpu.memory_space<vmem>> -> memref<96xi32, #tpu.memory_space<vmem>>
      %dma_wait3A_130 = arith.constant 0 : i32
      %dma_wait3A_131 = arith.constant 0 : i32
      %dma_wait3A_132 = tpu.memref_slice %arg6[%dma_wait3A_130, %dma_wait3A_131] : memref<80000x16xf32, #tpu.memory_space<hbm>> -> memref<80000x16xf32, #tpu.memory_space<hbm>>
      tpu.wait_indirect_dma semaphore(%arg28 : memref<!tpu.dma_semaphore, #tpu.memory_space<semaphore_mem>>) src(%dma_wait3A_132 : memref<80000x16xf32, #tpu.memory_space<hbm>>) dst(%arg15 : memref<96x16xf32, #tpu.memory_space<vmem>>)
      %dma_wait3A_133 = arith.constant 0 : i32
      %dma_wait3A_134 = arith.constant 0 : i32
      %dma_wait3A_135 = tpu.memref_slice %arg13[%dma_wait3A_133, %dma_wait3A_134] : memref<1x96xi32, #tpu.memory_space<vmem>> -> memref<1x96xi32, #tpu.memory_space<vmem>>
      %dma_wait3A_136 = tpu.memref_squeeze %dma_wait3A_135 : memref<1x96xi32, #tpu.memory_space<vmem>> -> memref<96xi32, #tpu.memory_space<vmem>>
      %dma_wait3A_137 = arith.constant 0 : i32
      %dma_wait3A_138 = arith.constant 0 : i32
      %dma_wait3A_139 = tpu.memref_slice %arg7[%dma_wait3A_137, %dma_wait3A_138] : memref<80000x16xf32, #tpu.memory_space<hbm>> -> memref<80000x16xf32, #tpu.memory_space<hbm>>
      tpu.wait_indirect_dma semaphore(%arg28 : memref<!tpu.dma_semaphore, #tpu.memory_space<semaphore_mem>>) src(%dma_wait3A_139 : memref<80000x16xf32, #tpu.memory_space<hbm>>) dst(%arg16 : memref<96x16xf32, #tpu.memory_space<vmem>>)
      %scan3A_140 = arith.constant 0 : i32
      %scan3A_141 = arith.constant 0 : i32
      %scan3A_142 = arith.constant 96 : i32
      %scan3A_143 = arith.addi %scan3A_141, %scan3A_142 : i32
      %scan3A_144 = arith.constant 1 : i32
      %scan3A_145 = scf.for %scan3A_201 = %scan3A_141 to %scan3A_143 step %scan3A_144 iter_args(%scan3A_202 = %scan3A_140) -> (i32)  : i32 {
        %get3A = arith.index_cast %scan3A_201 : i32 to index
        %get3A_203 = arith.constant 0 : index
        %get3A_204 = tpu.vector_load %arg15[%get3A, %get3A_203] {strides = array<i32>} : memref<96x16xf32, #tpu.memory_space<vmem>>, vector<1x16xf32>,
        %get3A_205 = vector.shape_cast %get3A_204 : vector<1x16xf32> to vector<16xf32>
        %get3A_206 = arith.index_cast %scan3A_201 : i32 to index
        %get3A_207 = arith.constant 0 : index
        %get3A_208 = tpu.vector_load %arg16[%get3A_206, %get3A_207] {strides = array<i32>} : memref<96x16xf32, #tpu.memory_space<vmem>>, vector<1x16xf32>,
        %get3A_209 = vector.shape_cast %get3A_208 : vector<1x16xf32> to vector<16xf32>
        %add3A_210 = arith.addf %get3A_205, %get3A_209 : vector<16xf32>
        %gt3A_211 = arith.constant 0.000000e+00 : f32
        %gt3A_212 = vector.broadcast %gt3A_211 : f32 to vector<16xf32>
        %gt3A_213 = arith.cmpf ogt, %add3A_210, %gt3A_212 : vector<16xf32>
        %mul3A_214 = arith.constant 2.000000e-01 : f32
        %mul3A_215 = vector.broadcast %mul3A_214 : f32 to vector<16xf32>
        %mul3A_216 = arith.mulf %add3A_210, %mul3A_215 : vector<16xf32>
        %select_n3A = arith.select %gt3A_213, %add3A_210, %mul3A_216 : vector<16xi1>, vector<16xf32>
        %exp3A = math.exp %select_n3A : vector<16xf32>
        %swap3A = arith.index_cast %scan3A_201 : i32 to index
        %swap3A_217 = arith.constant 0 : index
        %swap3A_218 = tpu.vector_load %arg15[%swap3A, %swap3A_217] {strides = array<i32>} : memref<96x16xf32, #tpu.memory_space<vmem>>, vector<1x16xf32>,
        %swap3A_219 = vector.shape_cast %swap3A_218 : vector<1x16xf32> to vector<16xf32>
        %swap3A_220 = vector.shape_cast %exp3A : vector<16xf32> to vector<1x16xf32>
        tpu.vector_store %arg15[%swap3A, %swap3A_217], %swap3A_220 {strides = array<i32>} : memref<96x16xf32, #tpu.memory_space<vmem>>, vector<1x16xf32>,
        %slice3A = vector.extract_strided_slice %exp3A {offsets = [0], sizes = [1], strides = [1]} : vector<16xf32> to vector<1xf32>
        %squeeze3A = vector.extract %slice3A[0] : f32 from vector<1xf32>
        %broadcast_in_dim3A = vector.broadcast %squeeze3A : f32 to vector<16xf32>
        %get3A_221 = arith.index_cast %scan3A_201 : i32 to index
        %get3A_222 = arith.constant 0 : index
        %get3A_223 = tpu.vector_load %arg17[%get3A_221, %get3A_222] {strides = array<i32>} : memref<96x128xf32, #tpu.memory_space<vmem>>, vector<1x16xf32>,
        %get3A_224 = vector.shape_cast %get3A_223 : vector<1x16xf32> to vector<16xf32>
        %mul3A_225 = arith.mulf %get3A_224, %broadcast_in_dim3A : vector<16xf32>
        %swap3A_226 = arith.index_cast %scan3A_201 : i32 to index
        %swap3A_227 = arith.constant 0 : index
        %swap3A_228 = tpu.vector_load %arg17[%swap3A_226, %swap3A_227] {strides = array<i32>} : memref<96x128xf32, #tpu.memory_space<vmem>>, vector<1x16xf32>,
        %swap3A_229 = vector.shape_cast %swap3A_228 : vector<1x16xf32> to vector<16xf32>
        %swap3A_230 = vector.shape_cast %mul3A_225 : vector<16xf32> to vector<1x16xf32>
        tpu.vector_store %arg17[%swap3A_226, %swap3A_227], %swap3A_230 {strides = array<i32>} : memref<96x128xf32, #tpu.memory_space<vmem>>, vector<1x16xf32>,
        %get3A_231 = arith.index_cast %scan3A_201 : i32 to index
        %get3A_232 = arith.constant 16 : index
        %get3A_233 = tpu.vector_load %arg17[%get3A_231, %get3A_232] {strides = array<i32>} : memref<96x128xf32, #tpu.memory_space<vmem>>, vector<1x16xf32>,
        %get3A_234 = vector.shape_cast %get3A_233 : vector<1x16xf32> to vector<16xf32>
        %mul3A_235 = arith.mulf %get3A_234, %broadcast_in_dim3A : vector<16xf32>
        %swap3A_236 = arith.index_cast %scan3A_201 : i32 to index
        %swap3A_237 = arith.constant 16 : index
        %swap3A_238 = tpu.vector_load %arg17[%swap3A_236, %swap3A_237] {strides = array<i32>} : memref<96x128xf32, #tpu.memory_space<vmem>>, vector<1x16xf32>,
        %swap3A_239 = vector.shape_cast %swap3A_238 : vector<1x16xf32> to vector<16xf32>
        %swap3A_240 = vector.shape_cast %mul3A_235 : vector<16xf32> to vector<1x16xf32>
        tpu.vector_store %arg17[%swap3A_236, %swap3A_237], %swap3A_240 {strides = array<i32>} : memref<96x128xf32, #tpu.memory_space<vmem>>, vector<1x16xf32>,
        %slice3A_241 = vector.extract_strided_slice %exp3A {offsets = [1], sizes = [1], strides = [1]} : vector<16xf32> to vector<1xf32>
        %squeeze3A_242 = vector.extract %slice3A_241[0] : f32 from vector<1xf32>
        %broadcast_in_dim3A_243 = vector.broadcast %squeeze3A_242 : f32 to vector<16xf32>
        %get3A_244 = arith.index_cast %scan3A_201 : i32 to index
        %get3A_245 = arith.constant 32 : index
        %get3A_246 = tpu.vector_load %arg17[%get3A_244, %get3A_245] {strides = array<i32>} : memref<96x128xf32, #tpu.memory_space<vmem>>, vector<1x16xf32>,
        %get3A_247 = vector.shape_cast %get3A_246 : vector<1x16xf32> to vector<16xf32>
        %mul3A_248 = arith.mulf %get3A_247, %broadcast_in_dim3A_243 : vector<16xf32>
        %swap3A_249 = arith.index_cast %scan3A_201 : i32 to index
        %swap3A_250 = arith.constant 32 : index
        %swap3A_251 = tpu.vector_load %arg17[%swap3A_249, %swap3A_250] {strides = array<i32>} : memref<96x128xf32, #tpu.memory_space<vmem>>, vector<1x16xf32>,
        %swap3A_252 = vector.shape_cast %swap3A_251 : vector<1x16xf32> to vector<16xf32>
        %swap3A_253 = vector.shape_cast %mul3A_248 : vector<16xf32> to vector<1x16xf32>
        tpu.vector_store %arg17[%swap3A_249, %swap3A_250], %swap3A_253 {strides = array<i32>} : memref<96x128xf32, #tpu.memory_space<vmem>>, vector<1x16xf32>,
        %get3A_254 = arith.index_cast %scan3A_201 : i32 to index
        %get3A_255 = arith.constant 48 : index
        %get3A_256 = tpu.vector_load %arg17[%get3A_254, %get3A_255] {strides = array<i32>} : memref<96x128xf32, #tpu.memory_space<vmem>>, vector<1x16xf32>,
        %get3A_257 = vector.shape_cast %get3A_256 : vector<1x16xf32> to vector<16xf32>
        %mul3A_258 = arith.mulf %get3A_257, %broadcast_in_dim3A_243 : vector<16xf32>
        %swap3A_259 = arith.index_cast %scan3A_201 : i32 to index
        %swap3A_260 = arith.constant 48 : index
        %swap3A_261 = tpu.vector_load %arg17[%swap3A_259, %swap3A_260] {strides = array<i32>} : memref<96x128xf32, #tpu.memory_space<vmem>>, vector<1x16xf32>,
        %swap3A_262 = vector.shape_cast %swap3A_261 : vector<1x16xf32> to vector<16xf32>
        %swap3A_263 = vector.shape_cast %mul3A_258 : vector<16xf32> to vector<1x16xf32>
        tpu.vector_store %arg17[%swap3A_259, %swap3A_260], %swap3A_263 {strides = array<i32>} : memref<96x128xf32, #tpu.memory_space<vmem>>, vector<1x16xf32>,
        %slice3A_264 = vector.extract_strided_slice %exp3A {offsets = [2], sizes = [1], strides = [1]} : vector<16xf32> to vector<1xf32>
        %squeeze3A_265 = vector.extract %slice3A_264[0] : f32 from vector<1xf32>
        %broadcast_in_dim3A_266 = vector.broadcast %squeeze3A_265 : f32 to vector<16xf32>
        %get3A_267 = arith.index_cast %scan3A_201 : i32 to index
        %get3A_268 = arith.constant 64 : index
        %get3A_269 = tpu.vector_load %arg17[%get3A_267, %get3A_268] {strides = array<i32>} : memref<96x128xf32, #tpu.memory_space<vmem>>, vector<1x16xf32>,
        %get3A_270 = vector.shape_cast %get3A_269 : vector<1x16xf32> to vector<16xf32>
        %mul3A_271 = arith.mulf %get3A_270, %broadcast_in_dim3A_266 : vector<16xf32>
        %swap3A_272 = arith.index_cast %scan3A_201 : i32 to index
        %swap3A_273 = arith.constant 64 : index
        %swap3A_274 = tpu.vector_load %arg17[%swap3A_272, %swap3A_273] {strides = array<i32>} : memref<96x128xf32, #tpu.memory_space<vmem>>, vector<1x16xf32>,
        %swap3A_275 = vector.shape_cast %swap3A_274 : vector<1x16xf32> to vector<16xf32>
        %swap3A_276 = vector.shape_cast %mul3A_271 : vector<16xf32> to vector<1x16xf32>
        tpu.vector_store %arg17[%swap3A_272, %swap3A_273], %swap3A_276 {strides = array<i32>} : memref<96x128xf32, #tpu.memory_space<vmem>>, vector<1x16xf32>,
        %get3A_277 = arith.index_cast %scan3A_201 : i32 to index
        %get3A_278 = arith.constant 80 : index
        %get3A_279 = tpu.vector_load %arg17[%get3A_277, %get3A_278] {strides = array<i32>} : memref<96x128xf32, #tpu.memory_space<vmem>>, vector<1x16xf32>,
        %get3A_280 = vector.shape_cast %get3A_279 : vector<1x16xf32> to vector<16xf32>
        %mul3A_281 = arith.mulf %get3A_280, %broadcast_in_dim3A_266 : vector<16xf32>
        %swap3A_282 = arith.index_cast %scan3A_201 : i32 to index
        %swap3A_283 = arith.constant 80 : index
        %swap3A_284 = tpu.vector_load %arg17[%swap3A_282, %swap3A_283] {strides = array<i32>} : memref<96x128xf32, #tpu.memory_space<vmem>>, vector<1x16xf32>,
        %swap3A_285 = vector.shape_cast %swap3A_284 : vector<1x16xf32> to vector<16xf32>
        %swap3A_286 = vector.shape_cast %mul3A_281 : vector<16xf32> to vector<1x16xf32>
        tpu.vector_store %arg17[%swap3A_282, %swap3A_283], %swap3A_286 {strides = array<i32>} : memref<96x128xf32, #tpu.memory_space<vmem>>, vector<1x16xf32>,
        %slice3A_287 = vector.extract_strided_slice %exp3A {offsets = [3], sizes = [1], strides = [1]} : vector<16xf32> to vector<1xf32>
        %squeeze3A_288 = vector.extract %slice3A_287[0] : f32 from vector<1xf32>
        %broadcast_in_dim3A_289 = vector.broadcast %squeeze3A_288 : f32 to vector<16xf32>
        %get3A_290 = arith.index_cast %scan3A_201 : i32 to index
        %get3A_291 = arith.constant 96 : index
        %get3A_292 = tpu.vector_load %arg17[%get3A_290, %get3A_291] {strides = array<i32>} : memref<96x128xf32, #tpu.memory_space<vmem>>, vector<1x16xf32>,
        %get3A_293 = vector.shape_cast %get3A_292 : vector<1x16xf32> to vector<16xf32>
        %mul3A_294 = arith.mulf %get3A_293, %broadcast_in_dim3A_289 : vector<16xf32>
        %swap3A_295 = arith.index_cast %scan3A_201 : i32 to index
        %swap3A_296 = arith.constant 96 : index
        %swap3A_297 = tpu.vector_load %arg17[%swap3A_295, %swap3A_296] {strides = array<i32>} : memref<96x128xf32, #tpu.memory_space<vmem>>, vector<1x16xf32>,
        %swap3A_298 = vector.shape_cast %swap3A_297 : vector<1x16xf32> to vector<16xf32>
        %swap3A_299 = vector.shape_cast %mul3A_294 : vector<16xf32> to vector<1x16xf32>
        tpu.vector_store %arg17[%swap3A_295, %swap3A_296], %swap3A_299 {strides = array<i32>} : memref<96x128xf32, #tpu.memory_space<vmem>>, vector<1x16xf32>,
        %get3A_300 = arith.index_cast %scan3A_201 : i32 to index
        %get3A_301 = arith.constant 112 : index
        %get3A_302 = tpu.vector_load %arg17[%get3A_300, %get3A_301] {strides = array<i32>} : memref<96x128xf32, #tpu.memory_space<vmem>>, vector<1x16xf32>,
        %get3A_303 = vector.shape_cast %get3A_302 : vector<1x16xf32> to vector<16xf32>
        %mul3A_304 = arith.mulf %get3A_303, %broadcast_in_dim3A_289 : vector<16xf32>
        %swap3A_305 = arith.index_cast %scan3A_201 : i32 to index
        %swap3A_306 = arith.constant 112 : index
        %swap3A_307 = tpu.vector_load %arg17[%swap3A_305, %swap3A_306] {strides = array<i32>} : memref<96x128xf32, #tpu.memory_space<vmem>>, vector<1x16xf32>,
        %swap3A_308 = vector.shape_cast %swap3A_307 : vector<1x16xf32> to vector<16xf32>
        %swap3A_309 = vector.shape_cast %mul3A_304 : vector<16xf32> to vector<1x16xf32>
        tpu.vector_store %arg17[%swap3A_305, %swap3A_306], %swap3A_309 {strides = array<i32>} : memref<96x128xf32, #tpu.memory_space<vmem>>, vector<1x16xf32>,
        %scan3A_310 = arith.constant 0 : i32
        scf.yield %scan3A_310 : i32
      }
      %scan3A_146 = arith.constant 96 : i32
      %dma_start3A_147 = arith.constant 0 : i32
      %dma_start3A_148 = arith.constant 0 : i32
      %dma_start3A_149 = tpu.memref_slice %arg12[%dma_start3A_147, %dma_start3A_148] : memref<1x96xi32, #tpu.memory_space<vmem>> -> memref<1x96xi32, #tpu.memory_space<vmem>>
      %dma_start3A_150 = tpu.memref_squeeze %dma_start3A_149 : memref<1x96xi32, #tpu.memory_space<vmem>> -> memref<96xi32, #tpu.memory_space<vmem>>
      %dma_start3A_151 = arith.constant 0 : i32
      %dma_start3A_152 = arith.constant 0 : i32
      %dma_start3A_153 = tpu.memref_slice %arg26[%dma_start3A_151, %dma_start3A_152] : memref<10112x128xf32, #tpu.memory_space<vmem_shared>> -> memref<10112x128xf32, #tpu.memory_space<vmem_shared>>
      tpu.enqueue_indirect_dma source(%arg17 : memref<96x128xf32, #tpu.memory_space<vmem>>) target(%dma_start3A_153 : memref<10112x128xf32, #tpu.memory_space<vmem_shared>>) offsets(%dma_start3A_150 : memref<96xi32, #tpu.memory_space<vmem>>) semaphore(%arg30 : memref<!tpu.dma_semaphore, #tpu.memory_space<semaphore_mem>>) {add = true}
      %dma_start3A_154 = arith.constant 0 : i32
      %dma_start3A_155 = arith.constant 0 : i32
      %dma_start3A_156 = tpu.memref_slice %arg12[%dma_start3A_154, %dma_start3A_155] : memref<1x96xi32, #tpu.memory_space<vmem>> -> memref<1x96xi32, #tpu.memory_space<vmem>>
      %dma_start3A_157 = tpu.memref_squeeze %dma_start3A_156 : memref<1x96xi32, #tpu.memory_space<vmem>> -> memref<96xi32, #tpu.memory_space<vmem>>
      %dma_start3A_158 = arith.constant 0 : i32
      %dma_start3A_159 = arith.constant 0 : i32
      %dma_start3A_160 = tpu.memref_slice %arg27[%dma_start3A_158, %dma_start3A_159] : memref<10112x16xf32, #tpu.memory_space<vmem_shared>> -> memref<10112x16xf32, #tpu.memory_space<vmem_shared>>
      tpu.enqueue_indirect_dma source(%arg15 : memref<96x16xf32, #tpu.memory_space<vmem>>) target(%dma_start3A_160 : memref<10112x16xf32, #tpu.memory_space<vmem_shared>>) offsets(%dma_start3A_157 : memref<96xi32, #tpu.memory_space<vmem>>) semaphore(%arg30 : memref<!tpu.dma_semaphore, #tpu.memory_space<semaphore_mem>>) {add = true}
      %lt3A = arith.constant 53 : i32
      %lt3A_161 = arith.cmpi slt, %scan3A_96, %lt3A : i32
      %convert_element_type3A_162 = arith.extui %lt3A_161 : i1 to i32
      %cond3A_163 = arith.constant 0 : i32
      %cond3A_164 = arith.cmpi ne, %convert_element_type3A_162, %cond3A_163 : i32
      scf.if %cond3A_164 {
        %dma_wait3A_201 = arith.constant 0 : i32
        %dma_wait3A_202 = arith.constant 0 : i32
        %dma_wait3A_203 = tpu.memref_slice %arg12[%dma_wait3A_201, %dma_wait3A_202] : memref<1x96xi32, #tpu.memory_space<vmem>> -> memref<1x96xi32, #tpu.memory_space<vmem>>
        %dma_wait3A_204 = tpu.memref_squeeze %dma_wait3A_203 : memref<1x96xi32, #tpu.memory_space<vmem>> -> memref<96xi32, #tpu.memory_space<vmem>>
        %dma_wait3A_205 = arith.constant 0 : i32
        %dma_wait3A_206 = arith.constant 0 : i32
        %dma_wait3A_207 = tpu.memref_slice %arg26[%dma_wait3A_205, %dma_wait3A_206] : memref<10112x128xf32, #tpu.memory_space<vmem_shared>> -> memref<10112x128xf32, #tpu.memory_space<vmem_shared>>
        tpu.wait_indirect_dma semaphore(%arg30 : memref<!tpu.dma_semaphore, #tpu.memory_space<semaphore_mem>>) src(%arg17 : memref<96x128xf32, #tpu.memory_space<vmem>>) dst(%dma_wait3A_207 : memref<10112x128xf32, #tpu.memory_space<vmem_shared>>)
        %dma_wait3A_208 = arith.constant 0 : i32
        %dma_wait3A_209 = arith.constant 0 : i32
        %dma_wait3A_210 = tpu.memref_slice %arg12[%dma_wait3A_208, %dma_wait3A_209] : memref<1x96xi32, #tpu.memory_space<vmem>> -> memref<1x96xi32, #tpu.memory_space<vmem>>
        %dma_wait3A_211 = tpu.memref_squeeze %dma_wait3A_210 : memref<1x96xi32, #tpu.memory_space<vmem>> -> memref<96xi32, #tpu.memory_space<vmem>>
        %dma_wait3A_212 = arith.constant 0 : i32
        %dma_wait3A_213 = arith.constant 0 : i32
        %dma_wait3A_214 = tpu.memref_slice %arg27[%dma_wait3A_212, %dma_wait3A_213] : memref<10112x16xf32, #tpu.memory_space<vmem_shared>> -> memref<10112x16xf32, #tpu.memory_space<vmem_shared>>
        tpu.wait_indirect_dma semaphore(%arg30 : memref<!tpu.dma_semaphore, #tpu.memory_space<semaphore_mem>>) src(%arg15 : memref<96x16xf32, #tpu.memory_space<vmem>>) dst(%dma_wait3A_214 : memref<10112x16xf32, #tpu.memory_space<vmem_shared>>)
        %mul3A_215 = arith.constant 2 : i32
        %mul3A_216 = arith.muli %mul3A_215, %scan3A_96 : i32
        %add3A_217 = arith.constant 2 : i32
        %add3A_218 = arith.addi %mul3A_216, %add3A_217 : i32
        %add3A_219 = arith.addi %mul3A_38, %add3A_218 : i32
        "tpu.region"() ({
          %run_scoped3A = tpu.sem_alloc : memref<!tpu.dma_semaphore, #tpu.memory_space<semaphore_mem>>
          %dma_start3A_241 = arith.constant 0 : i32
          %dma_start3A_242 = tpu.memref_slice %arg2[%add3A_219, %dma_start3A_241] : memref<3456x96xi32, #tpu.memory_space<hbm>> -> memref<1x96xi32, #tpu.memory_space<hbm>>
          %dma_start3A_243 = arith.constant 0 : i32
          %dma_start3A_244 = tpu.memref_slice %arg2[%add3A_219, %dma_start3A_243] : memref<3456x96xi32, #tpu.memory_space<hbm>> -> memref<1x96xi32, #tpu.memory_space<hbm>>
          tpu.enqueue_dma source(%dma_start3A_244 : memref<1x96xi32, #tpu.memory_space<hbm>>) target(%arg10 : memref<1x96xi32, #tpu.memory_space<vmem>>) target_semaphore(%run_scoped3A : memref<!tpu.dma_semaphore, #tpu.memory_space<semaphore_mem>>)
          %dma_wait3A_245 = arith.constant 0 : i32
          %dma_wait3A_246 = tpu.memref_slice %arg2[%add3A_219, %dma_wait3A_245] : memref<3456x96xi32, #tpu.memory_space<hbm>> -> memref<1x96xi32, #tpu.memory_space<hbm>>
          %dma_wait3A_247 = arith.constant 0 : i32
          %dma_wait3A_248 = tpu.memref_slice %arg2[%add3A_219, %dma_wait3A_247] : memref<3456x96xi32, #tpu.memory_space<hbm>> -> memref<1x96xi32, #tpu.memory_space<hbm>>
          tpu.wait_dma2 semaphore(%run_scoped3A : memref<!tpu.dma_semaphore, #tpu.memory_space<semaphore_mem>>) src(%dma_wait3A_248 : memref<1x96xi32, #tpu.memory_space<hbm>>) dst(%arg10 : memref<1x96xi32, #tpu.memory_space<vmem>>)
          tpu.yield
        }) : () -> ()
        "tpu.region"() ({
          %run_scoped3A = tpu.sem_alloc : memref<!tpu.dma_semaphore, #tpu.memory_space<semaphore_mem>>
          %dma_start3A_241 = arith.constant 0 : i32
          %dma_start3A_242 = tpu.memref_slice %arg3[%add3A_219, %dma_start3A_241] : memref<3456x96xi32, #tpu.memory_space<hbm>> -> memref<1x96xi32, #tpu.memory_space<hbm>>
          %dma_start3A_243 = arith.constant 0 : i32
          %dma_start3A_244 = tpu.memref_slice %arg3[%add3A_219, %dma_start3A_243] : memref<3456x96xi32, #tpu.memory_space<hbm>> -> memref<1x96xi32, #tpu.memory_space<hbm>>
          tpu.enqueue_dma source(%dma_start3A_244 : memref<1x96xi32, #tpu.memory_space<hbm>>) target(%arg11 : memref<1x96xi32, #tpu.memory_space<vmem>>) target_semaphore(%run_scoped3A : memref<!tpu.dma_semaphore, #tpu.memory_space<semaphore_mem>>)
          %dma_wait3A_245 = arith.constant 0 : i32
          %dma_wait3A_246 = tpu.memref_slice %arg3[%add3A_219, %dma_wait3A_245] : memref<3456x96xi32, #tpu.memory_space<hbm>> -> memref<1x96xi32, #tpu.memory_space<hbm>>
          %dma_wait3A_247 = arith.constant 0 : i32
          %dma_wait3A_248 = tpu.memref_slice %arg3[%add3A_219, %dma_wait3A_247] : memref<3456x96xi32, #tpu.memory_space<hbm>> -> memref<1x96xi32, #tpu.memory_space<hbm>>
          tpu.wait_dma2 semaphore(%run_scoped3A : memref<!tpu.dma_semaphore, #tpu.memory_space<semaphore_mem>>) src(%dma_wait3A_248 : memref<1x96xi32, #tpu.memory_space<hbm>>) dst(%arg11 : memref<1x96xi32, #tpu.memory_space<vmem>>)
          tpu.yield
        }) : () -> ()
        "tpu.region"() ({
          %run_scoped3A = tpu.sem_alloc : memref<!tpu.dma_semaphore, #tpu.memory_space<semaphore_mem>>
          %dma_start3A_241 = arith.constant 0 : i32
          %dma_start3A_242 = tpu.memref_slice %arg4[%add3A_219, %dma_start3A_241] : memref<3456x96xi32, #tpu.memory_space<hbm>> -> memref<1x96xi32, #tpu.memory_space<hbm>>
          %dma_start3A_243 = arith.constant 0 : i32
          %dma_start3A_244 = tpu.memref_slice %arg4[%add3A_219, %dma_start3A_243] : memref<3456x96xi32, #tpu.memory_space<hbm>> -> memref<1x96xi32, #tpu.memory_space<hbm>>
          tpu.enqueue_dma source(%dma_start3A_244 : memref<1x96xi32, #tpu.memory_space<hbm>>) target(%arg12 : memref<1x96xi32, #tpu.memory_space<vmem>>) target_semaphore(%run_scoped3A : memref<!tpu.dma_semaphore, #tpu.memory_space<semaphore_mem>>)
          %dma_wait3A_245 = arith.constant 0 : i32
          %dma_wait3A_246 = tpu.memref_slice %arg4[%add3A_219, %dma_wait3A_245] : memref<3456x96xi32, #tpu.memory_space<hbm>> -> memref<1x96xi32, #tpu.memory_space<hbm>>
          %dma_wait3A_247 = arith.constant 0 : i32
          %dma_wait3A_248 = tpu.memref_slice %arg4[%add3A_219, %dma_wait3A_247] : memref<3456x96xi32, #tpu.memory_space<hbm>> -> memref<1x96xi32, #tpu.memory_space<hbm>>
          tpu.wait_dma2 semaphore(%run_scoped3A : memref<!tpu.dma_semaphore, #tpu.memory_space<semaphore_mem>>) src(%dma_wait3A_248 : memref<1x96xi32, #tpu.memory_space<hbm>>) dst(%arg12 : memref<1x96xi32, #tpu.memory_space<vmem>>)
          tpu.yield
        }) : () -> ()
        %scan3A_220 = arith.constant 0 : i32
        %scan3A_221 = arith.constant 0 : i32
        %scan3A_222 = arith.constant 6 : i32
        %scan3A_223 = arith.addi %scan3A_221, %scan3A_222 : i32
        %scan3A_224 = arith.constant 1 : i32
        %scan3A_225 = scf.for %scan3A_241 = %scan3A_221 to %scan3A_223 step %scan3A_224 iter_args(%scan3A_242 = %scan3A_220) -> (i32)  : i32 {
          %mul3A_243 = arith.constant 16 : i32
          %mul3A_244 = arith.muli %scan3A_241, %mul3A_243 : i32
          %get3A = arith.constant 0 : i32
          %get3A_245 = arith.index_cast %get3A : i32 to index
          %get3A_246 = arith.index_cast %mul3A_244 : i32 to index
          %get3A_247 = tpu.vector_load %arg10[%get3A_245, %get3A_246] {strides = array<i32>} : memref<1x96xi32, #tpu.memory_space<vmem>>, vector<1x16xi32>,
          %get3A_248 = vector.shape_cast %get3A_247 : vector<1x16xi32> to vector<16xi32>
          %mul3A_249 = arith.constant 10000 : i32
          %mul3A_250 = vector.broadcast %mul3A_249 : i32 to vector<16xi32>
          %mul3A_251 = arith.muli %get3A_248, %mul3A_250 : vector<16xi32>
          %get3A_252 = arith.constant 0 : i32
          %get3A_253 = arith.index_cast %get3A_252 : i32 to index
          %get3A_254 = arith.index_cast %mul3A_244 : i32 to index
          %get3A_255 = tpu.vector_load %arg11[%get3A_253, %get3A_254] {strides = array<i32>} : memref<1x96xi32, #tpu.memory_space<vmem>>, vector<1x16xi32>,
          %get3A_256 = vector.shape_cast %get3A_255 : vector<1x16xi32> to vector<16xi32>
          %add3A_257 = arith.addi %mul3A_251, %get3A_256 : vector<16xi32>
          %swap3A = arith.constant 0 : i32
          %swap3A_258 = arith.index_cast %swap3A : i32 to index
          %swap3A_259 = arith.index_cast %mul3A_244 : i32 to index
          %swap3A_260 = tpu.vector_load %arg13[%swap3A_258, %swap3A_259] {strides = array<i32>} : memref<1x96xi32, #tpu.memory_space<vmem>>, vector<1x16xi32>,
          %swap3A_261 = vector.shape_cast %swap3A_260 : vector<1x16xi32> to vector<16xi32>
          %swap3A_262 = vector.shape_cast %add3A_257 : vector<16xi32> to vector<1x16xi32>
          tpu.vector_store %arg13[%swap3A_258, %swap3A_259], %swap3A_262 {strides = array<i32>} : memref<1x96xi32, #tpu.memory_space<vmem>>, vector<1x16xi32>,
          %get3A_263 = arith.constant 0 : i32
          %get3A_264 = arith.index_cast %get3A_263 : i32 to index
          %get3A_265 = arith.index_cast %mul3A_244 : i32 to index
          %get3A_266 = tpu.vector_load %arg12[%get3A_264, %get3A_265] {strides = array<i32>} : memref<1x96xi32, #tpu.memory_space<vmem>>, vector<1x16xi32>,
          %get3A_267 = vector.shape_cast %get3A_266 : vector<1x16xi32> to vector<16xi32>
          %add3A_268 = arith.addi %mul3A_251, %get3A_267 : vector<16xi32>
          %swap3A_269 = arith.constant 0 : i32
          %swap3A_270 = arith.index_cast %swap3A_269 : i32 to index
          %swap3A_271 = arith.index_cast %mul3A_244 : i32 to index
          %swap3A_272 = tpu.vector_load %arg14[%swap3A_270, %swap3A_271] {strides = array<i32>} : memref<1x96xi32, #tpu.memory_space<vmem>>, vector<1x16xi32>,
          %swap3A_273 = vector.shape_cast %swap3A_272 : vector<1x16xi32> to vector<16xi32>
          %swap3A_274 = vector.shape_cast %add3A_268 : vector<16xi32> to vector<1x16xi32>
          tpu.vector_store %arg14[%swap3A_270, %swap3A_271], %swap3A_274 {strides = array<i32>} : memref<1x96xi32, #tpu.memory_space<vmem>>, vector<1x16xi32>,
          %scan3A_275 = arith.constant 0 : i32
          scf.yield %scan3A_275 : i32
        }
        %scan3A_226 = arith.constant 6 : i32
        %dma_start3A_227 = arith.constant 0 : i32
        %dma_start3A_228 = arith.constant 0 : i32
        %dma_start3A_229 = tpu.memref_slice %arg14[%dma_start3A_227, %dma_start3A_228] : memref<1x96xi32, #tpu.memory_space<vmem>> -> memref<1x96xi32, #tpu.memory_space<vmem>>
        %dma_start3A_230 = tpu.memref_squeeze %dma_start3A_229 : memref<1x96xi32, #tpu.memory_space<vmem>> -> memref<96xi32, #tpu.memory_space<vmem>>
        %dma_start3A_231 = arith.constant 0 : i32
        %dma_start3A_232 = arith.constant 0 : i32
        %dma_start3A_233 = tpu.memref_slice %arg6[%dma_start3A_231, %dma_start3A_232] : memref<80000x16xf32, #tpu.memory_space<hbm>> -> memref<80000x16xf32, #tpu.memory_space<hbm>>
        tpu.enqueue_indirect_dma source(%dma_start3A_233 : memref<80000x16xf32, #tpu.memory_space<hbm>>) target(%arg15 : memref<96x16xf32, #tpu.memory_space<vmem>>) offsets(%dma_start3A_230 : memref<96xi32, #tpu.memory_space<vmem>>) semaphore(%arg28 : memref<!tpu.dma_semaphore, #tpu.memory_space<semaphore_mem>>)
        %dma_start3A_234 = arith.constant 0 : i32
        %dma_start3A_235 = arith.constant 0 : i32
        %dma_start3A_236 = tpu.memref_slice %arg13[%dma_start3A_234, %dma_start3A_235] : memref<1x96xi32, #tpu.memory_space<vmem>> -> memref<1x96xi32, #tpu.memory_space<vmem>>
        %dma_start3A_237 = tpu.memref_squeeze %dma_start3A_236 : memref<1x96xi32, #tpu.memory_space<vmem>> -> memref<96xi32, #tpu.memory_space<vmem>>
        %dma_start3A_238 = arith.constant 0 : i32
        %dma_start3A_239 = arith.constant 0 : i32
        %dma_start3A_240 = tpu.memref_slice %arg7[%dma_start3A_238, %dma_start3A_239] : memref<80000x16xf32, #tpu.memory_space<hbm>> -> memref<80000x16xf32, #tpu.memory_space<hbm>>
        tpu.enqueue_indirect_dma source(%dma_start3A_240 : memref<80000x16xf32, #tpu.memory_space<hbm>>) target(%arg16 : memref<96x16xf32, #tpu.memory_space<vmem>>) offsets(%dma_start3A_237 : memref<96xi32, #tpu.memory_space<vmem>>) semaphore(%arg28 : memref<!tpu.dma_semaphore, #tpu.memory_space<semaphore_mem>>)
      } else {
      }
      %dma_wait3A_165 = arith.constant 0 : i32
      %dma_wait3A_166 = arith.constant 0 : i32
      %dma_wait3A_167 = tpu.memref_slice %arg22[%dma_wait3A_165, %dma_wait3A_166] : memref<1x96xi32, #tpu.memory_space<vmem>> -> memref<1x96xi32, #tpu.memory_space<vmem>>
      %dma_wait3A_168 = tpu.memref_squeeze %dma_wait3A_167 : memref<1x96xi32, #tpu.memory_space<vmem>> -> memref<96xi32, #tpu.memory_space<vmem>>
      %dma_wait3A_169 = arith.constant 0 : i32
      %dma_wait3A_170 = arith.constant 0 : i32
      %dma_wait3A_171 = tpu.memref_slice %arg6[%dma_wait3A_169, %dma_wait3A_170] : memref<80000x16xf32, #tpu.memory_space<hbm>> -> memref<80000x16xf32, #tpu.memory_space<hbm>>
      tpu.wait_indirect_dma semaphore(%arg29 : memref<!tpu.dma_semaphore, #tpu.memory_space<semaphore_mem>>) src(%dma_wait3A_171 : memref<80000x16xf32, #tpu.memory_space<hbm>>) dst(%arg23 : memref<96x16xf32, #tpu.memory_space<vmem>>)
      %dma_wait3A_172 = arith.constant 0 : i32
      %dma_wait3A_173 = arith.constant 0 : i32
      %dma_wait3A_174 = tpu.memref_slice %arg21[%dma_wait3A_172, %dma_wait3A_173] : memref<1x96xi32, #tpu.memory_space<vmem>> -> memref<1x96xi32, #tpu.memory_space<vmem>>
      %dma_wait3A_175 = tpu.memref_squeeze %dma_wait3A_174 : memref<1x96xi32, #tpu.memory_space<vmem>> -> memref<96xi32, #tpu.memory_space<vmem>>
      %dma_wait3A_176 = arith.constant 0 : i32
      %dma_wait3A_177 = arith.constant 0 : i32
      %dma_wait3A_178 = tpu.memref_slice %arg7[%dma_wait3A_176, %dma_wait3A_177] : memref<80000x16xf32, #tpu.memory_space<hbm>> -> memref<80000x16xf32, #tpu.memory_space<hbm>>
      tpu.wait_indirect_dma semaphore(%arg29 : memref<!tpu.dma_semaphore, #tpu.memory_space<semaphore_mem>>) src(%dma_wait3A_178 : memref<80000x16xf32, #tpu.memory_space<hbm>>) dst(%arg24 : memref<96x16xf32, #tpu.memory_space<vmem>>)
      %scan3A_179 = arith.constant 0 : i32
      %scan3A_180 = arith.constant 0 : i32
      %scan3A_181 = arith.constant 96 : i32
      %scan3A_182 = arith.addi %scan3A_180, %scan3A_181 : i32
      %scan3A_183 = arith.constant 1 : i32
      %scan3A_184 = scf.for %scan3A_201 = %scan3A_180 to %scan3A_182 step %scan3A_183 iter_args(%scan3A_202 = %scan3A_179) -> (i32)  : i32 {
        %get3A = arith.index_cast %scan3A_201 : i32 to index
        %get3A_203 = arith.constant 0 : index
        %get3A_204 = tpu.vector_load %arg23[%get3A, %get3A_203] {strides = array<i32>} : memref<96x16xf32, #tpu.memory_space<vmem>>, vector<1x16xf32>,
        %get3A_205 = vector.shape_cast %get3A_204 : vector<1x16xf32> to vector<16xf32>
        %get3A_206 = arith.index_cast %scan3A_201 : i32 to index
        %get3A_207 = arith.constant 0 : index
        %get3A_208 = tpu.vector_load %arg24[%get3A_206, %get3A_207] {strides = array<i32>} : memref<96x16xf32, #tpu.memory_space<vmem>>, vector<1x16xf32>,
        %get3A_209 = vector.shape_cast %get3A_208 : vector<1x16xf32> to vector<16xf32>
        %add3A_210 = arith.addf %get3A_205, %get3A_209 : vector<16xf32>
        %gt3A_211 = arith.constant 0.000000e+00 : f32
        %gt3A_212 = vector.broadcast %gt3A_211 : f32 to vector<16xf32>
        %gt3A_213 = arith.cmpf ogt, %add3A_210, %gt3A_212 : vector<16xf32>
        %mul3A_214 = arith.constant 2.000000e-01 : f32
        %mul3A_215 = vector.broadcast %mul3A_214 : f32 to vector<16xf32>
        %mul3A_216 = arith.mulf %add3A_210, %mul3A_215 : vector<16xf32>
        %select_n3A = arith.select %gt3A_213, %add3A_210, %mul3A_216 : vector<16xi1>, vector<16xf32>
        %exp3A = math.exp %select_n3A : vector<16xf32>
        %swap3A = arith.index_cast %scan3A_201 : i32 to index
        %swap3A_217 = arith.constant 0 : index
        %swap3A_218 = tpu.vector_load %arg23[%swap3A, %swap3A_217] {strides = array<i32>} : memref<96x16xf32, #tpu.memory_space<vmem>>, vector<1x16xf32>,
        %swap3A_219 = vector.shape_cast %swap3A_218 : vector<1x16xf32> to vector<16xf32>
        %swap3A_220 = vector.shape_cast %exp3A : vector<16xf32> to vector<1x16xf32>
        tpu.vector_store %arg23[%swap3A, %swap3A_217], %swap3A_220 {strides = array<i32>} : memref<96x16xf32, #tpu.memory_space<vmem>>, vector<1x16xf32>,
        %slice3A = vector.extract_strided_slice %exp3A {offsets = [0], sizes = [1], strides = [1]} : vector<16xf32> to vector<1xf32>
        %squeeze3A = vector.extract %slice3A[0] : f32 from vector<1xf32>
        %broadcast_in_dim3A = vector.broadcast %squeeze3A : f32 to vector<16xf32>
        %get3A_221 = arith.index_cast %scan3A_201 : i32 to index
        %get3A_222 = arith.constant 0 : index
        %get3A_223 = tpu.vector_load %arg25[%get3A_221, %get3A_222] {strides = array<i32>} : memref<96x128xf32, #tpu.memory_space<vmem>>, vector<1x16xf32>,
        %get3A_224 = vector.shape_cast %get3A_223 : vector<1x16xf32> to vector<16xf32>
        %mul3A_225 = arith.mulf %get3A_224, %broadcast_in_dim3A : vector<16xf32>
        %swap3A_226 = arith.index_cast %scan3A_201 : i32 to index
        %swap3A_227 = arith.constant 0 : index
        %swap3A_228 = tpu.vector_load %arg25[%swap3A_226, %swap3A_227] {strides = array<i32>} : memref<96x128xf32, #tpu.memory_space<vmem>>, vector<1x16xf32>,
        %swap3A_229 = vector.shape_cast %swap3A_228 : vector<1x16xf32> to vector<16xf32>
        %swap3A_230 = vector.shape_cast %mul3A_225 : vector<16xf32> to vector<1x16xf32>
        tpu.vector_store %arg25[%swap3A_226, %swap3A_227], %swap3A_230 {strides = array<i32>} : memref<96x128xf32, #tpu.memory_space<vmem>>, vector<1x16xf32>,
        %get3A_231 = arith.index_cast %scan3A_201 : i32 to index
        %get3A_232 = arith.constant 16 : index
        %get3A_233 = tpu.vector_load %arg25[%get3A_231, %get3A_232] {strides = array<i32>} : memref<96x128xf32, #tpu.memory_space<vmem>>, vector<1x16xf32>,
        %get3A_234 = vector.shape_cast %get3A_233 : vector<1x16xf32> to vector<16xf32>
        %mul3A_235 = arith.mulf %get3A_234, %broadcast_in_dim3A : vector<16xf32>
        %swap3A_236 = arith.index_cast %scan3A_201 : i32 to index
        %swap3A_237 = arith.constant 16 : index
        %swap3A_238 = tpu.vector_load %arg25[%swap3A_236, %swap3A_237] {strides = array<i32>} : memref<96x128xf32, #tpu.memory_space<vmem>>, vector<1x16xf32>,
        %swap3A_239 = vector.shape_cast %swap3A_238 : vector<1x16xf32> to vector<16xf32>
        %swap3A_240 = vector.shape_cast %mul3A_235 : vector<16xf32> to vector<1x16xf32>
        tpu.vector_store %arg25[%swap3A_236, %swap3A_237], %swap3A_240 {strides = array<i32>} : memref<96x128xf32, #tpu.memory_space<vmem>>, vector<1x16xf32>,
        %slice3A_241 = vector.extract_strided_slice %exp3A {offsets = [1], sizes = [1], strides = [1]} : vector<16xf32> to vector<1xf32>
        %squeeze3A_242 = vector.extract %slice3A_241[0] : f32 from vector<1xf32>
        %broadcast_in_dim3A_243 = vector.broadcast %squeeze3A_242 : f32 to vector<16xf32>
        %get3A_244 = arith.index_cast %scan3A_201 : i32 to index
        %get3A_245 = arith.constant 32 : index
        %get3A_246 = tpu.vector_load %arg25[%get3A_244, %get3A_245] {strides = array<i32>} : memref<96x128xf32, #tpu.memory_space<vmem>>, vector<1x16xf32>,
        %get3A_247 = vector.shape_cast %get3A_246 : vector<1x16xf32> to vector<16xf32>
        %mul3A_248 = arith.mulf %get3A_247, %broadcast_in_dim3A_243 : vector<16xf32>
        %swap3A_249 = arith.index_cast %scan3A_201 : i32 to index
        %swap3A_250 = arith.constant 32 : index
        %swap3A_251 = tpu.vector_load %arg25[%swap3A_249, %swap3A_250] {strides = array<i32>} : memref<96x128xf32, #tpu.memory_space<vmem>>, vector<1x16xf32>,
        %swap3A_252 = vector.shape_cast %swap3A_251 : vector<1x16xf32> to vector<16xf32>
        %swap3A_253 = vector.shape_cast %mul3A_248 : vector<16xf32> to vector<1x16xf32>
        tpu.vector_store %arg25[%swap3A_249, %swap3A_250], %swap3A_253 {strides = array<i32>} : memref<96x128xf32, #tpu.memory_space<vmem>>, vector<1x16xf32>,
        %get3A_254 = arith.index_cast %scan3A_201 : i32 to index
        %get3A_255 = arith.constant 48 : index
        %get3A_256 = tpu.vector_load %arg25[%get3A_254, %get3A_255] {strides = array<i32>} : memref<96x128xf32, #tpu.memory_space<vmem>>, vector<1x16xf32>,
        %get3A_257 = vector.shape_cast %get3A_256 : vector<1x16xf32> to vector<16xf32>
        %mul3A_258 = arith.mulf %get3A_257, %broadcast_in_dim3A_243 : vector<16xf32>
        %swap3A_259 = arith.index_cast %scan3A_201 : i32 to index
        %swap3A_260 = arith.constant 48 : index
        %swap3A_261 = tpu.vector_load %arg25[%swap3A_259, %swap3A_260] {strides = array<i32>} : memref<96x128xf32, #tpu.memory_space<vmem>>, vector<1x16xf32>,
        %swap3A_262 = vector.shape_cast %swap3A_261 : vector<1x16xf32> to vector<16xf32>
        %swap3A_263 = vector.shape_cast %mul3A_258 : vector<16xf32> to vector<1x16xf32>
        tpu.vector_store %arg25[%swap3A_259, %swap3A_260], %swap3A_263 {strides = array<i32>} : memref<96x128xf32, #tpu.memory_space<vmem>>, vector<1x16xf32>,
        %slice3A_264 = vector.extract_strided_slice %exp3A {offsets = [2], sizes = [1], strides = [1]} : vector<16xf32> to vector<1xf32>
        %squeeze3A_265 = vector.extract %slice3A_264[0] : f32 from vector<1xf32>
        %broadcast_in_dim3A_266 = vector.broadcast %squeeze3A_265 : f32 to vector<16xf32>
        %get3A_267 = arith.index_cast %scan3A_201 : i32 to index
        %get3A_268 = arith.constant 64 : index
        %get3A_269 = tpu.vector_load %arg25[%get3A_267, %get3A_268] {strides = array<i32>} : memref<96x128xf32, #tpu.memory_space<vmem>>, vector<1x16xf32>,
        %get3A_270 = vector.shape_cast %get3A_269 : vector<1x16xf32> to vector<16xf32>
        %mul3A_271 = arith.mulf %get3A_270, %broadcast_in_dim3A_266 : vector<16xf32>
        %swap3A_272 = arith.index_cast %scan3A_201 : i32 to index
        %swap3A_273 = arith.constant 64 : index
        %swap3A_274 = tpu.vector_load %arg25[%swap3A_272, %swap3A_273] {strides = array<i32>} : memref<96x128xf32, #tpu.memory_space<vmem>>, vector<1x16xf32>,
        %swap3A_275 = vector.shape_cast %swap3A_274 : vector<1x16xf32> to vector<16xf32>
        %swap3A_276 = vector.shape_cast %mul3A_271 : vector<16xf32> to vector<1x16xf32>
        tpu.vector_store %arg25[%swap3A_272, %swap3A_273], %swap3A_276 {strides = array<i32>} : memref<96x128xf32, #tpu.memory_space<vmem>>, vector<1x16xf32>,
        %get3A_277 = arith.index_cast %scan3A_201 : i32 to index
        %get3A_278 = arith.constant 80 : index
        %get3A_279 = tpu.vector_load %arg25[%get3A_277, %get3A_278] {strides = array<i32>} : memref<96x128xf32, #tpu.memory_space<vmem>>, vector<1x16xf32>,
        %get3A_280 = vector.shape_cast %get3A_279 : vector<1x16xf32> to vector<16xf32>
        %mul3A_281 = arith.mulf %get3A_280, %broadcast_in_dim3A_266 : vector<16xf32>
        %swap3A_282 = arith.index_cast %scan3A_201 : i32 to index
        %swap3A_283 = arith.constant 80 : index
        %swap3A_284 = tpu.vector_load %arg25[%swap3A_282, %swap3A_283] {strides = array<i32>} : memref<96x128xf32, #tpu.memory_space<vmem>>, vector<1x16xf32>,
        %swap3A_285 = vector.shape_cast %swap3A_284 : vector<1x16xf32> to vector<16xf32>
        %swap3A_286 = vector.shape_cast %mul3A_281 : vector<16xf32> to vector<1x16xf32>
        tpu.vector_store %arg25[%swap3A_282, %swap3A_283], %swap3A_286 {strides = array<i32>} : memref<96x128xf32, #tpu.memory_space<vmem>>, vector<1x16xf32>,
        %slice3A_287 = vector.extract_strided_slice %exp3A {offsets = [3], sizes = [1], strides = [1]} : vector<16xf32> to vector<1xf32>
        %squeeze3A_288 = vector.extract %slice3A_287[0] : f32 from vector<1xf32>
        %broadcast_in_dim3A_289 = vector.broadcast %squeeze3A_288 : f32 to vector<16xf32>
        %get3A_290 = arith.index_cast %scan3A_201 : i32 to index
        %get3A_291 = arith.constant 96 : index
        %get3A_292 = tpu.vector_load %arg25[%get3A_290, %get3A_291] {strides = array<i32>} : memref<96x128xf32, #tpu.memory_space<vmem>>, vector<1x16xf32>,
        %get3A_293 = vector.shape_cast %get3A_292 : vector<1x16xf32> to vector<16xf32>
        %mul3A_294 = arith.mulf %get3A_293, %broadcast_in_dim3A_289 : vector<16xf32>
        %swap3A_295 = arith.index_cast %scan3A_201 : i32 to index
        %swap3A_296 = arith.constant 96 : index
        %swap3A_297 = tpu.vector_load %arg25[%swap3A_295, %swap3A_296] {strides = array<i32>} : memref<96x128xf32, #tpu.memory_space<vmem>>, vector<1x16xf32>,
        %swap3A_298 = vector.shape_cast %swap3A_297 : vector<1x16xf32> to vector<16xf32>
        %swap3A_299 = vector.shape_cast %mul3A_294 : vector<16xf32> to vector<1x16xf32>
        tpu.vector_store %arg25[%swap3A_295, %swap3A_296], %swap3A_299 {strides = array<i32>} : memref<96x128xf32, #tpu.memory_space<vmem>>, vector<1x16xf32>,
        %get3A_300 = arith.index_cast %scan3A_201 : i32 to index
        %get3A_301 = arith.constant 112 : index
        %get3A_302 = tpu.vector_load %arg25[%get3A_300, %get3A_301] {strides = array<i32>} : memref<96x128xf32, #tpu.memory_space<vmem>>, vector<1x16xf32>,
        %get3A_303 = vector.shape_cast %get3A_302 : vector<1x16xf32> to vector<16xf32>
        %mul3A_304 = arith.mulf %get3A_303, %broadcast_in_dim3A_289 : vector<16xf32>
        %swap3A_305 = arith.index_cast %scan3A_201 : i32 to index
        %swap3A_306 = arith.constant 112 : index
        %swap3A_307 = tpu.vector_load %arg25[%swap3A_305, %swap3A_306] {strides = array<i32>} : memref<96x128xf32, #tpu.memory_space<vmem>>, vector<1x16xf32>,
        %swap3A_308 = vector.shape_cast %swap3A_307 : vector<1x16xf32> to vector<16xf32>
        %swap3A_309 = vector.shape_cast %mul3A_304 : vector<16xf32> to vector<1x16xf32>
        tpu.vector_store %arg25[%swap3A_305, %swap3A_306], %swap3A_309 {strides = array<i32>} : memref<96x128xf32, #tpu.memory_space<vmem>>, vector<1x16xf32>,
        %scan3A_310 = arith.constant 0 : i32
        scf.yield %scan3A_310 : i32
      }
      %scan3A_185 = arith.constant 96 : i32
      %dma_start3A_186 = arith.constant 0 : i32
      %dma_start3A_187 = arith.constant 0 : i32
      %dma_start3A_188 = tpu.memref_slice %arg20[%dma_start3A_186, %dma_start3A_187] : memref<1x96xi32, #tpu.memory_space<vmem>> -> memref<1x96xi32, #tpu.memory_space<vmem>>
      %dma_start3A_189 = tpu.memref_squeeze %dma_start3A_188 : memref<1x96xi32, #tpu.memory_space<vmem>> -> memref<96xi32, #tpu.memory_space<vmem>>
      %dma_start3A_190 = arith.constant 0 : i32
      %dma_start3A_191 = arith.constant 0 : i32
      %dma_start3A_192 = tpu.memref_slice %arg26[%dma_start3A_190, %dma_start3A_191] : memref<10112x128xf32, #tpu.memory_space<vmem_shared>> -> memref<10112x128xf32, #tpu.memory_space<vmem_shared>>
      tpu.enqueue_indirect_dma source(%arg25 : memref<96x128xf32, #tpu.memory_space<vmem>>) target(%dma_start3A_192 : memref<10112x128xf32, #tpu.memory_space<vmem_shared>>) offsets(%dma_start3A_189 : memref<96xi32, #tpu.memory_space<vmem>>) semaphore(%arg31 : memref<!tpu.dma_semaphore, #tpu.memory_space<semaphore_mem>>) {add = true}
      %dma_start3A_193 = arith.constant 0 : i32
      %dma_start3A_194 = arith.constant 0 : i32
      %dma_start3A_195 = tpu.memref_slice %arg20[%dma_start3A_193, %dma_start3A_194] : memref<1x96xi32, #tpu.memory_space<vmem>> -> memref<1x96xi32, #tpu.memory_space<vmem>>
      %dma_start3A_196 = tpu.memref_squeeze %dma_start3A_195 : memref<1x96xi32, #tpu.memory_space<vmem>> -> memref<96xi32, #tpu.memory_space<vmem>>
      %dma_start3A_197 = arith.constant 0 : i32
      %dma_start3A_198 = arith.constant 0 : i32
      %dma_start3A_199 = tpu.memref_slice %arg27[%dma_start3A_197, %dma_start3A_198] : memref<10112x16xf32, #tpu.memory_space<vmem_shared>> -> memref<10112x16xf32, #tpu.memory_space<vmem_shared>>
      tpu.enqueue_indirect_dma source(%arg23 : memref<96x16xf32, #tpu.memory_space<vmem>>) target(%dma_start3A_199 : memref<10112x16xf32, #tpu.memory_space<vmem_shared>>) offsets(%dma_start3A_196 : memref<96xi32, #tpu.memory_space<vmem>>) semaphore(%arg31 : memref<!tpu.dma_semaphore, #tpu.memory_space<semaphore_mem>>) {add = true}
      %scan3A_200 = arith.constant 0 : i32
      scf.yield %scan3A_200 : i32
    }
    %scan3A_67 = arith.constant 54 : i32
    %dma_wait3A = arith.constant 0 : i32
    %dma_wait3A_68 = arith.constant 0 : i32
    %dma_wait3A_69 = tpu.memref_slice %arg12[%dma_wait3A, %dma_wait3A_68] : memref<1x96xi32, #tpu.memory_space<vmem>> -> memref<1x96xi32, #tpu.memory_space<vmem>>
    %dma_wait3A_70 = tpu.memref_squeeze %dma_wait3A_69 : memref<1x96xi32, #tpu.memory_space<vmem>> -> memref<96xi32, #tpu.memory_space<vmem>>
    %dma_wait3A_71 = arith.constant 0 : i32
    %dma_wait3A_72 = arith.constant 0 : i32
    %dma_wait3A_73 = tpu.memref_slice %arg26[%dma_wait3A_71, %dma_wait3A_72] : memref<10112x128xf32, #tpu.memory_space<vmem_shared>> -> memref<10112x128xf32, #tpu.memory_space<vmem_shared>>
    tpu.wait_indirect_dma semaphore(%arg30 : memref<!tpu.dma_semaphore, #tpu.memory_space<semaphore_mem>>) src(%arg17 : memref<96x128xf32, #tpu.memory_space<vmem>>) dst(%dma_wait3A_73 : memref<10112x128xf32, #tpu.memory_space<vmem_shared>>)
    %dma_wait3A_74 = arith.constant 0 : i32
    %dma_wait3A_75 = arith.constant 0 : i32
    %dma_wait3A_76 = tpu.memref_slice %arg12[%dma_wait3A_74, %dma_wait3A_75] : memref<1x96xi32, #tpu.memory_space<vmem>> -> memref<1x96xi32, #tpu.memory_space<vmem>>
    %dma_wait3A_77 = tpu.memref_squeeze %dma_wait3A_76 : memref<1x96xi32, #tpu.memory_space<vmem>> -> memref<96xi32, #tpu.memory_space<vmem>>
    %dma_wait3A_78 = arith.constant 0 : i32
    %dma_wait3A_79 = arith.constant 0 : i32
    %dma_wait3A_80 = tpu.memref_slice %arg27[%dma_wait3A_78, %dma_wait3A_79] : memref<10112x16xf32, #tpu.memory_space<vmem_shared>> -> memref<10112x16xf32, #tpu.memory_space<vmem_shared>>
    tpu.wait_indirect_dma semaphore(%arg30 : memref<!tpu.dma_semaphore, #tpu.memory_space<semaphore_mem>>) src(%arg15 : memref<96x16xf32, #tpu.memory_space<vmem>>) dst(%dma_wait3A_80 : memref<10112x16xf32, #tpu.memory_space<vmem_shared>>)
    %dma_wait3A_81 = arith.constant 0 : i32
    %dma_wait3A_82 = arith.constant 0 : i32
    %dma_wait3A_83 = tpu.memref_slice %arg20[%dma_wait3A_81, %dma_wait3A_82] : memref<1x96xi32, #tpu.memory_space<vmem>> -> memref<1x96xi32, #tpu.memory_space<vmem>>
    %dma_wait3A_84 = tpu.memref_squeeze %dma_wait3A_83 : memref<1x96xi32, #tpu.memory_space<vmem>> -> memref<96xi32, #tpu.memory_space<vmem>>
    %dma_wait3A_85 = arith.constant 0 : i32
    %dma_wait3A_86 = arith.constant 0 : i32
    %dma_wait3A_87 = tpu.memref_slice %arg26[%dma_wait3A_85, %dma_wait3A_86] : memref<10112x128xf32, #tpu.memory_space<vmem_shared>> -> memref<10112x128xf32, #tpu.memory_space<vmem_shared>>
    tpu.wait_indirect_dma semaphore(%arg31 : memref<!tpu.dma_semaphore, #tpu.memory_space<semaphore_mem>>) src(%arg25 : memref<96x128xf32, #tpu.memory_space<vmem>>) dst(%dma_wait3A_87 : memref<10112x128xf32, #tpu.memory_space<vmem_shared>>)
    %dma_wait3A_88 = arith.constant 0 : i32
    %dma_wait3A_89 = arith.constant 0 : i32
    %dma_wait3A_90 = tpu.memref_slice %arg20[%dma_wait3A_88, %dma_wait3A_89] : memref<1x96xi32, #tpu.memory_space<vmem>> -> memref<1x96xi32, #tpu.memory_space<vmem>>
    %dma_wait3A_91 = tpu.memref_squeeze %dma_wait3A_90 : memref<1x96xi32, #tpu.memory_space<vmem>> -> memref<96xi32, #tpu.memory_space<vmem>>
    %dma_wait3A_92 = arith.constant 0 : i32
    %dma_wait3A_93 = arith.constant 0 : i32
    %dma_wait3A_94 = tpu.memref_slice %arg27[%dma_wait3A_92, %dma_wait3A_93] : memref<10112x16xf32, #tpu.memory_space<vmem_shared>> -> memref<10112x16xf32, #tpu.memory_space<vmem_shared>>
    tpu.wait_indirect_dma semaphore(%arg31 : memref<!tpu.dma_semaphore, #tpu.memory_space<semaphore_mem>>) src(%arg23 : memref<96x16xf32, #tpu.memory_space<vmem>>) dst(%dma_wait3A_94 : memref<10112x16xf32, #tpu.memory_space<vmem_shared>>)
    %barrier3A_95 = arith.constant 0 : index
    tpu.barrier barrier_id(%barrier3A_95)
    "tpu.region"() ({
      %run_scoped3A = tpu.sem_alloc : memref<!tpu.dma_semaphore, #tpu.memory_space<semaphore_mem>>
      %dma_start3A_96 = arith.constant 0 : i32
      %dma_start3A_97 = tpu.memref_slice %arg8[%arg0, %mul3A_8, %dma_start3A_96] : memref<2x10112x128xf32, #tpu.memory_space<hbm>> -> memref<1x632x128xf32, #tpu.memory_space<hbm>>
      %dma_start3A_98 = tpu.memref_squeeze %dma_start3A_97 : memref<1x632x128xf32, #tpu.memory_space<hbm>> -> memref<632x128xf32, #tpu.memory_space<hbm>>
      %dma_start3A_99 = arith.constant 0 : i32
      %dma_start3A_100 = tpu.memref_slice %arg26[%mul3A_8, %dma_start3A_99] : memref<10112x128xf32, #tpu.memory_space<vmem_shared>> -> memref<632x128xf32, #tpu.memory_space<vmem_shared>>
      tpu.enqueue_dma source(%dma_start3A_100 : memref<632x128xf32, #tpu.memory_space<vmem_shared>>) target(%dma_start3A_98 : memref<632x128xf32, #tpu.memory_space<hbm>>) target_semaphore(%run_scoped3A : memref<!tpu.dma_semaphore, #tpu.memory_space<semaphore_mem>>)
      %dma_wait3A_101 = arith.constant 0 : i32
      %dma_wait3A_102 = tpu.memref_slice %arg8[%arg0, %mul3A_8, %dma_wait3A_101] : memref<2x10112x128xf32, #tpu.memory_space<hbm>> -> memref<1x632x128xf32, #tpu.memory_space<hbm>>
      %dma_wait3A_103 = tpu.memref_squeeze %dma_wait3A_102 : memref<1x632x128xf32, #tpu.memory_space<hbm>> -> memref<632x128xf32, #tpu.memory_space<hbm>>
      %dma_wait3A_104 = arith.constant 0 : i32
      %dma_wait3A_105 = tpu.memref_slice %arg26[%mul3A_8, %dma_wait3A_104] : memref<10112x128xf32, #tpu.memory_space<vmem_shared>> -> memref<632x128xf32, #tpu.memory_space<vmem_shared>>
      tpu.wait_dma2 semaphore(%run_scoped3A : memref<!tpu.dma_semaphore, #tpu.memory_space<semaphore_mem>>) src(%dma_wait3A_105 : memref<632x128xf32, #tpu.memory_space<vmem_shared>>) dst(%dma_wait3A_103 : memref<632x128xf32, #tpu.memory_space<hbm>>)
      tpu.yield
    }) : () -> ()
    "tpu.region"() ({
      %run_scoped3A = tpu.sem_alloc : memref<!tpu.dma_semaphore, #tpu.memory_space<semaphore_mem>>
      %dma_start3A_96 = arith.constant 0 : i32
      %dma_start3A_97 = tpu.memref_slice %arg9[%arg0, %mul3A_8, %dma_start3A_96] : memref<2x10112x16xf32, #tpu.memory_space<hbm>> -> memref<1x632x16xf32, #tpu.memory_space<hbm>>
      %dma_start3A_98 = tpu.memref_squeeze %dma_start3A_97 : memref<1x632x16xf32, #tpu.memory_space<hbm>> -> memref<632x16xf32, #tpu.memory_space<hbm>>
      %dma_start3A_99 = arith.constant 0 : i32
      %dma_start3A_100 = tpu.memref_slice %arg27[%mul3A_8, %dma_start3A_99] : memref<10112x16xf32, #tpu.memory_space<vmem_shared>> -> memref<632x16xf32, #tpu.memory_space<vmem_shared>>
      tpu.enqueue_dma source(%dma_start3A_100 : memref<632x16xf32, #tpu.memory_space<vmem_shared>>) target(%dma_start3A_98 : memref<632x16xf32, #tpu.memory_space<hbm>>) target_semaphore(%run_scoped3A : memref<!tpu.dma_semaphore, #tpu.memory_space<semaphore_mem>>)
      %dma_wait3A_101 = arith.constant 0 : i32
      %dma_wait3A_102 = tpu.memref_slice %arg9[%arg0, %mul3A_8, %dma_wait3A_101] : memref<2x10112x16xf32, #tpu.memory_space<hbm>> -> memref<1x632x16xf32, #tpu.memory_space<hbm>>
      %dma_wait3A_103 = tpu.memref_squeeze %dma_wait3A_102 : memref<1x632x16xf32, #tpu.memory_space<hbm>> -> memref<632x16xf32, #tpu.memory_space<hbm>>
      %dma_wait3A_104 = arith.constant 0 : i32
      %dma_wait3A_105 = tpu.memref_slice %arg27[%mul3A_8, %dma_wait3A_104] : memref<10112x16xf32, #tpu.memory_space<vmem_shared>> -> memref<632x16xf32, #tpu.memory_space<vmem_shared>>
      tpu.wait_dma2 semaphore(%run_scoped3A : memref<!tpu.dma_semaphore, #tpu.memory_space<semaphore_mem>>) src(%dma_wait3A_105 : memref<632x16xf32, #tpu.memory_space<vmem_shared>>) dst(%dma_wait3A_103 : memref<632x16xf32, #tpu.memory_space<hbm>>)
      tpu.yield
    }) : () -> ()
    return
  }
}

#map = affine_map<(d0, d1) -> (0, 0)>
#map1 = affine_map<(d0, d1) -> (0, 0, 0)>
module attributes {stable_mosaic.version = 14 : i64} {
  func.func @_sc_layer_body(%arg0: i32, %arg1: i32, %arg2: memref<3456x96xi32, #tpu.memory_space<hbm>>, %arg3: memref<3456x96xi32, #tpu.memory_space<hbm>>, %arg4: memref<3456x96xi32, #tpu.memory_space<hbm>>, %arg5: memref<80000x128xf32, #tpu.memory_space<hbm>>, %arg6: memref<80000x16xf32, #tpu.memory_space<hbm>>, %arg7: memref<80000x16xf32, #tpu.memory_space<hbm>>, %arg8: memref<2x10112x128xf32, #tpu.memory_space<hbm>>, %arg9: memref<2x10112x16xf32, #tpu.memory_space<hbm>>, %arg10: memref<1x96xi32, #tpu.memory_space<vmem>>, %arg11: memref<1x96xi32, #tpu.memory_space<vmem>>, %arg12: memref<1x96xi32, #tpu.memory_space<vmem>>, %arg13: memref<1x96xi32, #tpu.memory_space<vmem>>, %arg14: memref<1x96xi32, #tpu.memory_space<vmem>>, %arg15: memref<96x16xf32, #tpu.memory_space<vmem>>, %arg16: memref<96x16xf32, #tpu.memory_space<vmem>>, %arg17: memref<96x128xf32, #tpu.memory_space<vmem>>, %arg18: memref<1x96xi32, #tpu.memory_space<vmem>>, %arg19: memref<1x96xi32, #tpu.memory_space<vmem>>, %arg20: memref<1x96xi32, #tpu.memory_space<vmem>>, %arg21: memref<1x96xi32, #tpu.memory_space<vmem>>, %arg22: memref<1x96xi32, #tpu.memory_space<vmem>>, %arg23: memref<96x16xf32, #tpu.memory_space<vmem>>, %arg24: memref<96x16xf32, #tpu.memory_space<vmem>>, %arg25: memref<96x128xf32, #tpu.memory_space<vmem>>, %arg26: memref<10112x128xf32, #tpu.memory_space<vmem_shared>>, %arg27: memref<10112x16xf32, #tpu.memory_space<vmem_shared>>, %arg28: memref<!tpu.dma_semaphore, #tpu.memory_space<semaphore_mem>>, %arg29: memref<!tpu.dma_semaphore, #tpu.memory_space<semaphore_mem>>, %arg30: memref<!tpu.dma_semaphore, #tpu.memory_space<semaphore_mem>>, %arg31: memref<!tpu.dma_semaphore, #tpu.memory_space<semaphore_mem>>) attributes {dimension_semantics = [#tpu.dimension_semantics<core_parallel>, #tpu.dimension_semantics<subcore_parallel>], iteration_bounds = array<i64: 2, 16>, scalar_prefetch = 0 : i64, scratch_operands = 22 : i64, tpu.core_type = #tpu.core_type<sc_vector_subcore>, window_params = [{transform_indices = #map}, {transform_indices = #map}, {transform_indices = #map}, {transform_indices = #map}, {transform_indices = #map}, {transform_indices = #map}, {transform_indices = #map1}, {transform_indices = #map1}]} {
    %mul3A = arith.constant 16 : i32
    %mul3A_0 = arith.muli %arg0, %mul3A : i32
    %add3A = arith.addi %mul3A_0, %arg1 : i32
    %scan3A = arith.constant 0 : i32
    %scan3A_1 = arith.constant 0 : i32
    %scan3A_2 = arith.constant 96 : i32
    %scan3A_3 = arith.addi %scan3A_1, %scan3A_2 : i32
    %scan3A_4 = arith.constant 1 : i32
    %scan3A_5 = scf.for %scan3A_96 = %scan3A_1 to %scan3A_3 step %scan3A_4 iter_args(%scan3A_97 = %scan3A) -> (i32)  : i32 {
      %broadcast_in_dim3A = arith.constant 0.000000e+00 : f32
      %broadcast_in_dim3A_98 = vector.broadcast %broadcast_in_dim3A : f32 to vector<16xf32>
      %swap3A = arith.index_cast %scan3A_96 : i32 to index
      %swap3A_99 = arith.constant 0 : index
      %swap3A_100 = tpu.vector_load %arg15[%swap3A, %swap3A_99] {strides = array<i32>} : memref<96x16xf32, #tpu.memory_space<vmem>>, vector<1x16xf32>,
      %swap3A_101 = vector.shape_cast %swap3A_100 : vector<1x16xf32> to vector<16xf32>
      %swap3A_102 = vector.shape_cast %broadcast_in_dim3A_98 : vector<16xf32> to vector<1x16xf32>
      tpu.vector_store %arg15[%swap3A, %swap3A_99], %swap3A_102 {strides = array<i32>} : memref<96x16xf32, #tpu.memory_space<vmem>>, vector<1x16xf32>,
      %swap3A_103 = arith.index_cast %scan3A_96 : i32 to index
      %swap3A_104 = arith.constant 0 : index
      %swap3A_105 = tpu.vector_load %arg17[%swap3A_103, %swap3A_104] {strides = array<i32>} : memref<96x128xf32, #tpu.memory_space<vmem>>, vector<1x16xf32>,
      %swap3A_106 = vector.shape_cast %swap3A_105 : vector<1x16xf32> to vector<16xf32>
      %swap3A_107 = vector.shape_cast %broadcast_in_dim3A_98 : vector<16xf32> to vector<1x16xf32>
      tpu.vector_store %arg17[%swap3A_103, %swap3A_104], %swap3A_107 {strides = array<i32>} : memref<96x128xf32, #tpu.memory_space<vmem>>, vector<1x16xf32>,
      %swap3A_108 = arith.index_cast %scan3A_96 : i32 to index
      %swap3A_109 = arith.constant 16 : index
      %swap3A_110 = tpu.vector_load %arg17[%swap3A_108, %swap3A_109] {strides = array<i32>} : memref<96x128xf32, #tpu.memory_space<vmem>>, vector<1x16xf32>,
      %swap3A_111 = vector.shape_cast %swap3A_110 : vector<1x16xf32> to vector<16xf32>
      %swap3A_112 = vector.shape_cast %broadcast_in_dim3A_98 : vector<16xf32> to vector<1x16xf32>
      tpu.vector_store %arg17[%swap3A_108, %swap3A_109], %swap3A_112 {strides = array<i32>} : memref<96x128xf32, #tpu.memory_space<vmem>>, vector<1x16xf32>,
      %swap3A_113 = arith.index_cast %scan3A_96 : i32 to index
      %swap3A_114 = arith.constant 32 : index
      %swap3A_115 = tpu.vector_load %arg17[%swap3A_113, %swap3A_114] {strides = array<i32>} : memref<96x128xf32, #tpu.memory_space<vmem>>, vector<1x16xf32>,
      %swap3A_116 = vector.shape_cast %swap3A_115 : vector<1x16xf32> to vector<16xf32>
      %swap3A_117 = vector.shape_cast %broadcast_in_dim3A_98 : vector<16xf32> to vector<1x16xf32>
      tpu.vector_store %arg17[%swap3A_113, %swap3A_114], %swap3A_117 {strides = array<i32>} : memref<96x128xf32, #tpu.memory_space<vmem>>, vector<1x16xf32>,
      %swap3A_118 = arith.index_cast %scan3A_96 : i32 to index
      %swap3A_119 = arith.constant 48 : index
      %swap3A_120 = tpu.vector_load %arg17[%swap3A_118, %swap3A_119] {strides = array<i32>} : memref<96x128xf32, #tpu.memory_space<vmem>>, vector<1x16xf32>,
      %swap3A_121 = vector.shape_cast %swap3A_120 : vector<1x16xf32> to vector<16xf32>
      %swap3A_122 = vector.shape_cast %broadcast_in_dim3A_98 : vector<16xf32> to vector<1x16xf32>
      tpu.vector_store %arg17[%swap3A_118, %swap3A_119], %swap3A_122 {strides = array<i32>} : memref<96x128xf32, #tpu.memory_space<vmem>>, vector<1x16xf32>,
      %swap3A_123 = arith.index_cast %scan3A_96 : i32 to index
      %swap3A_124 = arith.constant 64 : index
      %swap3A_125 = tpu.vector_load %arg17[%swap3A_123, %swap3A_124] {strides = array<i32>} : memref<96x128xf32, #tpu.memory_space<vmem>>, vector<1x16xf32>,
      %swap3A_126 = vector.shape_cast %swap3A_125 : vector<1x16xf32> to vector<16xf32>
      %swap3A_127 = vector.shape_cast %broadcast_in_dim3A_98 : vector<16xf32> to vector<1x16xf32>
      tpu.vector_store %arg17[%swap3A_123, %swap3A_124], %swap3A_127 {strides = array<i32>} : memref<96x128xf32, #tpu.memory_space<vmem>>, vector<1x16xf32>,
      %swap3A_128 = arith.index_cast %scan3A_96 : i32 to index
      %swap3A_129 = arith.constant 80 : index
      %swap3A_130 = tpu.vector_load %arg17[%swap3A_128, %swap3A_129] {strides = array<i32>} : memref<96x128xf32, #tpu.memory_space<vmem>>, vector<1x16xf32>,
      %swap3A_131 = vector.shape_cast %swap3A_130 : vector<1x16xf32> to vector<16xf32>
      %swap3A_132 = vector.shape_cast %broadcast_in_dim3A_98 : vector<16xf32> to vector<1x16xf32>
      tpu.vector_store %arg17[%swap3A_128, %swap3A_129], %swap3A_132 {strides = array<i32>} : memref<96x128xf32, #tpu.memory_space<vmem>>, vector<1x16xf32>,
      %swap3A_133 = arith.index_cast %scan3A_96 : i32 to index
      %swap3A_134 = arith.constant 96 : index
      %swap3A_135 = tpu.vector_load %arg17[%swap3A_133, %swap3A_134] {strides = array<i32>} : memref<96x128xf32, #tpu.memory_space<vmem>>, vector<1x16xf32>,
      %swap3A_136 = vector.shape_cast %swap3A_135 : vector<1x16xf32> to vector<16xf32>
      %swap3A_137 = vector.shape_cast %broadcast_in_dim3A_98 : vector<16xf32> to vector<1x16xf32>
      tpu.vector_store %arg17[%swap3A_133, %swap3A_134], %swap3A_137 {strides = array<i32>} : memref<96x128xf32, #tpu.memory_space<vmem>>, vector<1x16xf32>,
      %swap3A_138 = arith.index_cast %scan3A_96 : i32 to index
      %swap3A_139 = arith.constant 112 : index
      %swap3A_140 = tpu.vector_load %arg17[%swap3A_138, %swap3A_139] {strides = array<i32>} : memref<96x128xf32, #tpu.memory_space<vmem>>, vector<1x16xf32>,
      %swap3A_141 = vector.shape_cast %swap3A_140 : vector<1x16xf32> to vector<16xf32>
      %swap3A_142 = vector.shape_cast %broadcast_in_dim3A_98 : vector<16xf32> to vector<1x16xf32>
      tpu.vector_store %arg17[%swap3A_138, %swap3A_139], %swap3A_142 {strides = array<i32>} : memref<96x128xf32, #tpu.memory_space<vmem>>, vector<1x16xf32>,
      %scan3A_143 = arith.constant 0 : i32
      scf.yield %scan3A_143 : i32
    }
    %scan3A_6 = arith.constant 96 : i32
    %mul3A_7 = arith.constant 632 : i32
    %mul3A_8 = arith.muli %arg1, %mul3A_7 : i32
    %add3A_9 = arith.constant 0 : i32
    %add3A_10 = arith.addi %mul3A_8, %add3A_9 : i32
    "tpu.region"() ({
      %run_scoped3A = tpu.sem_alloc : memref<!tpu.dma_semaphore, #tpu.memory_space<semaphore_mem>>
      %dma_start3A_96 = arith.constant 0 : i32
      %dma_start3A_97 = arith.constant 0 : i32
      %dma_start3A_98 = tpu.memref_slice %arg17[%dma_start3A_96, %dma_start3A_97] : memref<96x128xf32, #tpu.memory_space<vmem>> -> memref<96x128xf32, #tpu.memory_space<vmem>>
      %dma_start3A_99 = arith.constant 0 : i32
      %dma_start3A_100 = tpu.memref_slice %arg26[%add3A_10, %dma_start3A_99] : memref<10112x128xf32, #tpu.memory_space<vmem_shared>> -> memref<96x128xf32, #tpu.memory_space<vmem_shared>>
      %dma_start3A_101 = arith.constant 0 : i32
      %dma_start3A_102 = tpu.memref_slice %arg26[%add3A_10, %dma_start3A_101] : memref<10112x128xf32, #tpu.memory_space<vmem_shared>> -> memref<96x128xf32, #tpu.memory_space<vmem_shared>>
      %dma_start3A_103 = arith.constant 0 : i32
      %dma_start3A_104 = arith.constant 0 : i32
      %dma_start3A_105 = tpu.memref_slice %arg17[%dma_start3A_103, %dma_start3A_104] : memref<96x128xf32, #tpu.memory_space<vmem>> -> memref<96x128xf32, #tpu.memory_space<vmem>>
      tpu.enqueue_dma source(%dma_start3A_105 : memref<96x128xf32, #tpu.memory_space<vmem>>) target(%dma_start3A_102 : memref<96x128xf32, #tpu.memory_space<vmem_shared>>) target_semaphore(%run_scoped3A : memref<!tpu.dma_semaphore, #tpu.memory_space<semaphore_mem>>)
      %dma_wait3A_106 = arith.constant 0 : i32
      %dma_wait3A_107 = arith.constant 0 : i32
      %dma_wait3A_108 = tpu.memref_slice %arg17[%dma_wait3A_106, %dma_wait3A_107] : memref<96x128xf32, #tpu.memory_space<vmem>> -> memref<96x128xf32, #tpu.memory_space<vmem>>
      %dma_wait3A_109 = arith.constant 0 : i32
      %dma_wait3A_110 = tpu.memref_slice %arg26[%add3A_10, %dma_wait3A_109] : memref<10112x128xf32, #tpu.memory_space<vmem_shared>> -> memref<96x128xf32, #tpu.memory_space<vmem_shared>>
      %dma_wait3A_111 = arith.constant 0 : i32
      %dma_wait3A_112 = tpu.memref_slice %arg26[%add3A_10, %dma_wait3A_111] : memref<10112x128xf32, #tpu.memory_space<vmem_shared>> -> memref<96x128xf32, #tpu.memory_space<vmem_shared>>
      %dma_wait3A_113 = arith.constant 0 : i32
      %dma_wait3A_114 = arith.constant 0 : i32
      %dma_wait3A_115 = tpu.memref_slice %arg17[%dma_wait3A_113, %dma_wait3A_114] : memref<96x128xf32, #tpu.memory_space<vmem>> -> memref<96x128xf32, #tpu.memory_space<vmem>>
      tpu.wait_dma2 semaphore(%run_scoped3A : memref<!tpu.dma_semaphore, #tpu.memory_space<semaphore_mem>>) src(%dma_wait3A_115 : memref<96x128xf32, #tpu.memory_space<vmem>>) dst(%dma_wait3A_112 : memref<96x128xf32, #tpu.memory_space<vmem_shared>>)
      tpu.yield
    }) : () -> ()
    %add3A_11 = arith.constant 0 : i32
    %add3A_12 = arith.addi %mul3A_8, %add3A_11 : i32
    "tpu.region"() ({
      %run_scoped3A = tpu.sem_alloc : memref<!tpu.dma_semaphore, #tpu.memory_space<semaphore_mem>>
      %dma_start3A_96 = arith.constant 0 : i32
      %dma_start3A_97 = arith.constant 0 : i32
      %dma_start3A_98 = tpu.memref_slice %arg15[%dma_start3A_96, %dma_start3A_97] : memref<96x16xf32, #tpu.memory_space<vmem>> -> memref<96x16xf32, #tpu.memory_space<vmem>>
      %dma_start3A_99 = arith.constant 0 : i32
      %dma_start3A_100 = tpu.memref_slice %arg27[%add3A_12, %dma_start3A_99] : memref<10112x16xf32, #tpu.memory_space<vmem_shared>> -> memref<96x16xf32, #tpu.memory_space<vmem_shared>>
      %dma_start3A_101 = arith.constant 0 : i32
      %dma_start3A_102 = tpu.memref_slice %arg27[%add3A_12, %dma_start3A_101] : memref<10112x16xf32, #tpu.memory_space<vmem_shared>> -> memref<96x16xf32, #tpu.memory_space<vmem_shared>>
      %dma_start3A_103 = arith.constant 0 : i32
      %dma_start3A_104 = arith.constant 0 : i32
      %dma_start3A_105 = tpu.memref_slice %arg15[%dma_start3A_103, %dma_start3A_104] : memref<96x16xf32, #tpu.memory_space<vmem>> -> memref<96x16xf32, #tpu.memory_space<vmem>>
      tpu.enqueue_dma source(%dma_start3A_105 : memref<96x16xf32, #tpu.memory_space<vmem>>) target(%dma_start3A_102 : memref<96x16xf32, #tpu.memory_space<vmem_shared>>) target_semaphore(%run_scoped3A : memref<!tpu.dma_semaphore, #tpu.memory_space<semaphore_mem>>)
      %dma_wait3A_106 = arith.constant 0 : i32
      %dma_wait3A_107 = arith.constant 0 : i32
      %dma_wait3A_108 = tpu.memref_slice %arg15[%dma_wait3A_106, %dma_wait3A_107] : memref<96x16xf32, #tpu.memory_space<vmem>> -> memref<96x16xf32, #tpu.memory_space<vmem>>
      %dma_wait3A_109 = arith.constant 0 : i32
      %dma_wait3A_110 = tpu.memref_slice %arg27[%add3A_12, %dma_wait3A_109] : memref<10112x16xf32, #tpu.memory_space<vmem_shared>> -> memref<96x16xf32, #tpu.memory_space<vmem_shared>>
      %dma_wait3A_111 = arith.constant 0 : i32
      %dma_wait3A_112 = tpu.memref_slice %arg27[%add3A_12, %dma_wait3A_111] : memref<10112x16xf32, #tpu.memory_space<vmem_shared>> -> memref<96x16xf32, #tpu.memory_space<vmem_shared>>
      %dma_wait3A_113 = arith.constant 0 : i32
      %dma_wait3A_114 = arith.constant 0 : i32
      %dma_wait3A_115 = tpu.memref_slice %arg15[%dma_wait3A_113, %dma_wait3A_114] : memref<96x16xf32, #tpu.memory_space<vmem>> -> memref<96x16xf32, #tpu.memory_space<vmem>>
      tpu.wait_dma2 semaphore(%run_scoped3A : memref<!tpu.dma_semaphore, #tpu.memory_space<semaphore_mem>>) src(%dma_wait3A_115 : memref<96x16xf32, #tpu.memory_space<vmem>>) dst(%dma_wait3A_112 : memref<96x16xf32, #tpu.memory_space<vmem_shared>>)
      tpu.yield
    }) : () -> ()
    %add3A_13 = arith.constant 96 : i32
    %add3A_14 = arith.addi %mul3A_8, %add3A_13 : i32
    "tpu.region"() ({
      %run_scoped3A = tpu.sem_alloc : memref<!tpu.dma_semaphore, #tpu.memory_space<semaphore_mem>>
      %dma_start3A_96 = arith.constant 0 : i32
      %dma_start3A_97 = arith.constant 0 : i32
      %dma_start3A_98 = tpu.memref_slice %arg17[%dma_start3A_96, %dma_start3A_97] : memref<96x128xf32, #tpu.memory_space<vmem>> -> memref<96x128xf32, #tpu.memory_space<vmem>>
      %dma_start3A_99 = arith.constant 0 : i32
      %dma_start3A_100 = tpu.memref_slice %arg26[%add3A_14, %dma_start3A_99] : memref<10112x128xf32, #tpu.memory_space<vmem_shared>> -> memref<96x128xf32, #tpu.memory_space<vmem_shared>>
      %dma_start3A_101 = arith.constant 0 : i32
      %dma_start3A_102 = tpu.memref_slice %arg26[%add3A_14, %dma_start3A_101] : memref<10112x128xf32, #tpu.memory_space<vmem_shared>> -> memref<96x128xf32, #tpu.memory_space<vmem_shared>>
      %dma_start3A_103 = arith.constant 0 : i32
      %dma_start3A_104 = arith.constant 0 : i32
      %dma_start3A_105 = tpu.memref_slice %arg17[%dma_start3A_103, %dma_start3A_104] : memref<96x128xf32, #tpu.memory_space<vmem>> -> memref<96x128xf32, #tpu.memory_space<vmem>>
      tpu.enqueue_dma source(%dma_start3A_105 : memref<96x128xf32, #tpu.memory_space<vmem>>) target(%dma_start3A_102 : memref<96x128xf32, #tpu.memory_space<vmem_shared>>) target_semaphore(%run_scoped3A : memref<!tpu.dma_semaphore, #tpu.memory_space<semaphore_mem>>)
      %dma_wait3A_106 = arith.constant 0 : i32
      %dma_wait3A_107 = arith.constant 0 : i32
      %dma_wait3A_108 = tpu.memref_slice %arg17[%dma_wait3A_106, %dma_wait3A_107] : memref<96x128xf32, #tpu.memory_space<vmem>> -> memref<96x128xf32, #tpu.memory_space<vmem>>
      %dma_wait3A_109 = arith.constant 0 : i32
      %dma_wait3A_110 = tpu.memref_slice %arg26[%add3A_14, %dma_wait3A_109] : memref<10112x128xf32, #tpu.memory_space<vmem_shared>> -> memref<96x128xf32, #tpu.memory_space<vmem_shared>>
      %dma_wait3A_111 = arith.constant 0 : i32
      %dma_wait3A_112 = tpu.memref_slice %arg26[%add3A_14, %dma_wait3A_111] : memref<10112x128xf32, #tpu.memory_space<vmem_shared>> -> memref<96x128xf32, #tpu.memory_space<vmem_shared>>
      %dma_wait3A_113 = arith.constant 0 : i32
      %dma_wait3A_114 = arith.constant 0 : i32
      %dma_wait3A_115 = tpu.memref_slice %arg17[%dma_wait3A_113, %dma_wait3A_114] : memref<96x128xf32, #tpu.memory_space<vmem>> -> memref<96x128xf32, #tpu.memory_space<vmem>>
      tpu.wait_dma2 semaphore(%run_scoped3A : memref<!tpu.dma_semaphore, #tpu.memory_space<semaphore_mem>>) src(%dma_wait3A_115 : memref<96x128xf32, #tpu.memory_space<vmem>>) dst(%dma_wait3A_112 : memref<96x128xf32, #tpu.memory_space<vmem_shared>>)
      tpu.yield
    }) : () -> ()
    %add3A_15 = arith.constant 96 : i32
    %add3A_16 = arith.addi %mul3A_8, %add3A_15 : i32
    "tpu.region"() ({
      %run_scoped3A = tpu.sem_alloc : memref<!tpu.dma_semaphore, #tpu.memory_space<semaphore_mem>>
      %dma_start3A_96 = arith.constant 0 : i32
      %dma_start3A_97 = arith.constant 0 : i32
      %dma_start3A_98 = tpu.memref_slice %arg15[%dma_start3A_96, %dma_start3A_97] : memref<96x16xf32, #tpu.memory_space<vmem>> -> memref<96x16xf32, #tpu.memory_space<vmem>>
      %dma_start3A_99 = arith.constant 0 : i32
      %dma_start3A_100 = tpu.memref_slice %arg27[%add3A_16, %dma_start3A_99] : memref<10112x16xf32, #tpu.memory_space<vmem_shared>> -> memref<96x16xf32, #tpu.memory_space<vmem_shared>>
      %dma_start3A_101 = arith.constant 0 : i32
      %dma_start3A_102 = tpu.memref_slice %arg27[%add3A_16, %dma_start3A_101] : memref<10112x16xf32, #tpu.memory_space<vmem_shared>> -> memref<96x16xf32, #tpu.memory_space<vmem_shared>>
      %dma_start3A_103 = arith.constant 0 : i32
      %dma_start3A_104 = arith.constant 0 : i32
      %dma_start3A_105 = tpu.memref_slice %arg15[%dma_start3A_103, %dma_start3A_104] : memref<96x16xf32, #tpu.memory_space<vmem>> -> memref<96x16xf32, #tpu.memory_space<vmem>>
      tpu.enqueue_dma source(%dma_start3A_105 : memref<96x16xf32, #tpu.memory_space<vmem>>) target(%dma_start3A_102 : memref<96x16xf32, #tpu.memory_space<vmem_shared>>) target_semaphore(%run_scoped3A : memref<!tpu.dma_semaphore, #tpu.memory_space<semaphore_mem>>)
      %dma_wait3A_106 = arith.constant 0 : i32
      %dma_wait3A_107 = arith.constant 0 : i32
      %dma_wait3A_108 = tpu.memref_slice %arg15[%dma_wait3A_106, %dma_wait3A_107] : memref<96x16xf32, #tpu.memory_space<vmem>> -> memref<96x16xf32, #tpu.memory_space<vmem>>
      %dma_wait3A_109 = arith.constant 0 : i32
      %dma_wait3A_110 = tpu.memref_slice %arg27[%add3A_16, %dma_wait3A_109] : memref<10112x16xf32, #tpu.memory_space<vmem_shared>> -> memref<96x16xf32, #tpu.memory_space<vmem_shared>>
      %dma_wait3A_111 = arith.constant 0 : i32
      %dma_wait3A_112 = tpu.memref_slice %arg27[%add3A_16, %dma_wait3A_111] : memref<10112x16xf32, #tpu.memory_space<vmem_shared>> -> memref<96x16xf32, #tpu.memory_space<vmem_shared>>
      %dma_wait3A_113 = arith.constant 0 : i32
      %dma_wait3A_114 = arith.constant 0 : i32
      %dma_wait3A_115 = tpu.memref_slice %arg15[%dma_wait3A_113, %dma_wait3A_114] : memref<96x16xf32, #tpu.memory_space<vmem>> -> memref<96x16xf32, #tpu.memory_space<vmem>>
      tpu.wait_dma2 semaphore(%run_scoped3A : memref<!tpu.dma_semaphore, #tpu.memory_space<semaphore_mem>>) src(%dma_wait3A_115 : memref<96x16xf32, #tpu.memory_space<vmem>>) dst(%dma_wait3A_112 : memref<96x16xf32, #tpu.memory_space<vmem_shared>>)
      tpu.yield
    }) : () -> ()
    %add3A_17 = arith.constant 192 : i32
    %add3A_18 = arith.addi %mul3A_8, %add3A_17 : i32
    "tpu.region"() ({
      %run_scoped3A = tpu.sem_alloc : memref<!tpu.dma_semaphore, #tpu.memory_space<semaphore_mem>>
      %dma_start3A_96 = arith.constant 0 : i32
      %dma_start3A_97 = arith.constant 0 : i32
      %dma_start3A_98 = tpu.memref_slice %arg17[%dma_start3A_96, %dma_start3A_97] : memref<96x128xf32, #tpu.memory_space<vmem>> -> memref<96x128xf32, #tpu.memory_space<vmem>>
      %dma_start3A_99 = arith.constant 0 : i32
      %dma_start3A_100 = tpu.memref_slice %arg26[%add3A_18, %dma_start3A_99] : memref<10112x128xf32, #tpu.memory_space<vmem_shared>> -> memref<96x128xf32, #tpu.memory_space<vmem_shared>>
      %dma_start3A_101 = arith.constant 0 : i32
      %dma_start3A_102 = tpu.memref_slice %arg26[%add3A_18, %dma_start3A_101] : memref<10112x128xf32, #tpu.memory_space<vmem_shared>> -> memref<96x128xf32, #tpu.memory_space<vmem_shared>>
      %dma_start3A_103 = arith.constant 0 : i32
      %dma_start3A_104 = arith.constant 0 : i32
      %dma_start3A_105 = tpu.memref_slice %arg17[%dma_start3A_103, %dma_start3A_104] : memref<96x128xf32, #tpu.memory_space<vmem>> -> memref<96x128xf32, #tpu.memory_space<vmem>>
      tpu.enqueue_dma source(%dma_start3A_105 : memref<96x128xf32, #tpu.memory_space<vmem>>) target(%dma_start3A_102 : memref<96x128xf32, #tpu.memory_space<vmem_shared>>) target_semaphore(%run_scoped3A : memref<!tpu.dma_semaphore, #tpu.memory_space<semaphore_mem>>)
      %dma_wait3A_106 = arith.constant 0 : i32
      %dma_wait3A_107 = arith.constant 0 : i32
      %dma_wait3A_108 = tpu.memref_slice %arg17[%dma_wait3A_106, %dma_wait3A_107] : memref<96x128xf32, #tpu.memory_space<vmem>> -> memref<96x128xf32, #tpu.memory_space<vmem>>
      %dma_wait3A_109 = arith.constant 0 : i32
      %dma_wait3A_110 = tpu.memref_slice %arg26[%add3A_18, %dma_wait3A_109] : memref<10112x128xf32, #tpu.memory_space<vmem_shared>> -> memref<96x128xf32, #tpu.memory_space<vmem_shared>>
      %dma_wait3A_111 = arith.constant 0 : i32
      %dma_wait3A_112 = tpu.memref_slice %arg26[%add3A_18, %dma_wait3A_111] : memref<10112x128xf32, #tpu.memory_space<vmem_shared>> -> memref<96x128xf32, #tpu.memory_space<vmem_shared>>
      %dma_wait3A_113 = arith.constant 0 : i32
      %dma_wait3A_114 = arith.constant 0 : i32
      %dma_wait3A_115 = tpu.memref_slice %arg17[%dma_wait3A_113, %dma_wait3A_114] : memref<96x128xf32, #tpu.memory_space<vmem>> -> memref<96x128xf32, #tpu.memory_space<vmem>>
      tpu.wait_dma2 semaphore(%run_scoped3A : memref<!tpu.dma_semaphore, #tpu.memory_space<semaphore_mem>>) src(%dma_wait3A_115 : memref<96x128xf32, #tpu.memory_space<vmem>>) dst(%dma_wait3A_112 : memref<96x128xf32, #tpu.memory_space<vmem_shared>>)
      tpu.yield
    }) : () -> ()
    %add3A_19 = arith.constant 192 : i32
    %add3A_20 = arith.addi %mul3A_8, %add3A_19 : i32
    "tpu.region"() ({
      %run_scoped3A = tpu.sem_alloc : memref<!tpu.dma_semaphore, #tpu.memory_space<semaphore_mem>>
      %dma_start3A_96 = arith.constant 0 : i32
      %dma_start3A_97 = arith.constant 0 : i32
      %dma_start3A_98 = tpu.memref_slice %arg15[%dma_start3A_96, %dma_start3A_97] : memref<96x16xf32, #tpu.memory_space<vmem>> -> memref<96x16xf32, #tpu.memory_space<vmem>>
      %dma_start3A_99 = arith.constant 0 : i32
      %dma_start3A_100 = tpu.memref_slice %arg27[%add3A_20, %dma_start3A_99] : memref<10112x16xf32, #tpu.memory_space<vmem_shared>> -> memref<96x16xf32, #tpu.memory_space<vmem_shared>>
      %dma_start3A_101 = arith.constant 0 : i32
      %dma_start3A_102 = tpu.memref_slice %arg27[%add3A_20, %dma_start3A_101] : memref<10112x16xf32, #tpu.memory_space<vmem_shared>> -> memref<96x16xf32, #tpu.memory_space<vmem_shared>>
      %dma_start3A_103 = arith.constant 0 : i32
      %dma_start3A_104 = arith.constant 0 : i32
      %dma_start3A_105 = tpu.memref_slice %arg15[%dma_start3A_103, %dma_start3A_104] : memref<96x16xf32, #tpu.memory_space<vmem>> -> memref<96x16xf32, #tpu.memory_space<vmem>>
      tpu.enqueue_dma source(%dma_start3A_105 : memref<96x16xf32, #tpu.memory_space<vmem>>) target(%dma_start3A_102 : memref<96x16xf32, #tpu.memory_space<vmem_shared>>) target_semaphore(%run_scoped3A : memref<!tpu.dma_semaphore, #tpu.memory_space<semaphore_mem>>)
      %dma_wait3A_106 = arith.constant 0 : i32
      %dma_wait3A_107 = arith.constant 0 : i32
      %dma_wait3A_108 = tpu.memref_slice %arg15[%dma_wait3A_106, %dma_wait3A_107] : memref<96x16xf32, #tpu.memory_space<vmem>> -> memref<96x16xf32, #tpu.memory_space<vmem>>
      %dma_wait3A_109 = arith.constant 0 : i32
      %dma_wait3A_110 = tpu.memref_slice %arg27[%add3A_20, %dma_wait3A_109] : memref<10112x16xf32, #tpu.memory_space<vmem_shared>> -> memref<96x16xf32, #tpu.memory_space<vmem_shared>>
      %dma_wait3A_111 = arith.constant 0 : i32
      %dma_wait3A_112 = tpu.memref_slice %arg27[%add3A_20, %dma_wait3A_111] : memref<10112x16xf32, #tpu.memory_space<vmem_shared>> -> memref<96x16xf32, #tpu.memory_space<vmem_shared>>
      %dma_wait3A_113 = arith.constant 0 : i32
      %dma_wait3A_114 = arith.constant 0 : i32
      %dma_wait3A_115 = tpu.memref_slice %arg15[%dma_wait3A_113, %dma_wait3A_114] : memref<96x16xf32, #tpu.memory_space<vmem>> -> memref<96x16xf32, #tpu.memory_space<vmem>>
      tpu.wait_dma2 semaphore(%run_scoped3A : memref<!tpu.dma_semaphore, #tpu.memory_space<semaphore_mem>>) src(%dma_wait3A_115 : memref<96x16xf32, #tpu.memory_space<vmem>>) dst(%dma_wait3A_112 : memref<96x16xf32, #tpu.memory_space<vmem_shared>>)
      tpu.yield
    }) : () -> ()
    %add3A_21 = arith.constant 288 : i32
    %add3A_22 = arith.addi %mul3A_8, %add3A_21 : i32
    "tpu.region"() ({
      %run_scoped3A = tpu.sem_alloc : memref<!tpu.dma_semaphore, #tpu.memory_space<semaphore_mem>>
      %dma_start3A_96 = arith.constant 0 : i32
      %dma_start3A_97 = arith.constant 0 : i32
      %dma_start3A_98 = tpu.memref_slice %arg17[%dma_start3A_96, %dma_start3A_97] : memref<96x128xf32, #tpu.memory_space<vmem>> -> memref<96x128xf32, #tpu.memory_space<vmem>>
      %dma_start3A_99 = arith.constant 0 : i32
      %dma_start3A_100 = tpu.memref_slice %arg26[%add3A_22, %dma_start3A_99] : memref<10112x128xf32, #tpu.memory_space<vmem_shared>> -> memref<96x128xf32, #tpu.memory_space<vmem_shared>>
      %dma_start3A_101 = arith.constant 0 : i32
      %dma_start3A_102 = tpu.memref_slice %arg26[%add3A_22, %dma_start3A_101] : memref<10112x128xf32, #tpu.memory_space<vmem_shared>> -> memref<96x128xf32, #tpu.memory_space<vmem_shared>>
      %dma_start3A_103 = arith.constant 0 : i32
      %dma_start3A_104 = arith.constant 0 : i32
      %dma_start3A_105 = tpu.memref_slice %arg17[%dma_start3A_103, %dma_start3A_104] : memref<96x128xf32, #tpu.memory_space<vmem>> -> memref<96x128xf32, #tpu.memory_space<vmem>>
      tpu.enqueue_dma source(%dma_start3A_105 : memref<96x128xf32, #tpu.memory_space<vmem>>) target(%dma_start3A_102 : memref<96x128xf32, #tpu.memory_space<vmem_shared>>) target_semaphore(%run_scoped3A : memref<!tpu.dma_semaphore, #tpu.memory_space<semaphore_mem>>)
      %dma_wait3A_106 = arith.constant 0 : i32
      %dma_wait3A_107 = arith.constant 0 : i32
      %dma_wait3A_108 = tpu.memref_slice %arg17[%dma_wait3A_106, %dma_wait3A_107] : memref<96x128xf32, #tpu.memory_space<vmem>> -> memref<96x128xf32, #tpu.memory_space<vmem>>
      %dma_wait3A_109 = arith.constant 0 : i32
      %dma_wait3A_110 = tpu.memref_slice %arg26[%add3A_22, %dma_wait3A_109] : memref<10112x128xf32, #tpu.memory_space<vmem_shared>> -> memref<96x128xf32, #tpu.memory_space<vmem_shared>>
      %dma_wait3A_111 = arith.constant 0 : i32
      %dma_wait3A_112 = tpu.memref_slice %arg26[%add3A_22, %dma_wait3A_111] : memref<10112x128xf32, #tpu.memory_space<vmem_shared>> -> memref<96x128xf32, #tpu.memory_space<vmem_shared>>
      %dma_wait3A_113 = arith.constant 0 : i32
      %dma_wait3A_114 = arith.constant 0 : i32
      %dma_wait3A_115 = tpu.memref_slice %arg17[%dma_wait3A_113, %dma_wait3A_114] : memref<96x128xf32, #tpu.memory_space<vmem>> -> memref<96x128xf32, #tpu.memory_space<vmem>>
      tpu.wait_dma2 semaphore(%run_scoped3A : memref<!tpu.dma_semaphore, #tpu.memory_space<semaphore_mem>>) src(%dma_wait3A_115 : memref<96x128xf32, #tpu.memory_space<vmem>>) dst(%dma_wait3A_112 : memref<96x128xf32, #tpu.memory_space<vmem_shared>>)
      tpu.yield
    }) : () -> ()
    %add3A_23 = arith.constant 288 : i32
    %add3A_24 = arith.addi %mul3A_8, %add3A_23 : i32
    "tpu.region"() ({
      %run_scoped3A = tpu.sem_alloc : memref<!tpu.dma_semaphore, #tpu.memory_space<semaphore_mem>>
      %dma_start3A_96 = arith.constant 0 : i32
      %dma_start3A_97 = arith.constant 0 : i32
      %dma_start3A_98 = tpu.memref_slice %arg15[%dma_start3A_96, %dma_start3A_97] : memref<96x16xf32, #tpu.memory_space<vmem>> -> memref<96x16xf32, #tpu.memory_space<vmem>>
      %dma_start3A_99 = arith.constant 0 : i32
      %dma_start3A_100 = tpu.memref_slice %arg27[%add3A_24, %dma_start3A_99] : memref<10112x16xf32, #tpu.memory_space<vmem_shared>> -> memref<96x16xf32, #tpu.memory_space<vmem_shared>>
      %dma_start3A_101 = arith.constant 0 : i32
      %dma_start3A_102 = tpu.memref_slice %arg27[%add3A_24, %dma_start3A_101] : memref<10112x16xf32, #tpu.memory_space<vmem_shared>> -> memref<96x16xf32, #tpu.memory_space<vmem_shared>>
      %dma_start3A_103 = arith.constant 0 : i32
      %dma_start3A_104 = arith.constant 0 : i32
      %dma_start3A_105 = tpu.memref_slice %arg15[%dma_start3A_103, %dma_start3A_104] : memref<96x16xf32, #tpu.memory_space<vmem>> -> memref<96x16xf32, #tpu.memory_space<vmem>>
      tpu.enqueue_dma source(%dma_start3A_105 : memref<96x16xf32, #tpu.memory_space<vmem>>) target(%dma_start3A_102 : memref<96x16xf32, #tpu.memory_space<vmem_shared>>) target_semaphore(%run_scoped3A : memref<!tpu.dma_semaphore, #tpu.memory_space<semaphore_mem>>)
      %dma_wait3A_106 = arith.constant 0 : i32
      %dma_wait3A_107 = arith.constant 0 : i32
      %dma_wait3A_108 = tpu.memref_slice %arg15[%dma_wait3A_106, %dma_wait3A_107] : memref<96x16xf32, #tpu.memory_space<vmem>> -> memref<96x16xf32, #tpu.memory_space<vmem>>
      %dma_wait3A_109 = arith.constant 0 : i32
      %dma_wait3A_110 = tpu.memref_slice %arg27[%add3A_24, %dma_wait3A_109] : memref<10112x16xf32, #tpu.memory_space<vmem_shared>> -> memref<96x16xf32, #tpu.memory_space<vmem_shared>>
      %dma_wait3A_111 = arith.constant 0 : i32
      %dma_wait3A_112 = tpu.memref_slice %arg27[%add3A_24, %dma_wait3A_111] : memref<10112x16xf32, #tpu.memory_space<vmem_shared>> -> memref<96x16xf32, #tpu.memory_space<vmem_shared>>
      %dma_wait3A_113 = arith.constant 0 : i32
      %dma_wait3A_114 = arith.constant 0 : i32
      %dma_wait3A_115 = tpu.memref_slice %arg15[%dma_wait3A_113, %dma_wait3A_114] : memref<96x16xf32, #tpu.memory_space<vmem>> -> memref<96x16xf32, #tpu.memory_space<vmem>>
      tpu.wait_dma2 semaphore(%run_scoped3A : memref<!tpu.dma_semaphore, #tpu.memory_space<semaphore_mem>>) src(%dma_wait3A_115 : memref<96x16xf32, #tpu.memory_space<vmem>>) dst(%dma_wait3A_112 : memref<96x16xf32, #tpu.memory_space<vmem_shared>>)
      tpu.yield
    }) : () -> ()
    %add3A_25 = arith.constant 384 : i32
    %add3A_26 = arith.addi %mul3A_8, %add3A_25 : i32
    "tpu.region"() ({
      %run_scoped3A = tpu.sem_alloc : memref<!tpu.dma_semaphore, #tpu.memory_space<semaphore_mem>>
      %dma_start3A_96 = arith.constant 0 : i32
      %dma_start3A_97 = arith.constant 0 : i32
      %dma_start3A_98 = tpu.memref_slice %arg17[%dma_start3A_96, %dma_start3A_97] : memref<96x128xf32, #tpu.memory_space<vmem>> -> memref<96x128xf32, #tpu.memory_space<vmem>>
      %dma_start3A_99 = arith.constant 0 : i32
      %dma_start3A_100 = tpu.memref_slice %arg26[%add3A_26, %dma_start3A_99] : memref<10112x128xf32, #tpu.memory_space<vmem_shared>> -> memref<96x128xf32, #tpu.memory_space<vmem_shared>>
      %dma_start3A_101 = arith.constant 0 : i32
      %dma_start3A_102 = tpu.memref_slice %arg26[%add3A_26, %dma_start3A_101] : memref<10112x128xf32, #tpu.memory_space<vmem_shared>> -> memref<96x128xf32, #tpu.memory_space<vmem_shared>>
      %dma_start3A_103 = arith.constant 0 : i32
      %dma_start3A_104 = arith.constant 0 : i32
      %dma_start3A_105 = tpu.memref_slice %arg17[%dma_start3A_103, %dma_start3A_104] : memref<96x128xf32, #tpu.memory_space<vmem>> -> memref<96x128xf32, #tpu.memory_space<vmem>>
      tpu.enqueue_dma source(%dma_start3A_105 : memref<96x128xf32, #tpu.memory_space<vmem>>) target(%dma_start3A_102 : memref<96x128xf32, #tpu.memory_space<vmem_shared>>) target_semaphore(%run_scoped3A : memref<!tpu.dma_semaphore, #tpu.memory_space<semaphore_mem>>)
      %dma_wait3A_106 = arith.constant 0 : i32
      %dma_wait3A_107 = arith.constant 0 : i32
      %dma_wait3A_108 = tpu.memref_slice %arg17[%dma_wait3A_106, %dma_wait3A_107] : memref<96x128xf32, #tpu.memory_space<vmem>> -> memref<96x128xf32, #tpu.memory_space<vmem>>
      %dma_wait3A_109 = arith.constant 0 : i32
      %dma_wait3A_110 = tpu.memref_slice %arg26[%add3A_26, %dma_wait3A_109] : memref<10112x128xf32, #tpu.memory_space<vmem_shared>> -> memref<96x128xf32, #tpu.memory_space<vmem_shared>>
      %dma_wait3A_111 = arith.constant 0 : i32
      %dma_wait3A_112 = tpu.memref_slice %arg26[%add3A_26, %dma_wait3A_111] : memref<10112x128xf32, #tpu.memory_space<vmem_shared>> -> memref<96x128xf32, #tpu.memory_space<vmem_shared>>
      %dma_wait3A_113 = arith.constant 0 : i32
      %dma_wait3A_114 = arith.constant 0 : i32
      %dma_wait3A_115 = tpu.memref_slice %arg17[%dma_wait3A_113, %dma_wait3A_114] : memref<96x128xf32, #tpu.memory_space<vmem>> -> memref<96x128xf32, #tpu.memory_space<vmem>>
      tpu.wait_dma2 semaphore(%run_scoped3A : memref<!tpu.dma_semaphore, #tpu.memory_space<semaphore_mem>>) src(%dma_wait3A_115 : memref<96x128xf32, #tpu.memory_space<vmem>>) dst(%dma_wait3A_112 : memref<96x128xf32, #tpu.memory_space<vmem_shared>>)
      tpu.yield
    }) : () -> ()
    %add3A_27 = arith.constant 384 : i32
    %add3A_28 = arith.addi %mul3A_8, %add3A_27 : i32
    "tpu.region"() ({
      %run_scoped3A = tpu.sem_alloc : memref<!tpu.dma_semaphore, #tpu.memory_space<semaphore_mem>>
      %dma_start3A_96 = arith.constant 0 : i32
      %dma_start3A_97 = arith.constant 0 : i32
      %dma_start3A_98 = tpu.memref_slice %arg15[%dma_start3A_96, %dma_start3A_97] : memref<96x16xf32, #tpu.memory_space<vmem>> -> memref<96x16xf32, #tpu.memory_space<vmem>>
      %dma_start3A_99 = arith.constant 0 : i32
      %dma_start3A_100 = tpu.memref_slice %arg27[%add3A_28, %dma_start3A_99] : memref<10112x16xf32, #tpu.memory_space<vmem_shared>> -> memref<96x16xf32, #tpu.memory_space<vmem_shared>>
      %dma_start3A_101 = arith.constant 0 : i32
      %dma_start3A_102 = tpu.memref_slice %arg27[%add3A_28, %dma_start3A_101] : memref<10112x16xf32, #tpu.memory_space<vmem_shared>> -> memref<96x16xf32, #tpu.memory_space<vmem_shared>>
      %dma_start3A_103 = arith.constant 0 : i32
      %dma_start3A_104 = arith.constant 0 : i32
      %dma_start3A_105 = tpu.memref_slice %arg15[%dma_start3A_103, %dma_start3A_104] : memref<96x16xf32, #tpu.memory_space<vmem>> -> memref<96x16xf32, #tpu.memory_space<vmem>>
      tpu.enqueue_dma source(%dma_start3A_105 : memref<96x16xf32, #tpu.memory_space<vmem>>) target(%dma_start3A_102 : memref<96x16xf32, #tpu.memory_space<vmem_shared>>) target_semaphore(%run_scoped3A : memref<!tpu.dma_semaphore, #tpu.memory_space<semaphore_mem>>)
      %dma_wait3A_106 = arith.constant 0 : i32
      %dma_wait3A_107 = arith.constant 0 : i32
      %dma_wait3A_108 = tpu.memref_slice %arg15[%dma_wait3A_106, %dma_wait3A_107] : memref<96x16xf32, #tpu.memory_space<vmem>> -> memref<96x16xf32, #tpu.memory_space<vmem>>
      %dma_wait3A_109 = arith.constant 0 : i32
      %dma_wait3A_110 = tpu.memref_slice %arg27[%add3A_28, %dma_wait3A_109] : memref<10112x16xf32, #tpu.memory_space<vmem_shared>> -> memref<96x16xf32, #tpu.memory_space<vmem_shared>>
      %dma_wait3A_111 = arith.constant 0 : i32
      %dma_wait3A_112 = tpu.memref_slice %arg27[%add3A_28, %dma_wait3A_111] : memref<10112x16xf32, #tpu.memory_space<vmem_shared>> -> memref<96x16xf32, #tpu.memory_space<vmem_shared>>
      %dma_wait3A_113 = arith.constant 0 : i32
      %dma_wait3A_114 = arith.constant 0 : i32
      %dma_wait3A_115 = tpu.memref_slice %arg15[%dma_wait3A_113, %dma_wait3A_114] : memref<96x16xf32, #tpu.memory_space<vmem>> -> memref<96x16xf32, #tpu.memory_space<vmem>>
      tpu.wait_dma2 semaphore(%run_scoped3A : memref<!tpu.dma_semaphore, #tpu.memory_space<semaphore_mem>>) src(%dma_wait3A_115 : memref<96x16xf32, #tpu.memory_space<vmem>>) dst(%dma_wait3A_112 : memref<96x16xf32, #tpu.memory_space<vmem_shared>>)
      tpu.yield
    }) : () -> ()
    %add3A_29 = arith.constant 480 : i32
    %add3A_30 = arith.addi %mul3A_8, %add3A_29 : i32
    "tpu.region"() ({
      %run_scoped3A = tpu.sem_alloc : memref<!tpu.dma_semaphore, #tpu.memory_space<semaphore_mem>>
      %dma_start3A_96 = arith.constant 0 : i32
      %dma_start3A_97 = arith.constant 0 : i32
      %dma_start3A_98 = tpu.memref_slice %arg17[%dma_start3A_96, %dma_start3A_97] : memref<96x128xf32, #tpu.memory_space<vmem>> -> memref<96x128xf32, #tpu.memory_space<vmem>>
      %dma_start3A_99 = arith.constant 0 : i32
      %dma_start3A_100 = tpu.memref_slice %arg26[%add3A_30, %dma_start3A_99] : memref<10112x128xf32, #tpu.memory_space<vmem_shared>> -> memref<96x128xf32, #tpu.memory_space<vmem_shared>>
      %dma_start3A_101 = arith.constant 0 : i32
      %dma_start3A_102 = tpu.memref_slice %arg26[%add3A_30, %dma_start3A_101] : memref<10112x128xf32, #tpu.memory_space<vmem_shared>> -> memref<96x128xf32, #tpu.memory_space<vmem_shared>>
      %dma_start3A_103 = arith.constant 0 : i32
      %dma_start3A_104 = arith.constant 0 : i32
      %dma_start3A_105 = tpu.memref_slice %arg17[%dma_start3A_103, %dma_start3A_104] : memref<96x128xf32, #tpu.memory_space<vmem>> -> memref<96x128xf32, #tpu.memory_space<vmem>>
      tpu.enqueue_dma source(%dma_start3A_105 : memref<96x128xf32, #tpu.memory_space<vmem>>) target(%dma_start3A_102 : memref<96x128xf32, #tpu.memory_space<vmem_shared>>) target_semaphore(%run_scoped3A : memref<!tpu.dma_semaphore, #tpu.memory_space<semaphore_mem>>)
      %dma_wait3A_106 = arith.constant 0 : i32
      %dma_wait3A_107 = arith.constant 0 : i32
      %dma_wait3A_108 = tpu.memref_slice %arg17[%dma_wait3A_106, %dma_wait3A_107] : memref<96x128xf32, #tpu.memory_space<vmem>> -> memref<96x128xf32, #tpu.memory_space<vmem>>
      %dma_wait3A_109 = arith.constant 0 : i32
      %dma_wait3A_110 = tpu.memref_slice %arg26[%add3A_30, %dma_wait3A_109] : memref<10112x128xf32, #tpu.memory_space<vmem_shared>> -> memref<96x128xf32, #tpu.memory_space<vmem_shared>>
      %dma_wait3A_111 = arith.constant 0 : i32
      %dma_wait3A_112 = tpu.memref_slice %arg26[%add3A_30, %dma_wait3A_111] : memref<10112x128xf32, #tpu.memory_space<vmem_shared>> -> memref<96x128xf32, #tpu.memory_space<vmem_shared>>
      %dma_wait3A_113 = arith.constant 0 : i32
      %dma_wait3A_114 = arith.constant 0 : i32
      %dma_wait3A_115 = tpu.memref_slice %arg17[%dma_wait3A_113, %dma_wait3A_114] : memref<96x128xf32, #tpu.memory_space<vmem>> -> memref<96x128xf32, #tpu.memory_space<vmem>>
      tpu.wait_dma2 semaphore(%run_scoped3A : memref<!tpu.dma_semaphore, #tpu.memory_space<semaphore_mem>>) src(%dma_wait3A_115 : memref<96x128xf32, #tpu.memory_space<vmem>>) dst(%dma_wait3A_112 : memref<96x128xf32, #tpu.memory_space<vmem_shared>>)
      tpu.yield
    }) : () -> ()
    %add3A_31 = arith.constant 480 : i32
    %add3A_32 = arith.addi %mul3A_8, %add3A_31 : i32
    "tpu.region"() ({
      %run_scoped3A = tpu.sem_alloc : memref<!tpu.dma_semaphore, #tpu.memory_space<semaphore_mem>>
      %dma_start3A_96 = arith.constant 0 : i32
      %dma_start3A_97 = arith.constant 0 : i32
      %dma_start3A_98 = tpu.memref_slice %arg15[%dma_start3A_96, %dma_start3A_97] : memref<96x16xf32, #tpu.memory_space<vmem>> -> memref<96x16xf32, #tpu.memory_space<vmem>>
      %dma_start3A_99 = arith.constant 0 : i32
      %dma_start3A_100 = tpu.memref_slice %arg27[%add3A_32, %dma_start3A_99] : memref<10112x16xf32, #tpu.memory_space<vmem_shared>> -> memref<96x16xf32, #tpu.memory_space<vmem_shared>>
      %dma_start3A_101 = arith.constant 0 : i32
      %dma_start3A_102 = tpu.memref_slice %arg27[%add3A_32, %dma_start3A_101] : memref<10112x16xf32, #tpu.memory_space<vmem_shared>> -> memref<96x16xf32, #tpu.memory_space<vmem_shared>>
      %dma_start3A_103 = arith.constant 0 : i32
      %dma_start3A_104 = arith.constant 0 : i32
      %dma_start3A_105 = tpu.memref_slice %arg15[%dma_start3A_103, %dma_start3A_104] : memref<96x16xf32, #tpu.memory_space<vmem>> -> memref<96x16xf32, #tpu.memory_space<vmem>>
      tpu.enqueue_dma source(%dma_start3A_105 : memref<96x16xf32, #tpu.memory_space<vmem>>) target(%dma_start3A_102 : memref<96x16xf32, #tpu.memory_space<vmem_shared>>) target_semaphore(%run_scoped3A : memref<!tpu.dma_semaphore, #tpu.memory_space<semaphore_mem>>)
      %dma_wait3A_106 = arith.constant 0 : i32
      %dma_wait3A_107 = arith.constant 0 : i32
      %dma_wait3A_108 = tpu.memref_slice %arg15[%dma_wait3A_106, %dma_wait3A_107] : memref<96x16xf32, #tpu.memory_space<vmem>> -> memref<96x16xf32, #tpu.memory_space<vmem>>
      %dma_wait3A_109 = arith.constant 0 : i32
      %dma_wait3A_110 = tpu.memref_slice %arg27[%add3A_32, %dma_wait3A_109] : memref<10112x16xf32, #tpu.memory_space<vmem_shared>> -> memref<96x16xf32, #tpu.memory_space<vmem_shared>>
      %dma_wait3A_111 = arith.constant 0 : i32
      %dma_wait3A_112 = tpu.memref_slice %arg27[%add3A_32, %dma_wait3A_111] : memref<10112x16xf32, #tpu.memory_space<vmem_shared>> -> memref<96x16xf32, #tpu.memory_space<vmem_shared>>
      %dma_wait3A_113 = arith.constant 0 : i32
      %dma_wait3A_114 = arith.constant 0 : i32
      %dma_wait3A_115 = tpu.memref_slice %arg15[%dma_wait3A_113, %dma_wait3A_114] : memref<96x16xf32, #tpu.memory_space<vmem>> -> memref<96x16xf32, #tpu.memory_space<vmem>>
      tpu.wait_dma2 semaphore(%run_scoped3A : memref<!tpu.dma_semaphore, #tpu.memory_space<semaphore_mem>>) src(%dma_wait3A_115 : memref<96x16xf32, #tpu.memory_space<vmem>>) dst(%dma_wait3A_112 : memref<96x16xf32, #tpu.memory_space<vmem_shared>>)
      tpu.yield
    }) : () -> ()
    %add3A_33 = arith.constant 576 : i32
    %add3A_34 = arith.addi %mul3A_8, %add3A_33 : i32
    "tpu.region"() ({
      %run_scoped3A = tpu.sem_alloc : memref<!tpu.dma_semaphore, #tpu.memory_space<semaphore_mem>>
      %dma_start3A_96 = arith.constant 0 : i32
      %dma_start3A_97 = arith.constant 0 : i32
      %dma_start3A_98 = tpu.memref_slice %arg17[%dma_start3A_96, %dma_start3A_97] : memref<96x128xf32, #tpu.memory_space<vmem>> -> memref<56x128xf32, #tpu.memory_space<vmem>>
      %dma_start3A_99 = arith.constant 0 : i32
      %dma_start3A_100 = tpu.memref_slice %arg26[%add3A_34, %dma_start3A_99] : memref<10112x128xf32, #tpu.memory_space<vmem_shared>> -> memref<56x128xf32, #tpu.memory_space<vmem_shared>>
      %dma_start3A_101 = arith.constant 0 : i32
      %dma_start3A_102 = tpu.memref_slice %arg26[%add3A_34, %dma_start3A_101] : memref<10112x128xf32, #tpu.memory_space<vmem_shared>> -> memref<56x128xf32, #tpu.memory_space<vmem_shared>>
      %dma_start3A_103 = arith.constant 0 : i32
      %dma_start3A_104 = arith.constant 0 : i32
      %dma_start3A_105 = tpu.memref_slice %arg17[%dma_start3A_103, %dma_start3A_104] : memref<96x128xf32, #tpu.memory_space<vmem>> -> memref<56x128xf32, #tpu.memory_space<vmem>>
      tpu.enqueue_dma source(%dma_start3A_105 : memref<56x128xf32, #tpu.memory_space<vmem>>) target(%dma_start3A_102 : memref<56x128xf32, #tpu.memory_space<vmem_shared>>) target_semaphore(%run_scoped3A : memref<!tpu.dma_semaphore, #tpu.memory_space<semaphore_mem>>)
      %dma_wait3A_106 = arith.constant 0 : i32
      %dma_wait3A_107 = arith.constant 0 : i32
      %dma_wait3A_108 = tpu.memref_slice %arg17[%dma_wait3A_106, %dma_wait3A_107] : memref<96x128xf32, #tpu.memory_space<vmem>> -> memref<56x128xf32, #tpu.memory_space<vmem>>
      %dma_wait3A_109 = arith.constant 0 : i32
      %dma_wait3A_110 = tpu.memref_slice %arg26[%add3A_34, %dma_wait3A_109] : memref<10112x128xf32, #tpu.memory_space<vmem_shared>> -> memref<56x128xf32, #tpu.memory_space<vmem_shared>>
      %dma_wait3A_111 = arith.constant 0 : i32
      %dma_wait3A_112 = tpu.memref_slice %arg26[%add3A_34, %dma_wait3A_111] : memref<10112x128xf32, #tpu.memory_space<vmem_shared>> -> memref<56x128xf32, #tpu.memory_space<vmem_shared>>
      %dma_wait3A_113 = arith.constant 0 : i32
      %dma_wait3A_114 = arith.constant 0 : i32
      %dma_wait3A_115 = tpu.memref_slice %arg17[%dma_wait3A_113, %dma_wait3A_114] : memref<96x128xf32, #tpu.memory_space<vmem>> -> memref<56x128xf32, #tpu.memory_space<vmem>>
      tpu.wait_dma2 semaphore(%run_scoped3A : memref<!tpu.dma_semaphore, #tpu.memory_space<semaphore_mem>>) src(%dma_wait3A_115 : memref<56x128xf32, #tpu.memory_space<vmem>>) dst(%dma_wait3A_112 : memref<56x128xf32, #tpu.memory_space<vmem_shared>>)
      tpu.yield
    }) : () -> ()
    %add3A_35 = arith.constant 576 : i32
    %add3A_36 = arith.addi %mul3A_8, %add3A_35 : i32
    "tpu.region"() ({
      %run_scoped3A = tpu.sem_alloc : memref<!tpu.dma_semaphore, #tpu.memory_space<semaphore_mem>>
      %dma_start3A_96 = arith.constant 0 : i32
      %dma_start3A_97 = arith.constant 0 : i32
      %dma_start3A_98 = tpu.memref_slice %arg15[%dma_start3A_96, %dma_start3A_97] : memref<96x16xf32, #tpu.memory_space<vmem>> -> memref<56x16xf32, #tpu.memory_space<vmem>>
      %dma_start3A_99 = arith.constant 0 : i32
      %dma_start3A_100 = tpu.memref_slice %arg27[%add3A_36, %dma_start3A_99] : memref<10112x16xf32, #tpu.memory_space<vmem_shared>> -> memref<56x16xf32, #tpu.memory_space<vmem_shared>>
      %dma_start3A_101 = arith.constant 0 : i32
      %dma_start3A_102 = tpu.memref_slice %arg27[%add3A_36, %dma_start3A_101] : memref<10112x16xf32, #tpu.memory_space<vmem_shared>> -> memref<56x16xf32, #tpu.memory_space<vmem_shared>>
      %dma_start3A_103 = arith.constant 0 : i32
      %dma_start3A_104 = arith.constant 0 : i32
      %dma_start3A_105 = tpu.memref_slice %arg15[%dma_start3A_103, %dma_start3A_104] : memref<96x16xf32, #tpu.memory_space<vmem>> -> memref<56x16xf32, #tpu.memory_space<vmem>>
      tpu.enqueue_dma source(%dma_start3A_105 : memref<56x16xf32, #tpu.memory_space<vmem>>) target(%dma_start3A_102 : memref<56x16xf32, #tpu.memory_space<vmem_shared>>) target_semaphore(%run_scoped3A : memref<!tpu.dma_semaphore, #tpu.memory_space<semaphore_mem>>)
      %dma_wait3A_106 = arith.constant 0 : i32
      %dma_wait3A_107 = arith.constant 0 : i32
      %dma_wait3A_108 = tpu.memref_slice %arg15[%dma_wait3A_106, %dma_wait3A_107] : memref<96x16xf32, #tpu.memory_space<vmem>> -> memref<56x16xf32, #tpu.memory_space<vmem>>
      %dma_wait3A_109 = arith.constant 0 : i32
      %dma_wait3A_110 = tpu.memref_slice %arg27[%add3A_36, %dma_wait3A_109] : memref<10112x16xf32, #tpu.memory_space<vmem_shared>> -> memref<56x16xf32, #tpu.memory_space<vmem_shared>>
      %dma_wait3A_111 = arith.constant 0 : i32
      %dma_wait3A_112 = tpu.memref_slice %arg27[%add3A_36, %dma_wait3A_111] : memref<10112x16xf32, #tpu.memory_space<vmem_shared>> -> memref<56x16xf32, #tpu.memory_space<vmem_shared>>
      %dma_wait3A_113 = arith.constant 0 : i32
      %dma_wait3A_114 = arith.constant 0 : i32
      %dma_wait3A_115 = tpu.memref_slice %arg15[%dma_wait3A_113, %dma_wait3A_114] : memref<96x16xf32, #tpu.memory_space<vmem>> -> memref<56x16xf32, #tpu.memory_space<vmem>>
      tpu.wait_dma2 semaphore(%run_scoped3A : memref<!tpu.dma_semaphore, #tpu.memory_space<semaphore_mem>>) src(%dma_wait3A_115 : memref<56x16xf32, #tpu.memory_space<vmem>>) dst(%dma_wait3A_112 : memref<56x16xf32, #tpu.memory_space<vmem_shared>>)
      tpu.yield
    }) : () -> ()
    %barrier3A = arith.constant 0 : index
    tpu.barrier barrier_id(%barrier3A)
    %mul3A_37 = arith.constant 108 : i32
    %mul3A_38 = arith.muli %add3A, %mul3A_37 : i32
    %add3A_39 = arith.constant 0 : i32
    %add3A_40 = arith.addi %mul3A_38, %add3A_39 : i32
    "tpu.region"() ({
      %run_scoped3A = tpu.sem_alloc : memref<!tpu.dma_semaphore, #tpu.memory_space<semaphore_mem>>
      %dma_start3A_96 = arith.constant 0 : i32
      %dma_start3A_97 = tpu.memref_slice %arg2[%add3A_40, %dma_start3A_96] : memref<3456x96xi32, #tpu.memory_space<hbm>> -> memref<1x96xi32, #tpu.memory_space<hbm>>
      %dma_start3A_98 = arith.constant 0 : i32
      %dma_start3A_99 = tpu.memref_slice %arg2[%add3A_40, %dma_start3A_98] : memref<3456x96xi32, #tpu.memory_space<hbm>> -> memref<1x96xi32, #tpu.memory_space<hbm>>
      tpu.enqueue_dma source(%dma_start3A_99 : memref<1x96xi32, #tpu.memory_space<hbm>>) target(%arg10 : memref<1x96xi32, #tpu.memory_space<vmem>>) target_semaphore(%run_scoped3A : memref<!tpu.dma_semaphore, #tpu.memory_space<semaphore_mem>>)
      %dma_wait3A_100 = arith.constant 0 : i32
      %dma_wait3A_101 = tpu.memref_slice %arg2[%add3A_40, %dma_wait3A_100] : memref<3456x96xi32, #tpu.memory_space<hbm>> -> memref<1x96xi32, #tpu.memory_space<hbm>>
      %dma_wait3A_102 = arith.constant 0 : i32
      %dma_wait3A_103 = tpu.memref_slice %arg2[%add3A_40, %dma_wait3A_102] : memref<3456x96xi32, #tpu.memory_space<hbm>> -> memref<1x96xi32, #tpu.memory_space<hbm>>
      tpu.wait_dma2 semaphore(%run_scoped3A : memref<!tpu.dma_semaphore, #tpu.memory_space<semaphore_mem>>) src(%dma_wait3A_103 : memref<1x96xi32, #tpu.memory_space<hbm>>) dst(%arg10 : memref<1x96xi32, #tpu.memory_space<vmem>>)
      tpu.yield
    }) : () -> ()
    "tpu.region"() ({
      %run_scoped3A = tpu.sem_alloc : memref<!tpu.dma_semaphore, #tpu.memory_space<semaphore_mem>>
      %dma_start3A_96 = arith.constant 0 : i32
      %dma_start3A_97 = tpu.memref_slice %arg3[%add3A_40, %dma_start3A_96] : memref<3456x96xi32, #tpu.memory_space<hbm>> -> memref<1x96xi32, #tpu.memory_space<hbm>>
      %dma_start3A_98 = arith.constant 0 : i32
      %dma_start3A_99 = tpu.memref_slice %arg3[%add3A_40, %dma_start3A_98] : memref<3456x96xi32, #tpu.memory_space<hbm>> -> memref<1x96xi32, #tpu.memory_space<hbm>>
      tpu.enqueue_dma source(%dma_start3A_99 : memref<1x96xi32, #tpu.memory_space<hbm>>) target(%arg11 : memref<1x96xi32, #tpu.memory_space<vmem>>) target_semaphore(%run_scoped3A : memref<!tpu.dma_semaphore, #tpu.memory_space<semaphore_mem>>)
      %dma_wait3A_100 = arith.constant 0 : i32
      %dma_wait3A_101 = tpu.memref_slice %arg3[%add3A_40, %dma_wait3A_100] : memref<3456x96xi32, #tpu.memory_space<hbm>> -> memref<1x96xi32, #tpu.memory_space<hbm>>
      %dma_wait3A_102 = arith.constant 0 : i32
      %dma_wait3A_103 = tpu.memref_slice %arg3[%add3A_40, %dma_wait3A_102] : memref<3456x96xi32, #tpu.memory_space<hbm>> -> memref<1x96xi32, #tpu.memory_space<hbm>>
      tpu.wait_dma2 semaphore(%run_scoped3A : memref<!tpu.dma_semaphore, #tpu.memory_space<semaphore_mem>>) src(%dma_wait3A_103 : memref<1x96xi32, #tpu.memory_space<hbm>>) dst(%arg11 : memref<1x96xi32, #tpu.memory_space<vmem>>)
      tpu.yield
    }) : () -> ()
    "tpu.region"() ({
      %run_scoped3A = tpu.sem_alloc : memref<!tpu.dma_semaphore, #tpu.memory_space<semaphore_mem>>
      %dma_start3A_96 = arith.constant 0 : i32
      %dma_start3A_97 = tpu.memref_slice %arg4[%add3A_40, %dma_start3A_96] : memref<3456x96xi32, #tpu.memory_space<hbm>> -> memref<1x96xi32, #tpu.memory_space<hbm>>
      %dma_start3A_98 = arith.constant 0 : i32
      %dma_start3A_99 = tpu.memref_slice %arg4[%add3A_40, %dma_start3A_98] : memref<3456x96xi32, #tpu.memory_space<hbm>> -> memref<1x96xi32, #tpu.memory_space<hbm>>
      tpu.enqueue_dma source(%dma_start3A_99 : memref<1x96xi32, #tpu.memory_space<hbm>>) target(%arg12 : memref<1x96xi32, #tpu.memory_space<vmem>>) target_semaphore(%run_scoped3A : memref<!tpu.dma_semaphore, #tpu.memory_space<semaphore_mem>>)
      %dma_wait3A_100 = arith.constant 0 : i32
      %dma_wait3A_101 = tpu.memref_slice %arg4[%add3A_40, %dma_wait3A_100] : memref<3456x96xi32, #tpu.memory_space<hbm>> -> memref<1x96xi32, #tpu.memory_space<hbm>>
      %dma_wait3A_102 = arith.constant 0 : i32
      %dma_wait3A_103 = tpu.memref_slice %arg4[%add3A_40, %dma_wait3A_102] : memref<3456x96xi32, #tpu.memory_space<hbm>> -> memref<1x96xi32, #tpu.memory_space<hbm>>
      tpu.wait_dma2 semaphore(%run_scoped3A : memref<!tpu.dma_semaphore, #tpu.memory_space<semaphore_mem>>) src(%dma_wait3A_103 : memref<1x96xi32, #tpu.memory_space<hbm>>) dst(%arg12 : memref<1x96xi32, #tpu.memory_space<vmem>>)
      tpu.yield
    }) : () -> ()
    %scan3A_41 = arith.constant 0 : i32
    %scan3A_42 = arith.constant 0 : i32
    %scan3A_43 = arith.constant 6 : i32
    %scan3A_44 = arith.addi %scan3A_42, %scan3A_43 : i32
    %scan3A_45 = arith.constant 1 : i32
    %scan3A_46 = scf.for %scan3A_96 = %scan3A_42 to %scan3A_44 step %scan3A_45 iter_args(%scan3A_97 = %scan3A_41) -> (i32)  : i32 {
      %mul3A_98 = arith.constant 16 : i32
      %mul3A_99 = arith.muli %scan3A_96, %mul3A_98 : i32
      %get3A = arith.constant 0 : i32
      %get3A_100 = arith.index_cast %get3A : i32 to index
      %get3A_101 = arith.index_cast %mul3A_99 : i32 to index
      %get3A_102 = tpu.vector_load %arg10[%get3A_100, %get3A_101] {strides = array<i32>} : memref<1x96xi32, #tpu.memory_space<vmem>>, vector<1x16xi32>,
      %get3A_103 = vector.shape_cast %get3A_102 : vector<1x16xi32> to vector<16xi32>
      %mul3A_104 = arith.constant 10000 : i32
      %mul3A_105 = vector.broadcast %mul3A_104 : i32 to vector<16xi32>
      %mul3A_106 = arith.muli %get3A_103, %mul3A_105 : vector<16xi32>
      %get3A_107 = arith.constant 0 : i32
      %get3A_108 = arith.index_cast %get3A_107 : i32 to index
      %get3A_109 = arith.index_cast %mul3A_99 : i32 to index
      %get3A_110 = tpu.vector_load %arg11[%get3A_108, %get3A_109] {strides = array<i32>} : memref<1x96xi32, #tpu.memory_space<vmem>>, vector<1x16xi32>,
      %get3A_111 = vector.shape_cast %get3A_110 : vector<1x16xi32> to vector<16xi32>
      %add3A_112 = arith.addi %mul3A_106, %get3A_111 : vector<16xi32>
      %swap3A = arith.constant 0 : i32
      %swap3A_113 = arith.index_cast %swap3A : i32 to index
      %swap3A_114 = arith.index_cast %mul3A_99 : i32 to index
      %swap3A_115 = tpu.vector_load %arg13[%swap3A_113, %swap3A_114] {strides = array<i32>} : memref<1x96xi32, #tpu.memory_space<vmem>>, vector<1x16xi32>,
      %swap3A_116 = vector.shape_cast %swap3A_115 : vector<1x16xi32> to vector<16xi32>
      %swap3A_117 = vector.shape_cast %add3A_112 : vector<16xi32> to vector<1x16xi32>
      tpu.vector_store %arg13[%swap3A_113, %swap3A_114], %swap3A_117 {strides = array<i32>} : memref<1x96xi32, #tpu.memory_space<vmem>>, vector<1x16xi32>,
      %get3A_118 = arith.constant 0 : i32
      %get3A_119 = arith.index_cast %get3A_118 : i32 to index
      %get3A_120 = arith.index_cast %mul3A_99 : i32 to index
      %get3A_121 = tpu.vector_load %arg12[%get3A_119, %get3A_120] {strides = array<i32>} : memref<1x96xi32, #tpu.memory_space<vmem>>, vector<1x16xi32>,
      %get3A_122 = vector.shape_cast %get3A_121 : vector<1x16xi32> to vector<16xi32>
      %add3A_123 = arith.addi %mul3A_106, %get3A_122 : vector<16xi32>
      %swap3A_124 = arith.constant 0 : i32
      %swap3A_125 = arith.index_cast %swap3A_124 : i32 to index
      %swap3A_126 = arith.index_cast %mul3A_99 : i32 to index
      %swap3A_127 = tpu.vector_load %arg14[%swap3A_125, %swap3A_126] {strides = array<i32>} : memref<1x96xi32, #tpu.memory_space<vmem>>, vector<1x16xi32>,
      %swap3A_128 = vector.shape_cast %swap3A_127 : vector<1x16xi32> to vector<16xi32>
      %swap3A_129 = vector.shape_cast %add3A_123 : vector<16xi32> to vector<1x16xi32>
      tpu.vector_store %arg14[%swap3A_125, %swap3A_126], %swap3A_129 {strides = array<i32>} : memref<1x96xi32, #tpu.memory_space<vmem>>, vector<1x16xi32>,
      %scan3A_130 = arith.constant 0 : i32
      scf.yield %scan3A_130 : i32
    }
    %scan3A_47 = arith.constant 6 : i32
    %dma_start3A = arith.constant 0 : i32
    %dma_start3A_48 = arith.constant 0 : i32
    %dma_start3A_49 = tpu.memref_slice %arg14[%dma_start3A, %dma_start3A_48] : memref<1x96xi32, #tpu.memory_space<vmem>> -> memref<1x96xi32, #tpu.memory_space<vmem>>
    %dma_start3A_50 = tpu.memref_squeeze %dma_start3A_49 : memref<1x96xi32, #tpu.memory_space<vmem>> -> memref<96xi32, #tpu.memory_space<vmem>>
    %dma_start3A_51 = arith.constant 0 : i32
    %dma_start3A_52 = arith.constant 0 : i32
    %dma_start3A_53 = tpu.memref_slice %arg6[%dma_start3A_51, %dma_start3A_52] : memref<80000x16xf32, #tpu.memory_space<hbm>> -> memref<80000x16xf32, #tpu.memory_space<hbm>>
    tpu.enqueue_indirect_dma source(%dma_start3A_53 : memref<80000x16xf32, #tpu.memory_space<hbm>>) target(%arg15 : memref<96x16xf32, #tpu.memory_space<vmem>>) offsets(%dma_start3A_50 : memref<96xi32, #tpu.memory_space<vmem>>) semaphore(%arg28 : memref<!tpu.dma_semaphore, #tpu.memory_space<semaphore_mem>>)
    %dma_start3A_54 = arith.constant 0 : i32
    %dma_start3A_55 = arith.constant 0 : i32
    %dma_start3A_56 = tpu.memref_slice %arg13[%dma_start3A_54, %dma_start3A_55] : memref<1x96xi32, #tpu.memory_space<vmem>> -> memref<1x96xi32, #tpu.memory_space<vmem>>
    %dma_start3A_57 = tpu.memref_squeeze %dma_start3A_56 : memref<1x96xi32, #tpu.memory_space<vmem>> -> memref<96xi32, #tpu.memory_space<vmem>>
    %dma_start3A_58 = arith.constant 0 : i32
    %dma_start3A_59 = arith.constant 0 : i32
    %dma_start3A_60 = tpu.memref_slice %arg7[%dma_start3A_58, %dma_start3A_59] : memref<80000x16xf32, #tpu.memory_space<hbm>> -> memref<80000x16xf32, #tpu.memory_space<hbm>>
    tpu.enqueue_indirect_dma source(%dma_start3A_60 : memref<80000x16xf32, #tpu.memory_space<hbm>>) target(%arg16 : memref<96x16xf32, #tpu.memory_space<vmem>>) offsets(%dma_start3A_57 : memref<96xi32, #tpu.memory_space<vmem>>) semaphore(%arg28 : memref<!tpu.dma_semaphore, #tpu.memory_space<semaphore_mem>>)
    %scan3A_61 = arith.constant 0 : i32
    %scan3A_62 = arith.constant 0 : i32
    %scan3A_63 = arith.constant 54 : i32
    %scan3A_64 = arith.addi %scan3A_62, %scan3A_63 : i32
    %scan3A_65 = arith.constant 1 : i32
    %scan3A_66 = scf.for %scan3A_96 = %scan3A_62 to %scan3A_64 step %scan3A_65 iter_args(%scan3A_97 = %scan3A_61) -> (i32)  : i32 {
      %gt3A = arith.constant 0 : i32
      %gt3A_98 = arith.cmpi sgt, %scan3A_96, %gt3A : i32
      %convert_element_type3A = arith.extui %gt3A_98 : i1 to i32
      %cond3A = arith.constant 0 : i32
      %cond3A_99 = arith.cmpi ne, %convert_element_type3A, %cond3A : i32
      scf.if %cond3A_99 {
        %dma_wait3A_201 = arith.constant 0 : i32
        %dma_wait3A_202 = arith.constant 0 : i32
        %dma_wait3A_203 = tpu.memref_slice %arg20[%dma_wait3A_201, %dma_wait3A_202] : memref<1x96xi32, #tpu.memory_space<vmem>> -> memref<1x96xi32, #tpu.memory_space<vmem>>
        %dma_wait3A_204 = tpu.memref_squeeze %dma_wait3A_203 : memref<1x96xi32, #tpu.memory_space<vmem>> -> memref<96xi32, #tpu.memory_space<vmem>>
        %dma_wait3A_205 = arith.constant 0 : i32
        %dma_wait3A_206 = arith.constant 0 : i32
        %dma_wait3A_207 = tpu.memref_slice %arg26[%dma_wait3A_205, %dma_wait3A_206] : memref<10112x128xf32, #tpu.memory_space<vmem_shared>> -> memref<10112x128xf32, #tpu.memory_space<vmem_shared>>
        tpu.wait_indirect_dma semaphore(%arg31 : memref<!tpu.dma_semaphore, #tpu.memory_space<semaphore_mem>>) src(%arg25 : memref<96x128xf32, #tpu.memory_space<vmem>>) dst(%dma_wait3A_207 : memref<10112x128xf32, #tpu.memory_space<vmem_shared>>)
        %dma_wait3A_208 = arith.constant 0 : i32
        %dma_wait3A_209 = arith.constant 0 : i32
        %dma_wait3A_210 = tpu.memref_slice %arg20[%dma_wait3A_208, %dma_wait3A_209] : memref<1x96xi32, #tpu.memory_space<vmem>> -> memref<1x96xi32, #tpu.memory_space<vmem>>
        %dma_wait3A_211 = tpu.memref_squeeze %dma_wait3A_210 : memref<1x96xi32, #tpu.memory_space<vmem>> -> memref<96xi32, #tpu.memory_space<vmem>>
        %dma_wait3A_212 = arith.constant 0 : i32
        %dma_wait3A_213 = arith.constant 0 : i32
        %dma_wait3A_214 = tpu.memref_slice %arg27[%dma_wait3A_212, %dma_wait3A_213] : memref<10112x16xf32, #tpu.memory_space<vmem_shared>> -> memref<10112x16xf32, #tpu.memory_space<vmem_shared>>
        tpu.wait_indirect_dma semaphore(%arg31 : memref<!tpu.dma_semaphore, #tpu.memory_space<semaphore_mem>>) src(%arg23 : memref<96x16xf32, #tpu.memory_space<vmem>>) dst(%dma_wait3A_214 : memref<10112x16xf32, #tpu.memory_space<vmem_shared>>)
      } else {
      }
      %mul3A_100 = arith.constant 2 : i32
      %mul3A_101 = arith.muli %mul3A_100, %scan3A_96 : i32
      %add3A_102 = arith.constant 1 : i32
      %add3A_103 = arith.addi %mul3A_101, %add3A_102 : i32
      %add3A_104 = arith.addi %mul3A_38, %add3A_103 : i32
      "tpu.region"() ({
        %run_scoped3A = tpu.sem_alloc : memref<!tpu.dma_semaphore, #tpu.memory_space<semaphore_mem>>
        %dma_start3A_201 = arith.constant 0 : i32
        %dma_start3A_202 = tpu.memref_slice %arg2[%add3A_104, %dma_start3A_201] : memref<3456x96xi32, #tpu.memory_space<hbm>> -> memref<1x96xi32, #tpu.memory_space<hbm>>
        %dma_start3A_203 = arith.constant 0 : i32
        %dma_start3A_204 = tpu.memref_slice %arg2[%add3A_104, %dma_start3A_203] : memref<3456x96xi32, #tpu.memory_space<hbm>> -> memref<1x96xi32, #tpu.memory_space<hbm>>
        tpu.enqueue_dma source(%dma_start3A_204 : memref<1x96xi32, #tpu.memory_space<hbm>>) target(%arg18 : memref<1x96xi32, #tpu.memory_space<vmem>>) target_semaphore(%run_scoped3A : memref<!tpu.dma_semaphore, #tpu.memory_space<semaphore_mem>>)
        %dma_wait3A_205 = arith.constant 0 : i32
        %dma_wait3A_206 = tpu.memref_slice %arg2[%add3A_104, %dma_wait3A_205] : memref<3456x96xi32, #tpu.memory_space<hbm>> -> memref<1x96xi32, #tpu.memory_space<hbm>>
        %dma_wait3A_207 = arith.constant 0 : i32
        %dma_wait3A_208 = tpu.memref_slice %arg2[%add3A_104, %dma_wait3A_207] : memref<3456x96xi32, #tpu.memory_space<hbm>> -> memref<1x96xi32, #tpu.memory_space<hbm>>
        tpu.wait_dma2 semaphore(%run_scoped3A : memref<!tpu.dma_semaphore, #tpu.memory_space<semaphore_mem>>) src(%dma_wait3A_208 : memref<1x96xi32, #tpu.memory_space<hbm>>) dst(%arg18 : memref<1x96xi32, #tpu.memory_space<vmem>>)
        tpu.yield
      }) : () -> ()
      "tpu.region"() ({
        %run_scoped3A = tpu.sem_alloc : memref<!tpu.dma_semaphore, #tpu.memory_space<semaphore_mem>>
        %dma_start3A_201 = arith.constant 0 : i32
        %dma_start3A_202 = tpu.memref_slice %arg3[%add3A_104, %dma_start3A_201] : memref<3456x96xi32, #tpu.memory_space<hbm>> -> memref<1x96xi32, #tpu.memory_space<hbm>>
        %dma_start3A_203 = arith.constant 0 : i32
        %dma_start3A_204 = tpu.memref_slice %arg3[%add3A_104, %dma_start3A_203] : memref<3456x96xi32, #tpu.memory_space<hbm>> -> memref<1x96xi32, #tpu.memory_space<hbm>>
        tpu.enqueue_dma source(%dma_start3A_204 : memref<1x96xi32, #tpu.memory_space<hbm>>) target(%arg19 : memref<1x96xi32, #tpu.memory_space<vmem>>) target_semaphore(%run_scoped3A : memref<!tpu.dma_semaphore, #tpu.memory_space<semaphore_mem>>)
        %dma_wait3A_205 = arith.constant 0 : i32
        %dma_wait3A_206 = tpu.memref_slice %arg3[%add3A_104, %dma_wait3A_205] : memref<3456x96xi32, #tpu.memory_space<hbm>> -> memref<1x96xi32, #tpu.memory_space<hbm>>
        %dma_wait3A_207 = arith.constant 0 : i32
        %dma_wait3A_208 = tpu.memref_slice %arg3[%add3A_104, %dma_wait3A_207] : memref<3456x96xi32, #tpu.memory_space<hbm>> -> memref<1x96xi32, #tpu.memory_space<hbm>>
        tpu.wait_dma2 semaphore(%run_scoped3A : memref<!tpu.dma_semaphore, #tpu.memory_space<semaphore_mem>>) src(%dma_wait3A_208 : memref<1x96xi32, #tpu.memory_space<hbm>>) dst(%arg19 : memref<1x96xi32, #tpu.memory_space<vmem>>)
        tpu.yield
      }) : () -> ()
      "tpu.region"() ({
        %run_scoped3A = tpu.sem_alloc : memref<!tpu.dma_semaphore, #tpu.memory_space<semaphore_mem>>
        %dma_start3A_201 = arith.constant 0 : i32
        %dma_start3A_202 = tpu.memref_slice %arg4[%add3A_104, %dma_start3A_201] : memref<3456x96xi32, #tpu.memory_space<hbm>> -> memref<1x96xi32, #tpu.memory_space<hbm>>
        %dma_start3A_203 = arith.constant 0 : i32
        %dma_start3A_204 = tpu.memref_slice %arg4[%add3A_104, %dma_start3A_203] : memref<3456x96xi32, #tpu.memory_space<hbm>> -> memref<1x96xi32, #tpu.memory_space<hbm>>
        tpu.enqueue_dma source(%dma_start3A_204 : memref<1x96xi32, #tpu.memory_space<hbm>>) target(%arg20 : memref<1x96xi32, #tpu.memory_space<vmem>>) target_semaphore(%run_scoped3A : memref<!tpu.dma_semaphore, #tpu.memory_space<semaphore_mem>>)
        %dma_wait3A_205 = arith.constant 0 : i32
        %dma_wait3A_206 = tpu.memref_slice %arg4[%add3A_104, %dma_wait3A_205] : memref<3456x96xi32, #tpu.memory_space<hbm>> -> memref<1x96xi32, #tpu.memory_space<hbm>>
        %dma_wait3A_207 = arith.constant 0 : i32
        %dma_wait3A_208 = tpu.memref_slice %arg4[%add3A_104, %dma_wait3A_207] : memref<3456x96xi32, #tpu.memory_space<hbm>> -> memref<1x96xi32, #tpu.memory_space<hbm>>
        tpu.wait_dma2 semaphore(%run_scoped3A : memref<!tpu.dma_semaphore, #tpu.memory_space<semaphore_mem>>) src(%dma_wait3A_208 : memref<1x96xi32, #tpu.memory_space<hbm>>) dst(%arg20 : memref<1x96xi32, #tpu.memory_space<vmem>>)
        tpu.yield
      }) : () -> ()
      %scan3A_105 = arith.constant 0 : i32
      %scan3A_106 = arith.constant 0 : i32
      %scan3A_107 = arith.constant 6 : i32
      %scan3A_108 = arith.addi %scan3A_106, %scan3A_107 : i32
      %scan3A_109 = arith.constant 1 : i32
      %scan3A_110 = scf.for %scan3A_201 = %scan3A_106 to %scan3A_108 step %scan3A_109 iter_args(%scan3A_202 = %scan3A_105) -> (i32)  : i32 {
        %mul3A_203 = arith.constant 16 : i32
        %mul3A_204 = arith.muli %scan3A_201, %mul3A_203 : i32
        %get3A = arith.constant 0 : i32
        %get3A_205 = arith.index_cast %get3A : i32 to index
        %get3A_206 = arith.index_cast %mul3A_204 : i32 to index
        %get3A_207 = tpu.vector_load %arg18[%get3A_205, %get3A_206] {strides = array<i32>} : memref<1x96xi32, #tpu.memory_space<vmem>>, vector<1x16xi32>,
        %get3A_208 = vector.shape_cast %get3A_207 : vector<1x16xi32> to vector<16xi32>
        %mul3A_209 = arith.constant 10000 : i32
        %mul3A_210 = vector.broadcast %mul3A_209 : i32 to vector<16xi32>
        %mul3A_211 = arith.muli %get3A_208, %mul3A_210 : vector<16xi32>
        %get3A_212 = arith.constant 0 : i32
        %get3A_213 = arith.index_cast %get3A_212 : i32 to index
        %get3A_214 = arith.index_cast %mul3A_204 : i32 to index
        %get3A_215 = tpu.vector_load %arg19[%get3A_213, %get3A_214] {strides = array<i32>} : memref<1x96xi32, #tpu.memory_space<vmem>>, vector<1x16xi32>,
        %get3A_216 = vector.shape_cast %get3A_215 : vector<1x16xi32> to vector<16xi32>
        %add3A_217 = arith.addi %mul3A_211, %get3A_216 : vector<16xi32>
        %swap3A = arith.constant 0 : i32
        %swap3A_218 = arith.index_cast %swap3A : i32 to index
        %swap3A_219 = arith.index_cast %mul3A_204 : i32 to index
        %swap3A_220 = tpu.vector_load %arg21[%swap3A_218, %swap3A_219] {strides = array<i32>} : memref<1x96xi32, #tpu.memory_space<vmem>>, vector<1x16xi32>,
        %swap3A_221 = vector.shape_cast %swap3A_220 : vector<1x16xi32> to vector<16xi32>
        %swap3A_222 = vector.shape_cast %add3A_217 : vector<16xi32> to vector<1x16xi32>
        tpu.vector_store %arg21[%swap3A_218, %swap3A_219], %swap3A_222 {strides = array<i32>} : memref<1x96xi32, #tpu.memory_space<vmem>>, vector<1x16xi32>,
        %get3A_223 = arith.constant 0 : i32
        %get3A_224 = arith.index_cast %get3A_223 : i32 to index
        %get3A_225 = arith.index_cast %mul3A_204 : i32 to index
        %get3A_226 = tpu.vector_load %arg20[%get3A_224, %get3A_225] {strides = array<i32>} : memref<1x96xi32, #tpu.memory_space<vmem>>, vector<1x16xi32>,
        %get3A_227 = vector.shape_cast %get3A_226 : vector<1x16xi32> to vector<16xi32>
        %add3A_228 = arith.addi %mul3A_211, %get3A_227 : vector<16xi32>
        %swap3A_229 = arith.constant 0 : i32
        %swap3A_230 = arith.index_cast %swap3A_229 : i32 to index
        %swap3A_231 = arith.index_cast %mul3A_204 : i32 to index
        %swap3A_232 = tpu.vector_load %arg22[%swap3A_230, %swap3A_231] {strides = array<i32>} : memref<1x96xi32, #tpu.memory_space<vmem>>, vector<1x16xi32>,
        %swap3A_233 = vector.shape_cast %swap3A_232 : vector<1x16xi32> to vector<16xi32>
        %swap3A_234 = vector.shape_cast %add3A_228 : vector<16xi32> to vector<1x16xi32>
        tpu.vector_store %arg22[%swap3A_230, %swap3A_231], %swap3A_234 {strides = array<i32>} : memref<1x96xi32, #tpu.memory_space<vmem>>, vector<1x16xi32>,
        %scan3A_235 = arith.constant 0 : i32
        scf.yield %scan3A_235 : i32
      }
      %scan3A_111 = arith.constant 6 : i32
      %dma_start3A_112 = arith.constant 0 : i32
      %dma_start3A_113 = arith.constant 0 : i32
      %dma_start3A_114 = tpu.memref_slice %arg22[%dma_start3A_112, %dma_start3A_113] : memref<1x96xi32, #tpu.memory_space<vmem>> -> memref<1x96xi32, #tpu.memory_space<vmem>>
      %dma_start3A_115 = tpu.memref_squeeze %dma_start3A_114 : memref<1x96xi32, #tpu.memory_space<vmem>> -> memref<96xi32, #tpu.memory_space<vmem>>
      %dma_start3A_116 = arith.constant 0 : i32
      %dma_start3A_117 = arith.constant 0 : i32
      %dma_start3A_118 = tpu.memref_slice %arg6[%dma_start3A_116, %dma_start3A_117] : memref<80000x16xf32, #tpu.memory_space<hbm>> -> memref<80000x16xf32, #tpu.memory_space<hbm>>
      tpu.enqueue_indirect_dma source(%dma_start3A_118 : memref<80000x16xf32, #tpu.memory_space<hbm>>) target(%arg23 : memref<96x16xf32, #tpu.memory_space<vmem>>) offsets(%dma_start3A_115 : memref<96xi32, #tpu.memory_space<vmem>>) semaphore(%arg29 : memref<!tpu.dma_semaphore, #tpu.memory_space<semaphore_mem>>)
      %dma_start3A_119 = arith.constant 0 : i32
      %dma_start3A_120 = arith.constant 0 : i32
      %dma_start3A_121 = tpu.memref_slice %arg21[%dma_start3A_119, %dma_start3A_120] : memref<1x96xi32, #tpu.memory_space<vmem>> -> memref<1x96xi32, #tpu.memory_space<vmem>>
      %dma_start3A_122 = tpu.memref_squeeze %dma_start3A_121 : memref<1x96xi32, #tpu.memory_space<vmem>> -> memref<96xi32, #tpu.memory_space<vmem>>
      %dma_start3A_123 = arith.constant 0 : i32
      %dma_start3A_124 = arith.constant 0 : i32
      %dma_start3A_125 = tpu.memref_slice %arg7[%dma_start3A_123, %dma_start3A_124] : memref<80000x16xf32, #tpu.memory_space<hbm>> -> memref<80000x16xf32, #tpu.memory_space<hbm>>
      tpu.enqueue_indirect_dma source(%dma_start3A_125 : memref<80000x16xf32, #tpu.memory_space<hbm>>) target(%arg24 : memref<96x16xf32, #tpu.memory_space<vmem>>) offsets(%dma_start3A_122 : memref<96xi32, #tpu.memory_space<vmem>>) semaphore(%arg29 : memref<!tpu.dma_semaphore, #tpu.memory_space<semaphore_mem>>)
      %dma_wait3A_126 = arith.constant 0 : i32
      %dma_wait3A_127 = arith.constant 0 : i32
      %dma_wait3A_128 = tpu.memref_slice %arg14[%dma_wait3A_126, %dma_wait3A_127] : memref<1x96xi32, #tpu.memory_space<vmem>> -> memref<1x96xi32, #tpu.memory_space<vmem>>
      %dma_wait3A_129 = tpu.memref_squeeze %dma_wait3A_128 : memref<1x96xi32, #tpu.memory_space<vmem>> -> memref<96xi32, #tpu.memory_space<vmem>>
      %dma_wait3A_130 = arith.constant 0 : i32
      %dma_wait3A_131 = arith.constant 0 : i32
      %dma_wait3A_132 = tpu.memref_slice %arg6[%dma_wait3A_130, %dma_wait3A_131] : memref<80000x16xf32, #tpu.memory_space<hbm>> -> memref<80000x16xf32, #tpu.memory_space<hbm>>
      tpu.wait_indirect_dma semaphore(%arg28 : memref<!tpu.dma_semaphore, #tpu.memory_space<semaphore_mem>>) src(%dma_wait3A_132 : memref<80000x16xf32, #tpu.memory_space<hbm>>) dst(%arg15 : memref<96x16xf32, #tpu.memory_space<vmem>>)
      %dma_wait3A_133 = arith.constant 0 : i32
      %dma_wait3A_134 = arith.constant 0 : i32
      %dma_wait3A_135 = tpu.memref_slice %arg13[%dma_wait3A_133, %dma_wait3A_134] : memref<1x96xi32, #tpu.memory_space<vmem>> -> memref<1x96xi32, #tpu.memory_space<vmem>>
      %dma_wait3A_136 = tpu.memref_squeeze %dma_wait3A_135 : memref<1x96xi32, #tpu.memory_space<vmem>> -> memref<96xi32, #tpu.memory_space<vmem>>
      %dma_wait3A_137 = arith.constant 0 : i32
      %dma_wait3A_138 = arith.constant 0 : i32
      %dma_wait3A_139 = tpu.memref_slice %arg7[%dma_wait3A_137, %dma_wait3A_138] : memref<80000x16xf32, #tpu.memory_space<hbm>> -> memref<80000x16xf32, #tpu.memory_space<hbm>>
      tpu.wait_indirect_dma semaphore(%arg28 : memref<!tpu.dma_semaphore, #tpu.memory_space<semaphore_mem>>) src(%dma_wait3A_139 : memref<80000x16xf32, #tpu.memory_space<hbm>>) dst(%arg16 : memref<96x16xf32, #tpu.memory_space<vmem>>)
      %scan3A_140 = arith.constant 0 : i32
      %scan3A_141 = arith.constant 0 : i32
      %scan3A_142 = arith.constant 96 : i32
      %scan3A_143 = arith.addi %scan3A_141, %scan3A_142 : i32
      %scan3A_144 = arith.constant 1 : i32
      %scan3A_145 = scf.for %scan3A_201 = %scan3A_141 to %scan3A_143 step %scan3A_144 iter_args(%scan3A_202 = %scan3A_140) -> (i32)  : i32 {
        %get3A = arith.index_cast %scan3A_201 : i32 to index
        %get3A_203 = arith.constant 0 : index
        %get3A_204 = tpu.vector_load %arg15[%get3A, %get3A_203] {strides = array<i32>} : memref<96x16xf32, #tpu.memory_space<vmem>>, vector<1x16xf32>,
        %get3A_205 = vector.shape_cast %get3A_204 : vector<1x16xf32> to vector<16xf32>
        %get3A_206 = arith.index_cast %scan3A_201 : i32 to index
        %get3A_207 = arith.constant 0 : index
        %get3A_208 = tpu.vector_load %arg16[%get3A_206, %get3A_207] {strides = array<i32>} : memref<96x16xf32, #tpu.memory_space<vmem>>, vector<1x16xf32>,
        %get3A_209 = vector.shape_cast %get3A_208 : vector<1x16xf32> to vector<16xf32>
        %add3A_210 = arith.addf %get3A_205, %get3A_209 : vector<16xf32>
        %gt3A_211 = arith.constant 0.000000e+00 : f32
        %gt3A_212 = vector.broadcast %gt3A_211 : f32 to vector<16xf32>
        %gt3A_213 = arith.cmpf ogt, %add3A_210, %gt3A_212 : vector<16xf32>
        %mul3A_214 = arith.constant 2.000000e-01 : f32
        %mul3A_215 = vector.broadcast %mul3A_214 : f32 to vector<16xf32>
        %mul3A_216 = arith.mulf %add3A_210, %mul3A_215 : vector<16xf32>
        %select_n3A = arith.select %gt3A_213, %add3A_210, %mul3A_216 : vector<16xi1>, vector<16xf32>
        %exp3A = math.exp %select_n3A : vector<16xf32>
        %swap3A = arith.index_cast %scan3A_201 : i32 to index
        %swap3A_217 = arith.constant 0 : index
        %swap3A_218 = tpu.vector_load %arg15[%swap3A, %swap3A_217] {strides = array<i32>} : memref<96x16xf32, #tpu.memory_space<vmem>>, vector<1x16xf32>,
        %swap3A_219 = vector.shape_cast %swap3A_218 : vector<1x16xf32> to vector<16xf32>
        %swap3A_220 = vector.shape_cast %exp3A : vector<16xf32> to vector<1x16xf32>
        tpu.vector_store %arg15[%swap3A, %swap3A_217], %swap3A_220 {strides = array<i32>} : memref<96x16xf32, #tpu.memory_space<vmem>>, vector<1x16xf32>,
        %slice3A = vector.extract_strided_slice %exp3A {offsets = [0], sizes = [1], strides = [1]} : vector<16xf32> to vector<1xf32>
        %squeeze3A = vector.extract %slice3A[0] : f32 from vector<1xf32>
        %broadcast_in_dim3A = vector.broadcast %squeeze3A : f32 to vector<16xf32>
        %get3A_221 = arith.index_cast %scan3A_201 : i32 to index
        %get3A_222 = arith.constant 0 : index
        %get3A_223 = tpu.vector_load %arg17[%get3A_221, %get3A_222] {strides = array<i32>} : memref<96x128xf32, #tpu.memory_space<vmem>>, vector<1x16xf32>,
        %get3A_224 = vector.shape_cast %get3A_223 : vector<1x16xf32> to vector<16xf32>
        %mul3A_225 = arith.mulf %get3A_224, %broadcast_in_dim3A : vector<16xf32>
        %swap3A_226 = arith.index_cast %scan3A_201 : i32 to index
        %swap3A_227 = arith.constant 0 : index
        %swap3A_228 = tpu.vector_load %arg17[%swap3A_226, %swap3A_227] {strides = array<i32>} : memref<96x128xf32, #tpu.memory_space<vmem>>, vector<1x16xf32>,
        %swap3A_229 = vector.shape_cast %swap3A_228 : vector<1x16xf32> to vector<16xf32>
        %swap3A_230 = vector.shape_cast %mul3A_225 : vector<16xf32> to vector<1x16xf32>
        tpu.vector_store %arg17[%swap3A_226, %swap3A_227], %swap3A_230 {strides = array<i32>} : memref<96x128xf32, #tpu.memory_space<vmem>>, vector<1x16xf32>,
        %get3A_231 = arith.index_cast %scan3A_201 : i32 to index
        %get3A_232 = arith.constant 16 : index
        %get3A_233 = tpu.vector_load %arg17[%get3A_231, %get3A_232] {strides = array<i32>} : memref<96x128xf32, #tpu.memory_space<vmem>>, vector<1x16xf32>,
        %get3A_234 = vector.shape_cast %get3A_233 : vector<1x16xf32> to vector<16xf32>
        %mul3A_235 = arith.mulf %get3A_234, %broadcast_in_dim3A : vector<16xf32>
        %swap3A_236 = arith.index_cast %scan3A_201 : i32 to index
        %swap3A_237 = arith.constant 16 : index
        %swap3A_238 = tpu.vector_load %arg17[%swap3A_236, %swap3A_237] {strides = array<i32>} : memref<96x128xf32, #tpu.memory_space<vmem>>, vector<1x16xf32>,
        %swap3A_239 = vector.shape_cast %swap3A_238 : vector<1x16xf32> to vector<16xf32>
        %swap3A_240 = vector.shape_cast %mul3A_235 : vector<16xf32> to vector<1x16xf32>
        tpu.vector_store %arg17[%swap3A_236, %swap3A_237], %swap3A_240 {strides = array<i32>} : memref<96x128xf32, #tpu.memory_space<vmem>>, vector<1x16xf32>,
        %slice3A_241 = vector.extract_strided_slice %exp3A {offsets = [1], sizes = [1], strides = [1]} : vector<16xf32> to vector<1xf32>
        %squeeze3A_242 = vector.extract %slice3A_241[0] : f32 from vector<1xf32>
        %broadcast_in_dim3A_243 = vector.broadcast %squeeze3A_242 : f32 to vector<16xf32>
        %get3A_244 = arith.index_cast %scan3A_201 : i32 to index
        %get3A_245 = arith.constant 32 : index
        %get3A_246 = tpu.vector_load %arg17[%get3A_244, %get3A_245] {strides = array<i32>} : memref<96x128xf32, #tpu.memory_space<vmem>>, vector<1x16xf32>,
        %get3A_247 = vector.shape_cast %get3A_246 : vector<1x16xf32> to vector<16xf32>
        %mul3A_248 = arith.mulf %get3A_247, %broadcast_in_dim3A_243 : vector<16xf32>
        %swap3A_249 = arith.index_cast %scan3A_201 : i32 to index
        %swap3A_250 = arith.constant 32 : index
        %swap3A_251 = tpu.vector_load %arg17[%swap3A_249, %swap3A_250] {strides = array<i32>} : memref<96x128xf32, #tpu.memory_space<vmem>>, vector<1x16xf32>,
        %swap3A_252 = vector.shape_cast %swap3A_251 : vector<1x16xf32> to vector<16xf32>
        %swap3A_253 = vector.shape_cast %mul3A_248 : vector<16xf32> to vector<1x16xf32>
        tpu.vector_store %arg17[%swap3A_249, %swap3A_250], %swap3A_253 {strides = array<i32>} : memref<96x128xf32, #tpu.memory_space<vmem>>, vector<1x16xf32>,
        %get3A_254 = arith.index_cast %scan3A_201 : i32 to index
        %get3A_255 = arith.constant 48 : index
        %get3A_256 = tpu.vector_load %arg17[%get3A_254, %get3A_255] {strides = array<i32>} : memref<96x128xf32, #tpu.memory_space<vmem>>, vector<1x16xf32>,
        %get3A_257 = vector.shape_cast %get3A_256 : vector<1x16xf32> to vector<16xf32>
        %mul3A_258 = arith.mulf %get3A_257, %broadcast_in_dim3A_243 : vector<16xf32>
        %swap3A_259 = arith.index_cast %scan3A_201 : i32 to index
        %swap3A_260 = arith.constant 48 : index
        %swap3A_261 = tpu.vector_load %arg17[%swap3A_259, %swap3A_260] {strides = array<i32>} : memref<96x128xf32, #tpu.memory_space<vmem>>, vector<1x16xf32>,
        %swap3A_262 = vector.shape_cast %swap3A_261 : vector<1x16xf32> to vector<16xf32>
        %swap3A_263 = vector.shape_cast %mul3A_258 : vector<16xf32> to vector<1x16xf32>
        tpu.vector_store %arg17[%swap3A_259, %swap3A_260], %swap3A_263 {strides = array<i32>} : memref<96x128xf32, #tpu.memory_space<vmem>>, vector<1x16xf32>,
        %slice3A_264 = vector.extract_strided_slice %exp3A {offsets = [2], sizes = [1], strides = [1]} : vector<16xf32> to vector<1xf32>
        %squeeze3A_265 = vector.extract %slice3A_264[0] : f32 from vector<1xf32>
        %broadcast_in_dim3A_266 = vector.broadcast %squeeze3A_265 : f32 to vector<16xf32>
        %get3A_267 = arith.index_cast %scan3A_201 : i32 to index
        %get3A_268 = arith.constant 64 : index
        %get3A_269 = tpu.vector_load %arg17[%get3A_267, %get3A_268] {strides = array<i32>} : memref<96x128xf32, #tpu.memory_space<vmem>>, vector<1x16xf32>,
        %get3A_270 = vector.shape_cast %get3A_269 : vector<1x16xf32> to vector<16xf32>
        %mul3A_271 = arith.mulf %get3A_270, %broadcast_in_dim3A_266 : vector<16xf32>
        %swap3A_272 = arith.index_cast %scan3A_201 : i32 to index
        %swap3A_273 = arith.constant 64 : index
        %swap3A_274 = tpu.vector_load %arg17[%swap3A_272, %swap3A_273] {strides = array<i32>} : memref<96x128xf32, #tpu.memory_space<vmem>>, vector<1x16xf32>,
        %swap3A_275 = vector.shape_cast %swap3A_274 : vector<1x16xf32> to vector<16xf32>
        %swap3A_276 = vector.shape_cast %mul3A_271 : vector<16xf32> to vector<1x16xf32>
        tpu.vector_store %arg17[%swap3A_272, %swap3A_273], %swap3A_276 {strides = array<i32>} : memref<96x128xf32, #tpu.memory_space<vmem>>, vector<1x16xf32>,
        %get3A_277 = arith.index_cast %scan3A_201 : i32 to index
        %get3A_278 = arith.constant 80 : index
        %get3A_279 = tpu.vector_load %arg17[%get3A_277, %get3A_278] {strides = array<i32>} : memref<96x128xf32, #tpu.memory_space<vmem>>, vector<1x16xf32>,
        %get3A_280 = vector.shape_cast %get3A_279 : vector<1x16xf32> to vector<16xf32>
        %mul3A_281 = arith.mulf %get3A_280, %broadcast_in_dim3A_266 : vector<16xf32>
        %swap3A_282 = arith.index_cast %scan3A_201 : i32 to index
        %swap3A_283 = arith.constant 80 : index
        %swap3A_284 = tpu.vector_load %arg17[%swap3A_282, %swap3A_283] {strides = array<i32>} : memref<96x128xf32, #tpu.memory_space<vmem>>, vector<1x16xf32>,
        %swap3A_285 = vector.shape_cast %swap3A_284 : vector<1x16xf32> to vector<16xf32>
        %swap3A_286 = vector.shape_cast %mul3A_281 : vector<16xf32> to vector<1x16xf32>
        tpu.vector_store %arg17[%swap3A_282, %swap3A_283], %swap3A_286 {strides = array<i32>} : memref<96x128xf32, #tpu.memory_space<vmem>>, vector<1x16xf32>,
        %slice3A_287 = vector.extract_strided_slice %exp3A {offsets = [3], sizes = [1], strides = [1]} : vector<16xf32> to vector<1xf32>
        %squeeze3A_288 = vector.extract %slice3A_287[0] : f32 from vector<1xf32>
        %broadcast_in_dim3A_289 = vector.broadcast %squeeze3A_288 : f32 to vector<16xf32>
        %get3A_290 = arith.index_cast %scan3A_201 : i32 to index
        %get3A_291 = arith.constant 96 : index
        %get3A_292 = tpu.vector_load %arg17[%get3A_290, %get3A_291] {strides = array<i32>} : memref<96x128xf32, #tpu.memory_space<vmem>>, vector<1x16xf32>,
        %get3A_293 = vector.shape_cast %get3A_292 : vector<1x16xf32> to vector<16xf32>
        %mul3A_294 = arith.mulf %get3A_293, %broadcast_in_dim3A_289 : vector<16xf32>
        %swap3A_295 = arith.index_cast %scan3A_201 : i32 to index
        %swap3A_296 = arith.constant 96 : index
        %swap3A_297 = tpu.vector_load %arg17[%swap3A_295, %swap3A_296] {strides = array<i32>} : memref<96x128xf32, #tpu.memory_space<vmem>>, vector<1x16xf32>,
        %swap3A_298 = vector.shape_cast %swap3A_297 : vector<1x16xf32> to vector<16xf32>
        %swap3A_299 = vector.shape_cast %mul3A_294 : vector<16xf32> to vector<1x16xf32>
        tpu.vector_store %arg17[%swap3A_295, %swap3A_296], %swap3A_299 {strides = array<i32>} : memref<96x128xf32, #tpu.memory_space<vmem>>, vector<1x16xf32>,
        %get3A_300 = arith.index_cast %scan3A_201 : i32 to index
        %get3A_301 = arith.constant 112 : index
        %get3A_302 = tpu.vector_load %arg17[%get3A_300, %get3A_301] {strides = array<i32>} : memref<96x128xf32, #tpu.memory_space<vmem>>, vector<1x16xf32>,
        %get3A_303 = vector.shape_cast %get3A_302 : vector<1x16xf32> to vector<16xf32>
        %mul3A_304 = arith.mulf %get3A_303, %broadcast_in_dim3A_289 : vector<16xf32>
        %swap3A_305 = arith.index_cast %scan3A_201 : i32 to index
        %swap3A_306 = arith.constant 112 : index
        %swap3A_307 = tpu.vector_load %arg17[%swap3A_305, %swap3A_306] {strides = array<i32>} : memref<96x128xf32, #tpu.memory_space<vmem>>, vector<1x16xf32>,
        %swap3A_308 = vector.shape_cast %swap3A_307 : vector<1x16xf32> to vector<16xf32>
        %swap3A_309 = vector.shape_cast %mul3A_304 : vector<16xf32> to vector<1x16xf32>
        tpu.vector_store %arg17[%swap3A_305, %swap3A_306], %swap3A_309 {strides = array<i32>} : memref<96x128xf32, #tpu.memory_space<vmem>>, vector<1x16xf32>,
        %scan3A_310 = arith.constant 0 : i32
        scf.yield %scan3A_310 : i32
      }
      %scan3A_146 = arith.constant 96 : i32
      %dma_start3A_147 = arith.constant 0 : i32
      %dma_start3A_148 = arith.constant 0 : i32
      %dma_start3A_149 = tpu.memref_slice %arg12[%dma_start3A_147, %dma_start3A_148] : memref<1x96xi32, #tpu.memory_space<vmem>> -> memref<1x96xi32, #tpu.memory_space<vmem>>
      %dma_start3A_150 = tpu.memref_squeeze %dma_start3A_149 : memref<1x96xi32, #tpu.memory_space<vmem>> -> memref<96xi32, #tpu.memory_space<vmem>>
      %dma_start3A_151 = arith.constant 0 : i32
      %dma_start3A_152 = arith.constant 0 : i32
      %dma_start3A_153 = tpu.memref_slice %arg26[%dma_start3A_151, %dma_start3A_152] : memref<10112x128xf32, #tpu.memory_space<vmem_shared>> -> memref<10112x128xf32, #tpu.memory_space<vmem_shared>>
      tpu.enqueue_indirect_dma source(%arg17 : memref<96x128xf32, #tpu.memory_space<vmem>>) target(%dma_start3A_153 : memref<10112x128xf32, #tpu.memory_space<vmem_shared>>) offsets(%dma_start3A_150 : memref<96xi32, #tpu.memory_space<vmem>>) semaphore(%arg30 : memref<!tpu.dma_semaphore, #tpu.memory_space<semaphore_mem>>) {add = true}
      %dma_start3A_154 = arith.constant 0 : i32
      %dma_start3A_155 = arith.constant 0 : i32
      %dma_start3A_156 = tpu.memref_slice %arg12[%dma_start3A_154, %dma_start3A_155] : memref<1x96xi32, #tpu.memory_space<vmem>> -> memref<1x96xi32, #tpu.memory_space<vmem>>
      %dma_start3A_157 = tpu.memref_squeeze %dma_start3A_156 : memref<1x96xi32, #tpu.memory_space<vmem>> -> memref<96xi32, #tpu.memory_space<vmem>>
      %dma_start3A_158 = arith.constant 0 : i32
      %dma_start3A_159 = arith.constant 0 : i32
      %dma_start3A_160 = tpu.memref_slice %arg27[%dma_start3A_158, %dma_start3A_159] : memref<10112x16xf32, #tpu.memory_space<vmem_shared>> -> memref<10112x16xf32, #tpu.memory_space<vmem_shared>>
      tpu.enqueue_indirect_dma source(%arg15 : memref<96x16xf32, #tpu.memory_space<vmem>>) target(%dma_start3A_160 : memref<10112x16xf32, #tpu.memory_space<vmem_shared>>) offsets(%dma_start3A_157 : memref<96xi32, #tpu.memory_space<vmem>>) semaphore(%arg30 : memref<!tpu.dma_semaphore, #tpu.memory_space<semaphore_mem>>) {add = true}
      %lt3A = arith.constant 53 : i32
      %lt3A_161 = arith.cmpi slt, %scan3A_96, %lt3A : i32
      %convert_element_type3A_162 = arith.extui %lt3A_161 : i1 to i32
      %cond3A_163 = arith.constant 0 : i32
      %cond3A_164 = arith.cmpi ne, %convert_element_type3A_162, %cond3A_163 : i32
      scf.if %cond3A_164 {
        %dma_wait3A_201 = arith.constant 0 : i32
        %dma_wait3A_202 = arith.constant 0 : i32
        %dma_wait3A_203 = tpu.memref_slice %arg12[%dma_wait3A_201, %dma_wait3A_202] : memref<1x96xi32, #tpu.memory_space<vmem>> -> memref<1x96xi32, #tpu.memory_space<vmem>>
        %dma_wait3A_204 = tpu.memref_squeeze %dma_wait3A_203 : memref<1x96xi32, #tpu.memory_space<vmem>> -> memref<96xi32, #tpu.memory_space<vmem>>
        %dma_wait3A_205 = arith.constant 0 : i32
        %dma_wait3A_206 = arith.constant 0 : i32
        %dma_wait3A_207 = tpu.memref_slice %arg26[%dma_wait3A_205, %dma_wait3A_206] : memref<10112x128xf32, #tpu.memory_space<vmem_shared>> -> memref<10112x128xf32, #tpu.memory_space<vmem_shared>>
        tpu.wait_indirect_dma semaphore(%arg30 : memref<!tpu.dma_semaphore, #tpu.memory_space<semaphore_mem>>) src(%arg17 : memref<96x128xf32, #tpu.memory_space<vmem>>) dst(%dma_wait3A_207 : memref<10112x128xf32, #tpu.memory_space<vmem_shared>>)
        %dma_wait3A_208 = arith.constant 0 : i32
        %dma_wait3A_209 = arith.constant 0 : i32
        %dma_wait3A_210 = tpu.memref_slice %arg12[%dma_wait3A_208, %dma_wait3A_209] : memref<1x96xi32, #tpu.memory_space<vmem>> -> memref<1x96xi32, #tpu.memory_space<vmem>>
        %dma_wait3A_211 = tpu.memref_squeeze %dma_wait3A_210 : memref<1x96xi32, #tpu.memory_space<vmem>> -> memref<96xi32, #tpu.memory_space<vmem>>
        %dma_wait3A_212 = arith.constant 0 : i32
        %dma_wait3A_213 = arith.constant 0 : i32
        %dma_wait3A_214 = tpu.memref_slice %arg27[%dma_wait3A_212, %dma_wait3A_213] : memref<10112x16xf32, #tpu.memory_space<vmem_shared>> -> memref<10112x16xf32, #tpu.memory_space<vmem_shared>>
        tpu.wait_indirect_dma semaphore(%arg30 : memref<!tpu.dma_semaphore, #tpu.memory_space<semaphore_mem>>) src(%arg15 : memref<96x16xf32, #tpu.memory_space<vmem>>) dst(%dma_wait3A_214 : memref<10112x16xf32, #tpu.memory_space<vmem_shared>>)
        %mul3A_215 = arith.constant 2 : i32
        %mul3A_216 = arith.muli %mul3A_215, %scan3A_96 : i32
        %add3A_217 = arith.constant 2 : i32
        %add3A_218 = arith.addi %mul3A_216, %add3A_217 : i32
        %add3A_219 = arith.addi %mul3A_38, %add3A_218 : i32
        "tpu.region"() ({
          %run_scoped3A = tpu.sem_alloc : memref<!tpu.dma_semaphore, #tpu.memory_space<semaphore_mem>>
          %dma_start3A_241 = arith.constant 0 : i32
          %dma_start3A_242 = tpu.memref_slice %arg2[%add3A_219, %dma_start3A_241] : memref<3456x96xi32, #tpu.memory_space<hbm>> -> memref<1x96xi32, #tpu.memory_space<hbm>>
          %dma_start3A_243 = arith.constant 0 : i32
          %dma_start3A_244 = tpu.memref_slice %arg2[%add3A_219, %dma_start3A_243] : memref<3456x96xi32, #tpu.memory_space<hbm>> -> memref<1x96xi32, #tpu.memory_space<hbm>>
          tpu.enqueue_dma source(%dma_start3A_244 : memref<1x96xi32, #tpu.memory_space<hbm>>) target(%arg10 : memref<1x96xi32, #tpu.memory_space<vmem>>) target_semaphore(%run_scoped3A : memref<!tpu.dma_semaphore, #tpu.memory_space<semaphore_mem>>)
          %dma_wait3A_245 = arith.constant 0 : i32
          %dma_wait3A_246 = tpu.memref_slice %arg2[%add3A_219, %dma_wait3A_245] : memref<3456x96xi32, #tpu.memory_space<hbm>> -> memref<1x96xi32, #tpu.memory_space<hbm>>
          %dma_wait3A_247 = arith.constant 0 : i32
          %dma_wait3A_248 = tpu.memref_slice %arg2[%add3A_219, %dma_wait3A_247] : memref<3456x96xi32, #tpu.memory_space<hbm>> -> memref<1x96xi32, #tpu.memory_space<hbm>>
          tpu.wait_dma2 semaphore(%run_scoped3A : memref<!tpu.dma_semaphore, #tpu.memory_space<semaphore_mem>>) src(%dma_wait3A_248 : memref<1x96xi32, #tpu.memory_space<hbm>>) dst(%arg10 : memref<1x96xi32, #tpu.memory_space<vmem>>)
          tpu.yield
        }) : () -> ()
        "tpu.region"() ({
          %run_scoped3A = tpu.sem_alloc : memref<!tpu.dma_semaphore, #tpu.memory_space<semaphore_mem>>
          %dma_start3A_241 = arith.constant 0 : i32
          %dma_start3A_242 = tpu.memref_slice %arg3[%add3A_219, %dma_start3A_241] : memref<3456x96xi32, #tpu.memory_space<hbm>> -> memref<1x96xi32, #tpu.memory_space<hbm>>
          %dma_start3A_243 = arith.constant 0 : i32
          %dma_start3A_244 = tpu.memref_slice %arg3[%add3A_219, %dma_start3A_243] : memref<3456x96xi32, #tpu.memory_space<hbm>> -> memref<1x96xi32, #tpu.memory_space<hbm>>
          tpu.enqueue_dma source(%dma_start3A_244 : memref<1x96xi32, #tpu.memory_space<hbm>>) target(%arg11 : memref<1x96xi32, #tpu.memory_space<vmem>>) target_semaphore(%run_scoped3A : memref<!tpu.dma_semaphore, #tpu.memory_space<semaphore_mem>>)
          %dma_wait3A_245 = arith.constant 0 : i32
          %dma_wait3A_246 = tpu.memref_slice %arg3[%add3A_219, %dma_wait3A_245] : memref<3456x96xi32, #tpu.memory_space<hbm>> -> memref<1x96xi32, #tpu.memory_space<hbm>>
          %dma_wait3A_247 = arith.constant 0 : i32
          %dma_wait3A_248 = tpu.memref_slice %arg3[%add3A_219, %dma_wait3A_247] : memref<3456x96xi32, #tpu.memory_space<hbm>> -> memref<1x96xi32, #tpu.memory_space<hbm>>
          tpu.wait_dma2 semaphore(%run_scoped3A : memref<!tpu.dma_semaphore, #tpu.memory_space<semaphore_mem>>) src(%dma_wait3A_248 : memref<1x96xi32, #tpu.memory_space<hbm>>) dst(%arg11 : memref<1x96xi32, #tpu.memory_space<vmem>>)
          tpu.yield
        }) : () -> ()
        "tpu.region"() ({
          %run_scoped3A = tpu.sem_alloc : memref<!tpu.dma_semaphore, #tpu.memory_space<semaphore_mem>>
          %dma_start3A_241 = arith.constant 0 : i32
          %dma_start3A_242 = tpu.memref_slice %arg4[%add3A_219, %dma_start3A_241] : memref<3456x96xi32, #tpu.memory_space<hbm>> -> memref<1x96xi32, #tpu.memory_space<hbm>>
          %dma_start3A_243 = arith.constant 0 : i32
          %dma_start3A_244 = tpu.memref_slice %arg4[%add3A_219, %dma_start3A_243] : memref<3456x96xi32, #tpu.memory_space<hbm>> -> memref<1x96xi32, #tpu.memory_space<hbm>>
          tpu.enqueue_dma source(%dma_start3A_244 : memref<1x96xi32, #tpu.memory_space<hbm>>) target(%arg12 : memref<1x96xi32, #tpu.memory_space<vmem>>) target_semaphore(%run_scoped3A : memref<!tpu.dma_semaphore, #tpu.memory_space<semaphore_mem>>)
          %dma_wait3A_245 = arith.constant 0 : i32
          %dma_wait3A_246 = tpu.memref_slice %arg4[%add3A_219, %dma_wait3A_245] : memref<3456x96xi32, #tpu.memory_space<hbm>> -> memref<1x96xi32, #tpu.memory_space<hbm>>
          %dma_wait3A_247 = arith.constant 0 : i32
          %dma_wait3A_248 = tpu.memref_slice %arg4[%add3A_219, %dma_wait3A_247] : memref<3456x96xi32, #tpu.memory_space<hbm>> -> memref<1x96xi32, #tpu.memory_space<hbm>>
          tpu.wait_dma2 semaphore(%run_scoped3A : memref<!tpu.dma_semaphore, #tpu.memory_space<semaphore_mem>>) src(%dma_wait3A_248 : memref<1x96xi32, #tpu.memory_space<hbm>>) dst(%arg12 : memref<1x96xi32, #tpu.memory_space<vmem>>)
          tpu.yield
        }) : () -> ()
        %scan3A_220 = arith.constant 0 : i32
        %scan3A_221 = arith.constant 0 : i32
        %scan3A_222 = arith.constant 6 : i32
        %scan3A_223 = arith.addi %scan3A_221, %scan3A_222 : i32
        %scan3A_224 = arith.constant 1 : i32
        %scan3A_225 = scf.for %scan3A_241 = %scan3A_221 to %scan3A_223 step %scan3A_224 iter_args(%scan3A_242 = %scan3A_220) -> (i32)  : i32 {
          %mul3A_243 = arith.constant 16 : i32
          %mul3A_244 = arith.muli %scan3A_241, %mul3A_243 : i32
          %get3A = arith.constant 0 : i32
          %get3A_245 = arith.index_cast %get3A : i32 to index
          %get3A_246 = arith.index_cast %mul3A_244 : i32 to index
          %get3A_247 = tpu.vector_load %arg10[%get3A_245, %get3A_246] {strides = array<i32>} : memref<1x96xi32, #tpu.memory_space<vmem>>, vector<1x16xi32>,
          %get3A_248 = vector.shape_cast %get3A_247 : vector<1x16xi32> to vector<16xi32>
          %mul3A_249 = arith.constant 10000 : i32
          %mul3A_250 = vector.broadcast %mul3A_249 : i32 to vector<16xi32>
          %mul3A_251 = arith.muli %get3A_248, %mul3A_250 : vector<16xi32>
          %get3A_252 = arith.constant 0 : i32
          %get3A_253 = arith.index_cast %get3A_252 : i32 to index
          %get3A_254 = arith.index_cast %mul3A_244 : i32 to index
          %get3A_255 = tpu.vector_load %arg11[%get3A_253, %get3A_254] {strides = array<i32>} : memref<1x96xi32, #tpu.memory_space<vmem>>, vector<1x16xi32>,
          %get3A_256 = vector.shape_cast %get3A_255 : vector<1x16xi32> to vector<16xi32>
          %add3A_257 = arith.addi %mul3A_251, %get3A_256 : vector<16xi32>
          %swap3A = arith.constant 0 : i32
          %swap3A_258 = arith.index_cast %swap3A : i32 to index
          %swap3A_259 = arith.index_cast %mul3A_244 : i32 to index
          %swap3A_260 = tpu.vector_load %arg13[%swap3A_258, %swap3A_259] {strides = array<i32>} : memref<1x96xi32, #tpu.memory_space<vmem>>, vector<1x16xi32>,
          %swap3A_261 = vector.shape_cast %swap3A_260 : vector<1x16xi32> to vector<16xi32>
          %swap3A_262 = vector.shape_cast %add3A_257 : vector<16xi32> to vector<1x16xi32>
          tpu.vector_store %arg13[%swap3A_258, %swap3A_259], %swap3A_262 {strides = array<i32>} : memref<1x96xi32, #tpu.memory_space<vmem>>, vector<1x16xi32>,
          %get3A_263 = arith.constant 0 : i32
          %get3A_264 = arith.index_cast %get3A_263 : i32 to index
          %get3A_265 = arith.index_cast %mul3A_244 : i32 to index
          %get3A_266 = tpu.vector_load %arg12[%get3A_264, %get3A_265] {strides = array<i32>} : memref<1x96xi32, #tpu.memory_space<vmem>>, vector<1x16xi32>,
          %get3A_267 = vector.shape_cast %get3A_266 : vector<1x16xi32> to vector<16xi32>
          %add3A_268 = arith.addi %mul3A_251, %get3A_267 : vector<16xi32>
          %swap3A_269 = arith.constant 0 : i32
          %swap3A_270 = arith.index_cast %swap3A_269 : i32 to index
          %swap3A_271 = arith.index_cast %mul3A_244 : i32 to index
          %swap3A_272 = tpu.vector_load %arg14[%swap3A_270, %swap3A_271] {strides = array<i32>} : memref<1x96xi32, #tpu.memory_space<vmem>>, vector<1x16xi32>,
          %swap3A_273 = vector.shape_cast %swap3A_272 : vector<1x16xi32> to vector<16xi32>
          %swap3A_274 = vector.shape_cast %add3A_268 : vector<16xi32> to vector<1x16xi32>
          tpu.vector_store %arg14[%swap3A_270, %swap3A_271], %swap3A_274 {strides = array<i32>} : memref<1x96xi32, #tpu.memory_space<vmem>>, vector<1x16xi32>,
          %scan3A_275 = arith.constant 0 : i32
          scf.yield %scan3A_275 : i32
        }
        %scan3A_226 = arith.constant 6 : i32
        %dma_start3A_227 = arith.constant 0 : i32
        %dma_start3A_228 = arith.constant 0 : i32
        %dma_start3A_229 = tpu.memref_slice %arg14[%dma_start3A_227, %dma_start3A_228] : memref<1x96xi32, #tpu.memory_space<vmem>> -> memref<1x96xi32, #tpu.memory_space<vmem>>
        %dma_start3A_230 = tpu.memref_squeeze %dma_start3A_229 : memref<1x96xi32, #tpu.memory_space<vmem>> -> memref<96xi32, #tpu.memory_space<vmem>>
        %dma_start3A_231 = arith.constant 0 : i32
        %dma_start3A_232 = arith.constant 0 : i32
        %dma_start3A_233 = tpu.memref_slice %arg6[%dma_start3A_231, %dma_start3A_232] : memref<80000x16xf32, #tpu.memory_space<hbm>> -> memref<80000x16xf32, #tpu.memory_space<hbm>>
        tpu.enqueue_indirect_dma source(%dma_start3A_233 : memref<80000x16xf32, #tpu.memory_space<hbm>>) target(%arg15 : memref<96x16xf32, #tpu.memory_space<vmem>>) offsets(%dma_start3A_230 : memref<96xi32, #tpu.memory_space<vmem>>) semaphore(%arg28 : memref<!tpu.dma_semaphore, #tpu.memory_space<semaphore_mem>>)
        %dma_start3A_234 = arith.constant 0 : i32
        %dma_start3A_235 = arith.constant 0 : i32
        %dma_start3A_236 = tpu.memref_slice %arg13[%dma_start3A_234, %dma_start3A_235] : memref<1x96xi32, #tpu.memory_space<vmem>> -> memref<1x96xi32, #tpu.memory_space<vmem>>
        %dma_start3A_237 = tpu.memref_squeeze %dma_start3A_236 : memref<1x96xi32, #tpu.memory_space<vmem>> -> memref<96xi32, #tpu.memory_space<vmem>>
        %dma_start3A_238 = arith.constant 0 : i32
        %dma_start3A_239 = arith.constant 0 : i32
        %dma_start3A_240 = tpu.memref_slice %arg7[%dma_start3A_238, %dma_start3A_239] : memref<80000x16xf32, #tpu.memory_space<hbm>> -> memref<80000x16xf32, #tpu.memory_space<hbm>>
        tpu.enqueue_indirect_dma source(%dma_start3A_240 : memref<80000x16xf32, #tpu.memory_space<hbm>>) target(%arg16 : memref<96x16xf32, #tpu.memory_space<vmem>>) offsets(%dma_start3A_237 : memref<96xi32, #tpu.memory_space<vmem>>) semaphore(%arg28 : memref<!tpu.dma_semaphore, #tpu.memory_space<semaphore_mem>>)
      } else {
      }
      %dma_wait3A_165 = arith.constant 0 : i32
      %dma_wait3A_166 = arith.constant 0 : i32
      %dma_wait3A_167 = tpu.memref_slice %arg22[%dma_wait3A_165, %dma_wait3A_166] : memref<1x96xi32, #tpu.memory_space<vmem>> -> memref<1x96xi32, #tpu.memory_space<vmem>>
      %dma_wait3A_168 = tpu.memref_squeeze %dma_wait3A_167 : memref<1x96xi32, #tpu.memory_space<vmem>> -> memref<96xi32, #tpu.memory_space<vmem>>
      %dma_wait3A_169 = arith.constant 0 : i32
      %dma_wait3A_170 = arith.constant 0 : i32
      %dma_wait3A_171 = tpu.memref_slice %arg6[%dma_wait3A_169, %dma_wait3A_170] : memref<80000x16xf32, #tpu.memory_space<hbm>> -> memref<80000x16xf32, #tpu.memory_space<hbm>>
      tpu.wait_indirect_dma semaphore(%arg29 : memref<!tpu.dma_semaphore, #tpu.memory_space<semaphore_mem>>) src(%dma_wait3A_171 : memref<80000x16xf32, #tpu.memory_space<hbm>>) dst(%arg23 : memref<96x16xf32, #tpu.memory_space<vmem>>)
      %dma_wait3A_172 = arith.constant 0 : i32
      %dma_wait3A_173 = arith.constant 0 : i32
      %dma_wait3A_174 = tpu.memref_slice %arg21[%dma_wait3A_172, %dma_wait3A_173] : memref<1x96xi32, #tpu.memory_space<vmem>> -> memref<1x96xi32, #tpu.memory_space<vmem>>
      %dma_wait3A_175 = tpu.memref_squeeze %dma_wait3A_174 : memref<1x96xi32, #tpu.memory_space<vmem>> -> memref<96xi32, #tpu.memory_space<vmem>>
      %dma_wait3A_176 = arith.constant 0 : i32
      %dma_wait3A_177 = arith.constant 0 : i32
      %dma_wait3A_178 = tpu.memref_slice %arg7[%dma_wait3A_176, %dma_wait3A_177] : memref<80000x16xf32, #tpu.memory_space<hbm>> -> memref<80000x16xf32, #tpu.memory_space<hbm>>
      tpu.wait_indirect_dma semaphore(%arg29 : memref<!tpu.dma_semaphore, #tpu.memory_space<semaphore_mem>>) src(%dma_wait3A_178 : memref<80000x16xf32, #tpu.memory_space<hbm>>) dst(%arg24 : memref<96x16xf32, #tpu.memory_space<vmem>>)
      %scan3A_179 = arith.constant 0 : i32
      %scan3A_180 = arith.constant 0 : i32
      %scan3A_181 = arith.constant 96 : i32
      %scan3A_182 = arith.addi %scan3A_180, %scan3A_181 : i32
      %scan3A_183 = arith.constant 1 : i32
      %scan3A_184 = scf.for %scan3A_201 = %scan3A_180 to %scan3A_182 step %scan3A_183 iter_args(%scan3A_202 = %scan3A_179) -> (i32)  : i32 {
        %get3A = arith.index_cast %scan3A_201 : i32 to index
        %get3A_203 = arith.constant 0 : index
        %get3A_204 = tpu.vector_load %arg23[%get3A, %get3A_203] {strides = array<i32>} : memref<96x16xf32, #tpu.memory_space<vmem>>, vector<1x16xf32>,
        %get3A_205 = vector.shape_cast %get3A_204 : vector<1x16xf32> to vector<16xf32>
        %get3A_206 = arith.index_cast %scan3A_201 : i32 to index
        %get3A_207 = arith.constant 0 : index
        %get3A_208 = tpu.vector_load %arg24[%get3A_206, %get3A_207] {strides = array<i32>} : memref<96x16xf32, #tpu.memory_space<vmem>>, vector<1x16xf32>,
        %get3A_209 = vector.shape_cast %get3A_208 : vector<1x16xf32> to vector<16xf32>
        %add3A_210 = arith.addf %get3A_205, %get3A_209 : vector<16xf32>
        %gt3A_211 = arith.constant 0.000000e+00 : f32
        %gt3A_212 = vector.broadcast %gt3A_211 : f32 to vector<16xf32>
        %gt3A_213 = arith.cmpf ogt, %add3A_210, %gt3A_212 : vector<16xf32>
        %mul3A_214 = arith.constant 2.000000e-01 : f32
        %mul3A_215 = vector.broadcast %mul3A_214 : f32 to vector<16xf32>
        %mul3A_216 = arith.mulf %add3A_210, %mul3A_215 : vector<16xf32>
        %select_n3A = arith.select %gt3A_213, %add3A_210, %mul3A_216 : vector<16xi1>, vector<16xf32>
        %exp3A = math.exp %select_n3A : vector<16xf32>
        %swap3A = arith.index_cast %scan3A_201 : i32 to index
        %swap3A_217 = arith.constant 0 : index
        %swap3A_218 = tpu.vector_load %arg23[%swap3A, %swap3A_217] {strides = array<i32>} : memref<96x16xf32, #tpu.memory_space<vmem>>, vector<1x16xf32>,
        %swap3A_219 = vector.shape_cast %swap3A_218 : vector<1x16xf32> to vector<16xf32>
        %swap3A_220 = vector.shape_cast %exp3A : vector<16xf32> to vector<1x16xf32>
        tpu.vector_store %arg23[%swap3A, %swap3A_217], %swap3A_220 {strides = array<i32>} : memref<96x16xf32, #tpu.memory_space<vmem>>, vector<1x16xf32>,
        %slice3A = vector.extract_strided_slice %exp3A {offsets = [0], sizes = [1], strides = [1]} : vector<16xf32> to vector<1xf32>
        %squeeze3A = vector.extract %slice3A[0] : f32 from vector<1xf32>
        %broadcast_in_dim3A = vector.broadcast %squeeze3A : f32 to vector<16xf32>
        %get3A_221 = arith.index_cast %scan3A_201 : i32 to index
        %get3A_222 = arith.constant 0 : index
        %get3A_223 = tpu.vector_load %arg25[%get3A_221, %get3A_222] {strides = array<i32>} : memref<96x128xf32, #tpu.memory_space<vmem>>, vector<1x16xf32>,
        %get3A_224 = vector.shape_cast %get3A_223 : vector<1x16xf32> to vector<16xf32>
        %mul3A_225 = arith.mulf %get3A_224, %broadcast_in_dim3A : vector<16xf32>
        %swap3A_226 = arith.index_cast %scan3A_201 : i32 to index
        %swap3A_227 = arith.constant 0 : index
        %swap3A_228 = tpu.vector_load %arg25[%swap3A_226, %swap3A_227] {strides = array<i32>} : memref<96x128xf32, #tpu.memory_space<vmem>>, vector<1x16xf32>,
        %swap3A_229 = vector.shape_cast %swap3A_228 : vector<1x16xf32> to vector<16xf32>
        %swap3A_230 = vector.shape_cast %mul3A_225 : vector<16xf32> to vector<1x16xf32>
        tpu.vector_store %arg25[%swap3A_226, %swap3A_227], %swap3A_230 {strides = array<i32>} : memref<96x128xf32, #tpu.memory_space<vmem>>, vector<1x16xf32>,
        %get3A_231 = arith.index_cast %scan3A_201 : i32 to index
        %get3A_232 = arith.constant 16 : index
        %get3A_233 = tpu.vector_load %arg25[%get3A_231, %get3A_232] {strides = array<i32>} : memref<96x128xf32, #tpu.memory_space<vmem>>, vector<1x16xf32>,
        %get3A_234 = vector.shape_cast %get3A_233 : vector<1x16xf32> to vector<16xf32>
        %mul3A_235 = arith.mulf %get3A_234, %broadcast_in_dim3A : vector<16xf32>
        %swap3A_236 = arith.index_cast %scan3A_201 : i32 to index
        %swap3A_237 = arith.constant 16 : index
        %swap3A_238 = tpu.vector_load %arg25[%swap3A_236, %swap3A_237] {strides = array<i32>} : memref<96x128xf32, #tpu.memory_space<vmem>>, vector<1x16xf32>,
        %swap3A_239 = vector.shape_cast %swap3A_238 : vector<1x16xf32> to vector<16xf32>
        %swap3A_240 = vector.shape_cast %mul3A_235 : vector<16xf32> to vector<1x16xf32>
        tpu.vector_store %arg25[%swap3A_236, %swap3A_237], %swap3A_240 {strides = array<i32>} : memref<96x128xf32, #tpu.memory_space<vmem>>, vector<1x16xf32>,
        %slice3A_241 = vector.extract_strided_slice %exp3A {offsets = [1], sizes = [1], strides = [1]} : vector<16xf32> to vector<1xf32>
        %squeeze3A_242 = vector.extract %slice3A_241[0] : f32 from vector<1xf32>
        %broadcast_in_dim3A_243 = vector.broadcast %squeeze3A_242 : f32 to vector<16xf32>
        %get3A_244 = arith.index_cast %scan3A_201 : i32 to index
        %get3A_245 = arith.constant 32 : index
        %get3A_246 = tpu.vector_load %arg25[%get3A_244, %get3A_245] {strides = array<i32>} : memref<96x128xf32, #tpu.memory_space<vmem>>, vector<1x16xf32>,
        %get3A_247 = vector.shape_cast %get3A_246 : vector<1x16xf32> to vector<16xf32>
        %mul3A_248 = arith.mulf %get3A_247, %broadcast_in_dim3A_243 : vector<16xf32>
        %swap3A_249 = arith.index_cast %scan3A_201 : i32 to index
        %swap3A_250 = arith.constant 32 : index
        %swap3A_251 = tpu.vector_load %arg25[%swap3A_249, %swap3A_250] {strides = array<i32>} : memref<96x128xf32, #tpu.memory_space<vmem>>, vector<1x16xf32>,
        %swap3A_252 = vector.shape_cast %swap3A_251 : vector<1x16xf32> to vector<16xf32>
        %swap3A_253 = vector.shape_cast %mul3A_248 : vector<16xf32> to vector<1x16xf32>
        tpu.vector_store %arg25[%swap3A_249, %swap3A_250], %swap3A_253 {strides = array<i32>} : memref<96x128xf32, #tpu.memory_space<vmem>>, vector<1x16xf32>,
        %get3A_254 = arith.index_cast %scan3A_201 : i32 to index
        %get3A_255 = arith.constant 48 : index
        %get3A_256 = tpu.vector_load %arg25[%get3A_254, %get3A_255] {strides = array<i32>} : memref<96x128xf32, #tpu.memory_space<vmem>>, vector<1x16xf32>,
        %get3A_257 = vector.shape_cast %get3A_256 : vector<1x16xf32> to vector<16xf32>
        %mul3A_258 = arith.mulf %get3A_257, %broadcast_in_dim3A_243 : vector<16xf32>
        %swap3A_259 = arith.index_cast %scan3A_201 : i32 to index
        %swap3A_260 = arith.constant 48 : index
        %swap3A_261 = tpu.vector_load %arg25[%swap3A_259, %swap3A_260] {strides = array<i32>} : memref<96x128xf32, #tpu.memory_space<vmem>>, vector<1x16xf32>,
        %swap3A_262 = vector.shape_cast %swap3A_261 : vector<1x16xf32> to vector<16xf32>
        %swap3A_263 = vector.shape_cast %mul3A_258 : vector<16xf32> to vector<1x16xf32>
        tpu.vector_store %arg25[%swap3A_259, %swap3A_260], %swap3A_263 {strides = array<i32>} : memref<96x128xf32, #tpu.memory_space<vmem>>, vector<1x16xf32>,
        %slice3A_264 = vector.extract_strided_slice %exp3A {offsets = [2], sizes = [1], strides = [1]} : vector<16xf32> to vector<1xf32>
        %squeeze3A_265 = vector.extract %slice3A_264[0] : f32 from vector<1xf32>
        %broadcast_in_dim3A_266 = vector.broadcast %squeeze3A_265 : f32 to vector<16xf32>
        %get3A_267 = arith.index_cast %scan3A_201 : i32 to index
        %get3A_268 = arith.constant 64 : index
        %get3A_269 = tpu.vector_load %arg25[%get3A_267, %get3A_268] {strides = array<i32>} : memref<96x128xf32, #tpu.memory_space<vmem>>, vector<1x16xf32>,
        %get3A_270 = vector.shape_cast %get3A_269 : vector<1x16xf32> to vector<16xf32>
        %mul3A_271 = arith.mulf %get3A_270, %broadcast_in_dim3A_266 : vector<16xf32>
        %swap3A_272 = arith.index_cast %scan3A_201 : i32 to index
        %swap3A_273 = arith.constant 64 : index
        %swap3A_274 = tpu.vector_load %arg25[%swap3A_272, %swap3A_273] {strides = array<i32>} : memref<96x128xf32, #tpu.memory_space<vmem>>, vector<1x16xf32>,
        %swap3A_275 = vector.shape_cast %swap3A_274 : vector<1x16xf32> to vector<16xf32>
        %swap3A_276 = vector.shape_cast %mul3A_271 : vector<16xf32> to vector<1x16xf32>
        tpu.vector_store %arg25[%swap3A_272, %swap3A_273], %swap3A_276 {strides = array<i32>} : memref<96x128xf32, #tpu.memory_space<vmem>>, vector<1x16xf32>,
        %get3A_277 = arith.index_cast %scan3A_201 : i32 to index
        %get3A_278 = arith.constant 80 : index
        %get3A_279 = tpu.vector_load %arg25[%get3A_277, %get3A_278] {strides = array<i32>} : memref<96x128xf32, #tpu.memory_space<vmem>>, vector<1x16xf32>,
        %get3A_280 = vector.shape_cast %get3A_279 : vector<1x16xf32> to vector<16xf32>
        %mul3A_281 = arith.mulf %get3A_280, %broadcast_in_dim3A_266 : vector<16xf32>
        %swap3A_282 = arith.index_cast %scan3A_201 : i32 to index
        %swap3A_283 = arith.constant 80 : index
        %swap3A_284 = tpu.vector_load %arg25[%swap3A_282, %swap3A_283] {strides = array<i32>} : memref<96x128xf32, #tpu.memory_space<vmem>>, vector<1x16xf32>,
        %swap3A_285 = vector.shape_cast %swap3A_284 : vector<1x16xf32> to vector<16xf32>
        %swap3A_286 = vector.shape_cast %mul3A_281 : vector<16xf32> to vector<1x16xf32>
        tpu.vector_store %arg25[%swap3A_282, %swap3A_283], %swap3A_286 {strides = array<i32>} : memref<96x128xf32, #tpu.memory_space<vmem>>, vector<1x16xf32>,
        %slice3A_287 = vector.extract_strided_slice %exp3A {offsets = [3], sizes = [1], strides = [1]} : vector<16xf32> to vector<1xf32>
        %squeeze3A_288 = vector.extract %slice3A_287[0] : f32 from vector<1xf32>
        %broadcast_in_dim3A_289 = vector.broadcast %squeeze3A_288 : f32 to vector<16xf32>
        %get3A_290 = arith.index_cast %scan3A_201 : i32 to index
        %get3A_291 = arith.constant 96 : index
        %get3A_292 = tpu.vector_load %arg25[%get3A_290, %get3A_291] {strides = array<i32>} : memref<96x128xf32, #tpu.memory_space<vmem>>, vector<1x16xf32>,
        %get3A_293 = vector.shape_cast %get3A_292 : vector<1x16xf32> to vector<16xf32>
        %mul3A_294 = arith.mulf %get3A_293, %broadcast_in_dim3A_289 : vector<16xf32>
        %swap3A_295 = arith.index_cast %scan3A_201 : i32 to index
        %swap3A_296 = arith.constant 96 : index
        %swap3A_297 = tpu.vector_load %arg25[%swap3A_295, %swap3A_296] {strides = array<i32>} : memref<96x128xf32, #tpu.memory_space<vmem>>, vector<1x16xf32>,
        %swap3A_298 = vector.shape_cast %swap3A_297 : vector<1x16xf32> to vector<16xf32>
        %swap3A_299 = vector.shape_cast %mul3A_294 : vector<16xf32> to vector<1x16xf32>
        tpu.vector_store %arg25[%swap3A_295, %swap3A_296], %swap3A_299 {strides = array<i32>} : memref<96x128xf32, #tpu.memory_space<vmem>>, vector<1x16xf32>,
        %get3A_300 = arith.index_cast %scan3A_201 : i32 to index
        %get3A_301 = arith.constant 112 : index
        %get3A_302 = tpu.vector_load %arg25[%get3A_300, %get3A_301] {strides = array<i32>} : memref<96x128xf32, #tpu.memory_space<vmem>>, vector<1x16xf32>,
        %get3A_303 = vector.shape_cast %get3A_302 : vector<1x16xf32> to vector<16xf32>
        %mul3A_304 = arith.mulf %get3A_303, %broadcast_in_dim3A_289 : vector<16xf32>
        %swap3A_305 = arith.index_cast %scan3A_201 : i32 to index
        %swap3A_306 = arith.constant 112 : index
        %swap3A_307 = tpu.vector_load %arg25[%swap3A_305, %swap3A_306] {strides = array<i32>} : memref<96x128xf32, #tpu.memory_space<vmem>>, vector<1x16xf32>,
        %swap3A_308 = vector.shape_cast %swap3A_307 : vector<1x16xf32> to vector<16xf32>
        %swap3A_309 = vector.shape_cast %mul3A_304 : vector<16xf32> to vector<1x16xf32>
        tpu.vector_store %arg25[%swap3A_305, %swap3A_306], %swap3A_309 {strides = array<i32>} : memref<96x128xf32, #tpu.memory_space<vmem>>, vector<1x16xf32>,
        %scan3A_310 = arith.constant 0 : i32
        scf.yield %scan3A_310 : i32
      }
      %scan3A_185 = arith.constant 96 : i32
      %dma_start3A_186 = arith.constant 0 : i32
      %dma_start3A_187 = arith.constant 0 : i32
      %dma_start3A_188 = tpu.memref_slice %arg20[%dma_start3A_186, %dma_start3A_187] : memref<1x96xi32, #tpu.memory_space<vmem>> -> memref<1x96xi32, #tpu.memory_space<vmem>>
      %dma_start3A_189 = tpu.memref_squeeze %dma_start3A_188 : memref<1x96xi32, #tpu.memory_space<vmem>> -> memref<96xi32, #tpu.memory_space<vmem>>
      %dma_start3A_190 = arith.constant 0 : i32
      %dma_start3A_191 = arith.constant 0 : i32
      %dma_start3A_192 = tpu.memref_slice %arg26[%dma_start3A_190, %dma_start3A_191] : memref<10112x128xf32, #tpu.memory_space<vmem_shared>> -> memref<10112x128xf32, #tpu.memory_space<vmem_shared>>
      tpu.enqueue_indirect_dma source(%arg25 : memref<96x128xf32, #tpu.memory_space<vmem>>) target(%dma_start3A_192 : memref<10112x128xf32, #tpu.memory_space<vmem_shared>>) offsets(%dma_start3A_189 : memref<96xi32, #tpu.memory_space<vmem>>) semaphore(%arg31 : memref<!tpu.dma_semaphore, #tpu.memory_space<semaphore_mem>>) {add = true}
      %dma_start3A_193 = arith.constant 0 : i32
      %dma_start3A_194 = arith.constant 0 : i32
      %dma_start3A_195 = tpu.memref_slice %arg20[%dma_start3A_193, %dma_start3A_194] : memref<1x96xi32, #tpu.memory_space<vmem>> -> memref<1x96xi32, #tpu.memory_space<vmem>>
      %dma_start3A_196 = tpu.memref_squeeze %dma_start3A_195 : memref<1x96xi32, #tpu.memory_space<vmem>> -> memref<96xi32, #tpu.memory_space<vmem>>
      %dma_start3A_197 = arith.constant 0 : i32
      %dma_start3A_198 = arith.constant 0 : i32
      %dma_start3A_199 = tpu.memref_slice %arg27[%dma_start3A_197, %dma_start3A_198] : memref<10112x16xf32, #tpu.memory_space<vmem_shared>> -> memref<10112x16xf32, #tpu.memory_space<vmem_shared>>
      tpu.enqueue_indirect_dma source(%arg23 : memref<96x16xf32, #tpu.memory_space<vmem>>) target(%dma_start3A_199 : memref<10112x16xf32, #tpu.memory_space<vmem_shared>>) offsets(%dma_start3A_196 : memref<96xi32, #tpu.memory_space<vmem>>) semaphore(%arg31 : memref<!tpu.dma_semaphore, #tpu.memory_space<semaphore_mem>>) {add = true}
      %scan3A_200 = arith.constant 0 : i32
      scf.yield %scan3A_200 : i32
    }
    %scan3A_67 = arith.constant 54 : i32
    %dma_wait3A = arith.constant 0 : i32
    %dma_wait3A_68 = arith.constant 0 : i32
    %dma_wait3A_69 = tpu.memref_slice %arg12[%dma_wait3A, %dma_wait3A_68] : memref<1x96xi32, #tpu.memory_space<vmem>> -> memref<1x96xi32, #tpu.memory_space<vmem>>
    %dma_wait3A_70 = tpu.memref_squeeze %dma_wait3A_69 : memref<1x96xi32, #tpu.memory_space<vmem>> -> memref<96xi32, #tpu.memory_space<vmem>>
    %dma_wait3A_71 = arith.constant 0 : i32
    %dma_wait3A_72 = arith.constant 0 : i32
    %dma_wait3A_73 = tpu.memref_slice %arg26[%dma_wait3A_71, %dma_wait3A_72] : memref<10112x128xf32, #tpu.memory_space<vmem_shared>> -> memref<10112x128xf32, #tpu.memory_space<vmem_shared>>
    tpu.wait_indirect_dma semaphore(%arg30 : memref<!tpu.dma_semaphore, #tpu.memory_space<semaphore_mem>>) src(%arg17 : memref<96x128xf32, #tpu.memory_space<vmem>>) dst(%dma_wait3A_73 : memref<10112x128xf32, #tpu.memory_space<vmem_shared>>)
    %dma_wait3A_74 = arith.constant 0 : i32
    %dma_wait3A_75 = arith.constant 0 : i32
    %dma_wait3A_76 = tpu.memref_slice %arg12[%dma_wait3A_74, %dma_wait3A_75] : memref<1x96xi32, #tpu.memory_space<vmem>> -> memref<1x96xi32, #tpu.memory_space<vmem>>
    %dma_wait3A_77 = tpu.memref_squeeze %dma_wait3A_76 : memref<1x96xi32, #tpu.memory_space<vmem>> -> memref<96xi32, #tpu.memory_space<vmem>>
    %dma_wait3A_78 = arith.constant 0 : i32
    %dma_wait3A_79 = arith.constant 0 : i32
    %dma_wait3A_80 = tpu.memref_slice %arg27[%dma_wait3A_78, %dma_wait3A_79] : memref<10112x16xf32, #tpu.memory_space<vmem_shared>> -> memref<10112x16xf32, #tpu.memory_space<vmem_shared>>
    tpu.wait_indirect_dma semaphore(%arg30 : memref<!tpu.dma_semaphore, #tpu.memory_space<semaphore_mem>>) src(%arg15 : memref<96x16xf32, #tpu.memory_space<vmem>>) dst(%dma_wait3A_80 : memref<10112x16xf32, #tpu.memory_space<vmem_shared>>)
    %dma_wait3A_81 = arith.constant 0 : i32
    %dma_wait3A_82 = arith.constant 0 : i32
    %dma_wait3A_83 = tpu.memref_slice %arg20[%dma_wait3A_81, %dma_wait3A_82] : memref<1x96xi32, #tpu.memory_space<vmem>> -> memref<1x96xi32, #tpu.memory_space<vmem>>
    %dma_wait3A_84 = tpu.memref_squeeze %dma_wait3A_83 : memref<1x96xi32, #tpu.memory_space<vmem>> -> memref<96xi32, #tpu.memory_space<vmem>>
    %dma_wait3A_85 = arith.constant 0 : i32
    %dma_wait3A_86 = arith.constant 0 : i32
    %dma_wait3A_87 = tpu.memref_slice %arg26[%dma_wait3A_85, %dma_wait3A_86] : memref<10112x128xf32, #tpu.memory_space<vmem_shared>> -> memref<10112x128xf32, #tpu.memory_space<vmem_shared>>
    tpu.wait_indirect_dma semaphore(%arg31 : memref<!tpu.dma_semaphore, #tpu.memory_space<semaphore_mem>>) src(%arg25 : memref<96x128xf32, #tpu.memory_space<vmem>>) dst(%dma_wait3A_87 : memref<10112x128xf32, #tpu.memory_space<vmem_shared>>)
    %dma_wait3A_88 = arith.constant 0 : i32
    %dma_wait3A_89 = arith.constant 0 : i32
    %dma_wait3A_90 = tpu.memref_slice %arg20[%dma_wait3A_88, %dma_wait3A_89] : memref<1x96xi32, #tpu.memory_space<vmem>> -> memref<1x96xi32, #tpu.memory_space<vmem>>
    %dma_wait3A_91 = tpu.memref_squeeze %dma_wait3A_90 : memref<1x96xi32, #tpu.memory_space<vmem>> -> memref<96xi32, #tpu.memory_space<vmem>>
    %dma_wait3A_92 = arith.constant 0 : i32
    %dma_wait3A_93 = arith.constant 0 : i32
    %dma_wait3A_94 = tpu.memref_slice %arg27[%dma_wait3A_92, %dma_wait3A_93] : memref<10112x16xf32, #tpu.memory_space<vmem_shared>> -> memref<10112x16xf32, #tpu.memory_space<vmem_shared>>
    tpu.wait_indirect_dma semaphore(%arg31 : memref<!tpu.dma_semaphore, #tpu.memory_space<semaphore_mem>>) src(%arg23 : memref<96x16xf32, #tpu.memory_space<vmem>>) dst(%dma_wait3A_94 : memref<10112x16xf32, #tpu.memory_space<vmem_shared>>)
    %barrier3A_95 = arith.constant 0 : index
    tpu.barrier barrier_id(%barrier3A_95)
    "tpu.region"() ({
      %run_scoped3A = tpu.sem_alloc : memref<!tpu.dma_semaphore, #tpu.memory_space<semaphore_mem>>
      %dma_start3A_96 = arith.constant 0 : i32
      %dma_start3A_97 = tpu.memref_slice %arg8[%arg0, %mul3A_8, %dma_start3A_96] : memref<2x10112x128xf32, #tpu.memory_space<hbm>> -> memref<1x632x128xf32, #tpu.memory_space<hbm>>
      %dma_start3A_98 = tpu.memref_squeeze %dma_start3A_97 : memref<1x632x128xf32, #tpu.memory_space<hbm>> -> memref<632x128xf32, #tpu.memory_space<hbm>>
      %dma_start3A_99 = arith.constant 0 : i32
      %dma_start3A_100 = tpu.memref_slice %arg26[%mul3A_8, %dma_start3A_99] : memref<10112x128xf32, #tpu.memory_space<vmem_shared>> -> memref<632x128xf32, #tpu.memory_space<vmem_shared>>
      tpu.enqueue_dma source(%dma_start3A_100 : memref<632x128xf32, #tpu.memory_space<vmem_shared>>) target(%dma_start3A_98 : memref<632x128xf32, #tpu.memory_space<hbm>>) target_semaphore(%run_scoped3A : memref<!tpu.dma_semaphore, #tpu.memory_space<semaphore_mem>>)
      %dma_wait3A_101 = arith.constant 0 : i32
      %dma_wait3A_102 = tpu.memref_slice %arg8[%arg0, %mul3A_8, %dma_wait3A_101] : memref<2x10112x128xf32, #tpu.memory_space<hbm>> -> memref<1x632x128xf32, #tpu.memory_space<hbm>>
      %dma_wait3A_103 = tpu.memref_squeeze %dma_wait3A_102 : memref<1x632x128xf32, #tpu.memory_space<hbm>> -> memref<632x128xf32, #tpu.memory_space<hbm>>
      %dma_wait3A_104 = arith.constant 0 : i32
      %dma_wait3A_105 = tpu.memref_slice %arg26[%mul3A_8, %dma_wait3A_104] : memref<10112x128xf32, #tpu.memory_space<vmem_shared>> -> memref<632x128xf32, #tpu.memory_space<vmem_shared>>
      tpu.wait_dma2 semaphore(%run_scoped3A : memref<!tpu.dma_semaphore, #tpu.memory_space<semaphore_mem>>) src(%dma_wait3A_105 : memref<632x128xf32, #tpu.memory_space<vmem_shared>>) dst(%dma_wait3A_103 : memref<632x128xf32, #tpu.memory_space<hbm>>)
      tpu.yield
    }) : () -> ()
    "tpu.region"() ({
      %run_scoped3A = tpu.sem_alloc : memref<!tpu.dma_semaphore, #tpu.memory_space<semaphore_mem>>
      %dma_start3A_96 = arith.constant 0 : i32
      %dma_start3A_97 = tpu.memref_slice %arg9[%arg0, %mul3A_8, %dma_start3A_96] : memref<2x10112x16xf32, #tpu.memory_space<hbm>> -> memref<1x632x16xf32, #tpu.memory_space<hbm>>
      %dma_start3A_98 = tpu.memref_squeeze %dma_start3A_97 : memref<1x632x16xf32, #tpu.memory_space<hbm>> -> memref<632x16xf32, #tpu.memory_space<hbm>>
      %dma_start3A_99 = arith.constant 0 : i32
      %dma_start3A_100 = tpu.memref_slice %arg27[%mul3A_8, %dma_start3A_99] : memref<10112x16xf32, #tpu.memory_space<vmem_shared>> -> memref<632x16xf32, #tpu.memory_space<vmem_shared>>
      tpu.enqueue_dma source(%dma_start3A_100 : memref<632x16xf32, #tpu.memory_space<vmem_shared>>) target(%dma_start3A_98 : memref<632x16xf32, #tpu.memory_space<hbm>>) target_semaphore(%run_scoped3A : memref<!tpu.dma_semaphore, #tpu.memory_space<semaphore_mem>>)
      %dma_wait3A_101 = arith.constant 0 : i32
      %dma_wait3A_102 = tpu.memref_slice %arg9[%arg0, %mul3A_8, %dma_wait3A_101] : memref<2x10112x16xf32, #tpu.memory_space<hbm>> -> memref<1x632x16xf32, #tpu.memory_space<hbm>>
      %dma_wait3A_103 = tpu.memref_squeeze %dma_wait3A_102 : memref<1x632x16xf32, #tpu.memory_space<hbm>> -> memref<632x16xf32, #tpu.memory_space<hbm>>
      %dma_wait3A_104 = arith.constant 0 : i32
      %dma_wait3A_105 = tpu.memref_slice %arg27[%mul3A_8, %dma_wait3A_104] : memref<10112x16xf32, #tpu.memory_space<vmem_shared>> -> memref<632x16xf32, #tpu.memory_space<vmem_shared>>
      tpu.wait_dma2 semaphore(%run_scoped3A : memref<!tpu.dma_semaphore, #tpu.memory_space<semaphore_mem>>) src(%dma_wait3A_105 : memref<632x16xf32, #tpu.memory_space<vmem_shared>>) dst(%dma_wait3A_103 : memref<632x16xf32, #tpu.memory_space<hbm>>)
      tpu.yield
    }) : () -> ()
    return
  }
}

module attributes {stable_mosaic.version = 14 : i64} {
  func.func @_transform_body(%arg0: i32, %arg1: i32, %arg2: memref<1000x128xf32, #tpu.memory_space<vmem>>, %arg3: memref<1x128x128xf32, #tpu.memory_space<vmem>>, %arg4: memref<128x16xf32, #tpu.memory_space<vmem>>, %arg5: memref<128x16xf32, #tpu.memory_space<vmem>>, %arg6: memref<1x1000x128xf32, #tpu.memory_space<vmem>>, %arg7: memref<1x1000x16xf32, #tpu.memory_space<vmem>>, %arg8: memref<1x1000x16xf32, #tpu.memory_space<vmem>>) attributes {dimension_semantics = [#tpu.dimension_semantics<arbitrary>, #tpu.dimension_semantics<arbitrary>], iteration_bounds = array<i64: 8, 10>, scalar_prefetch = 0 : i64, scratch_operands = 0 : i64, tpu.core_type = #tpu.core_type<tc>, window_params = [{transform_indices = @transform_0, window_bounds = array<i64: 1000, 128>}, {transform_indices = @transform_1, window_bounds = array<i64: 1, 128, 128>}, {pipeline_mode = #tpu.pipeline_mode<synchronous>, transform_indices = @transform_2, window_bounds = array<i64: 128, 16>}, {pipeline_mode = #tpu.pipeline_mode<synchronous>, transform_indices = @transform_3, window_bounds = array<i64: 128, 16>}, {transform_indices = @transform_4, window_bounds = array<i64: 1, 1000, 128>}, {transform_indices = @transform_5, window_bounds = array<i64: 1, 1000, 16>}, {transform_indices = @transform_6, window_bounds = array<i64: 1, 1000, 16>}]} {
    %get3A = arith.constant 0 : index
    %get3A_0 = arith.constant 0 : index
    %get3A_1 = vector.load %arg2[%get3A, %get3A_0] : memref<1000x128xf32, #tpu.memory_space<vmem>>, vector<1000x128xf32>
    %get3A_2 = arith.constant 0 : index
    %get3A_3 = arith.constant 0 : index
    %get3A_4 = arith.constant 0 : index
    %get3A_5 = vector.load %arg3[%get3A_2, %get3A_3, %get3A_4] : memref<1x128x128xf32, #tpu.memory_space<vmem>>, vector<1x128x128xf32>
    %get3A_6 = vector.shape_cast %get3A_5 : vector<1x128x128xf32> to vector<128x128xf32>
    %dot_general3A = arith.constant dense<0.000000e+00> : vector<1000x128xf32>
    %dot_general3A_7 = tpu.matmul %get3A_1, %get3A_6, %dot_general3A {dimension_numbers = #tpu.dot_dimension_numbers<[1], [0], [0], [1], [0, 0, 1, 1], [], []>, transpose_lhs_hint = false} : vector<1000x128xf32>, vector<128x128xf32>, vector<1000x128xf32> -> vector<1000x128xf32>
    %swap3A = arith.constant 0 : index
    %swap3A_8 = arith.constant 0 : index
    %swap3A_9 = arith.constant 0 : index
    %swap3A_10 = vector.load %arg6[%swap3A, %swap3A_8, %swap3A_9] : memref<1x1000x128xf32, #tpu.memory_space<vmem>>, vector<1x1000x128xf32>
    %swap3A_11 = vector.shape_cast %swap3A_10 : vector<1x1000x128xf32> to vector<1000x128xf32>
    %swap3A_12 = vector.shape_cast %dot_general3A_7 : vector<1000x128xf32> to vector<1x1000x128xf32>
    tpu.vector_store %arg6[%swap3A, %swap3A_8, %swap3A_9], %swap3A_12 {strides = array<i32>} : memref<1x1000x128xf32, #tpu.memory_space<vmem>>, vector<1x1000x128xf32>,
    %get3A_13 = arith.constant 0 : index
    %get3A_14 = arith.constant 0 : index
    %get3A_15 = vector.load %arg4[%get3A_13, %get3A_14] : memref<128x16xf32, #tpu.memory_space<vmem>>, vector<128x16xf32>
    %dot_general3A_16 = arith.constant dense<0.000000e+00> : vector<1000x16xf32>
    %dot_general3A_17 = tpu.matmul %dot_general3A_7, %get3A_15, %dot_general3A_16 {dimension_numbers = #tpu.dot_dimension_numbers<[1], [0], [0], [1], [0, 0, 1, 1], [], []>, transpose_lhs_hint = false} : vector<1000x128xf32>, vector<128x16xf32>, vector<1000x16xf32> -> vector<1000x16xf32>
    %swap3A_18 = arith.constant 0 : index
    %swap3A_19 = arith.constant 0 : index
    %swap3A_20 = arith.constant 0 : index
    %swap3A_21 = vector.load %arg7[%swap3A_18, %swap3A_19, %swap3A_20] : memref<1x1000x16xf32, #tpu.memory_space<vmem>>, vector<1x1000x16xf32>
    %swap3A_22 = vector.shape_cast %swap3A_21 : vector<1x1000x16xf32> to vector<1000x16xf32>
    %swap3A_23 = vector.shape_cast %dot_general3A_17 : vector<1000x16xf32> to vector<1x1000x16xf32>
    tpu.vector_store %arg7[%swap3A_18, %swap3A_19, %swap3A_20], %swap3A_23 {strides = array<i32>} : memref<1x1000x16xf32, #tpu.memory_space<vmem>>, vector<1x1000x16xf32>,
    %get3A_24 = arith.constant 0 : index
    %get3A_25 = arith.constant 0 : index
    %get3A_26 = vector.load %arg5[%get3A_24, %get3A_25] : memref<128x16xf32, #tpu.memory_space<vmem>>, vector<128x16xf32>
    %dot_general3A_27 = arith.constant dense<0.000000e+00> : vector<1000x16xf32>
    %dot_general3A_28 = tpu.matmul %dot_general3A_7, %get3A_26, %dot_general3A_27 {dimension_numbers = #tpu.dot_dimension_numbers<[1], [0], [0], [1], [0, 0, 1, 1], [], []>, transpose_lhs_hint = false} : vector<1000x128xf32>, vector<128x16xf32>, vector<1000x16xf32> -> vector<1000x16xf32>
    %swap3A_29 = arith.constant 0 : index
    %swap3A_30 = arith.constant 0 : index
    %swap3A_31 = arith.constant 0 : index
    %swap3A_32 = vector.load %arg8[%swap3A_29, %swap3A_30, %swap3A_31] : memref<1x1000x16xf32, #tpu.memory_space<vmem>>, vector<1x1000x16xf32>
    %swap3A_33 = vector.shape_cast %swap3A_32 : vector<1x1000x16xf32> to vector<1000x16xf32>
    %swap3A_34 = vector.shape_cast %dot_general3A_28 : vector<1000x16xf32> to vector<1x1000x16xf32>
    tpu.vector_store %arg8[%swap3A_29, %swap3A_30, %swap3A_31], %swap3A_34 {strides = array<i32>} : memref<1x1000x16xf32, #tpu.memory_space<vmem>>, vector<1x1000x16xf32>,
    return
  }
  func.func @transform_0(%arg0: i32, %arg1: i32) -> (i32, i32) {
    %c0_i32 = arith.constant 0 : i32
    %c0_i32_0 = arith.constant 0 : i32
    return %arg1, %c0_i32 : i32, i32
  }
  func.func @transform_1(%arg0: i32, %arg1: i32) -> (i32, i32, i32) {
    %c0_i32 = arith.constant 0 : i32
    %c0_i32_0 = arith.constant 0 : i32
    %c0_i32_1 = arith.constant 0 : i32
    return %arg0, %c0_i32, %c0_i32_0 : i32, i32, i32
  }
  func.func @transform_2(%arg0: i32, %arg1: i32) -> (i32, i32) {
    %c0_i32 = arith.constant 0 : i32
    %c0_i32_0 = arith.constant 0 : i32
    %c0_i32_1 = arith.constant 0 : i32
    return %c0_i32, %c0_i32_0 : i32, i32
  }
  func.func @transform_3(%arg0: i32, %arg1: i32) -> (i32, i32) {
    %c0_i32 = arith.constant 0 : i32
    %c0_i32_0 = arith.constant 0 : i32
    %c0_i32_1 = arith.constant 0 : i32
    return %c0_i32, %c0_i32_0 : i32, i32
  }
  func.func @transform_4(%arg0: i32, %arg1: i32) -> (i32, i32, i32) {
    %c0_i32 = arith.constant 0 : i32
    %c0_i32_0 = arith.constant 0 : i32
    return %arg0, %arg1, %c0_i32 : i32, i32, i32
  }
  func.func @transform_5(%arg0: i32, %arg1: i32) -> (i32, i32, i32) {
    %c0_i32 = arith.constant 0 : i32
    %c0_i32_0 = arith.constant 0 : i32
    return %arg0, %arg1, %c0_i32 : i32, i32, i32
  }
  func.func @transform_6(%arg0: i32, %arg1: i32) -> (i32, i32, i32) {
    %c0_i32 = arith.constant 0 : i32
    %c0_i32_0 = arith.constant 0 : i32
    return %arg0, %arg1, %c0_i32 : i32, i32, i32
  }
}

module attributes {stable_mosaic.version = 14 : i64} {
  func.func @_finalize_body(%arg0: i32, %arg1: memref<2x1000x128xf32, #tpu.memory_space<vmem>>, %arg2: memref<2x1000x16xf32, #tpu.memory_space<vmem>>, %arg3: memref<1x128xf32, #tpu.memory_space<vmem>>, %arg4: memref<1000x128xf32, #tpu.memory_space<vmem>>) attributes {dimension_semantics = [#tpu.dimension_semantics<arbitrary>], iteration_bounds = array<i64: 10>, scalar_prefetch = 0 : i64, scratch_operands = 0 : i64, tpu.core_type = #tpu.core_type<tc>, window_params = [{transform_indices = @transform_0, window_bounds = array<i64: 2, 1000, 128>}, {transform_indices = @transform_1, window_bounds = array<i64: 2, 1000, 16>}, {pipeline_mode = #tpu.pipeline_mode<synchronous>, transform_indices = @transform_2, window_bounds = array<i64: 1, 128>}, {transform_indices = @transform_3, window_bounds = array<i64: 1000, 128>}]} {
    %get3A = arith.constant 0 : index
    %get3A_0 = arith.constant 0 : index
    %get3A_1 = arith.constant 0 : index
    %get3A_2 = vector.load %arg1[%get3A, %get3A_0, %get3A_1] : memref<2x1000x128xf32, #tpu.memory_space<vmem>>, vector<1x1000x128xf32>
    %get3A_3 = vector.shape_cast %get3A_2 : vector<1x1000x128xf32> to vector<1000x128xf32>
    %get3A_4 = arith.constant 1 : index
    %get3A_5 = arith.constant 0 : index
    %get3A_6 = arith.constant 0 : index
    %get3A_7 = vector.load %arg1[%get3A_4, %get3A_5, %get3A_6] : memref<2x1000x128xf32, #tpu.memory_space<vmem>>, vector<1x1000x128xf32>
    %get3A_8 = vector.shape_cast %get3A_7 : vector<1x1000x128xf32> to vector<1000x128xf32>
    %add3A = arith.addf %get3A_3, %get3A_8 : vector<1000x128xf32>
    %get3A_9 = arith.constant 0 : index
    %get3A_10 = arith.constant 0 : index
    %get3A_11 = arith.constant 0 : index
    %get3A_12 = vector.load %arg2[%get3A_9, %get3A_10, %get3A_11] : memref<2x1000x16xf32, #tpu.memory_space<vmem>>, vector<1x1000x16xf32>
    %get3A_13 = vector.shape_cast %get3A_12 : vector<1x1000x16xf32> to vector<1000x16xf32>
    %get3A_14 = arith.constant 1 : index
    %get3A_15 = arith.constant 0 : index
    %get3A_16 = arith.constant 0 : index
    %get3A_17 = vector.load %arg2[%get3A_14, %get3A_15, %get3A_16] : memref<2x1000x16xf32, #tpu.memory_space<vmem>>, vector<1x1000x16xf32>
    %get3A_18 = vector.shape_cast %get3A_17 : vector<1x1000x16xf32> to vector<1000x16xf32>
    %add3A_19 = arith.addf %get3A_13, %get3A_18 : vector<1000x16xf32>
    %slice3A = vector.extract_strided_slice %add3A_19 {offsets = [0, 0], sizes = [1000, 4], strides = [1, 1]} : vector<1000x16xf32> to vector<1000x4xf32>
    %broadcast_in_dim3A = vector.shape_cast %slice3A : vector<1000x4xf32> to vector<1000x4x1xf32>
    %broadcast_in_dim3A_20 = vector.shape_cast %broadcast_in_dim3A : vector<1000x4x1xf32> to vector<1000x4x1xf32>
    %broadcast_in_dim3A_21 = vector.broadcast %broadcast_in_dim3A_20 : vector<1000x4x1xf32> to vector<1000x4x32xf32>
    %reshape3A = vector.shape_cast %broadcast_in_dim3A_21 : vector<1000x4x32xf32> to vector<1000x128xf32>
    %add3A_22 = arith.constant 1.000000e-16 : f32
    %add3A_23 = vector.broadcast %add3A_22 : f32 to vector<1000x128xf32>
    %add3A_24 = arith.addf %reshape3A, %add3A_23 : vector<1000x128xf32>
    %div3A = arith.divf %add3A, %add3A_24 : vector<1000x128xf32>
    %get3A_25 = arith.constant 0 : index
    %get3A_26 = arith.constant 0 : index
    %get3A_27 = vector.load %arg3[%get3A_25, %get3A_26] : memref<1x128xf32, #tpu.memory_space<vmem>>, vector<1x128xf32>
    %add3A_28 = vector.broadcast %get3A_27 : vector<1x128xf32> to vector<1000x128xf32>
    %add3A_29 = arith.addf %div3A, %add3A_28 : vector<1000x128xf32>
    %max3A = arith.constant 0.000000e+00 : f32
    %max3A_30 = vector.broadcast %max3A : f32 to vector<1000x128xf32>
    %max3A_31 = arith.maximumf %add3A_29, %max3A_30 : vector<1000x128xf32>
    %swap3A = arith.constant 0 : index
    %swap3A_32 = arith.constant 0 : index
    %swap3A_33 = vector.load %arg4[%swap3A, %swap3A_32] : memref<1000x128xf32, #tpu.memory_space<vmem>>, vector<1000x128xf32>
    tpu.vector_store %arg4[%swap3A, %swap3A_32], %max3A_31 {strides = array<i32>} : memref<1000x128xf32, #tpu.memory_space<vmem>>, vector<1000x128xf32>,
    return
  }
  func.func @transform_0(%arg0: i32) -> (i32, i32, i32) {
    %c0_i32 = arith.constant 0 : i32
    %c0_i32_0 = arith.constant 0 : i32
    %c0_i32_1 = arith.constant 0 : i32
    return %c0_i32, %arg0, %c0_i32_0 : i32, i32, i32
  }
  func.func @transform_1(%arg0: i32) -> (i32, i32, i32) {
    %c0_i32 = arith.constant 0 : i32
    %c0_i32_0 = arith.constant 0 : i32
    %c0_i32_1 = arith.constant 0 : i32
    return %c0_i32, %arg0, %c0_i32_0 : i32, i32, i32
  }
  func.func @transform_2(%arg0: i32) -> (i32, i32) {
    %c0_i32 = arith.constant 0 : i32
    %c0_i32_0 = arith.constant 0 : i32
    %c0_i32_1 = arith.constant 0 : i32
    return %c0_i32, %c0_i32_0 : i32, i32
  }
  func.func @transform_3(%arg0: i32) -> (i32, i32) {
    %c0_i32 = arith.constant 0 : i32
    %c0_i32_0 = arith.constant 0 : i32
    return %arg0, %c0_i32 : i32, i32
  }
}

module attributes {stable_mosaic.version = 14 : i64} {
  func.func @_finalize_body(%arg0: i32, %arg1: memref<2x1000x128xf32, #tpu.memory_space<vmem>>, %arg2: memref<2x1000x16xf32, #tpu.memory_space<vmem>>, %arg3: memref<1x128xf32, #tpu.memory_space<vmem>>, %arg4: memref<1000x128xf32, #tpu.memory_space<vmem>>) attributes {dimension_semantics = [#tpu.dimension_semantics<arbitrary>], iteration_bounds = array<i64: 10>, scalar_prefetch = 0 : i64, scratch_operands = 0 : i64, tpu.core_type = #tpu.core_type<tc>, window_params = [{transform_indices = @transform_0, window_bounds = array<i64: 2, 1000, 128>}, {transform_indices = @transform_1, window_bounds = array<i64: 2, 1000, 16>}, {pipeline_mode = #tpu.pipeline_mode<synchronous>, transform_indices = @transform_2, window_bounds = array<i64: 1, 128>}, {transform_indices = @transform_3, window_bounds = array<i64: 1000, 128>}]} {
    %get3A = arith.constant 0 : index
    %get3A_0 = arith.constant 0 : index
    %get3A_1 = arith.constant 0 : index
    %get3A_2 = vector.load %arg1[%get3A, %get3A_0, %get3A_1] : memref<2x1000x128xf32, #tpu.memory_space<vmem>>, vector<1x1000x128xf32>
    %get3A_3 = vector.shape_cast %get3A_2 : vector<1x1000x128xf32> to vector<1000x128xf32>
    %get3A_4 = arith.constant 1 : index
    %get3A_5 = arith.constant 0 : index
    %get3A_6 = arith.constant 0 : index
    %get3A_7 = vector.load %arg1[%get3A_4, %get3A_5, %get3A_6] : memref<2x1000x128xf32, #tpu.memory_space<vmem>>, vector<1x1000x128xf32>
    %get3A_8 = vector.shape_cast %get3A_7 : vector<1x1000x128xf32> to vector<1000x128xf32>
    %add3A = arith.addf %get3A_3, %get3A_8 : vector<1000x128xf32>
    %get3A_9 = arith.constant 0 : index
    %get3A_10 = arith.constant 0 : index
    %get3A_11 = arith.constant 0 : index
    %get3A_12 = vector.load %arg2[%get3A_9, %get3A_10, %get3A_11] : memref<2x1000x16xf32, #tpu.memory_space<vmem>>, vector<1x1000x16xf32>
    %get3A_13 = vector.shape_cast %get3A_12 : vector<1x1000x16xf32> to vector<1000x16xf32>
    %get3A_14 = arith.constant 1 : index
    %get3A_15 = arith.constant 0 : index
    %get3A_16 = arith.constant 0 : index
    %get3A_17 = vector.load %arg2[%get3A_14, %get3A_15, %get3A_16] : memref<2x1000x16xf32, #tpu.memory_space<vmem>>, vector<1x1000x16xf32>
    %get3A_18 = vector.shape_cast %get3A_17 : vector<1x1000x16xf32> to vector<1000x16xf32>
    %add3A_19 = arith.addf %get3A_13, %get3A_18 : vector<1000x16xf32>
    %slice3A = vector.extract_strided_slice %add3A_19 {offsets = [0, 0], sizes = [1000, 4], strides = [1, 1]} : vector<1000x16xf32> to vector<1000x4xf32>
    %broadcast_in_dim3A = vector.shape_cast %slice3A : vector<1000x4xf32> to vector<1000x4x1xf32>
    %broadcast_in_dim3A_20 = vector.shape_cast %broadcast_in_dim3A : vector<1000x4x1xf32> to vector<1000x4x1xf32>
    %broadcast_in_dim3A_21 = vector.broadcast %broadcast_in_dim3A_20 : vector<1000x4x1xf32> to vector<1000x4x32xf32>
    %reshape3A = vector.shape_cast %broadcast_in_dim3A_21 : vector<1000x4x32xf32> to vector<1000x128xf32>
    %add3A_22 = arith.constant 1.000000e-16 : f32
    %add3A_23 = vector.broadcast %add3A_22 : f32 to vector<1000x128xf32>
    %add3A_24 = arith.addf %reshape3A, %add3A_23 : vector<1000x128xf32>
    %div3A = arith.divf %add3A, %add3A_24 : vector<1000x128xf32>
    %get3A_25 = arith.constant 0 : index
    %get3A_26 = arith.constant 0 : index
    %get3A_27 = vector.load %arg3[%get3A_25, %get3A_26] : memref<1x128xf32, #tpu.memory_space<vmem>>, vector<1x128xf32>
    %add3A_28 = vector.broadcast %get3A_27 : vector<1x128xf32> to vector<1000x128xf32>
    %add3A_29 = arith.addf %div3A, %add3A_28 : vector<1000x128xf32>
    %swap3A = arith.constant 0 : index
    %swap3A_30 = arith.constant 0 : index
    %swap3A_31 = vector.load %arg4[%swap3A, %swap3A_30] : memref<1000x128xf32, #tpu.memory_space<vmem>>, vector<1000x128xf32>
    tpu.vector_store %arg4[%swap3A, %swap3A_30], %add3A_29 {strides = array<i32>} : memref<1000x128xf32, #tpu.memory_space<vmem>>, vector<1000x128xf32>,
    return
  }
  func.func @transform_0(%arg0: i32) -> (i32, i32, i32) {
    %c0_i32 = arith.constant 0 : i32
    %c0_i32_0 = arith.constant 0 : i32
    %c0_i32_1 = arith.constant 0 : i32
    return %c0_i32, %arg0, %c0_i32_0 : i32, i32, i32
  }
  func.func @transform_1(%arg0: i32) -> (i32, i32, i32) {
    %c0_i32 = arith.constant 0 : i32
    %c0_i32_0 = arith.constant 0 : i32
    %c0_i32_1 = arith.constant 0 : i32
    return %c0_i32, %arg0, %c0_i32_0 : i32, i32, i32
  }
  func.func @transform_2(%arg0: i32) -> (i32, i32) {
    %c0_i32 = arith.constant 0 : i32
    %c0_i32_0 = arith.constant 0 : i32
    %c0_i32_1 = arith.constant 0 : i32
    return %c0_i32, %c0_i32_0 : i32, i32
  }
  func.func @transform_3(%arg0: i32) -> (i32, i32) {
    %c0_i32 = arith.constant 0 : i32
    %c0_i32_0 = arith.constant 0 : i32
    return %arg0, %c0_i32 : i32, i32
  }
}

</mosaic_0001>

<sc_bundles>
// kernel: kernel.11.cloned.1.call-start
scs
__scs_entry_jumppad:
0x0: {  	(pc) =	sbr.rel $0x88, $3  }
0x1: {  	(tag) =	ssettag $0x0;
	lr =	simm.s32 $0x1  }
0x2: {  	[smem:$0x3F96] =	sst lr;
	_ =	strace $0xD0000000  }
0x3: {  	_ = 	snop  }
0x4: {  	_ = 	snop  }
0x5: {  	_ = 	snop  }
0x6: {  	_ = 	snop  }
0x7: {  	_ = 	snop  }
__scs_overlays_trampoline_lowered:
0x8: {  	[smem:$0x3FA5] =	sst s0  }
0x9: {  	[smem:$0x3FA6] =	sst s1  }
0xa: {  	[smem:$0x3FA7] =	sst s2  }
0xb: {  	[smem:$0x3FA8] =	sst s3  }
0xc: {  	[smem:$0x3FA9] =	sst s4  }
0xd: {  	[smem:$0x3FAA] =	sst s5  }
0xe: {  	[smem:$0x3FAB] =	sst s6  }
0xf: {  	[smem:$0x3FAC] =	sst s7  }
0x10: {  	[smem:$0x3FAD] =	sst s8  }
0x11: {  	[smem:$0x3FAE] =	sst s9;
	s0 =	simm.s32 @!p0 $0x0  }
0x12: {  	s1 =	sld [smem:$0x3F94];
	s0 =	simm.s32 @p0 $0x1  }
0x13: {  	[smem:$0x3FAF] =	sst s0;
	s0 =	simm.s32 @!p1 $0x0  }
0x14: {  	s2 =	sld [smem:$0x3F93];
	s0 =	simm.s32 @p1 $0x1  }
0x15: {  	[smem:$0x3FB0] =	sst s0;
	s0 =	simm.s32 @!p2 $0x0  }
0x16: {  	s3 =	sld [smem:$0x3FDB];
	s0 =	simm.s32 @p2 $0x1  }
0x17: {  	s4 =	simm.s32 $0x1BF5;
	[smem:$0x3FB2] =	sst s0  }
0x18: {  	s0 =	sld [smem:$0x3F95];
	_ =	swait.ge [sflag:s4], $0x0  }
0x19: {  	s7 =	sld [smem:$0x3F96]  }
0x1a: {  	s8 =	sadd.s32 $0xFFFFE003, lr  }
0x1b: {  	s9 =	sadd.s32 $0xFFFFFEF7, lr;
	s5 =	simm.s32 $0xFFFFFFFF;
	p2 =	slt.u32 s8, $0xFFFFF086  }
0x1c: {  	p1 =	slt.u32 s9, $0xF7A;
	s5 =	simm.s32 @!p2 $0x0  }
0x1d: {  	s5 =	simm.s32 @p1 $0x1;
	p0 =	seq.s32 s7, s2  }
0x1e: {  	s7 =	smul.u32 @!p0 $0xF7A, s2;
	p2 =	seq.s32 @!p0 s5, $0x0  }
0x1f: {  	s9 =	smul.u32 $0xF7A, s1;
	s8 =	simm.s32 @!p0 $0x1BF5;
	p2 =	por !p2, p0  }
0x20: {  	[sflag:s8] =	ssyncset.s32 @!p0 $0xFFFFF086;
	s6 =	sadd.s32 @!p0 s3, s7;
	s7 =	simm.s32 @!p0 $0x108  }
0x21: {  	s3 =	sadd.s32 s3, s9;
	s6 =	sadd.s32 @!p0 $0x88, s6;
	s7 =	simm.s32 @p2 $0x1082  }
0x22: {  	[simem:s7], [sflag:s8] =	dma.local @!p0 [hbm:s6], $0xF7A  }
0x23: {  	s9 =	sor.u32 $0xD0000000, s2;
	s6 =	simm.s32 $0x108;
	_ =	swait.ge @!p0 [sflag:s8], $0x0  }
0x24: {  	s3 =	sadd.s32 $0x88, s3;
	s6 =	simm.s32 @!p1 $0x1082;
	[sflag:s4] =	ssyncset.s32 $0xFFFFF086  }
0x25: {  	[simem:s6], [sflag:s4] =	dma.local [hbm:s3], $0xF7A  }
0x26: {  	[smem:$0x3F96] =	sst s1;
	(tag) =	ssettag s2;
	_ =	strace s9  }
0x27: {  	s1 =	sld [smem:$0x3FA6]  }
0x28: {  	s2 =	sld [smem:$0x3FA7]  }
0x29: {  	s4 =	sld [smem:$0x3FA9]  }
0x2a: {  	p0 =	seq.s32 s5, $0x0;
	s5 =	sld [smem:$0x3FAA]  }
0x2b: {  	s6 =	sld [smem:$0x3FAB]  }
0x2c: {  	s7 =	sld [smem:$0x3FAC]  }
0x2d: {  	s3 =	simm.s32 $0x108;
	s8 =	sld [smem:$0x3FAD]  }
0x2e: {  	s3 =	simm.s32 @!p0 $0x1082;
	s9 =	sld [smem:$0x3FAE]  }
0x2f: {  	lr =	sadd.s32 s0, s3;
	s0 =	sld [smem:$0x3FA5]  }
0x30: {  	s3 =	sld [smem:$0x3FA8]  }
0x31: {  	[smem:$0x3FB1] =	sst s10  }
0x32: {  	s10 =	sld [smem:$0x3FAF];
	_ =	sdelay $0x3  }
0x33: {  	p0 =	seq.s32 s10, $0x1;
	s10 =	sld [smem:$0x3FB1];
	_ =	sdelay $0x3  }
0x34: {  	[smem:$0x3FB1] =	sst s10  }
0x35: {  	s10 =	sld [smem:$0x3FB0];
	_ =	sdelay $0x3  }
0x36: {  	p1 =	seq.s32 s10, $0x1;
	s10 =	sld [smem:$0x3FB1];
	_ =	sdelay $0x3  }
0x37: {  	[smem:$0x3FB1] =	sst s10  }
0x38: {  	s10 =	sld [smem:$0x3FB2]  }
0x39: {  	_ = 	snop;
	(pc) =	sbr.ind lr, $3  }
0x3a: {  	_ = 	snop  }
0x3b: {  	_ = 	snop  }
0x3c: {  	p2 =	seq.s32 s10, $0x1;
	s10 =	sld [smem:$0x3FB1]  }
0x3d: {  	_ =	shalt  }
0x3e: {  	_ =	shalt  }
0x3f: {  	_ =	shalt  }
0x40: {  	_ =	shalt  }
0x41: {  	_ =	shalt  }
0x42: {  	_ =	shalt  }
0x43: {  	_ =	shalt  }
0x44: {  	_ =	shalt  }
0x45: {  	_ =	shalt  }
0x46: {  	_ =	shalt  }
0x47: {  	_ =	shalt  }
0x48: {  	_ =	shalt  }
0x49: {  	_ =	shalt  }
0x4a: {  	_ =	shalt  }
0x4b: {  	_ =	shalt  }
0x4c: {  	_ =	shalt  }
0x4d: {  	_ =	shalt  }
0x4e: {  	_ =	shalt  }
0x4f: {  	_ =	shalt  }
0x50: {  	_ =	shalt  }
0x51: {  	_ =	shalt  }
0x52: {  	_ =	shalt  }
0x53: {  	_ =	shalt  }
0x54: {  	_ =	shalt  }
0x55: {  	_ =	shalt  }
0x56: {  	_ =	shalt  }
0x57: {  	_ =	shalt  }
0x58: {  	_ =	shalt  }
0x59: {  	_ =	shalt  }
0x5a: {  	_ =	shalt  }
0x5b: {  	_ =	shalt  }
0x5c: {  	_ =	shalt  }
0x5d: {  	_ =	shalt  }
0x5e: {  	_ =	shalt  }
0x5f: {  	_ =	shalt  }
0x60: {  	_ =	shalt  }
0x61: {  	_ =	shalt  }
0x62: {  	_ =	shalt  }
0x63: {  	_ =	shalt  }
0x64: {  	_ =	shalt  }
0x65: {  	_ =	shalt  }
0x66: {  	_ =	shalt  }
0x67: {  	_ =	shalt  }
0x68: {  	_ =	shalt  }
0x69: {  	_ =	shalt  }
0x6a: {  	_ =	shalt  }
0x6b: {  	_ =	shalt  }
0x6c: {  	_ =	shalt  }
0x6d: {  	_ =	shalt  }
0x6e: {  	_ =	shalt  }
0x6f: {  	_ =	shalt  }
0x70: {  	_ =	shalt  }
0x71: {  	_ =	shalt  }
0x72: {  	_ =	shalt  }
0x73: {  	_ =	shalt  }
0x74: {  	_ =	shalt  }
0x75: {  	_ =	shalt  }
0x76: {  	_ =	shalt  }
0x77: {  	_ =	shalt  }
0x78: {  	_ =	shalt  }
0x79: {  	_ =	shalt  }
0x7a: {  	_ =	shalt  }
0x7b: {  	_ =	shalt  }
0x7c: {  	_ =	shalt  }
0x7d: {  	_ =	shalt  }
0x7e: {  	_ =	shalt  }
0x7f: {  	_ =	shalt  }
0x80: {  	_ =	shalt  }
0x81: {  	_ =	shalt  }
0x82: {  	_ =	shalt  }
0x83: {  	_ =	shalt  }
0x84: {  	_ =	shalt  }
0x85: {  	_ =	shalt  }
0x86: {  	_ =	shalt  }
0x87: {  	_ =	shalt  }
.Lfunc_end0:
.L_simem_size_0:
called_computation.1_lowered:
.L_overlay_start_0:
0x88: {  	s2 =	sld [smem:$0x3FD9]  }
0x89: {  	s3 =	sld [smem:$0x3FFE];
	_ =	sdelay $0x1  }
0x8a: {  	s1 =	srdreg.scid  }
0x8b: {  	s0 =	sand.u32 $0x1, s1  }
0x8c: {  	s17 =	sshll.u32 s0, $0xA;
	s2 =	sadd.s32 s3, s2  }
0x8d: {  	s2 =	sadd.s32 s2, s17  }
0x8e: {  	[smem:$0x3FBD] =	sst s2  }
0x8f: {  	_ = 	snop  }
0x90: {  	s2 =	sld [smem:$0x3FD0];
	(tm) =	ssettm $0x1  }
0x91: {  	s18 =	sld [smem:$0x3FFB];
	_ =	sdelay $0x3  }
0x92: {  	_ =	strace s18  }
0x93: {  	s3 =	sld [smem:$0x3FFC];
	_ =	sdelay $0x3  }
0x94: {  	_ =	strace s3  }
0x95: {  	s3 =	sld [smem:$0x3FFD];
	_ =	sdelay $0x3  }
0x96: {  	_ =	strace s3  }
0x97: {  	_ =	strace $0x8FFFFFFF  }
0x98: {  	s19 =	sld [smem:$0x3FDB];
	_ =	sdelay $0x1  }
0x99: {  	s4 =	simm.s32 $_scs_section_size  }
0x9a: {  	s5 =	simm.s32 $_size__tile_overlayer_lowered;
	s6 =	simm.s32 $_tile_overlayer_lowered  }
0x9b: {  	s22 =	simm.s32 $0x1BFF;
	s21 =	sshll.u32 s6, $0x1;
	s3 =	sadd.s32 s4, s19  }
0x9c: {  	s7 =	simm.s32 $0x0;
	s20 =	sshll.u32 s5, $0x1;
	s5 =	sadd.s32 s21, s3  }
0x9d: {  	[timem:s7], [sflag:s22] =	dma.local [hbm:s5], s20  }
0x9e: {  	_ =	swait.ge [sflag:s22], s20  }
0x9f: {  	s4 =	ssub.s32 $0x0, s20;
	[sflag:s22] =	ssyncset.done $0x0  }
0xa0: {  	[sflag:s22] =	ssyncadd.s32 s4;
	_ =	sdelay $0x1  }
0xa1: {  	s23 =	simm.s32 $0x1B8B  }
0xa2: {  	_ =	swait.ge [sflag:s23], $0x1  }
0xa3: {  	[sflag:s23] =	ssyncset.done $0x0  }
0xa4: {  	s25 =	simm.s32 $0x1B8E;
	s24 =	sld [smem:$0x3FFE];
	[sflag:s23] =	ssyncadd.s32 $0xFFFFFFFF  }
0xa5: {  	s26 =	simm.s32 $execute0_lowered;
	[smem:$0x3FD2] =	sst s25  }
0xa6: {  	s5 =	sshll.u32 s26, $0x1;
	_ =	strace $0x80000049;
	[dreg:$0x1] =	wrdreg $0xFFFFFFFF  }
0xa7: {  	s28 =	simm.s32 $_size_execute0_lowered;
	s3 =	sadd.s32 s3, s5;
	[dreg:$0x0] =	wrdreg $0x0  }
0xa8: {  	s5 =	sshll.u32 s28, $0x1;
	[dreg:$0x2] =	wrdreg s3  }
0xa9: {  	[dreg:$0x3] =	wrdreg s5  }
0xaa: {  	[dreg:$0x4] =	wrdreg $0xC0  }
0xab: {  	_ =	task [dreg:s7], $0x5FFFF  }
0xac: {  	[dreg:$0x1] =	wrdreg $0xFFFFFFFF  }
0xad: {  	[dreg:$0x0] =	wrdreg $0x60  }
0xae: {  	[dreg:$0x2] =	wrdreg s24  }
0xaf: {  	[dreg:$0x3] =	wrdreg s2  }
0xb0: {  	[dreg:$0x4] =	wrdreg $0x7BC00  }
0xb1: {  	[dreg:$0x5] =	wrdreg $0x1B7C00  }
0xb2: {  	[dreg:$0x6] =	wrdreg $0x9  }
0xb3: {  	_ =	task.clear_ibuf [dreg:s7], $0x7FFFF;
	_ =	strace $0x90000049  }
0xb4: {  	s29 =	simm.s32 $0x9;
	_ =	strace $0x8000004B  }
0xb5: {  	_ =	swait.ge [sflag:s29], $0x1  }
0xb6: {  	[sflag:s29] =	ssyncadd.s32 $0xFFFFFFFF  }
0xb7: {  	_ =	strace $0x9000004B  }
0xb8: {  	_ =	sfence  }
0xb9: {  	s30 =	sld [smem:$0x0];
	_ =	sdelay $0x2  }
0xba: {  	s31 =	sshll.u32 s1, $0xD;
	s1 =	sshrl.u32 s1, $0x2  }
0xbb: {  	s3 =	sand.u32 $0x4000, s31;
	s1 =	sadd.s32 s1, s30  }
0xbc: {  	s0 =	sor.u32 s3, s0;
	s1 =	sshll.u32 s1, $0x11  }
0xbd: {  	s0 =	sor.u32 s1, s0  }
0xbe: {  	s0 =	sadd.s32 $0x8F2B, s0  }
0xbf: {  	[sflag:s0] =	ssyncadd.remote.s32 $0x1  }
0xc0: {  	_ =	sfence.sel $0xFFFF  }
0xc1: {  	[dreg:$0x0] =	wrdreg $0xFFFFFFFF;
	(pc) =	sbr.abs _section_cstart, $3  }
0xc2: {  	[dreg:$0x1] =	wrdreg $0xFFFFFFFF  }
0xc3: {  	_ =	task.clear_ibuf [dreg:s7], $0x2FFFF;
	_ =	strace $0x9FFFFFFF  }
0xc4: {  	(tm) =	ssettm $0x7FFFFFFF  }
0xc5: {  	_ =	shalt  }
tec
execute0_lowered:
.L_overlay_start_1:
0x0: {  	(tag) =	ssettag $0x1  }
0x1: {  	s0 =	rddreg [dreg:$0x0]  }
0x2: {  	s1 =	rddreg [dreg:$0x1]  }
0x3: {  	s3 =	rddreg [dreg:$0x2];
	s2 =	srdreg.scid  }
0x4: {  	s17 =	stileid.u32;
	s4 =	rddreg [dreg:$0x3];
	s5 =	simm.s32 $0x0  }
0x5: {  	s30 =	simm.s32 $0x2;
	s31 =	simm.s32 $0x4BC0;
	s10 =	smul.u32 $0x13C00, s17  }
0x6: {  	s2 =	sand.u32 $0x1, s2;
	[smem:$0x7FF] =	sst s5;
	s11 =	smul.u32 $0x2780, s17  }
0x7: {  	s6 =	sadd.s32 $0x2600, s0;
	s7 =	sadd.s32 $0xC800, s0;
	s16 =	smul.u32 $0x278, s17  }
0x8: {  	s8 =	sadd.s32 $0x3DC00, s0;
	s9 =	smul.u32 $0x13C000, s2;
	_ =	strace $0x8000004A  }
0x9: {  	s12 =	smul.u32 $0x27800, s2;
	s14 =	ssub.s32 $0x2, s2;
	s2 =	sshll.u32 s2, $0x4  }
0xa: {  	s15 =	sshrl.u32 s14, $0x1;
	s2 =	sor.u32 s17, s2;
	s17 =	sadd.s32 s10, s3  }
0xb: {  	s18 =	sadd.s32 s11, s4;
	s19 =	sadd.s32 $0xC0, s16;
	s22 =	sadd.s32 $0x120, s16  }
0xc: {  	s25 =	sadd.s32 $0x180, s16;
	s29 =	sadd.s32 $0x1E0, s16;
	s13 =	sadd.s32 s10, s9  }
0xd: {  	s9 =	sadd.s32 $0x16A00, s0;
	s12 =	sadd.s32 s11, s12;
	s20 =	sshll.u32 s19, $0x7  }
0xe: {  	s21 =	sshll.u32 s19, $0x4;
	s23 =	sshll.u32 s22, $0x7;
	s26 =	sshll.u32 s25, $0x7  }
0xf: {  	s19 =	sadd.s32 $0x240, s16;
	[dreg:$0x5] =	wrdreg s17;
	s13 =	sshrl.u32 s13, $0x3  }
0x10: {  	[dreg:$0x6] =	wrdreg s18;
	s12 =	sshrl.u32 s12, $0x3;
	s13 =	sadd.s32 s13, s0  }
0x11: {  	s0 =	sadd.s32 s12, s0;
	s12 =	ssub.s32 s14, s15;
	s14 =	sadd.s32 $0x60, s16  }
0x12: {  	s15 =	sshll.u32 s14, $0x7;
	s10 =	sshll.u32 s14, $0x4;
	s0 =	sadd.s32 $0x47E00, s0  }
0x13: {  	s14 =	simm.s32 $0x60;
	s11 =	sadd.s32 s15, s3;
	[dreg:$0x18] =	wrdreg s0  }
0x14: {  	s10 =	sadd.s32 s10, s4;
	s15 =	sshll.u32 s29, $0x4;
	[dreg:$0x7] =	wrdreg s11  }
0x15: {  	s0 =	simm.s32 $0xDE0;
	[dreg:$0x8] =	wrdreg s10;
	s10 =	sadd.s32 s20, s3  }
0x16: {  	s11 =	sshll.u32 s22, $0x4;
	s20 =	sshll.u32 s19, $0x7;
	s22 =	sshll.u32 s19, $0x4  }
0x17: {  	[dreg:$0x9] =	wrdreg s10;
	s10 =	sadd.s32 s21, s4;
	s24 =	sadd.s32 s11, s4  }
0x18: {  	s11 =	sadd.s32 s26, s3;
	s21 =	smul.u32 $0x510, s2;
	[dreg:$0xa] =	wrdreg s10  }
0x19: {  	s2 =	smul.u32 $0x6C, s2;
	s26 =	sadd.s32 $0x51C00, s13;
	[dreg:$0xc] =	wrdreg s24  }
0x1a: {  	s13 =	simm.s32 $0x1E0;
	s10 =	sadd.s32 s23, s3;
	[dreg:$0xd] =	wrdreg s11  }
0x1b: {  	s11 =	sshll.u32 s29, $0x7;
	[dreg:$0x17] =	wrdreg s26;
	s29 =	smax.u32 s12, $0x1  }
0x1c: {  	s12 =	simm.s32 $0x5;
	s26 =	simm.s32 $0x1;
	[dreg:$0xb] =	wrdreg s10  }
0x1d: {  	s10 =	sshll.u32 s25, $0x4;
	s23 =	sadd.s32 s6, s21;
	[dreg:$0x19] =	wrdreg s29  }
0x1e: {  	s24 =	sadd.s32 s7, s21;
	s25 =	sadd.s32 s8, s21;
	[dreg:$0x13] =	wrdreg s23  }
0x1f: {  	s28 =	sor.u32 $0x1, s2;
	s2 =	sor.u32 $0x2, s2;
	[dreg:$0x14] =	wrdreg s24  }
0x20: {  	s21 =	simm.s32 $0x3EA0;
	s10 =	sadd.s32 s10, s4;
	[dreg:$0x15] =	wrdreg s25  }
0x21: {  	[dreg:$0x16] =	wrdreg s2;
	s23 =	simm.s32 $0x3FC0;
	s24 =	simm.s32 $0x3F00  }
0x22: {  	s25 =	simm.s32 $0x45C0;
	[dreg:$0xe] =	wrdreg s10;
	s10 =	sadd.s32 s11, s3  }
0x23: {  	s2 =	simm.s32 $0x3;
	[dreg:$0xf] =	wrdreg s10;
	s10 =	sadd.s32 s15, s4  }
0x24: {  	s11 =	simm.s32 $0x0;
	[dreg:$0x10] =	wrdreg s10;
	s10 =	sadd.s32 s20, s3  }
0x25: {  	s15 =	simm.s32 $0xC0;
	[dreg:$0x11] =	wrdreg s10;
	s10 =	sadd.s32 s22, s4  }
0x26: {  	v0 =	vimm.f32 $0.0e+00;
	s20 =	simm.s32 $0x3E40;
	s22 =	simm.s32 $0x3F60;
	[dreg:$0x12] =	wrdreg s10  }
.LBB2_1:
0x27: {  	s29 =	simm.s32 $0x0  }
0x28: {  	[dreg:$0x1a] =	wrdreg s11;
	s10 =	simm.s32 $0xE20;
	s11 =	simm.s32 $0x40;
	[tilespmem:s29+$0x1E0] =	vst v0  }
.LBB2_2:
0x29: {  	p0 =	sne.s32 s11, $0x17C0;
	[tilespmem:s10+$0xFFFFFFC0] =	vst v0  }
0x2a: {  	[tilespmem:s10+$0xFFFFFFD0] =	vst v0  }
0x2b: {  	[tilespmem:s10+$0xFFFFFFE0] =	vst v0  }
0x2c: {  	[tilespmem:s10+$0xFFFFFFF0] =	vst v0  }
.Ltmp0:
0x2d: {  	[tilespmem:s10+$0x0] =	vst v0;
	(pc) =	sbr.rel @p0 .LBB2_2-.Ltmp0, $4  }
0x2e: {  	[tilespmem:s10+$0x10] =	vst v0  }
0x2f: {  	[tilespmem:s10+$0x20] =	vst v0  }
0x30: {  	s16 =	sshra.s32 s11, $0x2;
	[tilespmem:s10+$0x30] =	vst v0  }
0x31: {  	s11 =	sadd.s32 $0x40, s11;
	s10 =	sadd.s32 $0x80, s10;
	[tilespmem:s16+$0x1E0] =	vst v0  }
0x32: {  	[tilespmem:s10+$0xFFFFFFC0] =	vst v0  }
0x33: {  	[tilespmem:s10+$0xFFFFFFD0] =	vst v0  }
0x34: {  	[tilespmem:s10+$0xFFFFFFE0] =	vst v0  }
0x35: {  	[tilespmem:s10+$0xFFFFFFF0] =	vst v0  }
0x36: {  	[tilespmem:s10+$0x0] =	vst v0  }
0x37: {  	[tilespmem:s10+$0x10] =	vst v0  }
0x38: {  	[tilespmem:s10+$0x20] =	vst v0  }
0x39: {  	[tilespmem:s10+$0x30] =	vst v0  }
0x3a: {  	[spmem:s17] =	stream.linear.scatter [tilespmem:s0], [sflag:$0x5], $0x3000, $0x38;
	[tilespmem:$0x1DF40] =	vst v63  }
0x3b: {  	_ =	swait.ge [sflag:s12], $0x3000  }
0x3c: {  	[sflag:s12] =	ssyncset.done $0x0  }
0x3d: {  	[sflag:s12] =	ssyncadd.s32 $0xFFFFD000  }
0x3e: {  	[spmem:s18] =	stream.linear.scatter [tilespmem:s13], [sflag:$0x5], $0x600, $0x38;
	[tilespmem:$0x1DF40] =	vst v63  }
0x3f: {  	_ =	swait.ge [sflag:s12], $0x600  }
0x40: {  	[sflag:s12] =	ssyncset.done $0x0  }
0x41: {  	s17 =	rddreg [dreg:$0x7];
	[sflag:s12] =	ssyncadd.s32 $0xFFFFFA00  }
0x42: {  	[spmem:s17] =	stream.linear.scatter [tilespmem:s0], [sflag:$0x5], $0x3000, $0x38;
	[tilespmem:$0x1DF40] =	vst v63  }
0x43: {  	_ =	swait.ge [sflag:s12], $0x3000  }
0x44: {  	[sflag:s12] =	ssyncset.done $0x0  }
0x45: {  	s18 =	rddreg [dreg:$0x8];
	[sflag:s12] =	ssyncadd.s32 $0xFFFFD000  }
0x46: {  	[spmem:s18] =	stream.linear.scatter [tilespmem:s13], [sflag:$0x5], $0x600, $0x38;
	[tilespmem:$0x1DF40] =	vst v63  }
0x47: {  	_ =	swait.ge [sflag:s12], $0x600  }
0x48: {  	[sflag:s12] =	ssyncset.done $0x0  }
0x49: {  	s19 =	rddreg [dreg:$0x9];
	[sflag:s12] =	ssyncadd.s32 $0xFFFFFA00  }
0x4a: {  	[spmem:s19] =	stream.linear.scatter [tilespmem:s0], [sflag:$0x5], $0x3000, $0x38;
	[tilespmem:$0x1DF40] =	vst v63  }
0x4b: {  	_ =	swait.ge [sflag:s12], $0x3000  }
0x4c: {  	[sflag:s12] =	ssyncset.done $0x0  }
0x4d: {  	s29 =	rddreg [dreg:$0xa];
	[sflag:s12] =	ssyncadd.s32 $0xFFFFD000  }
0x4e: {  	[spmem:s29] =	stream.linear.scatter [tilespmem:s13], [sflag:$0x5], $0x600, $0x38;
	[tilespmem:$0x1DF40] =	vst v63  }
0x4f: {  	_ =	swait.ge [sflag:s12], $0x600  }
0x50: {  	[sflag:s12] =	ssyncset.done $0x0  }
0x51: {  	s11 =	rddreg [dreg:$0xb];
	[sflag:s12] =	ssyncadd.s32 $0xFFFFFA00  }
0x52: {  	[spmem:s11] =	stream.linear.scatter [tilespmem:s0], [sflag:$0x5], $0x3000, $0x38;
	[tilespmem:$0x1DF40] =	vst v63  }
0x53: {  	_ =	swait.ge [sflag:s12], $0x3000  }
0x54: {  	[sflag:s12] =	ssyncset.done $0x0  }
0x55: {  	s16 =	rddreg [dreg:$0xc];
	[sflag:s12] =	ssyncadd.s32 $0xFFFFD000  }
0x56: {  	[spmem:s16] =	stream.linear.scatter [tilespmem:s13], [sflag:$0x5], $0x600, $0x38;
	[tilespmem:$0x1DF40] =	vst v63  }
0x57: {  	_ =	swait.ge [sflag:s12], $0x600  }
0x58: {  	[sflag:s12] =	ssyncset.done $0x0  }
0x59: {  	s17 =	rddreg [dreg:$0xd];
	[sflag:s12] =	ssyncadd.s32 $0xFFFFFA00  }
0x5a: {  	[spmem:s17] =	stream.linear.scatter [tilespmem:s0], [sflag:$0x5], $0x3000, $0x38;
	[tilespmem:$0x1DF40] =	vst v63  }
0x5b: {  	_ =	swait.ge [sflag:s12], $0x3000  }
0x5c: {  	[sflag:s12] =	ssyncset.done $0x0  }
0x5d: {  	s18 =	rddreg [dreg:$0xe];
	[sflag:s12] =	ssyncadd.s32 $0xFFFFD000  }
0x5e: {  	[spmem:s18] =	stream.linear.scatter [tilespmem:s13], [sflag:$0x5], $0x600, $0x38;
	[tilespmem:$0x1DF40] =	vst v63  }
0x5f: {  	_ =	swait.ge [sflag:s12], $0x600  }
0x60: {  	[sflag:s12] =	ssyncset.done $0x0  }
0x61: {  	s19 =	rddreg [dreg:$0xf];
	[sflag:s12] =	ssyncadd.s32 $0xFFFFFA00  }
0x62: {  	[spmem:s19] =	stream.linear.scatter [tilespmem:s0], [sflag:$0x5], $0x3000, $0x38;
	[tilespmem:$0x1DF40] =	vst v63  }
0x63: {  	_ =	swait.ge [sflag:s12], $0x3000  }
0x64: {  	[sflag:s12] =	ssyncset.done $0x0  }
0x65: {  	s29 =	rddreg [dreg:$0x10];
	[sflag:s12] =	ssyncadd.s32 $0xFFFFD000  }
0x66: {  	[spmem:s29] =	stream.linear.scatter [tilespmem:s13], [sflag:$0x5], $0x600, $0x38;
	[tilespmem:$0x1DF40] =	vst v63  }
0x67: {  	_ =	swait.ge [sflag:s12], $0x600  }
0x68: {  	[sflag:s12] =	ssyncset.done $0x0  }
0x69: {  	s11 =	rddreg [dreg:$0x11];
	[sflag:s12] =	ssyncadd.s32 $0xFFFFFA00  }
0x6a: {  	[spmem:s11] =	stream.linear.scatter [tilespmem:s0], [sflag:$0x5], $0x1C00, $0x38;
	[tilespmem:$0x1DF40] =	vst v63  }
0x6b: {  	_ =	swait.ge [sflag:s12], $0x1C00  }
0x6c: {  	[sflag:s12] =	ssyncset.done $0x0  }
0x6d: {  	s16 =	rddreg [dreg:$0x12];
	[sflag:s12] =	ssyncadd.s32 $0xFFFFE400  }
0x6e: {  	[spmem:s16] =	stream.linear.scatter [tilespmem:s13], [sflag:$0x5], $0x380, $0x38;
	[tilespmem:$0x1DF40] =	vst v63  }
0x6f: {  	_ =	swait.ge [sflag:s12], $0x380  }
0x70: {  	[sflag:s12] =	ssyncset.done $0x0  }
0x71: {  	[sflag:s12] =	ssyncadd.s32 $0xFFFFFC80  }
0x72: {  	[bflag:$0x0] =	sbarrier.arrive $0xFFFF  }
0x73: {  	s10 =	simm.s32 $0x0;
	s11 =	rddreg [dreg:$0x13]  }
0x74: {  	[tilespmem:s10], [sflag:$0x5] =	stream.linear.gather [hbm4b:s11+s10], $0x60, $0x38;
	[tilespmem:$0x1DF40] =	vst v63  }
0x75: {  	_ =	swait.ge [sflag:s12], $0x60  }
0x76: {  	[sflag:s12] =	ssyncset.done $0x0  }
0x77: {  	s17 =	rddreg [dreg:$0x14];
	[sflag:s12] =	ssyncadd.s32 $0xFFFFFFA0  }
0x78: {  	[tilespmem:s14], [sflag:$0x5] =	stream.linear.gather [hbm4b:s17+s10], $0x60, $0x38;
	[tilespmem:$0x1DF40] =	vst v63  }
0x79: {  	_ =	swait.ge [sflag:s12], $0x60  }
0x7a: {  	[sflag:s12] =	ssyncset.done $0x0  }
0x7b: {  	s18 =	rddreg [dreg:$0x15];
	[sflag:s12] =	ssyncadd.s32 $0xFFFFFFA0  }
0x7c: {  	[tilespmem:s15], [sflag:$0x5] =	stream.linear.gather [hbm4b:s18+s10], $0x60, $0x38;
	[tilespmem:$0x1DF40] =	vst v63  }
0x7d: {  	_ =	swait.ge [sflag:s12], $0x60  }
0x7e: {  	[sflag:s12] =	ssyncset.done $0x0  }
0x7f: {  	[sflag:s12] =	ssyncadd.s32 $0xFFFFFFA0  }
0x80: {  	v1 =	vld [tilespmem:$0x0]  }
0x81: {  	v2 =	vld [tilespmem:$0x60]  }
0x82: {  	v3 =	vld [tilespmem:$0xC0]  }
0x83: {  	v4 =	vld [tilespmem:$0x10]  }
0x84: {  	v5 =	vld [tilespmem:$0x70]  }
0x85: {  	v6 =	vld [tilespmem:$0xD0]  }
0x86: {  	v7 =	vld [tilespmem:$0x20]  }
0x87: {  	v8 =	vld [tilespmem:$0x80]  }
0x88: {  	v9 =	vld [tilespmem:$0xE0]  }
0x89: {  	v10 =	vld [tilespmem:$0x30];
	v1 =	vmul.u32 $0x2710, v1  }
0x8a: {  	v11 =	vld [tilespmem:$0x90]  }
0x8b: {  	v12 =	vld [tilespmem:$0xF0];
	v4 =	vmul.u32 $0x2710, v4;
	v2 =	vadd.s32 v2, v1  }
0x8c: {  	v1 =	vadd.s32 v1, v3;
	[tilespmem:$0x120] =	vst v2;
	v2 =	vld [tilespmem:$0x40]  }
0x8d: {  	v59 =	vld [tilespmem:$0xA0];
	v3 =	vmul.u32 $0x2710, v7;
	[tilespmem:$0x180] =	vst v1;
	v1 =	vadd.s32 v5, v4  }
0x8e: {  	v60 =	vld [tilespmem:$0x50];
	[tilespmem:$0x130] =	vst v1;
	v1 =	vadd.s32 v4, v6  }
0x8f: {  	v62 =	vld [tilespmem:$0x100];
	v61 =	vmul.u32 $0x2710, v10;
	[tilespmem:$0x190] =	vst v1;
	v1 =	vadd.s32 v8, v3  }
0x90: {  	[tilespmem:$0x140] =	vst v1;
	v1 =	vadd.s32 v3, v9;
	v3 =	vld [tilespmem:$0xB0]  }
0x91: {  	v63 =	vld [tilespmem:$0x110];
	[tilespmem:$0x1A0] =	vst v1;
	v1 =	vadd.s32 v11, v61;
	v2 =	vmul.u32 $0x2710, v2  }
0x92: {  	[tilespmem:$0x150] =	vst v1;
	v1 =	vadd.s32 v61, v12  }
0x93: {  	v4 =	vmul.u32 $0x2710, v60;
	[tilespmem:$0x1B0] =	vst v1;
	v1 =	vadd.s32 v59, v2  }
0x94: {  	[tilespmem:$0x160] =	vst v1;
	v1 =	vadd.s32 v2, v62  }
0x95: {  	[tilespmem:$0x1C0] =	vst v1;
	v1 =	vadd.s32 v3, v4  }
0x96: {  	[tilespmem:$0x170] =	vst v1;
	v1 =	vadd.s32 v4, v63  }
0x97: {  	s19 =	simm.s32 $0x180;
	[tilespmem:$0x1D0] =	vst v1  }
0x98: {  	[tilespmem:s13], [sflag:$0x1] =	stream.indirect.gather [hbm4b:s1+s14], $0x10, s19, s14, $0xb8;
	[tilespmem:$0x1DF40] =	vst v63  }
0x99: {  	s29 =	simm.s32 $0x120;
	s16 =	simm.s32 $0x7E0;
	s11 =	simm.s32 $0x0  }
0x9a: {  	[tilespmem:s16], [sflag:$0x1] =	stream.indirect.gather [hbm4b:s9+s14], $0x10, s29, s14, $0xb8;
	[tilespmem:$0x1DF40] =	vst v63  }
.LBB2_4:
0x9b: {  	p0 =	seq.s32 s11, $0x0  }
0x9c: {  	s17 =	simm.s32 @!p0 $0x4  }
0x9d: {  	_ =	swait.ge @!p0 [sflag:s17], $0x3000  }
0x9e: {  	s16 =	sshll.u32 s11, $0x1;
	[sflag:s17] =	ssyncset.done @!p0 $0x0  }
0x9f: {  	s18 =	sadd.s32 s16, s28;
	[sflag:s17] =	ssyncadd.s32 @!p0 $0xFFFFD000  }
0xa0: {  	s18 =	smul.u32 $0xC, s18;
	_ =	swait.ge @!p0 [sflag:s17], $0x600  }
0xa1: {  	[sflag:s17] =	ssyncset.done @!p0 $0x0  }
0xa2: {  	s19 =	simm.s32 $0x3DE0;
	[sflag:s17] =	ssyncadd.s32 @!p0 $0xFFFFFA00;
	s17 =	sadd.s32 s6, s18  }
0xa3: {  	[tilespmem:s19], [sflag:$0x5] =	stream.linear.gather [hbm4b:s17+s10], $0x60, $0x38;
	[tilespmem:$0x1DF40] =	vst v63  }
0xa4: {  	_ =	swait.ge [sflag:s12], $0x60  }
0xa5: {  	[sflag:s12] =	ssyncset.done $0x0  }
0xa6: {  	s19 =	sadd.s32 s7, s18;
	[sflag:s12] =	ssyncadd.s32 $0xFFFFFFA0  }
0xa7: {  	[tilespmem:s20], [sflag:$0x5] =	stream.linear.gather [hbm4b:s19+s10], $0x60, $0x38;
	[tilespmem:$0x1DF40] =	vst v63  }
0xa8: {  	_ =	swait.ge [sflag:s12], $0x60  }
0xa9: {  	[sflag:s12] =	ssyncset.done $0x0  }
0xaa: {  	s18 =	sadd.s32 s8, s18;
	[sflag:s12] =	ssyncadd.s32 $0xFFFFFFA0  }
0xab: {  	[tilespmem:s21], [sflag:$0x5] =	stream.linear.gather [hbm4b:s18+s10], $0x60, $0x38;
	[tilespmem:$0x1DF40] =	vst v63  }
0xac: {  	_ =	swait.ge [sflag:s12], $0x60  }
0xad: {  	[sflag:s12] =	ssyncset.done $0x0  }
0xae: {  	[sflag:s12] =	ssyncadd.s32 $0xFFFFFFA0  }
0xaf: {  	v1 =	vld [tilespmem:$0x3DE0]  }
0xb0: {  	v2 =	vld [tilespmem:$0x3E40]  }
0xb1: {  	v3 =	vld [tilespmem:$0x3EA0]  }
0xb2: {  	v4 =	vld [tilespmem:$0x3DF0]  }
0xb3: {  	v5 =	vld [tilespmem:$0x3E50]  }
0xb4: {  	v6 =	vld [tilespmem:$0x3EB0]  }
0xb5: {  	v7 =	vld [tilespmem:$0x3E00]  }
0xb6: {  	v8 =	vld [tilespmem:$0x3E60]  }
0xb7: {  	v9 =	vld [tilespmem:$0x3EC0]  }
0xb8: {  	v10 =	vld [tilespmem:$0x3E10];
	v1 =	vmul.u32 $0x2710, v1  }
0xb9: {  	v11 =	vld [tilespmem:$0x3E70]  }
0xba: {  	v12 =	vld [tilespmem:$0x3ED0];
	v4 =	vmul.u32 $0x2710, v4;
	v2 =	vadd.s32 v2, v1  }
0xbb: {  	v1 =	vadd.s32 v1, v3;
	[tilespmem:$0x3F00] =	vst v2;
	v2 =	vld [tilespmem:$0x3E20]  }
0xbc: {  	v3 =	vmul.u32 $0x2710, v7;
	[tilespmem:$0x3F60] =	vst v1;
	v1 =	vadd.s32 v5, v4;
	v5 =	vld [tilespmem:$0x3E80]  }
0xbd: {  	[tilespmem:$0x3F10] =	vst v1;
	v1 =	vadd.s32 v4, v6;
	v4 =	vld [tilespmem:$0x3E30]  }
0xbe: {  	v7 =	vld [tilespmem:$0x3EE0];
	v6 =	vmul.u32 $0x2710, v10;
	[tilespmem:$0x3F70] =	vst v1;
	v1 =	vadd.s32 v8, v3  }
0xbf: {  	[tilespmem:$0x3F20] =	vst v1;
	v1 =	vadd.s32 v3, v9;
	v3 =	vld [tilespmem:$0x3E90]  }
0xc0: {  	v8 =	vld [tilespmem:$0x3EF0];
	[tilespmem:$0x3F80] =	vst v1;
	v1 =	vadd.s32 v11, v6;
	v2 =	vmul.u32 $0x2710, v2  }
0xc1: {  	[tilespmem:$0x3F30] =	vst v1;
	v1 =	vadd.s32 v6, v12  }
0xc2: {  	[tilespmem:$0x3F90] =	vst v1;
	v4 =	vmul.u32 $0x2710, v4;
	v1 =	vadd.s32 v5, v2  }
0xc3: {  	[tilespmem:$0x3F40] =	vst v1;
	v1 =	vadd.s32 v2, v7  }
0xc4: {  	[tilespmem:$0x3FA0] =	vst v1;
	v1 =	vadd.s32 v3, v4  }
0xc5: {  	[tilespmem:$0x3F50] =	vst v1;
	v1 =	vadd.s32 v4, v8  }
0xc6: {  	[tilespmem:$0x3FB0] =	vst v1  }
0xc7: {  	[tilespmem:s23], [sflag:$0x2] =	stream.indirect.gather [hbm4b:s1+s14], $0x10, s22, s14, $0xb8;
	[tilespmem:$0x1DF40] =	vst v63  }
0xc8: {  	_ = 	snop  }
0xc9: {  	[tilespmem:s25], [sflag:$0x2] =	stream.indirect.gather [hbm4b:s9+s14], $0x10, s24, s14, $0xb8;
	[tilespmem:$0x1DF40] =	vst v63  }
0xca: {  	_ =	swait.ge [sflag:s26], $0x600  }
0xcb: {  	[sflag:s26] =	ssyncset.done $0x0  }
0xcc: {  	[sflag:s26] =	ssyncadd.s32 $0xFFFFFA00  }
0xcd: {  	_ =	swait.ge [sflag:s26], $0x600  }
0xce: {  	[sflag:s26] =	ssyncset.done $0x0  }
0xcf: {  	s19 =	simm.s32 $0x0;
	[sflag:s26] =	ssyncadd.s32 $0xFFFFFA00  }
0xd0: {  	v1 =	vld [tilespmem:s19+$0x1E0]  }
0xd1: {  	v2 =	vld [tilespmem:s19+$0x7E0];
	_ =	sdelay $0x4  }
0xd2: {  	v1 =	vadd.f32 v2, v1;
	_ =	sdelay $0x1  }
0xd3: {  	v2 =	vmul.f32 $2.000000030e-01, v1  }
0xd4: {  	vm0 =	vgt.f32 v1, $0.0e+00  }
0xd5: {  	v1 =	vsel vm0, v1, v2  }
0xd6: {  	v1 =	vmul.f32 $1.442695020e+00, v1;
	_ =	sdelay $0x1  }
0xd7: {  	(erf) = vpow2.f32 v1;
	_ =	sdelay $0x8  }
0xd8: {  	v2 =	vpop (erf)  }
0xd9: {  	s17 =	simm.s32 $0xE20;
	[tilespmem:s19+$0x1E0] =	vst v2  }
0xda: {  	v10 =	vld [tilespmem:s17+$0x30]  }
0xdb: {  	v9 =	vld [tilespmem:s17+$0xFFFFFFE0]  }
0xdc: {  	v7 =	vld [tilespmem:s17+$0x10]  }
0xdd: {  	v3 =	vbroadcast v2, $0x3;
	v4 =	vld [tilespmem:s17+$0x20]  }
0xde: {  	v1 =	vbroadcast v2, $0x1;
	v5 =	vld [tilespmem:s17+$0xFFFFFFD0]  }
0xdf: {  	s29 =	simm.s32 $0xE20;
	s18 =	simm.s32 $0x40;
	v6 =	vbroadcast v2, $0x2;
	v8 =	vld [tilespmem:s17+$0x0];
	v10 =	vmul.f32 v10, v3  }
.LBB2_5:
0xe0: {  	p0 =	sne.s32 s18, $0x17C0  }
0xe1: {  	v9 =	vmul.f32 v1, v9;
	v11 =	vld [tilespmem:s17+$0xFFFFFFF0];
	s29 =	sadd.s32 $0x80, s29;
	s19 =	smov.u32 s18;
	s18 =	sadd.s32 $0x40, s18  }
0xe2: {  	v2 =	vbroadcast v2, $0x0;
	v12 =	vld [tilespmem:s17+$0xFFFFFFC0];
	v7 =	vmul.f32 v7, v6;
	[tilespmem:s17+$0x30] =	vst v10  }
0xe3: {  	[tilespmem:s17+$0xFFFFFFE0] =	vst v9;
	v3 =	vmul.f32 v4, v3  }
0xe4: {  	v4 =	vmul.f32 v2, v5;
	[tilespmem:s17+$0x10] =	vst v7  }
0xe5: {  	v5 =	vmul.f32 v8, v6;
	[tilespmem:s17+$0x20] =	vst v3  }
0xe6: {  	[tilespmem:s17+$0xFFFFFFD0] =	vst v4;
	v1 =	vmul.f32 v11, v1  }
0xe7: {  	v2 =	vmul.f32 v2, v12;
	[tilespmem:s17+$0x0] =	vst v5  }
0xe8: {  	[tilespmem:s17+$0xFFFFFFF0] =	vst v1  }
0xe9: {  	s19 =	sshra.s32 s19, $0x2;
	[tilespmem:s17+$0xFFFFFFC0] =	vst v2;
	s17 =	smov.u32 s29  }
0xea: {  	v1 =	vld [tilespmem:s19+$0x1E0]  }
0xeb: {  	v2 =	vld [tilespmem:s19+$0x7E0];
	_ =	sdelay $0x4  }
0xec: {  	v1 =	vadd.f32 v2, v1;
	_ =	sdelay $0x1  }
0xed: {  	vm0 =	vgt.f32 v1, $0.0e+00;
	v2 =	vmul.f32 $2.000000030e-01, v1;
	_ =	sdelay $0x1  }
0xee: {  	v1 =	vsel vm0, v1, v2  }
0xef: {  	v1 =	vmul.f32 $1.442695020e+00, v1;
	_ =	sdelay $0x1  }
0xf0: {  	(erf) = vpow2.f32 v1;
	_ =	sdelay $0x8  }
0xf1: {  	v2 =	vpop (erf)  }
0xf2: {  	[tilespmem:s19+$0x1E0] =	vst v2  }
0xf3: {  	v10 =	vld [tilespmem:s29+$0x30]  }
.Ltmp1:
0xf4: {  	v9 =	vld [tilespmem:s29+$0xFFFFFFE0];
	(pc) =	sbr.rel @p0 .LBB2_5-.Ltmp1, $4  }
0xf5: {  	v7 =	vld [tilespmem:s29+$0x10]  }
0xf6: {  	v3 =	vbroadcast v2, $0x3;
	v4 =	vld [tilespmem:s29+$0x20]  }
0xf7: {  	v1 =	vbroadcast v2, $0x1;
	v5 =	vld [tilespmem:s29+$0xFFFFFFD0]  }
0xf8: {  	v6 =	vbroadcast v2, $0x2;
	v8 =	vld [tilespmem:s29+$0x0];
	v10 =	vmul.f32 v10, v3  }
0xf9: {  	v9 =	vmul.f32 v1, v9;
	v11 =	vld [tilespmem:s17+$0xFFFFFFF0]  }
0xfa: {  	v2 =	vbroadcast v2, $0x0;
	v12 =	vld [tilespmem:s17+$0xFFFFFFC0];
	v7 =	vmul.f32 v7, v6;
	[tilespmem:s17+$0x30] =	vst v10  }
0xfb: {  	[tilespmem:s17+$0xFFFFFFE0] =	vst v9;
	v3 =	vmul.f32 v4, v3  }
0xfc: {  	v62 =	vmul.f32 v2, v5;
	[tilespmem:s17+$0x10] =	vst v7  }
0xfd: {  	v63 =	vmul.f32 v8, v6;
	[tilespmem:s17+$0x20] =	vst v3  }
0xfe: {  	[tilespmem:s17+$0xFFFFFFD0] =	vst v62;
	v1 =	vmul.f32 v11, v1  }
0xff: {  	p0 =	seq.s32 s11, $0x35;
	v2 =	vmul.f32 v2, v12;
	[tilespmem:s17+$0x0] =	vst v63  }
.Ltmp2:
0x100: {  	[tilespmem:s17+$0xFFFFFFF0] =	vst v1;
	(pc) =	sbr.rel @p0 .LBB2_8-.Ltmp2, $4  }
0x101: {  	[tilespmem:s17+$0xFFFFFFC0] =	vst v2  }
0x102: {  	[spmem:s3] =	stream.indirect.scatter.add.f32 [tilespmem:s0], [sflag:$0x3], $0x80, s15, s14, $0xb8;
	[tilespmem:$0x1DF40] =	vst v63  }
0x103: {  	_ = 	snop  }
0x104: {  	[spmem:s4] =	stream.indirect.scatter.add.f32 [tilespmem:s13], [sflag:$0x3], $0x10, s15, s14, $0xb8;
	[tilespmem:$0x1DF40] =	vst v63  }
0x105: {  	_ =	swait.ge [sflag:s2], $0x3000  }
0x106: {  	[sflag:s2] =	ssyncset.done $0x0;
	s17 =	rddreg [dreg:$0x16]  }
0x107: {  	[sflag:s2] =	ssyncadd.s32 $0xFFFFD000;
	s16 =	sadd.s32 s16, s17  }
0x108: {  	_ =	swait.ge [sflag:s2], $0x600;
	s16 =	smul.u32 $0xC, s16  }
0x109: {  	[sflag:s2] =	ssyncset.done $0x0  }
0x10a: {  	[sflag:s2] =	ssyncadd.s32 $0xFFFFFA00;
	s19 =	sadd.s32 s6, s16  }
0x10b: {  	[tilespmem:s5], [sflag:$0x5] =	stream.linear.gather [hbm4b:s19+s5], $0x60, $0x38;
	[tilespmem:$0x1DF40] =	vst v63  }
0x10c: {  	_ =	swait.ge [sflag:s12], $0x60  }
0x10d: {  	[sflag:s12] =	ssyncset.done $0x0  }
0x10e: {  	s29 =	sadd.s32 s7, s16;
	[sflag:s12] =	ssyncadd.s32 $0xFFFFFFA0  }
0x10f: {  	[tilespmem:s14], [sflag:$0x5] =	stream.linear.gather [hbm4b:s29+s5], $0x60, $0x38;
	[tilespmem:$0x1DF40] =	vst v63  }
0x110: {  	_ =	swait.ge [sflag:s12], $0x60  }
0x111: {  	[sflag:s12] =	ssyncset.done $0x0  }
0x112: {  	s16 =	sadd.s32 s8, s16;
	[sflag:s12] =	ssyncadd.s32 $0xFFFFFFA0  }
0x113: {  	[tilespmem:s15], [sflag:$0x5] =	stream.linear.gather [hbm4b:s16+s5], $0x60, $0x38;
	[tilespmem:$0x1DF40] =	vst v63  }
0x114: {  	_ =	swait.ge [sflag:s12], $0x60  }
0x115: {  	[sflag:s12] =	ssyncset.done $0x0  }
0x116: {  	[sflag:s12] =	ssyncadd.s32 $0xFFFFFFA0  }
0x117: {  	v1 =	vld [tilespmem:$0x0]  }
0x118: {  	v2 =	vld [tilespmem:$0x60]  }
0x119: {  	v3 =	vld [tilespmem:$0xC0]  }
0x11a: {  	v4 =	vld [tilespmem:$0x10]  }
0x11b: {  	v5 =	vld [tilespmem:$0x70]  }
0x11c: {  	v6 =	vld [tilespmem:$0xD0]  }
0x11d: {  	v7 =	vld [tilespmem:$0x20]  }
0x11e: {  	v8 =	vld [tilespmem:$0x80]  }
0x11f: {  	v9 =	vld [tilespmem:$0xE0]  }
0x120: {  	v10 =	vld [tilespmem:$0x30];
	v1 =	vmul.u32 $0x2710, v1  }
0x121: {  	v11 =	vld [tilespmem:$0x90]  }
0x122: {  	v12 =	vld [tilespmem:$0xF0];
	v4 =	vmul.u32 $0x2710, v4;
	v2 =	vadd.s32 v2, v1  }
0x123: {  	v1 =	vadd.s32 v1, v3;
	[tilespmem:$0x120] =	vst v2;
	v2 =	vld [tilespmem:$0x40]  }
0x124: {  	v59 =	vld [tilespmem:$0xA0];
	v3 =	vmul.u32 $0x2710, v7;
	[tilespmem:$0x180] =	vst v1;
	v1 =	vadd.s32 v5, v4  }
0x125: {  	v60 =	vld [tilespmem:$0x50];
	[tilespmem:$0x130] =	vst v1;
	v1 =	vadd.s32 v4, v6  }
0x126: {  	v62 =	vld [tilespmem:$0x100];
	v61 =	vmul.u32 $0x2710, v10;
	[tilespmem:$0x190] =	vst v1;
	v1 =	vadd.s32 v8, v3  }
0x127: {  	[tilespmem:$0x140] =	vst v1;
	v1 =	vadd.s32 v3, v9;
	v3 =	vld [tilespmem:$0xB0]  }
0x128: {  	v63 =	vld [tilespmem:$0x110];
	[tilespmem:$0x1A0] =	vst v1;
	v1 =	vadd.s32 v11, v61;
	v2 =	vmul.u32 $0x2710, v2  }
0x129: {  	[tilespmem:$0x150] =	vst v1;
	v1 =	vadd.s32 v61, v12  }
0x12a: {  	v4 =	vmul.u32 $0x2710, v60;
	[tilespmem:$0x1B0] =	vst v1;
	v1 =	vadd.s32 v59, v2  }
0x12b: {  	[tilespmem:$0x160] =	vst v1;
	v1 =	vadd.s32 v2, v62  }
0x12c: {  	[tilespmem:$0x1C0] =	vst v1;
	v1 =	vadd.s32 v3, v4  }
0x12d: {  	[tilespmem:$0x170] =	vst v1;
	v1 =	vadd.s32 v4, v63  }
0x12e: {  	s18 =	simm.s32 $0x180;
	[tilespmem:$0x1D0] =	vst v1  }
0x12f: {  	[tilespmem:s13], [sflag:$0x1] =	stream.indirect.gather [hbm4b:s1+s14], $0x10, s18, s14, $0xb8;
	[tilespmem:$0x1DF40] =	vst v63  }
0x130: {  	s19 =	simm.s32 $0x120;
	s29 =	simm.s32 $0x7E0  }
0x131: {  	[tilespmem:s29], [sflag:$0x1] =	stream.indirect.gather [hbm4b:s9+s14], $0x10, s19, s14, $0xb8;
	[tilespmem:$0x1DF40] =	vst v63  }
.LBB2_8:
0x132: {  	_ =	swait.ge [sflag:s30], $0x600  }
0x133: {  	[sflag:s30] =	ssyncset.done $0x0  }
0x134: {  	[sflag:s30] =	ssyncadd.s32 $0xFFFFFA00  }
0x135: {  	_ =	swait.ge [sflag:s30], $0x600  }
0x136: {  	[sflag:s30] =	ssyncset.done $0x0  }
0x137: {  	s17 =	simm.s32 $0x0;
	[sflag:s30] =	ssyncadd.s32 $0xFFFFFA00  }
0x138: {  	v1 =	vld [tilespmem:s17+$0x3FC0]  }
0x139: {  	v2 =	vld [tilespmem:s17+$0x45C0];
	_ =	sdelay $0x4  }
0x13a: {  	v1 =	vadd.f32 v2, v1;
	_ =	sdelay $0x1  }
0x13b: {  	v2 =	vmul.f32 $2.000000030e-01, v1  }
0x13c: {  	vm0 =	vgt.f32 v1, $0.0e+00  }
0x13d: {  	v1 =	vsel vm0, v1, v2  }
0x13e: {  	v1 =	vmul.f32 $1.442695020e+00, v1;
	_ =	sdelay $0x1  }
0x13f: {  	(erf) = vpow2.f32 v1;
	_ =	sdelay $0x8  }
0x140: {  	v2 =	vpop (erf)  }
0x141: {  	s16 =	simm.s32 $0x4C00;
	[tilespmem:s17+$0x3FC0] =	vst v2  }
0x142: {  	v10 =	vld [tilespmem:s16+$0x30]  }
0x143: {  	v9 =	vld [tilespmem:s16+$0xFFFFFFE0]  }
0x144: {  	v7 =	vld [tilespmem:s16+$0x10]  }
0x145: {  	v3 =	vbroadcast v2, $0x3;
	v4 =	vld [tilespmem:s16+$0x20]  }
0x146: {  	v1 =	vbroadcast v2, $0x1;
	v5 =	vld [tilespmem:s16+$0xFFFFFFD0]  }
0x147: {  	s18 =	simm.s32 $0x4C00;
	s17 =	simm.s32 $0x40;
	v6 =	vbroadcast v2, $0x2;
	v8 =	vld [tilespmem:s16+$0x0];
	v10 =	vmul.f32 v10, v3  }
.LBB2_9:
0x148: {  	p0 =	sne.s32 s17, $0x17C0  }
0x149: {  	v9 =	vmul.f32 v1, v9;
	v11 =	vld [tilespmem:s16+$0xFFFFFFF0];
	s18 =	sadd.s32 $0x80, s18;
	s19 =	smov.u32 s17;
	s17 =	sadd.s32 $0x40, s17  }
0x14a: {  	v2 =	vbroadcast v2, $0x0;
	v12 =	vld [tilespmem:s16+$0xFFFFFFC0];
	v7 =	vmul.f32 v7, v6;
	[tilespmem:s16+$0x30] =	vst v10  }
0x14b: {  	[tilespmem:s16+$0xFFFFFFE0] =	vst v9;
	v3 =	vmul.f32 v4, v3  }
0x14c: {  	v4 =	vmul.f32 v2, v5;
	[tilespmem:s16+$0x10] =	vst v7  }
0x14d: {  	v5 =	vmul.f32 v8, v6;
	[tilespmem:s16+$0x20] =	vst v3  }
0x14e: {  	[tilespmem:s16+$0xFFFFFFD0] =	vst v4;
	v1 =	vmul.f32 v11, v1  }
0x14f: {  	v2 =	vmul.f32 v2, v12;
	[tilespmem:s16+$0x0] =	vst v5  }
0x150: {  	[tilespmem:s16+$0xFFFFFFF0] =	vst v1  }
0x151: {  	s19 =	sshra.s32 s19, $0x2;
	[tilespmem:s16+$0xFFFFFFC0] =	vst v2;
	s16 =	smov.u32 s18  }
0x152: {  	v1 =	vld [tilespmem:s19+$0x3FC0]  }
0x153: {  	v2 =	vld [tilespmem:s19+$0x45C0];
	_ =	sdelay $0x4  }
0x154: {  	v1 =	vadd.f32 v2, v1;
	_ =	sdelay $0x1  }
0x155: {  	vm0 =	vgt.f32 v1, $0.0e+00;
	v2 =	vmul.f32 $2.000000030e-01, v1;
	_ =	sdelay $0x1  }
0x156: {  	v1 =	vsel vm0, v1, v2  }
0x157: {  	v1 =	vmul.f32 $1.442695020e+00, v1;
	_ =	sdelay $0x1  }
0x158: {  	(erf) = vpow2.f32 v1;
	_ =	sdelay $0x8  }
0x159: {  	v2 =	vpop (erf)  }
0x15a: {  	[tilespmem:s19+$0x3FC0] =	vst v2  }
0x15b: {  	v10 =	vld [tilespmem:s18+$0x30]  }
.Ltmp3:
0x15c: {  	v9 =	vld [tilespmem:s18+$0xFFFFFFE0];
	(pc) =	sbr.rel @p0 .LBB2_9-.Ltmp3, $4  }
0x15d: {  	v7 =	vld [tilespmem:s18+$0x10]  }
0x15e: {  	v3 =	vbroadcast v2, $0x3;
	v4 =	vld [tilespmem:s18+$0x20]  }
0x15f: {  	v1 =	vbroadcast v2, $0x1;
	v5 =	vld [tilespmem:s18+$0xFFFFFFD0]  }
0x160: {  	v6 =	vbroadcast v2, $0x2;
	v8 =	vld [tilespmem:s18+$0x0];
	v10 =	vmul.f32 v10, v3  }
0x161: {  	v9 =	vmul.f32 v1, v9;
	v11 =	vld [tilespmem:s16+$0xFFFFFFF0]  }
0x162: {  	v2 =	vbroadcast v2, $0x0;
	v12 =	vld [tilespmem:s16+$0xFFFFFFC0];
	v7 =	vmul.f32 v7, v6;
	[tilespmem:s16+$0x30] =	vst v10  }
0x163: {  	[tilespmem:s16+$0xFFFFFFE0] =	vst v9;
	v3 =	vmul.f32 v4, v3  }
0x164: {  	v62 =	vmul.f32 v2, v5;
	[tilespmem:s16+$0x10] =	vst v7  }
0x165: {  	v63 =	vmul.f32 v8, v6;
	[tilespmem:s16+$0x20] =	vst v3  }
0x166: {  	s11 =	sadd.s32 $0x1, s11;
	[tilespmem:s16+$0xFFFFFFD0] =	vst v62;
	v1 =	vmul.f32 v11, v1  }
0x167: {  	p0 =	sne.s32 s11, $0x36;
	v2 =	vmul.f32 v2, v12;
	[tilespmem:s16+$0x0] =	vst v63  }
.Ltmp4:
0x168: {  	[tilespmem:s16+$0xFFFFFFF0] =	vst v1;
	(pc) =	sbr.rel @p0 .LBB2_4-.Ltmp4, $4  }
0x169: {  	[tilespmem:s16+$0xFFFFFFC0] =	vst v2  }
0x16a: {  	[spmem:s3] =	stream.indirect.scatter.add.f32 [tilespmem:s31], [sflag:$0x4], $0x80, s21, s14, $0xb8;
	[tilespmem:$0x1DF40] =	vst v63  }
0x16b: {  	_ = 	snop  }
0x16c: {  	[spmem:s4] =	stream.indirect.scatter.add.f32 [tilespmem:s23], [sflag:$0x4], $0x10, s21, s14, $0xb8;
	[tilespmem:$0x1DF40] =	vst v63  }
0x16d: {  	_ =	swait.ge [sflag:s2], $0x3000  }
0x16e: {  	[sflag:s2] =	ssyncset.done $0x0  }
0x16f: {  	[sflag:s2] =	ssyncadd.s32 $0xFFFFD000  }
0x170: {  	_ =	swait.ge [sflag:s2], $0x600  }
0x171: {  	[sflag:s2] =	ssyncset.done $0x0  }
0x172: {  	s10 =	simm.s32 $0x4;
	[sflag:s2] =	ssyncadd.s32 $0xFFFFFA00  }
0x173: {  	_ =	swait.ge [sflag:s10], $0x3000  }
0x174: {  	[sflag:s10] =	ssyncset.done $0x0  }
0x175: {  	[sflag:s10] =	ssyncadd.s32 $0xFFFFD000  }
0x176: {  	_ =	swait.ge [sflag:s10], $0x600  }
0x177: {  	[sflag:s10] =	ssyncset.done $0x0  }
0x178: {  	[sflag:s10] =	ssyncadd.s32 $0xFFFFFA00  }
0x179: {  	s18 =	stileid.u32;
	[bflag:$0x0] =	sbarrier.arrive $0xFFFF  }
0x17a: {  	s10 =	sshll.u32 s18, $0x6;
	s17 =	rddreg [dreg:$0x5]  }
0x17b: {  	s10 =	sor.u32 $0x1C05, s10;
	s16 =	rddreg [dreg:$0x17];
	s11 =	sshrl.u32 s17, $0x3  }
0x17c: {  	[hbm:s16], [sflag:s10] =	dma.local [spmem:s11], $0x2780  }
0x17d: {  	_ =	swait.ge [sflag:s12], $0x2780  }
0x17e: {  	[sflag:s12] =	ssyncset.done $0x0;
	s18 =	rddreg [dreg:$0x6]  }
0x17f: {  	s29 =	rddreg [dreg:$0x18];
	[sflag:s12] =	ssyncadd.s32 $0xFFFFD880;
	s19 =	sshrl.u32 s18, $0x3  }
0x180: {  	[hbm:s29], [sflag:s10] =	dma.local [spmem:s19], $0x4F0  }
0x181: {  	_ =	swait.ge [sflag:s12], $0x4F0  }
0x182: {  	s19 =	rddreg [dreg:$0x1a]  }
0x183: {  	s29 =	rddreg [dreg:$0x19];
	s11 =	sadd.s32 $0x1, s19  }
0x184: {  	p0 =	sne.s32 s11, s29  }
.Ltmp5:
0x185: {  	_ = 	snop;
	(pc) =	sbr.rel @p0 .LBB2_1-.Ltmp5, $3  }
0x186: {  	_ =	sdelay $0x1  }
0x187: {  	[sflag:s12] =	ssyncset.done $0x0  }
0x188: {  	[sflag:s12] =	ssyncadd.s32 $0xFFFFFB10  }
0x189: {  	_ =	sfence.sel $0x180000  }
0x18a: {  	[bflag:$0x0] =	sbarrier.arrive $0xFFFF  }
0x18b: {  	_ =	strace $0x9000004A  }
0x18c: {  	s0 =	stileid.u32;
	[bflag:$0x2] =	sbarrier.arrive $0xFFFF  }
0x18d: {  	p0 =	sne.s32 s0, $0x0;
	s0 =	rddreg [dreg:$0x4]  }
0x18e: {  	s0 =	sadd.s32 @!p0 $0x100000, s0  }
0x18f: {  	[sflag:s0] =	ssyncadd.tile.s32 @!p0 $0x1;
	_ =	shalt  }
.Lfunc_end2:
_tile_overlayer_lowered:
.L_overlay_start_2:
0x190: {  	(tag) =	ssettag $0x2  }
0x191: {  	s0 =	rddreg [dreg:$0x0];
	s2 =	stileid.u32  }
0x192: {  	s1 =	rddreg [dreg:$0x1];
	p0 =	sne.s32 s2, $0x0  }
0x193: {  	s3 =	rddreg [dreg:$0x2];
	[bflag:$0x3] =	sbarrier.arrive $0xFFFF;
	s2 =	simm.s32 @!p0 $0x1C05  }
0x194: {  	[timem:s3], [sflag:s2] =	dma.local @!p0 [hbm:s0], s1  }
0x195: {  	s0 =	simm.s32 @!p0 $0x5  }
0x196: {  	_ =	swait.ge @!p0 [sflag:s0], s1  }
0x197: {  	s1 =	ssub.s32 @!p0 $0x0, s1;
	[sflag:s0] =	ssyncset.done @!p0 $0x0  }
0x198: {  	[sflag:s0] =	ssyncadd.s32 @!p0 s1  }
0x199: {  	[bflag:$0x3] =	sbarrier.arrive $0xFFFF  }
0x19a: {  	_ =	shalt  }

// kernel: kernel.8.cloned.1.call-start
scs
__scs_entry_jumppad:
0x0: {  	(pc) =	sbr.rel $0x88, $3  }
0x1: {  	(tag) =	ssettag $0x0;
	lr =	simm.s32 $0x1  }
0x2: {  	[smem:$0x3F96] =	sst lr;
	_ =	strace $0xD0000000  }
0x3: {  	_ = 	snop  }
0x4: {  	_ = 	snop  }
0x5: {  	_ = 	snop  }
0x6: {  	_ = 	snop  }
0x7: {  	_ = 	snop  }
__scs_overlays_trampoline_lowered:
0x8: {  	[smem:$0x3FA5] =	sst s0  }
0x9: {  	[smem:$0x3FA6] =	sst s1  }
0xa: {  	[smem:$0x3FA7] =	sst s2  }
0xb: {  	[smem:$0x3FA8] =	sst s3  }
0xc: {  	[smem:$0x3FA9] =	sst s4  }
0xd: {  	[smem:$0x3FAA] =	sst s5  }
0xe: {  	[smem:$0x3FAB] =	sst s6  }
0xf: {  	[smem:$0x3FAC] =	sst s7  }
0x10: {  	[smem:$0x3FAD] =	sst s8  }
0x11: {  	[smem:$0x3FAE] =	sst s9;
	s0 =	simm.s32 @!p0 $0x0  }
0x12: {  	s1 =	sld [smem:$0x3F94];
	s0 =	simm.s32 @p0 $0x1  }
0x13: {  	[smem:$0x3FAF] =	sst s0;
	s0 =	simm.s32 @!p1 $0x0  }
0x14: {  	s2 =	sld [smem:$0x3F93];
	s0 =	simm.s32 @p1 $0x1  }
0x15: {  	[smem:$0x3FB0] =	sst s0;
	s0 =	simm.s32 @!p2 $0x0  }
0x16: {  	s3 =	sld [smem:$0x3FDB];
	s0 =	simm.s32 @p2 $0x1  }
0x17: {  	s4 =	simm.s32 $0x1BF5;
	[smem:$0x3FB2] =	sst s0  }
0x18: {  	s0 =	sld [smem:$0x3F95];
	_ =	swait.ge [sflag:s4], $0x0  }
0x19: {  	s7 =	sld [smem:$0x3F96]  }
0x1a: {  	s8 =	sadd.s32 $0xFFFFE003, lr  }
0x1b: {  	s9 =	sadd.s32 $0xFFFFFEF7, lr;
	s5 =	simm.s32 $0xFFFFFFFF;
	p2 =	slt.u32 s8, $0xFFFFF086  }
0x1c: {  	p1 =	slt.u32 s9, $0xF7A;
	s5 =	simm.s32 @!p2 $0x0  }
0x1d: {  	s5 =	simm.s32 @p1 $0x1;
	p0 =	seq.s32 s7, s2  }
0x1e: {  	s7 =	smul.u32 @!p0 $0xF7A, s2;
	p2 =	seq.s32 @!p0 s5, $0x0  }
0x1f: {  	s9 =	smul.u32 $0xF7A, s1;
	s8 =	simm.s32 @!p0 $0x1BF5;
	p2 =	por !p2, p0  }
0x20: {  	[sflag:s8] =	ssyncset.s32 @!p0 $0xFFFFF086;
	s6 =	sadd.s32 @!p0 s3, s7;
	s7 =	simm.s32 @!p0 $0x108  }
0x21: {  	s3 =	sadd.s32 s3, s9;
	s6 =	sadd.s32 @!p0 $0x88, s6;
	s7 =	simm.s32 @p2 $0x1082  }
0x22: {  	[simem:s7], [sflag:s8] =	dma.local @!p0 [hbm:s6], $0xF7A  }
0x23: {  	s9 =	sor.u32 $0xD0000000, s2;
	s6 =	simm.s32 $0x108;
	_ =	swait.ge @!p0 [sflag:s8], $0x0  }
0x24: {  	s3 =	sadd.s32 $0x88, s3;
	s6 =	simm.s32 @!p1 $0x1082;
	[sflag:s4] =	ssyncset.s32 $0xFFFFF086  }
0x25: {  	[simem:s6], [sflag:s4] =	dma.local [hbm:s3], $0xF7A  }
0x26: {  	[smem:$0x3F96] =	sst s1;
	(tag) =	ssettag s2;
	_ =	strace s9  }
0x27: {  	s1 =	sld [smem:$0x3FA6]  }
0x28: {  	s2 =	sld [smem:$0x3FA7]  }
0x29: {  	s4 =	sld [smem:$0x3FA9]  }
0x2a: {  	p0 =	seq.s32 s5, $0x0;
	s5 =	sld [smem:$0x3FAA]  }
0x2b: {  	s6 =	sld [smem:$0x3FAB]  }
0x2c: {  	s7 =	sld [smem:$0x3FAC]  }
0x2d: {  	s3 =	simm.s32 $0x108;
	s8 =	sld [smem:$0x3FAD]  }
0x2e: {  	s3 =	simm.s32 @!p0 $0x1082;
	s9 =	sld [smem:$0x3FAE]  }
0x2f: {  	lr =	sadd.s32 s0, s3;
	s0 =	sld [smem:$0x3FA5]  }
0x30: {  	s3 =	sld [smem:$0x3FA8]  }
0x31: {  	[smem:$0x3FB1] =	sst s10  }
0x32: {  	s10 =	sld [smem:$0x3FAF];
	_ =	sdelay $0x3  }
0x33: {  	p0 =	seq.s32 s10, $0x1;
	s10 =	sld [smem:$0x3FB1];
	_ =	sdelay $0x3  }
0x34: {  	[smem:$0x3FB1] =	sst s10  }
0x35: {  	s10 =	sld [smem:$0x3FB0];
	_ =	sdelay $0x3  }
0x36: {  	p1 =	seq.s32 s10, $0x1;
	s10 =	sld [smem:$0x3FB1];
	_ =	sdelay $0x3  }
0x37: {  	[smem:$0x3FB1] =	sst s10  }
0x38: {  	s10 =	sld [smem:$0x3FB2]  }
0x39: {  	_ = 	snop;
	(pc) =	sbr.ind lr, $3  }
0x3a: {  	_ = 	snop  }
0x3b: {  	_ = 	snop  }
0x3c: {  	p2 =	seq.s32 s10, $0x1;
	s10 =	sld [smem:$0x3FB1]  }
0x3d: {  	_ =	shalt  }
0x3e: {  	_ =	shalt  }
0x3f: {  	_ =	shalt  }
0x40: {  	_ =	shalt  }
0x41: {  	_ =	shalt  }
0x42: {  	_ =	shalt  }
0x43: {  	_ =	shalt  }
0x44: {  	_ =	shalt  }
0x45: {  	_ =	shalt  }
0x46: {  	_ =	shalt  }
0x47: {  	_ =	shalt  }
0x48: {  	_ =	shalt  }
0x49: {  	_ =	shalt  }
0x4a: {  	_ =	shalt  }
0x4b: {  	_ =	shalt  }
0x4c: {  	_ =	shalt  }
0x4d: {  	_ =	shalt  }
0x4e: {  	_ =	shalt  }
0x4f: {  	_ =	shalt  }
0x50: {  	_ =	shalt  }
0x51: {  	_ =	shalt  }
0x52: {  	_ =	shalt  }
0x53: {  	_ =	shalt  }
0x54: {  	_ =	shalt  }
0x55: {  	_ =	shalt  }
0x56: {  	_ =	shalt  }
0x57: {  	_ =	shalt  }
0x58: {  	_ =	shalt  }
0x59: {  	_ =	shalt  }
0x5a: {  	_ =	shalt  }
0x5b: {  	_ =	shalt  }
0x5c: {  	_ =	shalt  }
0x5d: {  	_ =	shalt  }
0x5e: {  	_ =	shalt  }
0x5f: {  	_ =	shalt  }
0x60: {  	_ =	shalt  }
0x61: {  	_ =	shalt  }
0x62: {  	_ =	shalt  }
0x63: {  	_ =	shalt  }
0x64: {  	_ =	shalt  }
0x65: {  	_ =	shalt  }
0x66: {  	_ =	shalt  }
0x67: {  	_ =	shalt  }
0x68: {  	_ =	shalt  }
0x69: {  	_ =	shalt  }
0x6a: {  	_ =	shalt  }
0x6b: {  	_ =	shalt  }
0x6c: {  	_ =	shalt  }
0x6d: {  	_ =	shalt  }
0x6e: {  	_ =	shalt  }
0x6f: {  	_ =	shalt  }
0x70: {  	_ =	shalt  }
0x71: {  	_ =	shalt  }
0x72: {  	_ =	shalt  }
0x73: {  	_ =	shalt  }
0x74: {  	_ =	shalt  }
0x75: {  	_ =	shalt  }
0x76: {  	_ =	shalt  }
0x77: {  	_ =	shalt  }
0x78: {  	_ =	shalt  }
0x79: {  	_ =	shalt  }
0x7a: {  	_ =	shalt  }
0x7b: {  	_ =	shalt  }
0x7c: {  	_ =	shalt  }
0x7d: {  	_ =	shalt  }
0x7e: {  	_ =	shalt  }
0x7f: {  	_ =	shalt  }
0x80: {  	_ =	shalt  }
0x81: {  	_ =	shalt  }
0x82: {  	_ =	shalt  }
0x83: {  	_ =	shalt  }
0x84: {  	_ =	shalt  }
0x85: {  	_ =	shalt  }
0x86: {  	_ =	shalt  }
0x87: {  	_ =	shalt  }
.Lfunc_end0:
.L_simem_size_0:
called_computation_lowered:
.L_overlay_start_0:
0x88: {  	s2 =	sld [smem:$0x3FD9]  }
0x89: {  	s3 =	sld [smem:$0x3FFE];
	_ =	sdelay $0x1  }
0x8a: {  	s1 =	srdreg.scid  }
0x8b: {  	s0 =	sand.u32 $0x1, s1  }
0x8c: {  	s17 =	sshll.u32 s0, $0xA;
	s2 =	sadd.s32 s3, s2  }
0x8d: {  	s2 =	sadd.s32 s2, s17  }
0x8e: {  	[smem:$0x3FBD] =	sst s2  }
0x8f: {  	_ = 	snop  }
0x90: {  	s2 =	sld [smem:$0x3FD0];
	(tm) =	ssettm $0x1  }
0x91: {  	s18 =	sld [smem:$0x3FFB];
	_ =	sdelay $0x3  }
0x92: {  	_ =	strace s18  }
0x93: {  	s3 =	sld [smem:$0x3FFC];
	_ =	sdelay $0x3  }
0x94: {  	_ =	strace s3  }
0x95: {  	s3 =	sld [smem:$0x3FFD];
	_ =	sdelay $0x3  }
0x96: {  	_ =	strace s3  }
0x97: {  	_ =	strace $0x8FFFFFFF  }
0x98: {  	s19 =	sld [smem:$0x3FDB];
	_ =	sdelay $0x1  }
0x99: {  	s4 =	simm.s32 $_scs_section_size  }
0x9a: {  	s5 =	simm.s32 $_size__tile_overlayer_lowered;
	s6 =	simm.s32 $_tile_overlayer_lowered  }
0x9b: {  	s22 =	simm.s32 $0x1BFF;
	s21 =	sshll.u32 s6, $0x1;
	s3 =	sadd.s32 s4, s19  }
0x9c: {  	s7 =	simm.s32 $0x0;
	s20 =	sshll.u32 s5, $0x1;
	s5 =	sadd.s32 s21, s3  }
0x9d: {  	[timem:s7], [sflag:s22] =	dma.local [hbm:s5], s20  }
0x9e: {  	_ =	swait.ge [sflag:s22], s20  }
0x9f: {  	s4 =	ssub.s32 $0x0, s20;
	[sflag:s22] =	ssyncset.done $0x0  }
0xa0: {  	[sflag:s22] =	ssyncadd.s32 s4;
	_ =	sdelay $0x1  }
0xa1: {  	s23 =	simm.s32 $0x1B8B  }
0xa2: {  	_ =	swait.ge [sflag:s23], $0x1  }
0xa3: {  	[sflag:s23] =	ssyncset.done $0x0  }
0xa4: {  	s25 =	simm.s32 $0x1B8E;
	s24 =	sld [smem:$0x3FFE];
	[sflag:s23] =	ssyncadd.s32 $0xFFFFFFFF  }
0xa5: {  	s26 =	simm.s32 $execute0_lowered;
	[smem:$0x3FD2] =	sst s25  }
0xa6: {  	s5 =	sshll.u32 s26, $0x1;
	_ =	strace $0x80000046;
	[dreg:$0x1] =	wrdreg $0xFFFFFFFF  }
0xa7: {  	s28 =	simm.s32 $_size_execute0_lowered;
	s3 =	sadd.s32 s3, s5;
	[dreg:$0x0] =	wrdreg $0x0  }
0xa8: {  	s5 =	sshll.u32 s28, $0x1;
	[dreg:$0x2] =	wrdreg s3  }
0xa9: {  	[dreg:$0x3] =	wrdreg s5  }
0xaa: {  	[dreg:$0x4] =	wrdreg $0xC0  }
0xab: {  	_ =	task [dreg:s7], $0x5FFFF  }
0xac: {  	[dreg:$0x1] =	wrdreg $0xFFFFFFFF  }
0xad: {  	[dreg:$0x0] =	wrdreg $0x60  }
0xae: {  	[dreg:$0x2] =	wrdreg s24  }
0xaf: {  	[dreg:$0x3] =	wrdreg s2  }
0xb0: {  	[dreg:$0x4] =	wrdreg $0x7BC00  }
0xb1: {  	[dreg:$0x5] =	wrdreg $0x1B7C00  }
0xb2: {  	[dreg:$0x6] =	wrdreg $0x9  }
0xb3: {  	_ =	task.clear_ibuf [dreg:s7], $0x7FFFF;
	_ =	strace $0x90000046  }
0xb4: {  	s29 =	simm.s32 $0x9;
	_ =	strace $0x80000048  }
0xb5: {  	_ =	swait.ge [sflag:s29], $0x1  }
0xb6: {  	[sflag:s29] =	ssyncadd.s32 $0xFFFFFFFF  }
0xb7: {  	_ =	strace $0x90000048  }
0xb8: {  	_ =	sfence  }
0xb9: {  	s30 =	sld [smem:$0x0];
	_ =	sdelay $0x2  }
0xba: {  	s31 =	sshll.u32 s1, $0xD;
	s1 =	sshrl.u32 s1, $0x2  }
0xbb: {  	s3 =	sand.u32 $0x4000, s31;
	s1 =	sadd.s32 s1, s30  }
0xbc: {  	s0 =	sor.u32 s3, s0;
	s1 =	sshll.u32 s1, $0x11  }
0xbd: {  	s0 =	sor.u32 s1, s0  }
0xbe: {  	s0 =	sadd.s32 $0x8F2B, s0  }
0xbf: {  	[sflag:s0] =	ssyncadd.remote.s32 $0x1  }
0xc0: {  	_ =	sfence.sel $0xFFFF  }
0xc1: {  	[dreg:$0x0] =	wrdreg $0xFFFFFFFF;
	(pc) =	sbr.abs _section_cstart, $3  }
0xc2: {  	[dreg:$0x1] =	wrdreg $0xFFFFFFFF  }
0xc3: {  	_ =	task.clear_ibuf [dreg:s7], $0x2FFFF;
	_ =	strace $0x9FFFFFFF  }
0xc4: {  	(tm) =	ssettm $0x7FFFFFFF  }
0xc5: {  	_ =	shalt  }
tec
execute0_lowered:
.L_overlay_start_1:
0x0: {  	(tag) =	ssettag $0x1  }
0x1: {  	s0 =	rddreg [dreg:$0x0]  }
0x2: {  	s1 =	rddreg [dreg:$0x1]  }
0x3: {  	s3 =	rddreg [dreg:$0x2];
	s2 =	srdreg.scid  }
0x4: {  	s17 =	stileid.u32;
	s4 =	rddreg [dreg:$0x3];
	s5 =	simm.s32 $0x0  }
0x5: {  	s30 =	simm.s32 $0x2;
	s31 =	simm.s32 $0x4BC0;
	s10 =	smul.u32 $0x13C00, s17  }
0x6: {  	s2 =	sand.u32 $0x1, s2;
	[smem:$0x7FF] =	sst s5;
	s11 =	smul.u32 $0x2780, s17  }
0x7: {  	s6 =	sadd.s32 $0x2600, s0;
	s7 =	sadd.s32 $0xC800, s0;
	s16 =	smul.u32 $0x278, s17  }
0x8: {  	s8 =	sadd.s32 $0x3DC00, s0;
	s9 =	smul.u32 $0x13C000, s2;
	_ =	strace $0x80000047  }
0x9: {  	s12 =	smul.u32 $0x27800, s2;
	s14 =	ssub.s32 $0x2, s2;
	s2 =	sshll.u32 s2, $0x4  }
0xa: {  	s15 =	sshrl.u32 s14, $0x1;
	s2 =	sor.u32 s17, s2;
	s17 =	sadd.s32 s10, s3  }
0xb: {  	s18 =	sadd.s32 s11, s4;
	s19 =	sadd.s32 $0xC0, s16;
	s22 =	sadd.s32 $0x120, s16  }
0xc: {  	s25 =	sadd.s32 $0x180, s16;
	s29 =	sadd.s32 $0x1E0, s16;
	s13 =	sadd.s32 s10, s9  }
0xd: {  	s9 =	sadd.s32 $0x16A00, s0;
	s12 =	sadd.s32 s11, s12;
	s20 =	sshll.u32 s19, $0x7  }
0xe: {  	s21 =	sshll.u32 s19, $0x4;
	s23 =	sshll.u32 s22, $0x7;
	s26 =	sshll.u32 s25, $0x7  }
0xf: {  	s19 =	sadd.s32 $0x240, s16;
	[dreg:$0x5] =	wrdreg s17;
	s13 =	sshrl.u32 s13, $0x3  }
0x10: {  	[dreg:$0x6] =	wrdreg s18;
	s12 =	sshrl.u32 s12, $0x3;
	s13 =	sadd.s32 s13, s0  }
0x11: {  	s0 =	sadd.s32 s12, s0;
	s12 =	ssub.s32 s14, s15;
	s14 =	sadd.s32 $0x60, s16  }
0x12: {  	s15 =	sshll.u32 s14, $0x7;
	s10 =	sshll.u32 s14, $0x4;
	s0 =	sadd.s32 $0x47E00, s0  }
0x13: {  	s14 =	simm.s32 $0x60;
	s11 =	sadd.s32 s15, s3;
	[dreg:$0x18] =	wrdreg s0  }
0x14: {  	s10 =	sadd.s32 s10, s4;
	s15 =	sshll.u32 s29, $0x4;
	[dreg:$0x7] =	wrdreg s11  }
0x15: {  	s0 =	simm.s32 $0xDE0;
	[dreg:$0x8] =	wrdreg s10;
	s10 =	sadd.s32 s20, s3  }
0x16: {  	s11 =	sshll.u32 s22, $0x4;
	s20 =	sshll.u32 s19, $0x7;
	s22 =	sshll.u32 s19, $0x4  }
0x17: {  	[dreg:$0x9] =	wrdreg s10;
	s10 =	sadd.s32 s21, s4;
	s24 =	sadd.s32 s11, s4  }
0x18: {  	s11 =	sadd.s32 s26, s3;
	s21 =	smul.u32 $0x510, s2;
	[dreg:$0xa] =	wrdreg s10  }
0x19: {  	s2 =	smul.u32 $0x6C, s2;
	s26 =	sadd.s32 $0x51C00, s13;
	[dreg:$0xc] =	wrdreg s24  }
0x1a: {  	s13 =	simm.s32 $0x1E0;
	s10 =	sadd.s32 s23, s3;
	[dreg:$0xd] =	wrdreg s11  }
0x1b: {  	s11 =	sshll.u32 s29, $0x7;
	[dreg:$0x17] =	wrdreg s26;
	s29 =	smax.u32 s12, $0x1  }
0x1c: {  	s12 =	simm.s32 $0x5;
	s26 =	simm.s32 $0x1;
	[dreg:$0xb] =	wrdreg s10  }
0x1d: {  	s10 =	sshll.u32 s25, $0x4;
	s23 =	sadd.s32 s6, s21;
	[dreg:$0x19] =	wrdreg s29  }
0x1e: {  	s24 =	sadd.s32 s7, s21;
	s25 =	sadd.s32 s8, s21;
	[dreg:$0x13] =	wrdreg s23  }
0x1f: {  	s28 =	sor.u32 $0x1, s2;
	s2 =	sor.u32 $0x2, s2;
	[dreg:$0x14] =	wrdreg s24  }
0x20: {  	s21 =	simm.s32 $0x3EA0;
	s10 =	sadd.s32 s10, s4;
	[dreg:$0x15] =	wrdreg s25  }
0x21: {  	[dreg:$0x16] =	wrdreg s2;
	s23 =	simm.s32 $0x3FC0;
	s24 =	simm.s32 $0x3F00  }
0x22: {  	s25 =	simm.s32 $0x45C0;
	[dreg:$0xe] =	wrdreg s10;
	s10 =	sadd.s32 s11, s3  }
0x23: {  	s2 =	simm.s32 $0x3;
	[dreg:$0xf] =	wrdreg s10;
	s10 =	sadd.s32 s15, s4  }
0x24: {  	s11 =	simm.s32 $0x0;
	[dreg:$0x10] =	wrdreg s10;
	s10 =	sadd.s32 s20, s3  }
0x25: {  	s15 =	simm.s32 $0xC0;
	[dreg:$0x11] =	wrdreg s10;
	s10 =	sadd.s32 s22, s4  }
0x26: {  	v0 =	vimm.f32 $0.0e+00;
	s20 =	simm.s32 $0x3E40;
	s22 =	simm.s32 $0x3F60;
	[dreg:$0x12] =	wrdreg s10  }
.LBB2_1:
0x27: {  	s29 =	simm.s32 $0x0  }
0x28: {  	[dreg:$0x1a] =	wrdreg s11;
	s10 =	simm.s32 $0xE20;
	s11 =	simm.s32 $0x40;
	[tilespmem:s29+$0x1E0] =	vst v0  }
.LBB2_2:
0x29: {  	p0 =	sne.s32 s11, $0x17C0;
	[tilespmem:s10+$0xFFFFFFC0] =	vst v0  }
0x2a: {  	[tilespmem:s10+$0xFFFFFFD0] =	vst v0  }
0x2b: {  	[tilespmem:s10+$0xFFFFFFE0] =	vst v0  }
0x2c: {  	[tilespmem:s10+$0xFFFFFFF0] =	vst v0  }
.Ltmp0:
0x2d: {  	[tilespmem:s10+$0x0] =	vst v0;
	(pc) =	sbr.rel @p0 .LBB2_2-.Ltmp0, $4  }
0x2e: {  	[tilespmem:s10+$0x10] =	vst v0  }
0x2f: {  	[tilespmem:s10+$0x20] =	vst v0  }
0x30: {  	s16 =	sshra.s32 s11, $0x2;
	[tilespmem:s10+$0x30] =	vst v0  }
0x31: {  	s11 =	sadd.s32 $0x40, s11;
	s10 =	sadd.s32 $0x80, s10;
	[tilespmem:s16+$0x1E0] =	vst v0  }
0x32: {  	[tilespmem:s10+$0xFFFFFFC0] =	vst v0  }
0x33: {  	[tilespmem:s10+$0xFFFFFFD0] =	vst v0  }
0x34: {  	[tilespmem:s10+$0xFFFFFFE0] =	vst v0  }
0x35: {  	[tilespmem:s10+$0xFFFFFFF0] =	vst v0  }
0x36: {  	[tilespmem:s10+$0x0] =	vst v0  }
0x37: {  	[tilespmem:s10+$0x10] =	vst v0  }
0x38: {  	[tilespmem:s10+$0x20] =	vst v0  }
0x39: {  	[tilespmem:s10+$0x30] =	vst v0  }
0x3a: {  	[spmem:s17] =	stream.linear.scatter [tilespmem:s0], [sflag:$0x5], $0x3000, $0x38;
	[tilespmem:$0x1DF40] =	vst v63  }
0x3b: {  	_ =	swait.ge [sflag:s12], $0x3000  }
0x3c: {  	[sflag:s12] =	ssyncset.done $0x0  }
0x3d: {  	[sflag:s12] =	ssyncadd.s32 $0xFFFFD000  }
0x3e: {  	[spmem:s18] =	stream.linear.scatter [tilespmem:s13], [sflag:$0x5], $0x600, $0x38;
	[tilespmem:$0x1DF40] =	vst v63  }
0x3f: {  	_ =	swait.ge [sflag:s12], $0x600  }
0x40: {  	[sflag:s12] =	ssyncset.done $0x0  }
0x41: {  	s17 =	rddreg [dreg:$0x7];
	[sflag:s12] =	ssyncadd.s32 $0xFFFFFA00  }
0x42: {  	[spmem:s17] =	stream.linear.scatter [tilespmem:s0], [sflag:$0x5], $0x3000, $0x38;
	[tilespmem:$0x1DF40] =	vst v63  }
0x43: {  	_ =	swait.ge [sflag:s12], $0x3000  }
0x44: {  	[sflag:s12] =	ssyncset.done $0x0  }
0x45: {  	s18 =	rddreg [dreg:$0x8];
	[sflag:s12] =	ssyncadd.s32 $0xFFFFD000  }
0x46: {  	[spmem:s18] =	stream.linear.scatter [tilespmem:s13], [sflag:$0x5], $0x600, $0x38;
	[tilespmem:$0x1DF40] =	vst v63  }
0x47: {  	_ =	swait.ge [sflag:s12], $0x600  }
0x48: {  	[sflag:s12] =	ssyncset.done $0x0  }
0x49: {  	s19 =	rddreg [dreg:$0x9];
	[sflag:s12] =	ssyncadd.s32 $0xFFFFFA00  }
0x4a: {  	[spmem:s19] =	stream.linear.scatter [tilespmem:s0], [sflag:$0x5], $0x3000, $0x38;
	[tilespmem:$0x1DF40] =	vst v63  }
0x4b: {  	_ =	swait.ge [sflag:s12], $0x3000  }
0x4c: {  	[sflag:s12] =	ssyncset.done $0x0  }
0x4d: {  	s29 =	rddreg [dreg:$0xa];
	[sflag:s12] =	ssyncadd.s32 $0xFFFFD000  }
0x4e: {  	[spmem:s29] =	stream.linear.scatter [tilespmem:s13], [sflag:$0x5], $0x600, $0x38;
	[tilespmem:$0x1DF40] =	vst v63  }
0x4f: {  	_ =	swait.ge [sflag:s12], $0x600  }
0x50: {  	[sflag:s12] =	ssyncset.done $0x0  }
0x51: {  	s11 =	rddreg [dreg:$0xb];
	[sflag:s12] =	ssyncadd.s32 $0xFFFFFA00  }
0x52: {  	[spmem:s11] =	stream.linear.scatter [tilespmem:s0], [sflag:$0x5], $0x3000, $0x38;
	[tilespmem:$0x1DF40] =	vst v63  }
0x53: {  	_ =	swait.ge [sflag:s12], $0x3000  }
0x54: {  	[sflag:s12] =	ssyncset.done $0x0  }
0x55: {  	s16 =	rddreg [dreg:$0xc];
	[sflag:s12] =	ssyncadd.s32 $0xFFFFD000  }
0x56: {  	[spmem:s16] =	stream.linear.scatter [tilespmem:s13], [sflag:$0x5], $0x600, $0x38;
	[tilespmem:$0x1DF40] =	vst v63  }
0x57: {  	_ =	swait.ge [sflag:s12], $0x600  }
0x58: {  	[sflag:s12] =	ssyncset.done $0x0  }
0x59: {  	s17 =	rddreg [dreg:$0xd];
	[sflag:s12] =	ssyncadd.s32 $0xFFFFFA00  }
0x5a: {  	[spmem:s17] =	stream.linear.scatter [tilespmem:s0], [sflag:$0x5], $0x3000, $0x38;
	[tilespmem:$0x1DF40] =	vst v63  }
0x5b: {  	_ =	swait.ge [sflag:s12], $0x3000  }
0x5c: {  	[sflag:s12] =	ssyncset.done $0x0  }
0x5d: {  	s18 =	rddreg [dreg:$0xe];
	[sflag:s12] =	ssyncadd.s32 $0xFFFFD000  }
0x5e: {  	[spmem:s18] =	stream.linear.scatter [tilespmem:s13], [sflag:$0x5], $0x600, $0x38;
	[tilespmem:$0x1DF40] =	vst v63  }
0x5f: {  	_ =	swait.ge [sflag:s12], $0x600  }
0x60: {  	[sflag:s12] =	ssyncset.done $0x0  }
0x61: {  	s19 =	rddreg [dreg:$0xf];
	[sflag:s12] =	ssyncadd.s32 $0xFFFFFA00  }
0x62: {  	[spmem:s19] =	stream.linear.scatter [tilespmem:s0], [sflag:$0x5], $0x3000, $0x38;
	[tilespmem:$0x1DF40] =	vst v63  }
0x63: {  	_ =	swait.ge [sflag:s12], $0x3000  }
0x64: {  	[sflag:s12] =	ssyncset.done $0x0  }
0x65: {  	s29 =	rddreg [dreg:$0x10];
	[sflag:s12] =	ssyncadd.s32 $0xFFFFD000  }
0x66: {  	[spmem:s29] =	stream.linear.scatter [tilespmem:s13], [sflag:$0x5], $0x600, $0x38;
	[tilespmem:$0x1DF40] =	vst v63  }
0x67: {  	_ =	swait.ge [sflag:s12], $0x600  }
0x68: {  	[sflag:s12] =	ssyncset.done $0x0  }
0x69: {  	s11 =	rddreg [dreg:$0x11];
	[sflag:s12] =	ssyncadd.s32 $0xFFFFFA00  }
0x6a: {  	[spmem:s11] =	stream.linear.scatter [tilespmem:s0], [sflag:$0x5], $0x1C00, $0x38;
	[tilespmem:$0x1DF40] =	vst v63  }
0x6b: {  	_ =	swait.ge [sflag:s12], $0x1C00  }
0x6c: {  	[sflag:s12] =	ssyncset.done $0x0  }
0x6d: {  	s16 =	rddreg [dreg:$0x12];
	[sflag:s12] =	ssyncadd.s32 $0xFFFFE400  }
0x6e: {  	[spmem:s16] =	stream.linear.scatter [tilespmem:s13], [sflag:$0x5], $0x380, $0x38;
	[tilespmem:$0x1DF40] =	vst v63  }
0x6f: {  	_ =	swait.ge [sflag:s12], $0x380  }
0x70: {  	[sflag:s12] =	ssyncset.done $0x0  }
0x71: {  	[sflag:s12] =	ssyncadd.s32 $0xFFFFFC80  }
0x72: {  	[bflag:$0x0] =	sbarrier.arrive $0xFFFF  }
0x73: {  	s10 =	simm.s32 $0x0;
	s11 =	rddreg [dreg:$0x13]  }
0x74: {  	[tilespmem:s10], [sflag:$0x5] =	stream.linear.gather [hbm4b:s11+s10], $0x60, $0x38;
	[tilespmem:$0x1DF40] =	vst v63  }
0x75: {  	_ =	swait.ge [sflag:s12], $0x60  }
0x76: {  	[sflag:s12] =	ssyncset.done $0x0  }
0x77: {  	s17 =	rddreg [dreg:$0x14];
	[sflag:s12] =	ssyncadd.s32 $0xFFFFFFA0  }
0x78: {  	[tilespmem:s14], [sflag:$0x5] =	stream.linear.gather [hbm4b:s17+s10], $0x60, $0x38;
	[tilespmem:$0x1DF40] =	vst v63  }
0x79: {  	_ =	swait.ge [sflag:s12], $0x60  }
0x7a: {  	[sflag:s12] =	ssyncset.done $0x0  }
0x7b: {  	s18 =	rddreg [dreg:$0x15];
	[sflag:s12] =	ssyncadd.s32 $0xFFFFFFA0  }
0x7c: {  	[tilespmem:s15], [sflag:$0x5] =	stream.linear.gather [hbm4b:s18+s10], $0x60, $0x38;
	[tilespmem:$0x1DF40] =	vst v63  }
0x7d: {  	_ =	swait.ge [sflag:s12], $0x60  }
0x7e: {  	[sflag:s12] =	ssyncset.done $0x0  }
0x7f: {  	[sflag:s12] =	ssyncadd.s32 $0xFFFFFFA0  }
0x80: {  	v1 =	vld [tilespmem:$0x0]  }
0x81: {  	v2 =	vld [tilespmem:$0x60]  }
0x82: {  	v3 =	vld [tilespmem:$0xC0]  }
0x83: {  	v4 =	vld [tilespmem:$0x10]  }
0x84: {  	v5 =	vld [tilespmem:$0x70]  }
0x85: {  	v6 =	vld [tilespmem:$0xD0]  }
0x86: {  	v7 =	vld [tilespmem:$0x20]  }
0x87: {  	v8 =	vld [tilespmem:$0x80]  }
0x88: {  	v9 =	vld [tilespmem:$0xE0]  }
0x89: {  	v10 =	vld [tilespmem:$0x30];
	v1 =	vmul.u32 $0x2710, v1  }
0x8a: {  	v11 =	vld [tilespmem:$0x90]  }
0x8b: {  	v12 =	vld [tilespmem:$0xF0];
	v4 =	vmul.u32 $0x2710, v4;
	v2 =	vadd.s32 v2, v1  }
0x8c: {  	v1 =	vadd.s32 v1, v3;
	[tilespmem:$0x120] =	vst v2;
	v2 =	vld [tilespmem:$0x40]  }
0x8d: {  	v59 =	vld [tilespmem:$0xA0];
	v3 =	vmul.u32 $0x2710, v7;
	[tilespmem:$0x180] =	vst v1;
	v1 =	vadd.s32 v5, v4  }
0x8e: {  	v60 =	vld [tilespmem:$0x50];
	[tilespmem:$0x130] =	vst v1;
	v1 =	vadd.s32 v4, v6  }
0x8f: {  	v62 =	vld [tilespmem:$0x100];
	v61 =	vmul.u32 $0x2710, v10;
	[tilespmem:$0x190] =	vst v1;
	v1 =	vadd.s32 v8, v3  }
0x90: {  	[tilespmem:$0x140] =	vst v1;
	v1 =	vadd.s32 v3, v9;
	v3 =	vld [tilespmem:$0xB0]  }
0x91: {  	v63 =	vld [tilespmem:$0x110];
	[tilespmem:$0x1A0] =	vst v1;
	v1 =	vadd.s32 v11, v61;
	v2 =	vmul.u32 $0x2710, v2  }
0x92: {  	[tilespmem:$0x150] =	vst v1;
	v1 =	vadd.s32 v61, v12  }
0x93: {  	v4 =	vmul.u32 $0x2710, v60;
	[tilespmem:$0x1B0] =	vst v1;
	v1 =	vadd.s32 v59, v2  }
0x94: {  	[tilespmem:$0x160] =	vst v1;
	v1 =	vadd.s32 v2, v62  }
0x95: {  	[tilespmem:$0x1C0] =	vst v1;
	v1 =	vadd.s32 v3, v4  }
0x96: {  	[tilespmem:$0x170] =	vst v1;
	v1 =	vadd.s32 v4, v63  }
0x97: {  	s19 =	simm.s32 $0x180;
	[tilespmem:$0x1D0] =	vst v1  }
0x98: {  	[tilespmem:s13], [sflag:$0x1] =	stream.indirect.gather [hbm4b:s1+s14], $0x10, s19, s14, $0xb8;
	[tilespmem:$0x1DF40] =	vst v63  }
0x99: {  	s29 =	simm.s32 $0x120;
	s16 =	simm.s32 $0x7E0;
	s11 =	simm.s32 $0x0  }
0x9a: {  	[tilespmem:s16], [sflag:$0x1] =	stream.indirect.gather [hbm4b:s9+s14], $0x10, s29, s14, $0xb8;
	[tilespmem:$0x1DF40] =	vst v63  }
.LBB2_4:
0x9b: {  	p0 =	seq.s32 s11, $0x0  }
0x9c: {  	s17 =	simm.s32 @!p0 $0x4  }
0x9d: {  	_ =	swait.ge @!p0 [sflag:s17], $0x3000  }
0x9e: {  	s16 =	sshll.u32 s11, $0x1;
	[sflag:s17] =	ssyncset.done @!p0 $0x0  }
0x9f: {  	s18 =	sadd.s32 s16, s28;
	[sflag:s17] =	ssyncadd.s32 @!p0 $0xFFFFD000  }
0xa0: {  	s18 =	smul.u32 $0xC, s18;
	_ =	swait.ge @!p0 [sflag:s17], $0x600  }
0xa1: {  	[sflag:s17] =	ssyncset.done @!p0 $0x0  }
0xa2: {  	s19 =	simm.s32 $0x3DE0;
	[sflag:s17] =	ssyncadd.s32 @!p0 $0xFFFFFA00;
	s17 =	sadd.s32 s6, s18  }
0xa3: {  	[tilespmem:s19], [sflag:$0x5] =	stream.linear.gather [hbm4b:s17+s10], $0x60, $0x38;
	[tilespmem:$0x1DF40] =	vst v63  }
0xa4: {  	_ =	swait.ge [sflag:s12], $0x60  }
0xa5: {  	[sflag:s12] =	ssyncset.done $0x0  }
0xa6: {  	s19 =	sadd.s32 s7, s18;
	[sflag:s12] =	ssyncadd.s32 $0xFFFFFFA0  }
0xa7: {  	[tilespmem:s20], [sflag:$0x5] =	stream.linear.gather [hbm4b:s19+s10], $0x60, $0x38;
	[tilespmem:$0x1DF40] =	vst v63  }
0xa8: {  	_ =	swait.ge [sflag:s12], $0x60  }
0xa9: {  	[sflag:s12] =	ssyncset.done $0x0  }
0xaa: {  	s18 =	sadd.s32 s8, s18;
	[sflag:s12] =	ssyncadd.s32 $0xFFFFFFA0  }
0xab: {  	[tilespmem:s21], [sflag:$0x5] =	stream.linear.gather [hbm4b:s18+s10], $0x60, $0x38;
	[tilespmem:$0x1DF40] =	vst v63  }
0xac: {  	_ =	swait.ge [sflag:s12], $0x60  }
0xad: {  	[sflag:s12] =	ssyncset.done $0x0  }
0xae: {  	[sflag:s12] =	ssyncadd.s32 $0xFFFFFFA0  }
0xaf: {  	v1 =	vld [tilespmem:$0x3DE0]  }
0xb0: {  	v2 =	vld [tilespmem:$0x3E40]  }
0xb1: {  	v3 =	vld [tilespmem:$0x3EA0]  }
0xb2: {  	v4 =	vld [tilespmem:$0x3DF0]  }
0xb3: {  	v5 =	vld [tilespmem:$0x3E50]  }
0xb4: {  	v6 =	vld [tilespmem:$0x3EB0]  }
0xb5: {  	v7 =	vld [tilespmem:$0x3E00]  }
0xb6: {  	v8 =	vld [tilespmem:$0x3E60]  }
0xb7: {  	v9 =	vld [tilespmem:$0x3EC0]  }
0xb8: {  	v10 =	vld [tilespmem:$0x3E10];
	v1 =	vmul.u32 $0x2710, v1  }
0xb9: {  	v11 =	vld [tilespmem:$0x3E70]  }
0xba: {  	v12 =	vld [tilespmem:$0x3ED0];
	v4 =	vmul.u32 $0x2710, v4;
	v2 =	vadd.s32 v2, v1  }
0xbb: {  	v1 =	vadd.s32 v1, v3;
	[tilespmem:$0x3F00] =	vst v2;
	v2 =	vld [tilespmem:$0x3E20]  }
0xbc: {  	v3 =	vmul.u32 $0x2710, v7;
	[tilespmem:$0x3F60] =	vst v1;
	v1 =	vadd.s32 v5, v4;
	v5 =	vld [tilespmem:$0x3E80]  }
0xbd: {  	[tilespmem:$0x3F10] =	vst v1;
	v1 =	vadd.s32 v4, v6;
	v4 =	vld [tilespmem:$0x3E30]  }
0xbe: {  	v7 =	vld [tilespmem:$0x3EE0];
	v6 =	vmul.u32 $0x2710, v10;
	[tilespmem:$0x3F70] =	vst v1;
	v1 =	vadd.s32 v8, v3  }
0xbf: {  	[tilespmem:$0x3F20] =	vst v1;
	v1 =	vadd.s32 v3, v9;
	v3 =	vld [tilespmem:$0x3E90]  }
0xc0: {  	v8 =	vld [tilespmem:$0x3EF0];
	[tilespmem:$0x3F80] =	vst v1;
	v1 =	vadd.s32 v11, v6;
	v2 =	vmul.u32 $0x2710, v2  }
0xc1: {  	[tilespmem:$0x3F30] =	vst v1;
	v1 =	vadd.s32 v6, v12  }
0xc2: {  	[tilespmem:$0x3F90] =	vst v1;
	v4 =	vmul.u32 $0x2710, v4;
	v1 =	vadd.s32 v5, v2  }
0xc3: {  	[tilespmem:$0x3F40] =	vst v1;
	v1 =	vadd.s32 v2, v7  }
0xc4: {  	[tilespmem:$0x3FA0] =	vst v1;
	v1 =	vadd.s32 v3, v4  }
0xc5: {  	[tilespmem:$0x3F50] =	vst v1;
	v1 =	vadd.s32 v4, v8  }
0xc6: {  	[tilespmem:$0x3FB0] =	vst v1  }
0xc7: {  	[tilespmem:s23], [sflag:$0x2] =	stream.indirect.gather [hbm4b:s1+s14], $0x10, s22, s14, $0xb8;
	[tilespmem:$0x1DF40] =	vst v63  }
0xc8: {  	_ = 	snop  }
0xc9: {  	[tilespmem:s25], [sflag:$0x2] =	stream.indirect.gather [hbm4b:s9+s14], $0x10, s24, s14, $0xb8;
	[tilespmem:$0x1DF40] =	vst v63  }
0xca: {  	_ =	swait.ge [sflag:s26], $0x600  }
0xcb: {  	[sflag:s26] =	ssyncset.done $0x0  }
0xcc: {  	[sflag:s26] =	ssyncadd.s32 $0xFFFFFA00  }
0xcd: {  	_ =	swait.ge [sflag:s26], $0x600  }
0xce: {  	[sflag:s26] =	ssyncset.done $0x0  }
0xcf: {  	s19 =	simm.s32 $0x0;
	[sflag:s26] =	ssyncadd.s32 $0xFFFFFA00  }
0xd0: {  	v1 =	vld [tilespmem:s19+$0x1E0]  }
0xd1: {  	v2 =	vld [tilespmem:s19+$0x7E0];
	_ =	sdelay $0x4  }
0xd2: {  	v1 =	vadd.f32 v2, v1;
	_ =	sdelay $0x1  }
0xd3: {  	v2 =	vmul.f32 $2.000000030e-01, v1  }
0xd4: {  	vm0 =	vgt.f32 v1, $0.0e+00  }
0xd5: {  	v1 =	vsel vm0, v1, v2  }
0xd6: {  	v1 =	vmul.f32 $1.442695020e+00, v1;
	_ =	sdelay $0x1  }
0xd7: {  	(erf) = vpow2.f32 v1;
	_ =	sdelay $0x8  }
0xd8: {  	v2 =	vpop (erf)  }
0xd9: {  	s17 =	simm.s32 $0xE20;
	[tilespmem:s19+$0x1E0] =	vst v2  }
0xda: {  	v10 =	vld [tilespmem:s17+$0x30]  }
0xdb: {  	v9 =	vld [tilespmem:s17+$0xFFFFFFE0]  }
0xdc: {  	v7 =	vld [tilespmem:s17+$0x10]  }
0xdd: {  	v3 =	vbroadcast v2, $0x3;
	v4 =	vld [tilespmem:s17+$0x20]  }
0xde: {  	v1 =	vbroadcast v2, $0x1;
	v5 =	vld [tilespmem:s17+$0xFFFFFFD0]  }
0xdf: {  	s29 =	simm.s32 $0xE20;
	s18 =	simm.s32 $0x40;
	v6 =	vbroadcast v2, $0x2;
	v8 =	vld [tilespmem:s17+$0x0];
	v10 =	vmul.f32 v10, v3  }
.LBB2_5:
0xe0: {  	p0 =	sne.s32 s18, $0x17C0  }
0xe1: {  	v9 =	vmul.f32 v1, v9;
	v11 =	vld [tilespmem:s17+$0xFFFFFFF0];
	s29 =	sadd.s32 $0x80, s29;
	s19 =	smov.u32 s18;
	s18 =	sadd.s32 $0x40, s18  }
0xe2: {  	v2 =	vbroadcast v2, $0x0;
	v12 =	vld [tilespmem:s17+$0xFFFFFFC0];
	v7 =	vmul.f32 v7, v6;
	[tilespmem:s17+$0x30] =	vst v10  }
0xe3: {  	[tilespmem:s17+$0xFFFFFFE0] =	vst v9;
	v3 =	vmul.f32 v4, v3  }
0xe4: {  	v4 =	vmul.f32 v2, v5;
	[tilespmem:s17+$0x10] =	vst v7  }
0xe5: {  	v5 =	vmul.f32 v8, v6;
	[tilespmem:s17+$0x20] =	vst v3  }
0xe6: {  	[tilespmem:s17+$0xFFFFFFD0] =	vst v4;
	v1 =	vmul.f32 v11, v1  }
0xe7: {  	v2 =	vmul.f32 v2, v12;
	[tilespmem:s17+$0x0] =	vst v5  }
0xe8: {  	[tilespmem:s17+$0xFFFFFFF0] =	vst v1  }
0xe9: {  	s19 =	sshra.s32 s19, $0x2;
	[tilespmem:s17+$0xFFFFFFC0] =	vst v2;
	s17 =	smov.u32 s29  }
0xea: {  	v1 =	vld [tilespmem:s19+$0x1E0]  }
0xeb: {  	v2 =	vld [tilespmem:s19+$0x7E0];
	_ =	sdelay $0x4  }
0xec: {  	v1 =	vadd.f32 v2, v1;
	_ =	sdelay $0x1  }
0xed: {  	vm0 =	vgt.f32 v1, $0.0e+00;
	v2 =	vmul.f32 $2.000000030e-01, v1;
	_ =	sdelay $0x1  }
0xee: {  	v1 =	vsel vm0, v1, v2  }
0xef: {  	v1 =	vmul.f32 $1.442695020e+00, v1;
	_ =	sdelay $0x1  }
0xf0: {  	(erf) = vpow2.f32 v1;
	_ =	sdelay $0x8  }
0xf1: {  	v2 =	vpop (erf)  }
0xf2: {  	[tilespmem:s19+$0x1E0] =	vst v2  }
0xf3: {  	v10 =	vld [tilespmem:s29+$0x30]  }
.Ltmp1:
0xf4: {  	v9 =	vld [tilespmem:s29+$0xFFFFFFE0];
	(pc) =	sbr.rel @p0 .LBB2_5-.Ltmp1, $4  }
0xf5: {  	v7 =	vld [tilespmem:s29+$0x10]  }
0xf6: {  	v3 =	vbroadcast v2, $0x3;
	v4 =	vld [tilespmem:s29+$0x20]  }
0xf7: {  	v1 =	vbroadcast v2, $0x1;
	v5 =	vld [tilespmem:s29+$0xFFFFFFD0]  }
0xf8: {  	v6 =	vbroadcast v2, $0x2;
	v8 =	vld [tilespmem:s29+$0x0];
	v10 =	vmul.f32 v10, v3  }
0xf9: {  	v9 =	vmul.f32 v1, v9;
	v11 =	vld [tilespmem:s17+$0xFFFFFFF0]  }
0xfa: {  	v2 =	vbroadcast v2, $0x0;
	v12 =	vld [tilespmem:s17+$0xFFFFFFC0];
	v7 =	vmul.f32 v7, v6;
	[tilespmem:s17+$0x30] =	vst v10  }
0xfb: {  	[tilespmem:s17+$0xFFFFFFE0] =	vst v9;
	v3 =	vmul.f32 v4, v3  }
0xfc: {  	v62 =	vmul.f32 v2, v5;
	[tilespmem:s17+$0x10] =	vst v7  }
0xfd: {  	v63 =	vmul.f32 v8, v6;
	[tilespmem:s17+$0x20] =	vst v3  }
0xfe: {  	[tilespmem:s17+$0xFFFFFFD0] =	vst v62;
	v1 =	vmul.f32 v11, v1  }
0xff: {  	p0 =	seq.s32 s11, $0x35;
	v2 =	vmul.f32 v2, v12;
	[tilespmem:s17+$0x0] =	vst v63  }
.Ltmp2:
0x100: {  	[tilespmem:s17+$0xFFFFFFF0] =	vst v1;
	(pc) =	sbr.rel @p0 .LBB2_8-.Ltmp2, $4  }
0x101: {  	[tilespmem:s17+$0xFFFFFFC0] =	vst v2  }
0x102: {  	[spmem:s3] =	stream.indirect.scatter.add.f32 [tilespmem:s0], [sflag:$0x3], $0x80, s15, s14, $0xb8;
	[tilespmem:$0x1DF40] =	vst v63  }
0x103: {  	_ = 	snop  }
0x104: {  	[spmem:s4] =	stream.indirect.scatter.add.f32 [tilespmem:s13], [sflag:$0x3], $0x10, s15, s14, $0xb8;
	[tilespmem:$0x1DF40] =	vst v63  }
0x105: {  	_ =	swait.ge [sflag:s2], $0x3000  }
0x106: {  	[sflag:s2] =	ssyncset.done $0x0;
	s17 =	rddreg [dreg:$0x16]  }
0x107: {  	[sflag:s2] =	ssyncadd.s32 $0xFFFFD000;
	s16 =	sadd.s32 s16, s17  }
0x108: {  	_ =	swait.ge [sflag:s2], $0x600;
	s16 =	smul.u32 $0xC, s16  }
0x109: {  	[sflag:s2] =	ssyncset.done $0x0  }
0x10a: {  	[sflag:s2] =	ssyncadd.s32 $0xFFFFFA00;
	s19 =	sadd.s32 s6, s16  }
0x10b: {  	[tilespmem:s5], [sflag:$0x5] =	stream.linear.gather [hbm4b:s19+s5], $0x60, $0x38;
	[tilespmem:$0x1DF40] =	vst v63  }
0x10c: {  	_ =	swait.ge [sflag:s12], $0x60  }
0x10d: {  	[sflag:s12] =	ssyncset.done $0x0  }
0x10e: {  	s29 =	sadd.s32 s7, s16;
	[sflag:s12] =	ssyncadd.s32 $0xFFFFFFA0  }
0x10f: {  	[tilespmem:s14], [sflag:$0x5] =	stream.linear.gather [hbm4b:s29+s5], $0x60, $0x38;
	[tilespmem:$0x1DF40] =	vst v63  }
0x110: {  	_ =	swait.ge [sflag:s12], $0x60  }
0x111: {  	[sflag:s12] =	ssyncset.done $0x0  }
0x112: {  	s16 =	sadd.s32 s8, s16;
	[sflag:s12] =	ssyncadd.s32 $0xFFFFFFA0  }
0x113: {  	[tilespmem:s15], [sflag:$0x5] =	stream.linear.gather [hbm4b:s16+s5], $0x60, $0x38;
	[tilespmem:$0x1DF40] =	vst v63  }
0x114: {  	_ =	swait.ge [sflag:s12], $0x60  }
0x115: {  	[sflag:s12] =	ssyncset.done $0x0  }
0x116: {  	[sflag:s12] =	ssyncadd.s32 $0xFFFFFFA0  }
0x117: {  	v1 =	vld [tilespmem:$0x0]  }
0x118: {  	v2 =	vld [tilespmem:$0x60]  }
0x119: {  	v3 =	vld [tilespmem:$0xC0]  }
0x11a: {  	v4 =	vld [tilespmem:$0x10]  }
0x11b: {  	v5 =	vld [tilespmem:$0x70]  }
0x11c: {  	v6 =	vld [tilespmem:$0xD0]  }
0x11d: {  	v7 =	vld [tilespmem:$0x20]  }
0x11e: {  	v8 =	vld [tilespmem:$0x80]  }
0x11f: {  	v9 =	vld [tilespmem:$0xE0]  }
0x120: {  	v10 =	vld [tilespmem:$0x30];
	v1 =	vmul.u32 $0x2710, v1  }
0x121: {  	v11 =	vld [tilespmem:$0x90]  }
0x122: {  	v12 =	vld [tilespmem:$0xF0];
	v4 =	vmul.u32 $0x2710, v4;
	v2 =	vadd.s32 v2, v1  }
0x123: {  	v1 =	vadd.s32 v1, v3;
	[tilespmem:$0x120] =	vst v2;
	v2 =	vld [tilespmem:$0x40]  }
0x124: {  	v59 =	vld [tilespmem:$0xA0];
	v3 =	vmul.u32 $0x2710, v7;
	[tilespmem:$0x180] =	vst v1;
	v1 =	vadd.s32 v5, v4  }
0x125: {  	v60 =	vld [tilespmem:$0x50];
	[tilespmem:$0x130] =	vst v1;
	v1 =	vadd.s32 v4, v6  }
0x126: {  	v62 =	vld [tilespmem:$0x100];
	v61 =	vmul.u32 $0x2710, v10;
	[tilespmem:$0x190] =	vst v1;
	v1 =	vadd.s32 v8, v3  }
0x127: {  	[tilespmem:$0x140] =	vst v1;
	v1 =	vadd.s32 v3, v9;
	v3 =	vld [tilespmem:$0xB0]  }
0x128: {  	v63 =	vld [tilespmem:$0x110];
	[tilespmem:$0x1A0] =	vst v1;
	v1 =	vadd.s32 v11, v61;
	v2 =	vmul.u32 $0x2710, v2  }
0x129: {  	[tilespmem:$0x150] =	vst v1;
	v1 =	vadd.s32 v61, v12  }
0x12a: {  	v4 =	vmul.u32 $0x2710, v60;
	[tilespmem:$0x1B0] =	vst v1;
	v1 =	vadd.s32 v59, v2  }
0x12b: {  	[tilespmem:$0x160] =	vst v1;
	v1 =	vadd.s32 v2, v62  }
0x12c: {  	[tilespmem:$0x1C0] =	vst v1;
	v1 =	vadd.s32 v3, v4  }
0x12d: {  	[tilespmem:$0x170] =	vst v1;
	v1 =	vadd.s32 v4, v63  }
0x12e: {  	s18 =	simm.s32 $0x180;
	[tilespmem:$0x1D0] =	vst v1  }
0x12f: {  	[tilespmem:s13], [sflag:$0x1] =	stream.indirect.gather [hbm4b:s1+s14], $0x10, s18, s14, $0xb8;
	[tilespmem:$0x1DF40] =	vst v63  }
0x130: {  	s19 =	simm.s32 $0x120;
	s29 =	simm.s32 $0x7E0  }
0x131: {  	[tilespmem:s29], [sflag:$0x1] =	stream.indirect.gather [hbm4b:s9+s14], $0x10, s19, s14, $0xb8;
	[tilespmem:$0x1DF40] =	vst v63  }
.LBB2_8:
0x132: {  	_ =	swait.ge [sflag:s30], $0x600  }
0x133: {  	[sflag:s30] =	ssyncset.done $0x0  }
0x134: {  	[sflag:s30] =	ssyncadd.s32 $0xFFFFFA00  }
0x135: {  	_ =	swait.ge [sflag:s30], $0x600  }
0x136: {  	[sflag:s30] =	ssyncset.done $0x0  }
0x137: {  	s17 =	simm.s32 $0x0;
	[sflag:s30] =	ssyncadd.s32 $0xFFFFFA00  }
0x138: {  	v1 =	vld [tilespmem:s17+$0x3FC0]  }
0x139: {  	v2 =	vld [tilespmem:s17+$0x45C0];
	_ =	sdelay $0x4  }
0x13a: {  	v1 =	vadd.f32 v2, v1;
	_ =	sdelay $0x1  }
0x13b: {  	v2 =	vmul.f32 $2.000000030e-01, v1  }
0x13c: {  	vm0 =	vgt.f32 v1, $0.0e+00  }
0x13d: {  	v1 =	vsel vm0, v1, v2  }
0x13e: {  	v1 =	vmul.f32 $1.442695020e+00, v1;
	_ =	sdelay $0x1  }
0x13f: {  	(erf) = vpow2.f32 v1;
	_ =	sdelay $0x8  }
0x140: {  	v2 =	vpop (erf)  }
0x141: {  	s16 =	simm.s32 $0x4C00;
	[tilespmem:s17+$0x3FC0] =	vst v2  }
0x142: {  	v10 =	vld [tilespmem:s16+$0x30]  }
0x143: {  	v9 =	vld [tilespmem:s16+$0xFFFFFFE0]  }
0x144: {  	v7 =	vld [tilespmem:s16+$0x10]  }
0x145: {  	v3 =	vbroadcast v2, $0x3;
	v4 =	vld [tilespmem:s16+$0x20]  }
0x146: {  	v1 =	vbroadcast v2, $0x1;
	v5 =	vld [tilespmem:s16+$0xFFFFFFD0]  }
0x147: {  	s18 =	simm.s32 $0x4C00;
	s17 =	simm.s32 $0x40;
	v6 =	vbroadcast v2, $0x2;
	v8 =	vld [tilespmem:s16+$0x0];
	v10 =	vmul.f32 v10, v3  }
.LBB2_9:
0x148: {  	p0 =	sne.s32 s17, $0x17C0  }
0x149: {  	v9 =	vmul.f32 v1, v9;
	v11 =	vld [tilespmem:s16+$0xFFFFFFF0];
	s18 =	sadd.s32 $0x80, s18;
	s19 =	smov.u32 s17;
	s17 =	sadd.s32 $0x40, s17  }
0x14a: {  	v2 =	vbroadcast v2, $0x0;
	v12 =	vld [tilespmem:s16+$0xFFFFFFC0];
	v7 =	vmul.f32 v7, v6;
	[tilespmem:s16+$0x30] =	vst v10  }
0x14b: {  	[tilespmem:s16+$0xFFFFFFE0] =	vst v9;
	v3 =	vmul.f32 v4, v3  }
0x14c: {  	v4 =	vmul.f32 v2, v5;
	[tilespmem:s16+$0x10] =	vst v7  }
0x14d: {  	v5 =	vmul.f32 v8, v6;
	[tilespmem:s16+$0x20] =	vst v3  }
0x14e: {  	[tilespmem:s16+$0xFFFFFFD0] =	vst v4;
	v1 =	vmul.f32 v11, v1  }
0x14f: {  	v2 =	vmul.f32 v2, v12;
	[tilespmem:s16+$0x0] =	vst v5  }
0x150: {  	[tilespmem:s16+$0xFFFFFFF0] =	vst v1  }
0x151: {  	s19 =	sshra.s32 s19, $0x2;
	[tilespmem:s16+$0xFFFFFFC0] =	vst v2;
	s16 =	smov.u32 s18  }
0x152: {  	v1 =	vld [tilespmem:s19+$0x3FC0]  }
0x153: {  	v2 =	vld [tilespmem:s19+$0x45C0];
	_ =	sdelay $0x4  }
0x154: {  	v1 =	vadd.f32 v2, v1;
	_ =	sdelay $0x1  }
0x155: {  	vm0 =	vgt.f32 v1, $0.0e+00;
	v2 =	vmul.f32 $2.000000030e-01, v1;
	_ =	sdelay $0x1  }
0x156: {  	v1 =	vsel vm0, v1, v2  }
0x157: {  	v1 =	vmul.f32 $1.442695020e+00, v1;
	_ =	sdelay $0x1  }
0x158: {  	(erf) = vpow2.f32 v1;
	_ =	sdelay $0x8  }
0x159: {  	v2 =	vpop (erf)  }
0x15a: {  	[tilespmem:s19+$0x3FC0] =	vst v2  }
0x15b: {  	v10 =	vld [tilespmem:s18+$0x30]  }
.Ltmp3:
0x15c: {  	v9 =	vld [tilespmem:s18+$0xFFFFFFE0];
	(pc) =	sbr.rel @p0 .LBB2_9-.Ltmp3, $4  }
0x15d: {  	v7 =	vld [tilespmem:s18+$0x10]  }
0x15e: {  	v3 =	vbroadcast v2, $0x3;
	v4 =	vld [tilespmem:s18+$0x20]  }
0x15f: {  	v1 =	vbroadcast v2, $0x1;
	v5 =	vld [tilespmem:s18+$0xFFFFFFD0]  }
0x160: {  	v6 =	vbroadcast v2, $0x2;
	v8 =	vld [tilespmem:s18+$0x0];
	v10 =	vmul.f32 v10, v3  }
0x161: {  	v9 =	vmul.f32 v1, v9;
	v11 =	vld [tilespmem:s16+$0xFFFFFFF0]  }
0x162: {  	v2 =	vbroadcast v2, $0x0;
	v12 =	vld [tilespmem:s16+$0xFFFFFFC0];
	v7 =	vmul.f32 v7, v6;
	[tilespmem:s16+$0x30] =	vst v10  }
0x163: {  	[tilespmem:s16+$0xFFFFFFE0] =	vst v9;
	v3 =	vmul.f32 v4, v3  }
0x164: {  	v62 =	vmul.f32 v2, v5;
	[tilespmem:s16+$0x10] =	vst v7  }
0x165: {  	v63 =	vmul.f32 v8, v6;
	[tilespmem:s16+$0x20] =	vst v3  }
0x166: {  	s11 =	sadd.s32 $0x1, s11;
	[tilespmem:s16+$0xFFFFFFD0] =	vst v62;
	v1 =	vmul.f32 v11, v1  }
0x167: {  	p0 =	sne.s32 s11, $0x36;
	v2 =	vmul.f32 v2, v12;
	[tilespmem:s16+$0x0] =	vst v63  }
.Ltmp4:
0x168: {  	[tilespmem:s16+$0xFFFFFFF0] =	vst v1;
	(pc) =	sbr.rel @p0 .LBB2_4-.Ltmp4, $4  }
0x169: {  	[tilespmem:s16+$0xFFFFFFC0] =	vst v2  }
0x16a: {  	[spmem:s3] =	stream.indirect.scatter.add.f32 [tilespmem:s31], [sflag:$0x4], $0x80, s21, s14, $0xb8;
	[tilespmem:$0x1DF40] =	vst v63  }
0x16b: {  	_ = 	snop  }
0x16c: {  	[spmem:s4] =	stream.indirect.scatter.add.f32 [tilespmem:s23], [sflag:$0x4], $0x10, s21, s14, $0xb8;
	[tilespmem:$0x1DF40] =	vst v63  }
0x16d: {  	_ =	swait.ge [sflag:s2], $0x3000  }
0x16e: {  	[sflag:s2] =	ssyncset.done $0x0  }
0x16f: {  	[sflag:s2] =	ssyncadd.s32 $0xFFFFD000  }
0x170: {  	_ =	swait.ge [sflag:s2], $0x600  }
0x171: {  	[sflag:s2] =	ssyncset.done $0x0  }
0x172: {  	s10 =	simm.s32 $0x4;
	[sflag:s2] =	ssyncadd.s32 $0xFFFFFA00  }
0x173: {  	_ =	swait.ge [sflag:s10], $0x3000  }
0x174: {  	[sflag:s10] =	ssyncset.done $0x0  }
0x175: {  	[sflag:s10] =	ssyncadd.s32 $0xFFFFD000  }
0x176: {  	_ =	swait.ge [sflag:s10], $0x600  }
0x177: {  	[sflag:s10] =	ssyncset.done $0x0  }
0x178: {  	[sflag:s10] =	ssyncadd.s32 $0xFFFFFA00  }
0x179: {  	s18 =	stileid.u32;
	[bflag:$0x0] =	sbarrier.arrive $0xFFFF  }
0x17a: {  	s10 =	sshll.u32 s18, $0x6;
	s17 =	rddreg [dreg:$0x5]  }
0x17b: {  	s10 =	sor.u32 $0x1C05, s10;
	s16 =	rddreg [dreg:$0x17];
	s11 =	sshrl.u32 s17, $0x3  }
0x17c: {  	[hbm:s16], [sflag:s10] =	dma.local [spmem:s11], $0x2780  }
0x17d: {  	_ =	swait.ge [sflag:s12], $0x2780  }
0x17e: {  	[sflag:s12] =	ssyncset.done $0x0;
	s18 =	rddreg [dreg:$0x6]  }
0x17f: {  	s29 =	rddreg [dreg:$0x18];
	[sflag:s12] =	ssyncadd.s32 $0xFFFFD880;
	s19 =	sshrl.u32 s18, $0x3  }
0x180: {  	[hbm:s29], [sflag:s10] =	dma.local [spmem:s19], $0x4F0  }
0x181: {  	_ =	swait.ge [sflag:s12], $0x4F0  }
0x182: {  	s19 =	rddreg [dreg:$0x1a]  }
0x183: {  	s29 =	rddreg [dreg:$0x19];
	s11 =	sadd.s32 $0x1, s19  }
0x184: {  	p0 =	sne.s32 s11, s29  }
.Ltmp5:
0x185: {  	_ = 	snop;
	(pc) =	sbr.rel @p0 .LBB2_1-.Ltmp5, $3  }
0x186: {  	_ =	sdelay $0x1  }
0x187: {  	[sflag:s12] =	ssyncset.done $0x0  }
0x188: {  	[sflag:s12] =	ssyncadd.s32 $0xFFFFFB10  }
0x189: {  	_ =	sfence.sel $0x180000  }
0x18a: {  	[bflag:$0x0] =	sbarrier.arrive $0xFFFF  }
0x18b: {  	_ =	strace $0x90000047  }
0x18c: {  	s0 =	stileid.u32;
	[bflag:$0x2] =	sbarrier.arrive $0xFFFF  }
0x18d: {  	p0 =	sne.s32 s0, $0x0;
	s0 =	rddreg [dreg:$0x4]  }
0x18e: {  	s0 =	sadd.s32 @!p0 $0x100000, s0  }
0x18f: {  	[sflag:s0] =	ssyncadd.tile.s32 @!p0 $0x1;
	_ =	shalt  }
.Lfunc_end2:
_tile_overlayer_lowered:
.L_overlay_start_2:
0x190: {  	(tag) =	ssettag $0x2  }
0x191: {  	s0 =	rddreg [dreg:$0x0];
	s2 =	stileid.u32  }
0x192: {  	s1 =	rddreg [dreg:$0x1];
	p0 =	sne.s32 s2, $0x0  }
0x193: {  	s3 =	rddreg [dreg:$0x2];
	[bflag:$0x3] =	sbarrier.arrive $0xFFFF;
	s2 =	simm.s32 @!p0 $0x1C05  }
0x194: {  	[timem:s3], [sflag:s2] =	dma.local @!p0 [hbm:s0], s1  }
0x195: {  	s0 =	simm.s32 @!p0 $0x5  }
0x196: {  	_ =	swait.ge @!p0 [sflag:s0], s1  }
0x197: {  	s1 =	ssub.s32 @!p0 $0x0, s1;
	[sflag:s0] =	ssyncset.done @!p0 $0x0  }
0x198: {  	[sflag:s0] =	ssyncadd.s32 @!p0 s1  }
0x199: {  	[bflag:$0x3] =	sbarrier.arrive $0xFFFF  }
0x19a: {  	_ =	shalt  }

</sc_bundles>
